<compile_context>
chip_gen: v7x
topology: tpu7x:2x2x1
jax: 0.10.2.dev20260603
libtpu: 0.0.44.dev20260713+nightly
codegen_flags: <defaults>
</compile_context>

<pallas_src>
import functools

import jax
import jax.numpy as jnp
from jax import lax
from jax.experimental import pallas as pl
from jax.experimental.pallas import tpu as pltpu
from jax.experimental.pallas import tpu_sc as plsc

B, C, N, K = 4, 64, 2048, 16
CIN = 2 * C
CEXP = 2 * CIN
NB = 1024
NB2 = 1024
BF = jnp.bfloat16
_TW = 128

def _knn_body(x_ref, xt_ref, idx_ref, tab_ref):
    R = xt_ref[0]
    X = x_ref[0]
    inner = lax.dot_general(R, X, (((1,), (0,)), ((), ())),
                            preferred_element_type=jnp.float32)
    sq_all = jnp.sum(X * X, axis=0, keepdims=True)
    sq_r = jnp.sum(R * R, axis=1, keepdims=True)
    d = jnp.maximum(sq_r + sq_all - 2.0 * inner, 0.0)
    col = lax.broadcasted_iota(jnp.int32, d.shape, 1)
    pi = (lax.bitcast_convert_type(d, jnp.int32) & ~jnp.int32(N - 1)) | col
    p = lax.bitcast_convert_type(pi, jnp.float32)
    sentinel = jnp.float32(jnp.inf)
    m = jnp.min(p, axis=1, keepdims=True)
    for t in range(1, K + 1):
        m = jnp.min(jnp.where(p > m, p, sentinel), axis=1, keepdims=True)
        mi = lax.bitcast_convert_type(m[:, 0], jnp.int32)
        idx_ref[:, t - 1] = mi & jnp.int32(N - 1)
    tab_ref[...] = jnp.concatenate(
        [R, jnp.zeros((NB, _TW - C), jnp.float32)], axis=1)


@functools.lru_cache(maxsize=None)
def _knn_call(b):
    return pl.pallas_call(
        _knn_body,
        grid=(N // NB,),
        in_specs=[
            pl.BlockSpec((1, C, N), lambda i: (b, 0, 0)),
            pl.BlockSpec((1, NB, C), lambda i: (b, i, 0)),
        ],
        out_specs=[
            pl.BlockSpec((NB, K), lambda i: (i, 0)),
            pl.BlockSpec((NB, _TW), lambda i: (i, 0)),
        ],
        out_shape=[
            jax.ShapeDtypeStruct((N, K), jnp.int32),
            jax.ShapeDtypeStruct((N, _TW), jnp.float32),
        ],
    )


_NW = 32
_NC = 2
_CHUNK = 128
_ROWS = N * K
_PER_W = _ROWS // _NW
_N_CHUNKS = _PER_W // _CHUNK


def _gather_body(table_hbm, idx_hbm, out_hbm, idx_v, rows0, rows1, sg, sw):
    wid = lax.axis_index("s") * _NC + lax.axis_index("c")
    base = pl.multiple_of(wid * _PER_W, _CHUNK)
    pltpu.sync_copy(idx_hbm.at[pl.ds(base, _PER_W)], idx_v)

    def body(i, carry):
        off0 = i * 2 * _CHUNK
        off1 = off0 + _CHUNK
        g0 = pltpu.async_copy(
            table_hbm.at[idx_v.at[pl.ds(off0, _CHUNK)]], rows0, sg)
        g1 = pltpu.async_copy(
            table_hbm.at[idx_v.at[pl.ds(off1, _CHUNK)]], rows1, sg)
        g0.wait()
        w0 = pltpu.async_copy(rows0, out_hbm.at[pl.ds(base + off0, _CHUNK)], sw)
        g1.wait()
        w1 = pltpu.async_copy(rows1, out_hbm.at[pl.ds(base + off1, _CHUNK)], sw)
        w0.wait()
        w1.wait()
        return carry

    lax.fori_loop(0, _N_CHUNKS // 2, body, 0)


@functools.lru_cache(maxsize=1)
def _gather_call():
    return pl.kernel(
        _gather_body,
        out_type=jax.ShapeDtypeStruct((_ROWS, _TW), jnp.float32),
        mesh=plsc.VectorSubcoreMesh(core_axis_name="c", subcore_axis_name="s"),
        scratch_types=[
            pltpu.VMEM((_PER_W,), jnp.int32),
            pltpu.VMEM((_CHUNK, _TW), jnp.float32),
            pltpu.VMEM((_CHUNK, _TW), jnp.float32),
            pltpu.SemaphoreType.DMA,
            pltpu.SemaphoreType.DMA,
        ],
    )


def _mlp_body(g_ref, xt_ref, x_ref, w1d_ref, b1_ref, w1b_ref, w2_ref, b2_ref,
              w3_ref, b3_ref, o_ref):
    R = xt_ref[0]
    V = lax.dot_general(R, w1d_ref[...], (((1,), (1,)), ((), ())),
                        preferred_element_type=jnp.float32) + b1_ref[...]
    G = g_ref[:, :, :C].reshape(NB2 * K, C).astype(BF)
    A1 = lax.dot_general(G, w1b_ref[...], (((1,), (1,)), ((), ())),
                         preferred_element_type=jnp.float32)
    Z1 = jnp.maximum(A1.reshape(NB2, K, CEXP) + V[:, None, :], 0.0)
    Z1 = Z1.reshape(NB2 * K, CEXP).astype(BF)
    Z2 = jnp.maximum(
        lax.dot_general(Z1, w2_ref[...], (((1,), (1,)), ((), ())),
                        preferred_element_type=jnp.float32) + b2_ref[...], 0.0)
    Z3 = lax.dot_general(Z2.astype(BF), w3_ref[...], (((1,), (1,)), ((), ())),
                         preferred_element_type=jnp.float32) + b3_ref[...]
    res = jnp.max(Z3.reshape(NB2, K, C), axis=1)
    eye = (lax.broadcasted_iota(jnp.int32, (C, C), 0) ==
           lax.broadcasted_iota(jnp.int32, (C, C), 1)).astype(jnp.float32)
    resT = lax.dot_general(eye, res, (((1,), (1,)), ((), ())),
                           preferred_element_type=jnp.float32)
    o_ref[...] = resT + x_ref[0]


@functools.lru_cache(maxsize=None)
def _mlp_call(b):
    return pl.pallas_call(
        _mlp_body,
        grid=(N // NB2,),
        in_specs=[
            pl.BlockSpec((NB2, K, _TW), lambda i: (i, 0, 0)),
            pl.BlockSpec((1, NB2, C), lambda i: (b, i, 0)),
            pl.BlockSpec((1, C, NB2), lambda i: (b, 0, i)),
            pl.BlockSpec((CEXP, C), lambda i: (0, 0)),
            pl.BlockSpec((1, CEXP), lambda i: (0, 0)),
            pl.BlockSpec((CEXP, C), lambda i: (0, 0)),
            pl.BlockSpec((CEXP, CEXP), lambda i: (0, 0)),
            pl.BlockSpec((1, CEXP), lambda i: (0, 0)),
            pl.BlockSpec((C, CEXP), lambda i: (0, 0)),
            pl.BlockSpec((1, C), lambda i: (0, 0)),
        ],
        out_specs=pl.BlockSpec((C, NB2), lambda i: (0, i)),
        out_shape=jax.ShapeDtypeStruct((C, N), jnp.float32),
    )


def kernel(input, W1, b1, W2, b2, W3, b3):
    x = input
    xt = jnp.transpose(x, (0, 2, 1))
    w1a, w1b = W1[:, :C], W1[:, C:]
    w1d = w1a - w1b
    b1r = b1.reshape(1, CEXP)
    b2r = b2.reshape(1, CEXP)
    b3r = b3.reshape(1, C)
    w1b_bf = w1b.astype(BF)
    w2_bf = W2.astype(BF)
    w3_bf = W3.astype(BF)
    knn = [_knn_call(b)(x, xt) for b in range(B)]
    gs = [_gather_call()(tab, idx.reshape(_ROWS)) for idx, tab in knn]
    outs = [_mlp_call(b)(gs[b].reshape(N, K, _TW), xt, x, w1d, b1r,
                         w1b_bf, w2_bf, b2r, w3_bf, b3r) for b in range(B)]
    return jnp.stack(outs)

# --- scband reference (transcript-rebuilt; emitter-appended) ---
"""Pipeline reference for scband-resconvori-13237089206322 (READ-ONLY COPY).

The authoritative reference and input builder live on the scoring server;
editing this copy changes nothing except your own understanding.
"""

import jax, jax.numpy as jnp
import numpy as np

B, C, N, K = 4, 64, 2048, 16
CIN = 2 * C
CEXP = CIN * 2


def setup_inputs(seed: int = 0) -> dict:
    key = jax.random.key(seed)
    ks = jax.random.split(key, 7)
    return {
        "input": jax.random.normal(ks[0], (B, C, N), dtype=jnp.float32),
        "W1": jax.random.normal(ks[1], (CEXP, CIN), dtype=jnp.float32) * 0.05,
        "b1": jnp.zeros((CEXP,), dtype=jnp.float32),
        "W2": jax.random.normal(ks[2], (CEXP, CEXP), dtype=jnp.float32) * 0.05,
        "b2": jnp.zeros((CEXP,), dtype=jnp.float32),
        "W3": jax.random.normal(ks[3], (C, CEXP), dtype=jnp.float32) * 0.05,
        "b3": jnp.zeros((C,), dtype=jnp.float32),
    }


def reference(input, W1, b1, W2, b2, W3, b3):
    x = input  # (B, C, N)
    # KNN: pairwise squared distances between all points (self included)
    inner = jnp.einsum('bcn,bcm->bnm', x, x)          # (B, N, N)
    sq = jnp.sum(x * x, axis=1)                        # (B, N)
    dist2 = sq[:, :, None] + sq[:, None, :] - 2.0 * inner  # (B, Nq, Nr)
    # k+1 nearest (smallest distance first -> largest of -dist2)
    _, idx = jax.lax.top_k(-dist2, K + 1)              # (B, N, K+1)
    idx = idx[:, :, 1:]                                # drop self -> (B, N, K)
    idx = jnp.transpose(idx, (0, 2, 1))                # (B, K, N)
    # grouping_operation: gather neighbor features
    xb = jnp.broadcast_to(x[:, :, None, :], (B, C, K, N))
    idxb = jnp.broadcast_to(idx[:, None, :, :], (B, C, K, N))
    neighbors = jnp.take_along_axis(xb, idxb, axis=3)  # (B, C, K, N)
    central = jnp.broadcast_to(x[:, :, None, :], (B, C, K, N))
    edge = jnp.concatenate([central, neighbors - central], axis=1)  # (B, 2C, K, N)
    # 1x1 convs = per-position channel matmuls
    h = jax.nn.relu(jnp.einsum('oi,bikn->bokn', W1, edge) + b1[None, :, None, None])
    h = jax.nn.relu(jnp.einsum('oi,bikn->bokn', W2, h) + b2[None, :, None, None])
    h = jnp.einsum('oi,bikn->bokn', W3, h) + b3[None, :, None, None]  # (B, C, K, N)
    res = jnp.max(h, axis=2)                           # (B, C, N)
    return res + x

if __name__ == "__main__":
    import jax
    _d = setup_inputs()
    print(jax.jit(kernel)(*tuple(_d.values())))

</pallas_src>

<mosaic_0001>
#map = affine_map<(d0, d1) -> (0, 0)>
#map1 = affine_map<(d0, d1) -> (0)>
module attributes {stable_mosaic.version = 14 : i64} {
  func.func @_gather_body(%arg0: i32, %arg1: i32, %arg2: memref<2048x128xf32, #tpu.memory_space<hbm>>, %arg3: memref<32768xi32, #tpu.memory_space<hbm>>, %arg4: memref<32768x128xf32, #tpu.memory_space<hbm>>, %arg5: memref<1024xi32, #tpu.memory_space<vmem>>, %arg6: memref<128x128xf32, #tpu.memory_space<vmem>>, %arg7: memref<128x128xf32, #tpu.memory_space<vmem>>, %arg8: memref<!tpu.dma_semaphore, #tpu.memory_space<semaphore_mem>>, %arg9: memref<!tpu.dma_semaphore, #tpu.memory_space<semaphore_mem>>) attributes {dimension_semantics = [#tpu.dimension_semantics<core_parallel>, #tpu.dimension_semantics<subcore_parallel>], iteration_bounds = array<i64: 2, 16>, scalar_prefetch = 0 : i64, scratch_operands = 5 : i64, tpu.core_type = #tpu.core_type<sc_vector_subcore>, window_params = [{transform_indices = #map}, {transform_indices = #map1}, {transform_indices = #map}]} {
    %mul3A = arith.constant 2 : i32
    %mul3A_0 = arith.muli %arg1, %mul3A : i32
    %add3A = arith.addi %mul3A_0, %arg0 : i32
    %mul3A_1 = arith.constant 1024 : i32
    %mul3A_2 = arith.muli %add3A, %mul3A_1 : i32
    %multiple_of3A = tpu.assume_multiple %mul3A_2, 128 : i32
    "tpu.region"() ({
      %run_scoped3A = tpu.sem_alloc : memref<!tpu.dma_semaphore, #tpu.memory_space<semaphore_mem>>
      %dma_start3A = tpu.memref_slice %arg3[%multiple_of3A] : memref<32768xi32, #tpu.memory_space<hbm>> -> memref<1024xi32, #tpu.memory_space<hbm>>
      %dma_start3A_8 = tpu.memref_slice %arg3[%multiple_of3A] : memref<32768xi32, #tpu.memory_space<hbm>> -> memref<1024xi32, #tpu.memory_space<hbm>>
      tpu.enqueue_dma source(%dma_start3A_8 : memref<1024xi32, #tpu.memory_space<hbm>>) target(%arg5 : memref<1024xi32, #tpu.memory_space<vmem>>) target_semaphore(%run_scoped3A : memref<!tpu.dma_semaphore, #tpu.memory_space<semaphore_mem>>)
      %dma_wait3A = tpu.memref_slice %arg3[%multiple_of3A] : memref<32768xi32, #tpu.memory_space<hbm>> -> memref<1024xi32, #tpu.memory_space<hbm>>
      %dma_wait3A_9 = tpu.memref_slice %arg3[%multiple_of3A] : memref<32768xi32, #tpu.memory_space<hbm>> -> memref<1024xi32, #tpu.memory_space<hbm>>
      tpu.wait_dma2 semaphore(%run_scoped3A : memref<!tpu.dma_semaphore, #tpu.memory_space<semaphore_mem>>) src(%dma_wait3A_9 : memref<1024xi32, #tpu.memory_space<hbm>>) dst(%arg5 : memref<1024xi32, #tpu.memory_space<vmem>>)
      tpu.yield
    }) : () -> ()
    %scan3A = arith.constant 0 : i32
    %scan3A_3 = arith.constant 0 : i32
    %scan3A_4 = arith.constant 4 : i32
    %scan3A_5 = arith.addi %scan3A_3, %scan3A_4 : i32
    %scan3A_6 = arith.constant 1 : i32
    scf.for %scan3A_8 = %scan3A_3 to %scan3A_5 step %scan3A_6  : i32 {
      %mul3A_9 = arith.constant 2 : i32
      %mul3A_10 = arith.muli %scan3A_8, %mul3A_9 : i32
      %mul3A_11 = arith.constant 128 : i32
      %mul3A_12 = arith.muli %mul3A_10, %mul3A_11 : i32
      %add3A_13 = arith.constant 128 : i32
      %add3A_14 = arith.addi %mul3A_12, %add3A_13 : i32
      %dma_start3A = tpu.memref_slice %arg5[%mul3A_12] : memref<1024xi32, #tpu.memory_space<vmem>> -> memref<128xi32, #tpu.memory_space<vmem>>
      %dma_start3A_15 = arith.constant 0 : i32
      %dma_start3A_16 = arith.constant 0 : i32
      %dma_start3A_17 = tpu.memref_slice %arg2[%dma_start3A_15, %dma_start3A_16] : memref<2048x128xf32, #tpu.memory_space<hbm>> -> memref<2048x128xf32, #tpu.memory_space<hbm>>
      tpu.enqueue_indirect_dma source(%dma_start3A_17 : memref<2048x128xf32, #tpu.memory_space<hbm>>) target(%arg6 : memref<128x128xf32, #tpu.memory_space<vmem>>) offsets(%dma_start3A : memref<128xi32, #tpu.memory_space<vmem>>) semaphore(%arg8 : memref<!tpu.dma_semaphore, #tpu.memory_space<semaphore_mem>>)
      %dma_start3A_18 = tpu.memref_slice %arg5[%add3A_14] : memref<1024xi32, #tpu.memory_space<vmem>> -> memref<128xi32, #tpu.memory_space<vmem>>
      %dma_start3A_19 = arith.constant 0 : i32
      %dma_start3A_20 = arith.constant 0 : i32
      %dma_start3A_21 = tpu.memref_slice %arg2[%dma_start3A_19, %dma_start3A_20] : memref<2048x128xf32, #tpu.memory_space<hbm>> -> memref<2048x128xf32, #tpu.memory_space<hbm>>
      tpu.enqueue_indirect_dma source(%dma_start3A_21 : memref<2048x128xf32, #tpu.memory_space<hbm>>) target(%arg7 : memref<128x128xf32, #tpu.memory_space<vmem>>) offsets(%dma_start3A_18 : memref<128xi32, #tpu.memory_space<vmem>>) semaphore(%arg8 : memref<!tpu.dma_semaphore, #tpu.memory_space<semaphore_mem>>)
      %dma_wait3A = tpu.memref_slice %arg5[%mul3A_12] : memref<1024xi32, #tpu.memory_space<vmem>> -> memref<128xi32, #tpu.memory_space<vmem>>
      %dma_wait3A_22 = arith.constant 0 : i32
      %dma_wait3A_23 = arith.constant 0 : i32
      %dma_wait3A_24 = tpu.memref_slice %arg2[%dma_wait3A_22, %dma_wait3A_23] : memref<2048x128xf32, #tpu.memory_space<hbm>> -> memref<2048x128xf32, #tpu.memory_space<hbm>>
      tpu.wait_indirect_dma semaphore(%arg8 : memref<!tpu.dma_semaphore, #tpu.memory_space<semaphore_mem>>) src(%dma_wait3A_24 : memref<2048x128xf32, #tpu.memory_space<hbm>>) dst(%arg6 : memref<128x128xf32, #tpu.memory_space<vmem>>)
      %add3A_25 = arith.addi %multiple_of3A, %mul3A_12 : i32
      %dma_start3A_26 = arith.constant 0 : i32
      %dma_start3A_27 = tpu.memref_slice %arg4[%add3A_25, %dma_start3A_26] : memref<32768x128xf32, #tpu.memory_space<hbm>> -> memref<128x128xf32, #tpu.memory_space<hbm>>
      %dma_start3A_28 = arith.constant 0 : i32
      %dma_start3A_29 = tpu.memref_slice %arg4[%add3A_25, %dma_start3A_28] : memref<32768x128xf32, #tpu.memory_space<hbm>> -> memref<128x128xf32, #tpu.memory_space<hbm>>
      tpu.enqueue_dma source(%arg6 : memref<128x128xf32, #tpu.memory_space<vmem>>) target(%dma_start3A_29 : memref<128x128xf32, #tpu.memory_space<hbm>>) target_semaphore(%arg9 : memref<!tpu.dma_semaphore, #tpu.memory_space<semaphore_mem>>)
      %dma_wait3A_30 = tpu.memref_slice %arg5[%add3A_14] : memref<1024xi32, #tpu.memory_space<vmem>> -> memref<128xi32, #tpu.memory_space<vmem>>
      %dma_wait3A_31 = arith.constant 0 : i32
      %dma_wait3A_32 = arith.constant 0 : i32
      %dma_wait3A_33 = tpu.memref_slice %arg2[%dma_wait3A_31, %dma_wait3A_32] : memref<2048x128xf32, #tpu.memory_space<hbm>> -> memref<2048x128xf32, #tpu.memory_space<hbm>>
      tpu.wait_indirect_dma semaphore(%arg8 : memref<!tpu.dma_semaphore, #tpu.memory_space<semaphore_mem>>) src(%dma_wait3A_33 : memref<2048x128xf32, #tpu.memory_space<hbm>>) dst(%arg7 : memref<128x128xf32, #tpu.memory_space<vmem>>)
      %add3A_34 = arith.addi %multiple_of3A, %add3A_14 : i32
      %dma_start3A_35 = arith.constant 0 : i32
      %dma_start3A_36 = tpu.memref_slice %arg4[%add3A_34, %dma_start3A_35] : memref<32768x128xf32, #tpu.memory_space<hbm>> -> memref<128x128xf32, #tpu.memory_space<hbm>>
      %dma_start3A_37 = arith.constant 0 : i32
      %dma_start3A_38 = tpu.memref_slice %arg4[%add3A_34, %dma_start3A_37] : memref<32768x128xf32, #tpu.memory_space<hbm>> -> memref<128x128xf32, #tpu.memory_space<hbm>>
      tpu.enqueue_dma source(%arg7 : memref<128x128xf32, #tpu.memory_space<vmem>>) target(%dma_start3A_38 : memref<128x128xf32, #tpu.memory_space<hbm>>) target_semaphore(%arg9 : memref<!tpu.dma_semaphore, #tpu.memory_space<semaphore_mem>>)
      %dma_wait3A_39 = arith.constant 0 : i32
      %dma_wait3A_40 = tpu.memref_slice %arg4[%add3A_25, %dma_wait3A_39] : memref<32768x128xf32, #tpu.memory_space<hbm>> -> memref<128x128xf32, #tpu.memory_space<hbm>>
      %dma_wait3A_41 = arith.constant 0 : i32
      %dma_wait3A_42 = tpu.memref_slice %arg4[%add3A_25, %dma_wait3A_41] : memref<32768x128xf32, #tpu.memory_space<hbm>> -> memref<128x128xf32, #tpu.memory_space<hbm>>
      tpu.wait_dma2 semaphore(%arg9 : memref<!tpu.dma_semaphore, #tpu.memory_space<semaphore_mem>>) src(%arg6 : memref<128x128xf32, #tpu.memory_space<vmem>>) dst(%dma_wait3A_42 : memref<128x128xf32, #tpu.memory_space<hbm>>)
      %dma_wait3A_43 = arith.constant 0 : i32
      %dma_wait3A_44 = tpu.memref_slice %arg4[%add3A_34, %dma_wait3A_43] : memref<32768x128xf32, #tpu.memory_space<hbm>> -> memref<128x128xf32, #tpu.memory_space<hbm>>
      %dma_wait3A_45 = arith.constant 0 : i32
      %dma_wait3A_46 = tpu.memref_slice %arg4[%add3A_34, %dma_wait3A_45] : memref<32768x128xf32, #tpu.memory_space<hbm>> -> memref<128x128xf32, #tpu.memory_space<hbm>>
      tpu.wait_dma2 semaphore(%arg9 : memref<!tpu.dma_semaphore, #tpu.memory_space<semaphore_mem>>) src(%arg7 : memref<128x128xf32, #tpu.memory_space<vmem>>) dst(%dma_wait3A_46 : memref<128x128xf32, #tpu.memory_space<hbm>>)
    }
    %scan3A_7 = arith.constant 4 : i32
    return
  }
}

#map = affine_map<(d0, d1) -> (0, 0)>
#map1 = affine_map<(d0, d1) -> (0)>
module attributes {stable_mosaic.version = 14 : i64} {
  func.func @_gather_body(%arg0: i32, %arg1: i32, %arg2: memref<2048x128xf32, #tpu.memory_space<hbm>>, %arg3: memref<32768xi32, #tpu.memory_space<hbm>>, %arg4: memref<32768x128xf32, #tpu.memory_space<hbm>>, %arg5: memref<1024xi32, #tpu.memory_space<vmem>>, %arg6: memref<128x128xf32, #tpu.memory_space<vmem>>, %arg7: memref<128x128xf32, #tpu.memory_space<vmem>>, %arg8: memref<!tpu.dma_semaphore, #tpu.memory_space<semaphore_mem>>, %arg9: memref<!tpu.dma_semaphore, #tpu.memory_space<semaphore_mem>>) attributes {dimension_semantics = [#tpu.dimension_semantics<core_parallel>, #tpu.dimension_semantics<subcore_parallel>], iteration_bounds = array<i64: 2, 16>, scalar_prefetch = 0 : i64, scratch_operands = 5 : i64, tpu.core_type = #tpu.core_type<sc_vector_subcore>, window_params = [{transform_indices = #map}, {transform_indices = #map1}, {transform_indices = #map}]} {
    %mul3A = arith.constant 2 : i32
    %mul3A_0 = arith.muli %arg1, %mul3A : i32
    %add3A = arith.addi %mul3A_0, %arg0 : i32
    %mul3A_1 = arith.constant 1024 : i32
    %mul3A_2 = arith.muli %add3A, %mul3A_1 : i32
    %multiple_of3A = tpu.assume_multiple %mul3A_2, 128 : i32
    "tpu.region"() ({
      %run_scoped3A = tpu.sem_alloc : memref<!tpu.dma_semaphore, #tpu.memory_space<semaphore_mem>>
      %dma_start3A = tpu.memref_slice %arg3[%multiple_of3A] : memref<32768xi32, #tpu.memory_space<hbm>> -> memref<1024xi32, #tpu.memory_space<hbm>>
      %dma_start3A_8 = tpu.memref_slice %arg3[%multiple_of3A] : memref<32768xi32, #tpu.memory_space<hbm>> -> memref<1024xi32, #tpu.memory_space<hbm>>
      tpu.enqueue_dma source(%dma_start3A_8 : memref<1024xi32, #tpu.memory_space<hbm>>) target(%arg5 : memref<1024xi32, #tpu.memory_space<vmem>>) target_semaphore(%run_scoped3A : memref<!tpu.dma_semaphore, #tpu.memory_space<semaphore_mem>>)
      %dma_wait3A = tpu.memref_slice %arg3[%multiple_of3A] : memref<32768xi32, #tpu.memory_space<hbm>> -> memref<1024xi32, #tpu.memory_space<hbm>>
      %dma_wait3A_9 = tpu.memref_slice %arg3[%multiple_of3A] : memref<32768xi32, #tpu.memory_space<hbm>> -> memref<1024xi32, #tpu.memory_space<hbm>>
      tpu.wait_dma2 semaphore(%run_scoped3A : memref<!tpu.dma_semaphore, #tpu.memory_space<semaphore_mem>>) src(%dma_wait3A_9 : memref<1024xi32, #tpu.memory_space<hbm>>) dst(%arg5 : memref<1024xi32, #tpu.memory_space<vmem>>)
      tpu.yield
    }) : () -> ()
    %scan3A = arith.constant 0 : i32
    %scan3A_3 = arith.constant 0 : i32
    %scan3A_4 = arith.constant 4 : i32
    %scan3A_5 = arith.addi %scan3A_3, %scan3A_4 : i32
    %scan3A_6 = arith.constant 1 : i32
    scf.for %scan3A_8 = %scan3A_3 to %scan3A_5 step %scan3A_6  : i32 {
      %mul3A_9 = arith.constant 2 : i32
      %mul3A_10 = arith.muli %scan3A_8, %mul3A_9 : i32
      %mul3A_11 = arith.constant 128 : i32
      %mul3A_12 = arith.muli %mul3A_10, %mul3A_11 : i32
      %add3A_13 = arith.constant 128 : i32
      %add3A_14 = arith.addi %mul3A_12, %add3A_13 : i32
      %dma_start3A = tpu.memref_slice %arg5[%mul3A_12] : memref<1024xi32, #tpu.memory_space<vmem>> -> memref<128xi32, #tpu.memory_space<vmem>>
      %dma_start3A_15 = arith.constant 0 : i32
      %dma_start3A_16 = arith.constant 0 : i32
      %dma_start3A_17 = tpu.memref_slice %arg2[%dma_start3A_15, %dma_start3A_16] : memref<2048x128xf32, #tpu.memory_space<hbm>> -> memref<2048x128xf32, #tpu.memory_space<hbm>>
      tpu.enqueue_indirect_dma source(%dma_start3A_17 : memref<2048x128xf32, #tpu.memory_space<hbm>>) target(%arg6 : memref<128x128xf32, #tpu.memory_space<vmem>>) offsets(%dma_start3A : memref<128xi32, #tpu.memory_space<vmem>>) semaphore(%arg8 : memref<!tpu.dma_semaphore, #tpu.memory_space<semaphore_mem>>)
      %dma_start3A_18 = tpu.memref_slice %arg5[%add3A_14] : memref<1024xi32, #tpu.memory_space<vmem>> -> memref<128xi32, #tpu.memory_space<vmem>>
      %dma_start3A_19 = arith.constant 0 : i32
      %dma_start3A_20 = arith.constant 0 : i32
      %dma_start3A_21 = tpu.memref_slice %arg2[%dma_start3A_19, %dma_start3A_20] : memref<2048x128xf32, #tpu.memory_space<hbm>> -> memref<2048x128xf32, #tpu.memory_space<hbm>>
      tpu.enqueue_indirect_dma source(%dma_start3A_21 : memref<2048x128xf32, #tpu.memory_space<hbm>>) target(%arg7 : memref<128x128xf32, #tpu.memory_space<vmem>>) offsets(%dma_start3A_18 : memref<128xi32, #tpu.memory_space<vmem>>) semaphore(%arg8 : memref<!tpu.dma_semaphore, #tpu.memory_space<semaphore_mem>>)
      %dma_wait3A = tpu.memref_slice %arg5[%mul3A_12] : memref<1024xi32, #tpu.memory_space<vmem>> -> memref<128xi32, #tpu.memory_space<vmem>>
      %dma_wait3A_22 = arith.constant 0 : i32
      %dma_wait3A_23 = arith.constant 0 : i32
      %dma_wait3A_24 = tpu.memref_slice %arg2[%dma_wait3A_22, %dma_wait3A_23] : memref<2048x128xf32, #tpu.memory_space<hbm>> -> memref<2048x128xf32, #tpu.memory_space<hbm>>
      tpu.wait_indirect_dma semaphore(%arg8 : memref<!tpu.dma_semaphore, #tpu.memory_space<semaphore_mem>>) src(%dma_wait3A_24 : memref<2048x128xf32, #tpu.memory_space<hbm>>) dst(%arg6 : memref<128x128xf32, #tpu.memory_space<vmem>>)
      %add3A_25 = arith.addi %multiple_of3A, %mul3A_12 : i32
      %dma_start3A_26 = arith.constant 0 : i32
      %dma_start3A_27 = tpu.memref_slice %arg4[%add3A_25, %dma_start3A_26] : memref<32768x128xf32, #tpu.memory_space<hbm>> -> memref<128x128xf32, #tpu.memory_space<hbm>>
      %dma_start3A_28 = arith.constant 0 : i32
      %dma_start3A_29 = tpu.memref_slice %arg4[%add3A_25, %dma_start3A_28] : memref<32768x128xf32, #tpu.memory_space<hbm>> -> memref<128x128xf32, #tpu.memory_space<hbm>>
      tpu.enqueue_dma source(%arg6 : memref<128x128xf32, #tpu.memory_space<vmem>>) target(%dma_start3A_29 : memref<128x128xf32, #tpu.memory_space<hbm>>) target_semaphore(%arg9 : memref<!tpu.dma_semaphore, #tpu.memory_space<semaphore_mem>>)
      %dma_wait3A_30 = tpu.memref_slice %arg5[%add3A_14] : memref<1024xi32, #tpu.memory_space<vmem>> -> memref<128xi32, #tpu.memory_space<vmem>>
      %dma_wait3A_31 = arith.constant 0 : i32
      %dma_wait3A_32 = arith.constant 0 : i32
      %dma_wait3A_33 = tpu.memref_slice %arg2[%dma_wait3A_31, %dma_wait3A_32] : memref<2048x128xf32, #tpu.memory_space<hbm>> -> memref<2048x128xf32, #tpu.memory_space<hbm>>
      tpu.wait_indirect_dma semaphore(%arg8 : memref<!tpu.dma_semaphore, #tpu.memory_space<semaphore_mem>>) src(%dma_wait3A_33 : memref<2048x128xf32, #tpu.memory_space<hbm>>) dst(%arg7 : memref<128x128xf32, #tpu.memory_space<vmem>>)
      %add3A_34 = arith.addi %multiple_of3A, %add3A_14 : i32
      %dma_start3A_35 = arith.constant 0 : i32
      %dma_start3A_36 = tpu.memref_slice %arg4[%add3A_34, %dma_start3A_35] : memref<32768x128xf32, #tpu.memory_space<hbm>> -> memref<128x128xf32, #tpu.memory_space<hbm>>
      %dma_start3A_37 = arith.constant 0 : i32
      %dma_start3A_38 = tpu.memref_slice %arg4[%add3A_34, %dma_start3A_37] : memref<32768x128xf32, #tpu.memory_space<hbm>> -> memref<128x128xf32, #tpu.memory_space<hbm>>
      tpu.enqueue_dma source(%arg7 : memref<128x128xf32, #tpu.memory_space<vmem>>) target(%dma_start3A_38 : memref<128x128xf32, #tpu.memory_space<hbm>>) target_semaphore(%arg9 : memref<!tpu.dma_semaphore, #tpu.memory_space<semaphore_mem>>)
      %dma_wait3A_39 = arith.constant 0 : i32
      %dma_wait3A_40 = tpu.memref_slice %arg4[%add3A_25, %dma_wait3A_39] : memref<32768x128xf32, #tpu.memory_space<hbm>> -> memref<128x128xf32, #tpu.memory_space<hbm>>
      %dma_wait3A_41 = arith.constant 0 : i32
      %dma_wait3A_42 = tpu.memref_slice %arg4[%add3A_25, %dma_wait3A_41] : memref<32768x128xf32, #tpu.memory_space<hbm>> -> memref<128x128xf32, #tpu.memory_space<hbm>>
      tpu.wait_dma2 semaphore(%arg9 : memref<!tpu.dma_semaphore, #tpu.memory_space<semaphore_mem>>) src(%arg6 : memref<128x128xf32, #tpu.memory_space<vmem>>) dst(%dma_wait3A_42 : memref<128x128xf32, #tpu.memory_space<hbm>>)
      %dma_wait3A_43 = arith.constant 0 : i32
      %dma_wait3A_44 = tpu.memref_slice %arg4[%add3A_34, %dma_wait3A_43] : memref<32768x128xf32, #tpu.memory_space<hbm>> -> memref<128x128xf32, #tpu.memory_space<hbm>>
      %dma_wait3A_45 = arith.constant 0 : i32
      %dma_wait3A_46 = tpu.memref_slice %arg4[%add3A_34, %dma_wait3A_45] : memref<32768x128xf32, #tpu.memory_space<hbm>> -> memref<128x128xf32, #tpu.memory_space<hbm>>
      tpu.wait_dma2 semaphore(%arg9 : memref<!tpu.dma_semaphore, #tpu.memory_space<semaphore_mem>>) src(%arg7 : memref<128x128xf32, #tpu.memory_space<vmem>>) dst(%dma_wait3A_46 : memref<128x128xf32, #tpu.memory_space<hbm>>)
    }
    %scan3A_7 = arith.constant 4 : i32
    return
  }
}

#map = affine_map<(d0, d1) -> (0, 0)>
#map1 = affine_map<(d0, d1) -> (0)>
module attributes {stable_mosaic.version = 14 : i64} {
  func.func @_gather_body(%arg0: i32, %arg1: i32, %arg2: memref<2048x128xf32, #tpu.memory_space<hbm>>, %arg3: memref<32768xi32, #tpu.memory_space<hbm>>, %arg4: memref<32768x128xf32, #tpu.memory_space<hbm>>, %arg5: memref<1024xi32, #tpu.memory_space<vmem>>, %arg6: memref<128x128xf32, #tpu.memory_space<vmem>>, %arg7: memref<128x128xf32, #tpu.memory_space<vmem>>, %arg8: memref<!tpu.dma_semaphore, #tpu.memory_space<semaphore_mem>>, %arg9: memref<!tpu.dma_semaphore, #tpu.memory_space<semaphore_mem>>) attributes {dimension_semantics = [#tpu.dimension_semantics<core_parallel>, #tpu.dimension_semantics<subcore_parallel>], iteration_bounds = array<i64: 2, 16>, scalar_prefetch = 0 : i64, scratch_operands = 5 : i64, tpu.core_type = #tpu.core_type<sc_vector_subcore>, window_params = [{transform_indices = #map}, {transform_indices = #map1}, {transform_indices = #map}]} {
    %mul3A = arith.constant 2 : i32
    %mul3A_0 = arith.muli %arg1, %mul3A : i32
    %add3A = arith.addi %mul3A_0, %arg0 : i32
    %mul3A_1 = arith.constant 1024 : i32
    %mul3A_2 = arith.muli %add3A, %mul3A_1 : i32
    %multiple_of3A = tpu.assume_multiple %mul3A_2, 128 : i32
    "tpu.region"() ({
      %run_scoped3A = tpu.sem_alloc : memref<!tpu.dma_semaphore, #tpu.memory_space<semaphore_mem>>
      %dma_start3A = tpu.memref_slice %arg3[%multiple_of3A] : memref<32768xi32, #tpu.memory_space<hbm>> -> memref<1024xi32, #tpu.memory_space<hbm>>
      %dma_start3A_8 = tpu.memref_slice %arg3[%multiple_of3A] : memref<32768xi32, #tpu.memory_space<hbm>> -> memref<1024xi32, #tpu.memory_space<hbm>>
      tpu.enqueue_dma source(%dma_start3A_8 : memref<1024xi32, #tpu.memory_space<hbm>>) target(%arg5 : memref<1024xi32, #tpu.memory_space<vmem>>) target_semaphore(%run_scoped3A : memref<!tpu.dma_semaphore, #tpu.memory_space<semaphore_mem>>)
      %dma_wait3A = tpu.memref_slice %arg3[%multiple_of3A] : memref<32768xi32, #tpu.memory_space<hbm>> -> memref<1024xi32, #tpu.memory_space<hbm>>
      %dma_wait3A_9 = tpu.memref_slice %arg3[%multiple_of3A] : memref<32768xi32, #tpu.memory_space<hbm>> -> memref<1024xi32, #tpu.memory_space<hbm>>
      tpu.wait_dma2 semaphore(%run_scoped3A : memref<!tpu.dma_semaphore, #tpu.memory_space<semaphore_mem>>) src(%dma_wait3A_9 : memref<1024xi32, #tpu.memory_space<hbm>>) dst(%arg5 : memref<1024xi32, #tpu.memory_space<vmem>>)
      tpu.yield
    }) : () -> ()
    %scan3A = arith.constant 0 : i32
    %scan3A_3 = arith.constant 0 : i32
    %scan3A_4 = arith.constant 4 : i32
    %scan3A_5 = arith.addi %scan3A_3, %scan3A_4 : i32
    %scan3A_6 = arith.constant 1 : i32
    scf.for %scan3A_8 = %scan3A_3 to %scan3A_5 step %scan3A_6  : i32 {
      %mul3A_9 = arith.constant 2 : i32
      %mul3A_10 = arith.muli %scan3A_8, %mul3A_9 : i32
      %mul3A_11 = arith.constant 128 : i32
      %mul3A_12 = arith.muli %mul3A_10, %mul3A_11 : i32
      %add3A_13 = arith.constant 128 : i32
      %add3A_14 = arith.addi %mul3A_12, %add3A_13 : i32
      %dma_start3A = tpu.memref_slice %arg5[%mul3A_12] : memref<1024xi32, #tpu.memory_space<vmem>> -> memref<128xi32, #tpu.memory_space<vmem>>
      %dma_start3A_15 = arith.constant 0 : i32
      %dma_start3A_16 = arith.constant 0 : i32
      %dma_start3A_17 = tpu.memref_slice %arg2[%dma_start3A_15, %dma_start3A_16] : memref<2048x128xf32, #tpu.memory_space<hbm>> -> memref<2048x128xf32, #tpu.memory_space<hbm>>
      tpu.enqueue_indirect_dma source(%dma_start3A_17 : memref<2048x128xf32, #tpu.memory_space<hbm>>) target(%arg6 : memref<128x128xf32, #tpu.memory_space<vmem>>) offsets(%dma_start3A : memref<128xi32, #tpu.memory_space<vmem>>) semaphore(%arg8 : memref<!tpu.dma_semaphore, #tpu.memory_space<semaphore_mem>>)
      %dma_start3A_18 = tpu.memref_slice %arg5[%add3A_14] : memref<1024xi32, #tpu.memory_space<vmem>> -> memref<128xi32, #tpu.memory_space<vmem>>
      %dma_start3A_19 = arith.constant 0 : i32
      %dma_start3A_20 = arith.constant 0 : i32
      %dma_start3A_21 = tpu.memref_slice %arg2[%dma_start3A_19, %dma_start3A_20] : memref<2048x128xf32, #tpu.memory_space<hbm>> -> memref<2048x128xf32, #tpu.memory_space<hbm>>
      tpu.enqueue_indirect_dma source(%dma_start3A_21 : memref<2048x128xf32, #tpu.memory_space<hbm>>) target(%arg7 : memref<128x128xf32, #tpu.memory_space<vmem>>) offsets(%dma_start3A_18 : memref<128xi32, #tpu.memory_space<vmem>>) semaphore(%arg8 : memref<!tpu.dma_semaphore, #tpu.memory_space<semaphore_mem>>)
      %dma_wait3A = tpu.memref_slice %arg5[%mul3A_12] : memref<1024xi32, #tpu.memory_space<vmem>> -> memref<128xi32, #tpu.memory_space<vmem>>
      %dma_wait3A_22 = arith.constant 0 : i32
      %dma_wait3A_23 = arith.constant 0 : i32
      %dma_wait3A_24 = tpu.memref_slice %arg2[%dma_wait3A_22, %dma_wait3A_23] : memref<2048x128xf32, #tpu.memory_space<hbm>> -> memref<2048x128xf32, #tpu.memory_space<hbm>>
      tpu.wait_indirect_dma semaphore(%arg8 : memref<!tpu.dma_semaphore, #tpu.memory_space<semaphore_mem>>) src(%dma_wait3A_24 : memref<2048x128xf32, #tpu.memory_space<hbm>>) dst(%arg6 : memref<128x128xf32, #tpu.memory_space<vmem>>)
      %add3A_25 = arith.addi %multiple_of3A, %mul3A_12 : i32
      %dma_start3A_26 = arith.constant 0 : i32
      %dma_start3A_27 = tpu.memref_slice %arg4[%add3A_25, %dma_start3A_26] : memref<32768x128xf32, #tpu.memory_space<hbm>> -> memref<128x128xf32, #tpu.memory_space<hbm>>
      %dma_start3A_28 = arith.constant 0 : i32
      %dma_start3A_29 = tpu.memref_slice %arg4[%add3A_25, %dma_start3A_28] : memref<32768x128xf32, #tpu.memory_space<hbm>> -> memref<128x128xf32, #tpu.memory_space<hbm>>
      tpu.enqueue_dma source(%arg6 : memref<128x128xf32, #tpu.memory_space<vmem>>) target(%dma_start3A_29 : memref<128x128xf32, #tpu.memory_space<hbm>>) target_semaphore(%arg9 : memref<!tpu.dma_semaphore, #tpu.memory_space<semaphore_mem>>)
      %dma_wait3A_30 = tpu.memref_slice %arg5[%add3A_14] : memref<1024xi32, #tpu.memory_space<vmem>> -> memref<128xi32, #tpu.memory_space<vmem>>
      %dma_wait3A_31 = arith.constant 0 : i32
      %dma_wait3A_32 = arith.constant 0 : i32
      %dma_wait3A_33 = tpu.memref_slice %arg2[%dma_wait3A_31, %dma_wait3A_32] : memref<2048x128xf32, #tpu.memory_space<hbm>> -> memref<2048x128xf32, #tpu.memory_space<hbm>>
      tpu.wait_indirect_dma semaphore(%arg8 : memref<!tpu.dma_semaphore, #tpu.memory_space<semaphore_mem>>) src(%dma_wait3A_33 : memref<2048x128xf32, #tpu.memory_space<hbm>>) dst(%arg7 : memref<128x128xf32, #tpu.memory_space<vmem>>)
      %add3A_34 = arith.addi %multiple_of3A, %add3A_14 : i32
      %dma_start3A_35 = arith.constant 0 : i32
      %dma_start3A_36 = tpu.memref_slice %arg4[%add3A_34, %dma_start3A_35] : memref<32768x128xf32, #tpu.memory_space<hbm>> -> memref<128x128xf32, #tpu.memory_space<hbm>>
      %dma_start3A_37 = arith.constant 0 : i32
      %dma_start3A_38 = tpu.memref_slice %arg4[%add3A_34, %dma_start3A_37] : memref<32768x128xf32, #tpu.memory_space<hbm>> -> memref<128x128xf32, #tpu.memory_space<hbm>>
      tpu.enqueue_dma source(%arg7 : memref<128x128xf32, #tpu.memory_space<vmem>>) target(%dma_start3A_38 : memref<128x128xf32, #tpu.memory_space<hbm>>) target_semaphore(%arg9 : memref<!tpu.dma_semaphore, #tpu.memory_space<semaphore_mem>>)
      %dma_wait3A_39 = arith.constant 0 : i32
      %dma_wait3A_40 = tpu.memref_slice %arg4[%add3A_25, %dma_wait3A_39] : memref<32768x128xf32, #tpu.memory_space<hbm>> -> memref<128x128xf32, #tpu.memory_space<hbm>>
      %dma_wait3A_41 = arith.constant 0 : i32
      %dma_wait3A_42 = tpu.memref_slice %arg4[%add3A_25, %dma_wait3A_41] : memref<32768x128xf32, #tpu.memory_space<hbm>> -> memref<128x128xf32, #tpu.memory_space<hbm>>
      tpu.wait_dma2 semaphore(%arg9 : memref<!tpu.dma_semaphore, #tpu.memory_space<semaphore_mem>>) src(%arg6 : memref<128x128xf32, #tpu.memory_space<vmem>>) dst(%dma_wait3A_42 : memref<128x128xf32, #tpu.memory_space<hbm>>)
      %dma_wait3A_43 = arith.constant 0 : i32
      %dma_wait3A_44 = tpu.memref_slice %arg4[%add3A_34, %dma_wait3A_43] : memref<32768x128xf32, #tpu.memory_space<hbm>> -> memref<128x128xf32, #tpu.memory_space<hbm>>
      %dma_wait3A_45 = arith.constant 0 : i32
      %dma_wait3A_46 = tpu.memref_slice %arg4[%add3A_34, %dma_wait3A_45] : memref<32768x128xf32, #tpu.memory_space<hbm>> -> memref<128x128xf32, #tpu.memory_space<hbm>>
      tpu.wait_dma2 semaphore(%arg9 : memref<!tpu.dma_semaphore, #tpu.memory_space<semaphore_mem>>) src(%arg7 : memref<128x128xf32, #tpu.memory_space<vmem>>) dst(%dma_wait3A_46 : memref<128x128xf32, #tpu.memory_space<hbm>>)
    }
    %scan3A_7 = arith.constant 4 : i32
    return
  }
}

#map = affine_map<(d0, d1) -> (0, 0)>
#map1 = affine_map<(d0, d1) -> (0)>
module attributes {stable_mosaic.version = 14 : i64} {
  func.func @_gather_body(%arg0: i32, %arg1: i32, %arg2: memref<2048x128xf32, #tpu.memory_space<hbm>>, %arg3: memref<32768xi32, #tpu.memory_space<hbm>>, %arg4: memref<32768x128xf32, #tpu.memory_space<hbm>>, %arg5: memref<1024xi32, #tpu.memory_space<vmem>>, %arg6: memref<128x128xf32, #tpu.memory_space<vmem>>, %arg7: memref<128x128xf32, #tpu.memory_space<vmem>>, %arg8: memref<!tpu.dma_semaphore, #tpu.memory_space<semaphore_mem>>, %arg9: memref<!tpu.dma_semaphore, #tpu.memory_space<semaphore_mem>>) attributes {dimension_semantics = [#tpu.dimension_semantics<core_parallel>, #tpu.dimension_semantics<subcore_parallel>], iteration_bounds = array<i64: 2, 16>, scalar_prefetch = 0 : i64, scratch_operands = 5 : i64, tpu.core_type = #tpu.core_type<sc_vector_subcore>, window_params = [{transform_indices = #map}, {transform_indices = #map1}, {transform_indices = #map}]} {
    %mul3A = arith.constant 2 : i32
    %mul3A_0 = arith.muli %arg1, %mul3A : i32
    %add3A = arith.addi %mul3A_0, %arg0 : i32
    %mul3A_1 = arith.constant 1024 : i32
    %mul3A_2 = arith.muli %add3A, %mul3A_1 : i32
    %multiple_of3A = tpu.assume_multiple %mul3A_2, 128 : i32
    "tpu.region"() ({
      %run_scoped3A = tpu.sem_alloc : memref<!tpu.dma_semaphore, #tpu.memory_space<semaphore_mem>>
      %dma_start3A = tpu.memref_slice %arg3[%multiple_of3A] : memref<32768xi32, #tpu.memory_space<hbm>> -> memref<1024xi32, #tpu.memory_space<hbm>>
      %dma_start3A_8 = tpu.memref_slice %arg3[%multiple_of3A] : memref<32768xi32, #tpu.memory_space<hbm>> -> memref<1024xi32, #tpu.memory_space<hbm>>
      tpu.enqueue_dma source(%dma_start3A_8 : memref<1024xi32, #tpu.memory_space<hbm>>) target(%arg5 : memref<1024xi32, #tpu.memory_space<vmem>>) target_semaphore(%run_scoped3A : memref<!tpu.dma_semaphore, #tpu.memory_space<semaphore_mem>>)
      %dma_wait3A = tpu.memref_slice %arg3[%multiple_of3A] : memref<32768xi32, #tpu.memory_space<hbm>> -> memref<1024xi32, #tpu.memory_space<hbm>>
      %dma_wait3A_9 = tpu.memref_slice %arg3[%multiple_of3A] : memref<32768xi32, #tpu.memory_space<hbm>> -> memref<1024xi32, #tpu.memory_space<hbm>>
      tpu.wait_dma2 semaphore(%run_scoped3A : memref<!tpu.dma_semaphore, #tpu.memory_space<semaphore_mem>>) src(%dma_wait3A_9 : memref<1024xi32, #tpu.memory_space<hbm>>) dst(%arg5 : memref<1024xi32, #tpu.memory_space<vmem>>)
      tpu.yield
    }) : () -> ()
    %scan3A = arith.constant 0 : i32
    %scan3A_3 = arith.constant 0 : i32
    %scan3A_4 = arith.constant 4 : i32
    %scan3A_5 = arith.addi %scan3A_3, %scan3A_4 : i32
    %scan3A_6 = arith.constant 1 : i32
    scf.for %scan3A_8 = %scan3A_3 to %scan3A_5 step %scan3A_6  : i32 {
      %mul3A_9 = arith.constant 2 : i32
      %mul3A_10 = arith.muli %scan3A_8, %mul3A_9 : i32
      %mul3A_11 = arith.constant 128 : i32
      %mul3A_12 = arith.muli %mul3A_10, %mul3A_11 : i32
      %add3A_13 = arith.constant 128 : i32
      %add3A_14 = arith.addi %mul3A_12, %add3A_13 : i32
      %dma_start3A = tpu.memref_slice %arg5[%mul3A_12] : memref<1024xi32, #tpu.memory_space<vmem>> -> memref<128xi32, #tpu.memory_space<vmem>>
      %dma_start3A_15 = arith.constant 0 : i32
      %dma_start3A_16 = arith.constant 0 : i32
      %dma_start3A_17 = tpu.memref_slice %arg2[%dma_start3A_15, %dma_start3A_16] : memref<2048x128xf32, #tpu.memory_space<hbm>> -> memref<2048x128xf32, #tpu.memory_space<hbm>>
      tpu.enqueue_indirect_dma source(%dma_start3A_17 : memref<2048x128xf32, #tpu.memory_space<hbm>>) target(%arg6 : memref<128x128xf32, #tpu.memory_space<vmem>>) offsets(%dma_start3A : memref<128xi32, #tpu.memory_space<vmem>>) semaphore(%arg8 : memref<!tpu.dma_semaphore, #tpu.memory_space<semaphore_mem>>)
      %dma_start3A_18 = tpu.memref_slice %arg5[%add3A_14] : memref<1024xi32, #tpu.memory_space<vmem>> -> memref<128xi32, #tpu.memory_space<vmem>>
      %dma_start3A_19 = arith.constant 0 : i32
      %dma_start3A_20 = arith.constant 0 : i32
      %dma_start3A_21 = tpu.memref_slice %arg2[%dma_start3A_19, %dma_start3A_20] : memref<2048x128xf32, #tpu.memory_space<hbm>> -> memref<2048x128xf32, #tpu.memory_space<hbm>>
      tpu.enqueue_indirect_dma source(%dma_start3A_21 : memref<2048x128xf32, #tpu.memory_space<hbm>>) target(%arg7 : memref<128x128xf32, #tpu.memory_space<vmem>>) offsets(%dma_start3A_18 : memref<128xi32, #tpu.memory_space<vmem>>) semaphore(%arg8 : memref<!tpu.dma_semaphore, #tpu.memory_space<semaphore_mem>>)
      %dma_wait3A = tpu.memref_slice %arg5[%mul3A_12] : memref<1024xi32, #tpu.memory_space<vmem>> -> memref<128xi32, #tpu.memory_space<vmem>>
      %dma_wait3A_22 = arith.constant 0 : i32
      %dma_wait3A_23 = arith.constant 0 : i32
      %dma_wait3A_24 = tpu.memref_slice %arg2[%dma_wait3A_22, %dma_wait3A_23] : memref<2048x128xf32, #tpu.memory_space<hbm>> -> memref<2048x128xf32, #tpu.memory_space<hbm>>
      tpu.wait_indirect_dma semaphore(%arg8 : memref<!tpu.dma_semaphore, #tpu.memory_space<semaphore_mem>>) src(%dma_wait3A_24 : memref<2048x128xf32, #tpu.memory_space<hbm>>) dst(%arg6 : memref<128x128xf32, #tpu.memory_space<vmem>>)
      %add3A_25 = arith.addi %multiple_of3A, %mul3A_12 : i32
      %dma_start3A_26 = arith.constant 0 : i32
      %dma_start3A_27 = tpu.memref_slice %arg4[%add3A_25, %dma_start3A_26] : memref<32768x128xf32, #tpu.memory_space<hbm>> -> memref<128x128xf32, #tpu.memory_space<hbm>>
      %dma_start3A_28 = arith.constant 0 : i32
      %dma_start3A_29 = tpu.memref_slice %arg4[%add3A_25, %dma_start3A_28] : memref<32768x128xf32, #tpu.memory_space<hbm>> -> memref<128x128xf32, #tpu.memory_space<hbm>>
      tpu.enqueue_dma source(%arg6 : memref<128x128xf32, #tpu.memory_space<vmem>>) target(%dma_start3A_29 : memref<128x128xf32, #tpu.memory_space<hbm>>) target_semaphore(%arg9 : memref<!tpu.dma_semaphore, #tpu.memory_space<semaphore_mem>>)
      %dma_wait3A_30 = tpu.memref_slice %arg5[%add3A_14] : memref<1024xi32, #tpu.memory_space<vmem>> -> memref<128xi32, #tpu.memory_space<vmem>>
      %dma_wait3A_31 = arith.constant 0 : i32
      %dma_wait3A_32 = arith.constant 0 : i32
      %dma_wait3A_33 = tpu.memref_slice %arg2[%dma_wait3A_31, %dma_wait3A_32] : memref<2048x128xf32, #tpu.memory_space<hbm>> -> memref<2048x128xf32, #tpu.memory_space<hbm>>
      tpu.wait_indirect_dma semaphore(%arg8 : memref<!tpu.dma_semaphore, #tpu.memory_space<semaphore_mem>>) src(%dma_wait3A_33 : memref<2048x128xf32, #tpu.memory_space<hbm>>) dst(%arg7 : memref<128x128xf32, #tpu.memory_space<vmem>>)
      %add3A_34 = arith.addi %multiple_of3A, %add3A_14 : i32
      %dma_start3A_35 = arith.constant 0 : i32
      %dma_start3A_36 = tpu.memref_slice %arg4[%add3A_34, %dma_start3A_35] : memref<32768x128xf32, #tpu.memory_space<hbm>> -> memref<128x128xf32, #tpu.memory_space<hbm>>
      %dma_start3A_37 = arith.constant 0 : i32
      %dma_start3A_38 = tpu.memref_slice %arg4[%add3A_34, %dma_start3A_37] : memref<32768x128xf32, #tpu.memory_space<hbm>> -> memref<128x128xf32, #tpu.memory_space<hbm>>
      tpu.enqueue_dma source(%arg7 : memref<128x128xf32, #tpu.memory_space<vmem>>) target(%dma_start3A_38 : memref<128x128xf32, #tpu.memory_space<hbm>>) target_semaphore(%arg9 : memref<!tpu.dma_semaphore, #tpu.memory_space<semaphore_mem>>)
      %dma_wait3A_39 = arith.constant 0 : i32
      %dma_wait3A_40 = tpu.memref_slice %arg4[%add3A_25, %dma_wait3A_39] : memref<32768x128xf32, #tpu.memory_space<hbm>> -> memref<128x128xf32, #tpu.memory_space<hbm>>
      %dma_wait3A_41 = arith.constant 0 : i32
      %dma_wait3A_42 = tpu.memref_slice %arg4[%add3A_25, %dma_wait3A_41] : memref<32768x128xf32, #tpu.memory_space<hbm>> -> memref<128x128xf32, #tpu.memory_space<hbm>>
      tpu.wait_dma2 semaphore(%arg9 : memref<!tpu.dma_semaphore, #tpu.memory_space<semaphore_mem>>) src(%arg6 : memref<128x128xf32, #tpu.memory_space<vmem>>) dst(%dma_wait3A_42 : memref<128x128xf32, #tpu.memory_space<hbm>>)
      %dma_wait3A_43 = arith.constant 0 : i32
      %dma_wait3A_44 = tpu.memref_slice %arg4[%add3A_34, %dma_wait3A_43] : memref<32768x128xf32, #tpu.memory_space<hbm>> -> memref<128x128xf32, #tpu.memory_space<hbm>>
      %dma_wait3A_45 = arith.constant 0 : i32
      %dma_wait3A_46 = tpu.memref_slice %arg4[%add3A_34, %dma_wait3A_45] : memref<32768x128xf32, #tpu.memory_space<hbm>> -> memref<128x128xf32, #tpu.memory_space<hbm>>
      tpu.wait_dma2 semaphore(%arg9 : memref<!tpu.dma_semaphore, #tpu.memory_space<semaphore_mem>>) src(%arg7 : memref<128x128xf32, #tpu.memory_space<vmem>>) dst(%dma_wait3A_46 : memref<128x128xf32, #tpu.memory_space<hbm>>)
    }
    %scan3A_7 = arith.constant 4 : i32
    return
  }
}

module attributes {stable_mosaic.version = 14 : i64} {
  func.func @_knn_body(%arg0: i32, %arg1: memref<1x64x2048xf32, #tpu.memory_space<vmem>>, %arg2: memref<1x1024x64xf32, #tpu.memory_space<vmem>>, %arg3: memref<1024x16xi32, #tpu.memory_space<vmem>>, %arg4: memref<1024x128xf32, #tpu.memory_space<vmem>>) attributes {dimension_semantics = [#tpu.dimension_semantics<arbitrary>], iteration_bounds = array<i64: 2>, scalar_prefetch = 0 : i64, scratch_operands = 0 : i64, tpu.core_type = #tpu.core_type<tc>, window_params = [{transform_indices = @transform_0, window_bounds = array<i64: 1, 64, 2048>}, {transform_indices = @transform_1, window_bounds = array<i64: 1, 1024, 64>}, {transform_indices = @transform_2, window_bounds = array<i64: 1024, 16>}, {transform_indices = @transform_3, window_bounds = array<i64: 1024, 128>}]} {
    %get3A = arith.constant 0 : index
    %get3A_0 = arith.constant 0 : index
    %get3A_1 = arith.constant 0 : index
    %get3A_2 = vector.load %arg2[%get3A, %get3A_0, %get3A_1] : memref<1x1024x64xf32, #tpu.memory_space<vmem>>, vector<1x1024x64xf32>
    %get3A_3 = vector.shape_cast %get3A_2 : vector<1x1024x64xf32> to vector<1024x64xf32>
    %get3A_4 = arith.constant 0 : index
    %get3A_5 = arith.constant 0 : index
    %get3A_6 = arith.constant 0 : index
    %get3A_7 = vector.load %arg1[%get3A_4, %get3A_5, %get3A_6] : memref<1x64x2048xf32, #tpu.memory_space<vmem>>, vector<1x64x2048xf32>
    %get3A_8 = vector.shape_cast %get3A_7 : vector<1x64x2048xf32> to vector<64x2048xf32>
    %dot_general3A = arith.constant dense<0.000000e+00> : vector<1024x2048xf32>
    %dot_general3A_9 = tpu.matmul %get3A_3, %get3A_8, %dot_general3A {dimension_numbers = #tpu.dot_dimension_numbers<[1], [0], [0], [1], [0, 0, 1, 1], [], []>, transpose_lhs_hint = false} : vector<1024x64xf32>, vector<64x2048xf32>, vector<1024x2048xf32> -> vector<1024x2048xf32>
    %mul3A = arith.mulf %get3A_8, %get3A_8 : vector<64x2048xf32>
    %reduce_sum3A = arith.constant dense<0.000000e+00> : vector<2048xf32>
    %reduce_sum3A_10 = vector.multi_reduction <add>, %mul3A, %reduce_sum3A [0] : vector<64x2048xf32> to vector<2048xf32>
    %broadcast_in_dim3A = vector.shape_cast %reduce_sum3A_10 : vector<2048xf32> to vector<1x2048xf32>
    %mul3A_11 = arith.mulf %get3A_3, %get3A_3 : vector<1024x64xf32>
    %reduce_sum3A_12 = arith.constant dense<0.000000e+00> : vector<1024xf32>
    %reduce_sum3A_13 = vector.multi_reduction <add>, %mul3A_11, %reduce_sum3A_12 [1] : vector<1024x64xf32> to vector<1024xf32>
    %broadcast_in_dim3A_14 = vector.shape_cast %reduce_sum3A_13 : vector<1024xf32> to vector<1024x1xf32>
    %add3A = vector.broadcast %broadcast_in_dim3A_14 : vector<1024x1xf32> to vector<1024x2048xf32>
    %add3A_15 = vector.broadcast %broadcast_in_dim3A : vector<1x2048xf32> to vector<1024x2048xf32>
    %add3A_16 = arith.addf %add3A, %add3A_15 : vector<1024x2048xf32>
    %mul3A_17 = arith.constant 2.000000e+00 : f32
    %mul3A_18 = vector.broadcast %mul3A_17 : f32 to vector<1024x2048xf32>
    %mul3A_19 = arith.mulf %mul3A_18, %dot_general3A_9 : vector<1024x2048xf32>
    %sub3A = arith.subf %add3A_16, %mul3A_19 : vector<1024x2048xf32>
    %max3A = arith.constant 0.000000e+00 : f32
    %max3A_20 = vector.broadcast %max3A : f32 to vector<1024x2048xf32>
    %max3A_21 = arith.maximumf %sub3A, %max3A_20 : vector<1024x2048xf32>
    %iota3A = tpu.iota {dimensions = array<i32: 1>} : vector<1024x2048xi32>
    %bitcast_convert_type3A = tpu.bitcast %max3A_21 : vector<1024x2048xf32> -> vector<1024x2048xi32>
    %not3A = arith.constant 2047 : i32
    %not3A_22 = arith.constant -1 : i32
    %not3A_23 = arith.xori %not3A, %not3A_22 : i32
    %and3A = vector.broadcast %not3A_23 : i32 to vector<1024x2048xi32>
    %and3A_24 = arith.andi %bitcast_convert_type3A, %and3A : vector<1024x2048xi32>
    %or3A = arith.ori %and3A_24, %iota3A : vector<1024x2048xi32>
    %bitcast_convert_type3A_25 = tpu.bitcast %or3A : vector<1024x2048xi32> -> vector<1024x2048xf32>
    %reduce_min3A = arith.constant dense<0x7F800000> : vector<1024xf32>
    %reduce_min3A_26 = vector.multi_reduction <minimumf>, %bitcast_convert_type3A_25, %reduce_min3A [1] : vector<1024x2048xf32> to vector<1024xf32>
    %broadcast_in_dim3A_27 = vector.shape_cast %reduce_min3A_26 : vector<1024xf32> to vector<1024x1xf32>
    %gt3A = vector.broadcast %broadcast_in_dim3A_27 : vector<1024x1xf32> to vector<1024x2048xf32>
    %gt3A_28 = arith.cmpf ogt, %bitcast_convert_type3A_25, %gt3A : vector<1024x2048xf32>
    %jit3A = arith.constant 0x7F800000 : f32
    %broadcast_in_dim3A_29 = vector.broadcast %jit3A : f32 to vector<1024x2048xf32>
    %select_n3A = arith.select %gt3A_28, %bitcast_convert_type3A_25, %broadcast_in_dim3A_29 : vector<1024x2048xi1>, vector<1024x2048xf32>
    %reduce_min3A_30 = arith.constant dense<0x7F800000> : vector<1024xf32>
    %reduce_min3A_31 = vector.multi_reduction <minimumf>, %select_n3A, %reduce_min3A_30 [1] : vector<1024x2048xf32> to vector<1024xf32>
    %broadcast_in_dim3A_32 = vector.shape_cast %reduce_min3A_31 : vector<1024xf32> to vector<1024x1xf32>
    %squeeze3A = vector.shape_cast %broadcast_in_dim3A_32 : vector<1024x1xf32> to vector<1024xf32>
    %bitcast_convert_type3A_33 = tpu.bitcast %squeeze3A : vector<1024xf32> -> vector<1024xi32>
    %and3A_34 = arith.constant 2047 : i32
    %and3A_35 = vector.broadcast %and3A_34 : i32 to vector<1024xi32>
    %and3A_36 = arith.andi %bitcast_convert_type3A_33, %and3A_35 : vector<1024xi32>
    %swap3A = arith.constant 0 : index
    %swap3A_37 = arith.constant 0 : index
    %swap3A_38 = vector.load %arg3[%swap3A, %swap3A_37] : memref<1024x16xi32, #tpu.memory_space<vmem>>, vector<1024x1xi32>
    %swap3A_39 = vector.shape_cast %swap3A_38 : vector<1024x1xi32> to vector<1024xi32>
    %swap3A_40 = vector.shape_cast %and3A_36 : vector<1024xi32> to vector<1024x1xi32>
    tpu.vector_store %arg3[%swap3A, %swap3A_37], %swap3A_40 {strides = array<i32>} : memref<1024x16xi32, #tpu.memory_space<vmem>>, vector<1024x1xi32>,
    %gt3A_41 = vector.broadcast %broadcast_in_dim3A_32 : vector<1024x1xf32> to vector<1024x2048xf32>
    %gt3A_42 = arith.cmpf ogt, %bitcast_convert_type3A_25, %gt3A_41 : vector<1024x2048xf32>
    %jit3A_43 = arith.constant 0x7F800000 : f32
    %broadcast_in_dim3A_44 = vector.broadcast %jit3A_43 : f32 to vector<1024x2048xf32>
    %select_n3A_45 = arith.select %gt3A_42, %bitcast_convert_type3A_25, %broadcast_in_dim3A_44 : vector<1024x2048xi1>, vector<1024x2048xf32>
    %reduce_min3A_46 = arith.constant dense<0x7F800000> : vector<1024xf32>
    %reduce_min3A_47 = vector.multi_reduction <minimumf>, %select_n3A_45, %reduce_min3A_46 [1] : vector<1024x2048xf32> to vector<1024xf32>
    %broadcast_in_dim3A_48 = vector.shape_cast %reduce_min3A_47 : vector<1024xf32> to vector<1024x1xf32>
    %squeeze3A_49 = vector.shape_cast %broadcast_in_dim3A_48 : vector<1024x1xf32> to vector<1024xf32>
    %bitcast_convert_type3A_50 = tpu.bitcast %squeeze3A_49 : vector<1024xf32> -> vector<1024xi32>
    %and3A_51 = arith.constant 2047 : i32
    %and3A_52 = vector.broadcast %and3A_51 : i32 to vector<1024xi32>
    %and3A_53 = arith.andi %bitcast_convert_type3A_50, %and3A_52 : vector<1024xi32>
    %swap3A_54 = arith.constant 0 : index
    %swap3A_55 = arith.constant 1 : index
    %swap3A_56 = vector.load %arg3[%swap3A_54, %swap3A_55] : memref<1024x16xi32, #tpu.memory_space<vmem>>, vector<1024x1xi32>
    %swap3A_57 = vector.shape_cast %swap3A_56 : vector<1024x1xi32> to vector<1024xi32>
    %swap3A_58 = vector.shape_cast %and3A_53 : vector<1024xi32> to vector<1024x1xi32>
    tpu.vector_store %arg3[%swap3A_54, %swap3A_55], %swap3A_58 {strides = array<i32>} : memref<1024x16xi32, #tpu.memory_space<vmem>>, vector<1024x1xi32>,
    %gt3A_59 = vector.broadcast %broadcast_in_dim3A_48 : vector<1024x1xf32> to vector<1024x2048xf32>
    %gt3A_60 = arith.cmpf ogt, %bitcast_convert_type3A_25, %gt3A_59 : vector<1024x2048xf32>
    %jit3A_61 = arith.constant 0x7F800000 : f32
    %broadcast_in_dim3A_62 = vector.broadcast %jit3A_61 : f32 to vector<1024x2048xf32>
    %select_n3A_63 = arith.select %gt3A_60, %bitcast_convert_type3A_25, %broadcast_in_dim3A_62 : vector<1024x2048xi1>, vector<1024x2048xf32>
    %reduce_min3A_64 = arith.constant dense<0x7F800000> : vector<1024xf32>
    %reduce_min3A_65 = vector.multi_reduction <minimumf>, %select_n3A_63, %reduce_min3A_64 [1] : vector<1024x2048xf32> to vector<1024xf32>
    %broadcast_in_dim3A_66 = vector.shape_cast %reduce_min3A_65 : vector<1024xf32> to vector<1024x1xf32>
    %squeeze3A_67 = vector.shape_cast %broadcast_in_dim3A_66 : vector<1024x1xf32> to vector<1024xf32>
    %bitcast_convert_type3A_68 = tpu.bitcast %squeeze3A_67 : vector<1024xf32> -> vector<1024xi32>
    %and3A_69 = arith.constant 2047 : i32
    %and3A_70 = vector.broadcast %and3A_69 : i32 to vector<1024xi32>
    %and3A_71 = arith.andi %bitcast_convert_type3A_68, %and3A_70 : vector<1024xi32>
    %swap3A_72 = arith.constant 0 : index
    %swap3A_73 = arith.constant 2 : index
    %swap3A_74 = vector.load %arg3[%swap3A_72, %swap3A_73] : memref<1024x16xi32, #tpu.memory_space<vmem>>, vector<1024x1xi32>
    %swap3A_75 = vector.shape_cast %swap3A_74 : vector<1024x1xi32> to vector<1024xi32>
    %swap3A_76 = vector.shape_cast %and3A_71 : vector<1024xi32> to vector<1024x1xi32>
    tpu.vector_store %arg3[%swap3A_72, %swap3A_73], %swap3A_76 {strides = array<i32>} : memref<1024x16xi32, #tpu.memory_space<vmem>>, vector<1024x1xi32>,
    %gt3A_77 = vector.broadcast %broadcast_in_dim3A_66 : vector<1024x1xf32> to vector<1024x2048xf32>
    %gt3A_78 = arith.cmpf ogt, %bitcast_convert_type3A_25, %gt3A_77 : vector<1024x2048xf32>
    %jit3A_79 = arith.constant 0x7F800000 : f32
    %broadcast_in_dim3A_80 = vector.broadcast %jit3A_79 : f32 to vector<1024x2048xf32>
    %select_n3A_81 = arith.select %gt3A_78, %bitcast_convert_type3A_25, %broadcast_in_dim3A_80 : vector<1024x2048xi1>, vector<1024x2048xf32>
    %reduce_min3A_82 = arith.constant dense<0x7F800000> : vector<1024xf32>
    %reduce_min3A_83 = vector.multi_reduction <minimumf>, %select_n3A_81, %reduce_min3A_82 [1] : vector<1024x2048xf32> to vector<1024xf32>
    %broadcast_in_dim3A_84 = vector.shape_cast %reduce_min3A_83 : vector<1024xf32> to vector<1024x1xf32>
    %squeeze3A_85 = vector.shape_cast %broadcast_in_dim3A_84 : vector<1024x1xf32> to vector<1024xf32>
    %bitcast_convert_type3A_86 = tpu.bitcast %squeeze3A_85 : vector<1024xf32> -> vector<1024xi32>
    %and3A_87 = arith.constant 2047 : i32
    %and3A_88 = vector.broadcast %and3A_87 : i32 to vector<1024xi32>
    %and3A_89 = arith.andi %bitcast_convert_type3A_86, %and3A_88 : vector<1024xi32>
    %swap3A_90 = arith.constant 0 : index
    %swap3A_91 = arith.constant 3 : index
    %swap3A_92 = vector.load %arg3[%swap3A_90, %swap3A_91] : memref<1024x16xi32, #tpu.memory_space<vmem>>, vector<1024x1xi32>
    %swap3A_93 = vector.shape_cast %swap3A_92 : vector<1024x1xi32> to vector<1024xi32>
    %swap3A_94 = vector.shape_cast %and3A_89 : vector<1024xi32> to vector<1024x1xi32>
    tpu.vector_store %arg3[%swap3A_90, %swap3A_91], %swap3A_94 {strides = array<i32>} : memref<1024x16xi32, #tpu.memory_space<vmem>>, vector<1024x1xi32>,
    %gt3A_95 = vector.broadcast %broadcast_in_dim3A_84 : vector<1024x1xf32> to vector<1024x2048xf32>
    %gt3A_96 = arith.cmpf ogt, %bitcast_convert_type3A_25, %gt3A_95 : vector<1024x2048xf32>
    %jit3A_97 = arith.constant 0x7F800000 : f32
    %broadcast_in_dim3A_98 = vector.broadcast %jit3A_97 : f32 to vector<1024x2048xf32>
    %select_n3A_99 = arith.select %gt3A_96, %bitcast_convert_type3A_25, %broadcast_in_dim3A_98 : vector<1024x2048xi1>, vector<1024x2048xf32>
    %reduce_min3A_100 = arith.constant dense<0x7F800000> : vector<1024xf32>
    %reduce_min3A_101 = vector.multi_reduction <minimumf>, %select_n3A_99, %reduce_min3A_100 [1] : vector<1024x2048xf32> to vector<1024xf32>
    %broadcast_in_dim3A_102 = vector.shape_cast %reduce_min3A_101 : vector<1024xf32> to vector<1024x1xf32>
    %squeeze3A_103 = vector.shape_cast %broadcast_in_dim3A_102 : vector<1024x1xf32> to vector<1024xf32>
    %bitcast_convert_type3A_104 = tpu.bitcast %squeeze3A_103 : vector<1024xf32> -> vector<1024xi32>
    %and3A_105 = arith.constant 2047 : i32
    %and3A_106 = vector.broadcast %and3A_105 : i32 to vector<1024xi32>
    %and3A_107 = arith.andi %bitcast_convert_type3A_104, %and3A_106 : vector<1024xi32>
    %swap3A_108 = arith.constant 0 : index
    %swap3A_109 = arith.constant 4 : index
    %swap3A_110 = vector.load %arg3[%swap3A_108, %swap3A_109] : memref<1024x16xi32, #tpu.memory_space<vmem>>, vector<1024x1xi32>
    %swap3A_111 = vector.shape_cast %swap3A_110 : vector<1024x1xi32> to vector<1024xi32>
    %swap3A_112 = vector.shape_cast %and3A_107 : vector<1024xi32> to vector<1024x1xi32>
    tpu.vector_store %arg3[%swap3A_108, %swap3A_109], %swap3A_112 {strides = array<i32>} : memref<1024x16xi32, #tpu.memory_space<vmem>>, vector<1024x1xi32>,
    %gt3A_113 = vector.broadcast %broadcast_in_dim3A_102 : vector<1024x1xf32> to vector<1024x2048xf32>
    %gt3A_114 = arith.cmpf ogt, %bitcast_convert_type3A_25, %gt3A_113 : vector<1024x2048xf32>
    %jit3A_115 = arith.constant 0x7F800000 : f32
    %broadcast_in_dim3A_116 = vector.broadcast %jit3A_115 : f32 to vector<1024x2048xf32>
    %select_n3A_117 = arith.select %gt3A_114, %bitcast_convert_type3A_25, %broadcast_in_dim3A_116 : vector<1024x2048xi1>, vector<1024x2048xf32>
    %reduce_min3A_118 = arith.constant dense<0x7F800000> : vector<1024xf32>
    %reduce_min3A_119 = vector.multi_reduction <minimumf>, %select_n3A_117, %reduce_min3A_118 [1] : vector<1024x2048xf32> to vector<1024xf32>
    %broadcast_in_dim3A_120 = vector.shape_cast %reduce_min3A_119 : vector<1024xf32> to vector<1024x1xf32>
    %squeeze3A_121 = vector.shape_cast %broadcast_in_dim3A_120 : vector<1024x1xf32> to vector<1024xf32>
    %bitcast_convert_type3A_122 = tpu.bitcast %squeeze3A_121 : vector<1024xf32> -> vector<1024xi32>
    %and3A_123 = arith.constant 2047 : i32
    %and3A_124 = vector.broadcast %and3A_123 : i32 to vector<1024xi32>
    %and3A_125 = arith.andi %bitcast_convert_type3A_122, %and3A_124 : vector<1024xi32>
    %swap3A_126 = arith.constant 0 : index
    %swap3A_127 = arith.constant 5 : index
    %swap3A_128 = vector.load %arg3[%swap3A_126, %swap3A_127] : memref<1024x16xi32, #tpu.memory_space<vmem>>, vector<1024x1xi32>
    %swap3A_129 = vector.shape_cast %swap3A_128 : vector<1024x1xi32> to vector<1024xi32>
    %swap3A_130 = vector.shape_cast %and3A_125 : vector<1024xi32> to vector<1024x1xi32>
    tpu.vector_store %arg3[%swap3A_126, %swap3A_127], %swap3A_130 {strides = array<i32>} : memref<1024x16xi32, #tpu.memory_space<vmem>>, vector<1024x1xi32>,
    %gt3A_131 = vector.broadcast %broadcast_in_dim3A_120 : vector<1024x1xf32> to vector<1024x2048xf32>
    %gt3A_132 = arith.cmpf ogt, %bitcast_convert_type3A_25, %gt3A_131 : vector<1024x2048xf32>
    %jit3A_133 = arith.constant 0x7F800000 : f32
    %broadcast_in_dim3A_134 = vector.broadcast %jit3A_133 : f32 to vector<1024x2048xf32>
    %select_n3A_135 = arith.select %gt3A_132, %bitcast_convert_type3A_25, %broadcast_in_dim3A_134 : vector<1024x2048xi1>, vector<1024x2048xf32>
    %reduce_min3A_136 = arith.constant dense<0x7F800000> : vector<1024xf32>
    %reduce_min3A_137 = vector.multi_reduction <minimumf>, %select_n3A_135, %reduce_min3A_136 [1] : vector<1024x2048xf32> to vector<1024xf32>
    %broadcast_in_dim3A_138 = vector.shape_cast %reduce_min3A_137 : vector<1024xf32> to vector<1024x1xf32>
    %squeeze3A_139 = vector.shape_cast %broadcast_in_dim3A_138 : vector<1024x1xf32> to vector<1024xf32>
    %bitcast_convert_type3A_140 = tpu.bitcast %squeeze3A_139 : vector<1024xf32> -> vector<1024xi32>
    %and3A_141 = arith.constant 2047 : i32
    %and3A_142 = vector.broadcast %and3A_141 : i32 to vector<1024xi32>
    %and3A_143 = arith.andi %bitcast_convert_type3A_140, %and3A_142 : vector<1024xi32>
    %swap3A_144 = arith.constant 0 : index
    %swap3A_145 = arith.constant 6 : index
    %swap3A_146 = vector.load %arg3[%swap3A_144, %swap3A_145] : memref<1024x16xi32, #tpu.memory_space<vmem>>, vector<1024x1xi32>
    %swap3A_147 = vector.shape_cast %swap3A_146 : vector<1024x1xi32> to vector<1024xi32>
    %swap3A_148 = vector.shape_cast %and3A_143 : vector<1024xi32> to vector<1024x1xi32>
    tpu.vector_store %arg3[%swap3A_144, %swap3A_145], %swap3A_148 {strides = array<i32>} : memref<1024x16xi32, #tpu.memory_space<vmem>>, vector<1024x1xi32>,
    %gt3A_149 = vector.broadcast %broadcast_in_dim3A_138 : vector<1024x1xf32> to vector<1024x2048xf32>
    %gt3A_150 = arith.cmpf ogt, %bitcast_convert_type3A_25, %gt3A_149 : vector<1024x2048xf32>
    %jit3A_151 = arith.constant 0x7F800000 : f32
    %broadcast_in_dim3A_152 = vector.broadcast %jit3A_151 : f32 to vector<1024x2048xf32>
    %select_n3A_153 = arith.select %gt3A_150, %bitcast_convert_type3A_25, %broadcast_in_dim3A_152 : vector<1024x2048xi1>, vector<1024x2048xf32>
    %reduce_min3A_154 = arith.constant dense<0x7F800000> : vector<1024xf32>
    %reduce_min3A_155 = vector.multi_reduction <minimumf>, %select_n3A_153, %reduce_min3A_154 [1] : vector<1024x2048xf32> to vector<1024xf32>
    %broadcast_in_dim3A_156 = vector.shape_cast %reduce_min3A_155 : vector<1024xf32> to vector<1024x1xf32>
    %squeeze3A_157 = vector.shape_cast %broadcast_in_dim3A_156 : vector<1024x1xf32> to vector<1024xf32>
    %bitcast_convert_type3A_158 = tpu.bitcast %squeeze3A_157 : vector<1024xf32> -> vector<1024xi32>
    %and3A_159 = arith.constant 2047 : i32
    %and3A_160 = vector.broadcast %and3A_159 : i32 to vector<1024xi32>
    %and3A_161 = arith.andi %bitcast_convert_type3A_158, %and3A_160 : vector<1024xi32>
    %swap3A_162 = arith.constant 0 : index
    %swap3A_163 = arith.constant 7 : index
    %swap3A_164 = vector.load %arg3[%swap3A_162, %swap3A_163] : memref<1024x16xi32, #tpu.memory_space<vmem>>, vector<1024x1xi32>
    %swap3A_165 = vector.shape_cast %swap3A_164 : vector<1024x1xi32> to vector<1024xi32>
    %swap3A_166 = vector.shape_cast %and3A_161 : vector<1024xi32> to vector<1024x1xi32>
    tpu.vector_store %arg3[%swap3A_162, %swap3A_163], %swap3A_166 {strides = array<i32>} : memref<1024x16xi32, #tpu.memory_space<vmem>>, vector<1024x1xi32>,
    %gt3A_167 = vector.broadcast %broadcast_in_dim3A_156 : vector<1024x1xf32> to vector<1024x2048xf32>
    %gt3A_168 = arith.cmpf ogt, %bitcast_convert_type3A_25, %gt3A_167 : vector<1024x2048xf32>
    %jit3A_169 = arith.constant 0x7F800000 : f32
    %broadcast_in_dim3A_170 = vector.broadcast %jit3A_169 : f32 to vector<1024x2048xf32>
    %select_n3A_171 = arith.select %gt3A_168, %bitcast_convert_type3A_25, %broadcast_in_dim3A_170 : vector<1024x2048xi1>, vector<1024x2048xf32>
    %reduce_min3A_172 = arith.constant dense<0x7F800000> : vector<1024xf32>
    %reduce_min3A_173 = vector.multi_reduction <minimumf>, %select_n3A_171, %reduce_min3A_172 [1] : vector<1024x2048xf32> to vector<1024xf32>
    %broadcast_in_dim3A_174 = vector.shape_cast %reduce_min3A_173 : vector<1024xf32> to vector<1024x1xf32>
    %squeeze3A_175 = vector.shape_cast %broadcast_in_dim3A_174 : vector<1024x1xf32> to vector<1024xf32>
    %bitcast_convert_type3A_176 = tpu.bitcast %squeeze3A_175 : vector<1024xf32> -> vector<1024xi32>
    %and3A_177 = arith.constant 2047 : i32
    %and3A_178 = vector.broadcast %and3A_177 : i32 to vector<1024xi32>
    %and3A_179 = arith.andi %bitcast_convert_type3A_176, %and3A_178 : vector<1024xi32>
    %swap3A_180 = arith.constant 0 : index
    %swap3A_181 = arith.constant 8 : index
    %swap3A_182 = vector.load %arg3[%swap3A_180, %swap3A_181] : memref<1024x16xi32, #tpu.memory_space<vmem>>, vector<1024x1xi32>
    %swap3A_183 = vector.shape_cast %swap3A_182 : vector<1024x1xi32> to vector<1024xi32>
    %swap3A_184 = vector.shape_cast %and3A_179 : vector<1024xi32> to vector<1024x1xi32>
    tpu.vector_store %arg3[%swap3A_180, %swap3A_181], %swap3A_184 {strides = array<i32>} : memref<1024x16xi32, #tpu.memory_space<vmem>>, vector<1024x1xi32>,
    %gt3A_185 = vector.broadcast %broadcast_in_dim3A_174 : vector<1024x1xf32> to vector<1024x2048xf32>
    %gt3A_186 = arith.cmpf ogt, %bitcast_convert_type3A_25, %gt3A_185 : vector<1024x2048xf32>
    %jit3A_187 = arith.constant 0x7F800000 : f32
    %broadcast_in_dim3A_188 = vector.broadcast %jit3A_187 : f32 to vector<1024x2048xf32>
    %select_n3A_189 = arith.select %gt3A_186, %bitcast_convert_type3A_25, %broadcast_in_dim3A_188 : vector<1024x2048xi1>, vector<1024x2048xf32>
    %reduce_min3A_190 = arith.constant dense<0x7F800000> : vector<1024xf32>
    %reduce_min3A_191 = vector.multi_reduction <minimumf>, %select_n3A_189, %reduce_min3A_190 [1] : vector<1024x2048xf32> to vector<1024xf32>
    %broadcast_in_dim3A_192 = vector.shape_cast %reduce_min3A_191 : vector<1024xf32> to vector<1024x1xf32>
    %squeeze3A_193 = vector.shape_cast %broadcast_in_dim3A_192 : vector<1024x1xf32> to vector<1024xf32>
    %bitcast_convert_type3A_194 = tpu.bitcast %squeeze3A_193 : vector<1024xf32> -> vector<1024xi32>
    %and3A_195 = arith.constant 2047 : i32
    %and3A_196 = vector.broadcast %and3A_195 : i32 to vector<1024xi32>
    %and3A_197 = arith.andi %bitcast_convert_type3A_194, %and3A_196 : vector<1024xi32>
    %swap3A_198 = arith.constant 0 : index
    %swap3A_199 = arith.constant 9 : index
    %swap3A_200 = vector.load %arg3[%swap3A_198, %swap3A_199] : memref<1024x16xi32, #tpu.memory_space<vmem>>, vector<1024x1xi32>
    %swap3A_201 = vector.shape_cast %swap3A_200 : vector<1024x1xi32> to vector<1024xi32>
    %swap3A_202 = vector.shape_cast %and3A_197 : vector<1024xi32> to vector<1024x1xi32>
    tpu.vector_store %arg3[%swap3A_198, %swap3A_199], %swap3A_202 {strides = array<i32>} : memref<1024x16xi32, #tpu.memory_space<vmem>>, vector<1024x1xi32>,
    %gt3A_203 = vector.broadcast %broadcast_in_dim3A_192 : vector<1024x1xf32> to vector<1024x2048xf32>
    %gt3A_204 = arith.cmpf ogt, %bitcast_convert_type3A_25, %gt3A_203 : vector<1024x2048xf32>
    %jit3A_205 = arith.constant 0x7F800000 : f32
    %broadcast_in_dim3A_206 = vector.broadcast %jit3A_205 : f32 to vector<1024x2048xf32>
    %select_n3A_207 = arith.select %gt3A_204, %bitcast_convert_type3A_25, %broadcast_in_dim3A_206 : vector<1024x2048xi1>, vector<1024x2048xf32>
    %reduce_min3A_208 = arith.constant dense<0x7F800000> : vector<1024xf32>
    %reduce_min3A_209 = vector.multi_reduction <minimumf>, %select_n3A_207, %reduce_min3A_208 [1] : vector<1024x2048xf32> to vector<1024xf32>
    %broadcast_in_dim3A_210 = vector.shape_cast %reduce_min3A_209 : vector<1024xf32> to vector<1024x1xf32>
    %squeeze3A_211 = vector.shape_cast %broadcast_in_dim3A_210 : vector<1024x1xf32> to vector<1024xf32>
    %bitcast_convert_type3A_212 = tpu.bitcast %squeeze3A_211 : vector<1024xf32> -> vector<1024xi32>
    %and3A_213 = arith.constant 2047 : i32
    %and3A_214 = vector.broadcast %and3A_213 : i32 to vector<1024xi32>
    %and3A_215 = arith.andi %bitcast_convert_type3A_212, %and3A_214 : vector<1024xi32>
    %swap3A_216 = arith.constant 0 : index
    %swap3A_217 = arith.constant 10 : index
    %swap3A_218 = vector.load %arg3[%swap3A_216, %swap3A_217] : memref<1024x16xi32, #tpu.memory_space<vmem>>, vector<1024x1xi32>
    %swap3A_219 = vector.shape_cast %swap3A_218 : vector<1024x1xi32> to vector<1024xi32>
    %swap3A_220 = vector.shape_cast %and3A_215 : vector<1024xi32> to vector<1024x1xi32>
    tpu.vector_store %arg3[%swap3A_216, %swap3A_217], %swap3A_220 {strides = array<i32>} : memref<1024x16xi32, #tpu.memory_space<vmem>>, vector<1024x1xi32>,
    %gt3A_221 = vector.broadcast %broadcast_in_dim3A_210 : vector<1024x1xf32> to vector<1024x2048xf32>
    %gt3A_222 = arith.cmpf ogt, %bitcast_convert_type3A_25, %gt3A_221 : vector<1024x2048xf32>
    %jit3A_223 = arith.constant 0x7F800000 : f32
    %broadcast_in_dim3A_224 = vector.broadcast %jit3A_223 : f32 to vector<1024x2048xf32>
    %select_n3A_225 = arith.select %gt3A_222, %bitcast_convert_type3A_25, %broadcast_in_dim3A_224 : vector<1024x2048xi1>, vector<1024x2048xf32>
    %reduce_min3A_226 = arith.constant dense<0x7F800000> : vector<1024xf32>
    %reduce_min3A_227 = vector.multi_reduction <minimumf>, %select_n3A_225, %reduce_min3A_226 [1] : vector<1024x2048xf32> to vector<1024xf32>
    %broadcast_in_dim3A_228 = vector.shape_cast %reduce_min3A_227 : vector<1024xf32> to vector<1024x1xf32>
    %squeeze3A_229 = vector.shape_cast %broadcast_in_dim3A_228 : vector<1024x1xf32> to vector<1024xf32>
    %bitcast_convert_type3A_230 = tpu.bitcast %squeeze3A_229 : vector<1024xf32> -> vector<1024xi32>
    %and3A_231 = arith.constant 2047 : i32
    %and3A_232 = vector.broadcast %and3A_231 : i32 to vector<1024xi32>
    %and3A_233 = arith.andi %bitcast_convert_type3A_230, %and3A_232 : vector<1024xi32>
    %swap3A_234 = arith.constant 0 : index
    %swap3A_235 = arith.constant 11 : index
    %swap3A_236 = vector.load %arg3[%swap3A_234, %swap3A_235] : memref<1024x16xi32, #tpu.memory_space<vmem>>, vector<1024x1xi32>
    %swap3A_237 = vector.shape_cast %swap3A_236 : vector<1024x1xi32> to vector<1024xi32>
    %swap3A_238 = vector.shape_cast %and3A_233 : vector<1024xi32> to vector<1024x1xi32>
    tpu.vector_store %arg3[%swap3A_234, %swap3A_235], %swap3A_238 {strides = array<i32>} : memref<1024x16xi32, #tpu.memory_space<vmem>>, vector<1024x1xi32>,
    %gt3A_239 = vector.broadcast %broadcast_in_dim3A_228 : vector<1024x1xf32> to vector<1024x2048xf32>
    %gt3A_240 = arith.cmpf ogt, %bitcast_convert_type3A_25, %gt3A_239 : vector<1024x2048xf32>
    %jit3A_241 = arith.constant 0x7F800000 : f32
    %broadcast_in_dim3A_242 = vector.broadcast %jit3A_241 : f32 to vector<1024x2048xf32>
    %select_n3A_243 = arith.select %gt3A_240, %bitcast_convert_type3A_25, %broadcast_in_dim3A_242 : vector<1024x2048xi1>, vector<1024x2048xf32>
    %reduce_min3A_244 = arith.constant dense<0x7F800000> : vector<1024xf32>
    %reduce_min3A_245 = vector.multi_reduction <minimumf>, %select_n3A_243, %reduce_min3A_244 [1] : vector<1024x2048xf32> to vector<1024xf32>
    %broadcast_in_dim3A_246 = vector.shape_cast %reduce_min3A_245 : vector<1024xf32> to vector<1024x1xf32>
    %squeeze3A_247 = vector.shape_cast %broadcast_in_dim3A_246 : vector<1024x1xf32> to vector<1024xf32>
    %bitcast_convert_type3A_248 = tpu.bitcast %squeeze3A_247 : vector<1024xf32> -> vector<1024xi32>
    %and3A_249 = arith.constant 2047 : i32
    %and3A_250 = vector.broadcast %and3A_249 : i32 to vector<1024xi32>
    %and3A_251 = arith.andi %bitcast_convert_type3A_248, %and3A_250 : vector<1024xi32>
    %swap3A_252 = arith.constant 0 : index
    %swap3A_253 = arith.constant 12 : index
    %swap3A_254 = vector.load %arg3[%swap3A_252, %swap3A_253] : memref<1024x16xi32, #tpu.memory_space<vmem>>, vector<1024x1xi32>
    %swap3A_255 = vector.shape_cast %swap3A_254 : vector<1024x1xi32> to vector<1024xi32>
    %swap3A_256 = vector.shape_cast %and3A_251 : vector<1024xi32> to vector<1024x1xi32>
    tpu.vector_store %arg3[%swap3A_252, %swap3A_253], %swap3A_256 {strides = array<i32>} : memref<1024x16xi32, #tpu.memory_space<vmem>>, vector<1024x1xi32>,
    %gt3A_257 = vector.broadcast %broadcast_in_dim3A_246 : vector<1024x1xf32> to vector<1024x2048xf32>
    %gt3A_258 = arith.cmpf ogt, %bitcast_convert_type3A_25, %gt3A_257 : vector<1024x2048xf32>
    %jit3A_259 = arith.constant 0x7F800000 : f32
    %broadcast_in_dim3A_260 = vector.broadcast %jit3A_259 : f32 to vector<1024x2048xf32>
    %select_n3A_261 = arith.select %gt3A_258, %bitcast_convert_type3A_25, %broadcast_in_dim3A_260 : vector<1024x2048xi1>, vector<1024x2048xf32>
    %reduce_min3A_262 = arith.constant dense<0x7F800000> : vector<1024xf32>
    %reduce_min3A_263 = vector.multi_reduction <minimumf>, %select_n3A_261, %reduce_min3A_262 [1] : vector<1024x2048xf32> to vector<1024xf32>
    %broadcast_in_dim3A_264 = vector.shape_cast %reduce_min3A_263 : vector<1024xf32> to vector<1024x1xf32>
    %squeeze3A_265 = vector.shape_cast %broadcast_in_dim3A_264 : vector<1024x1xf32> to vector<1024xf32>
    %bitcast_convert_type3A_266 = tpu.bitcast %squeeze3A_265 : vector<1024xf32> -> vector<1024xi32>
    %and3A_267 = arith.constant 2047 : i32
    %and3A_268 = vector.broadcast %and3A_267 : i32 to vector<1024xi32>
    %and3A_269 = arith.andi %bitcast_convert_type3A_266, %and3A_268 : vector<1024xi32>
    %swap3A_270 = arith.constant 0 : index
    %swap3A_271 = arith.constant 13 : index
    %swap3A_272 = vector.load %arg3[%swap3A_270, %swap3A_271] : memref<1024x16xi32, #tpu.memory_space<vmem>>, vector<1024x1xi32>
    %swap3A_273 = vector.shape_cast %swap3A_272 : vector<1024x1xi32> to vector<1024xi32>
    %swap3A_274 = vector.shape_cast %and3A_269 : vector<1024xi32> to vector<1024x1xi32>
    tpu.vector_store %arg3[%swap3A_270, %swap3A_271], %swap3A_274 {strides = array<i32>} : memref<1024x16xi32, #tpu.memory_space<vmem>>, vector<1024x1xi32>,
    %gt3A_275 = vector.broadcast %broadcast_in_dim3A_264 : vector<1024x1xf32> to vector<1024x2048xf32>
    %gt3A_276 = arith.cmpf ogt, %bitcast_convert_type3A_25, %gt3A_275 : vector<1024x2048xf32>
    %jit3A_277 = arith.constant 0x7F800000 : f32
    %broadcast_in_dim3A_278 = vector.broadcast %jit3A_277 : f32 to vector<1024x2048xf32>
    %select_n3A_279 = arith.select %gt3A_276, %bitcast_convert_type3A_25, %broadcast_in_dim3A_278 : vector<1024x2048xi1>, vector<1024x2048xf32>
    %reduce_min3A_280 = arith.constant dense<0x7F800000> : vector<1024xf32>
    %reduce_min3A_281 = vector.multi_reduction <minimumf>, %select_n3A_279, %reduce_min3A_280 [1] : vector<1024x2048xf32> to vector<1024xf32>
    %broadcast_in_dim3A_282 = vector.shape_cast %reduce_min3A_281 : vector<1024xf32> to vector<1024x1xf32>
    %squeeze3A_283 = vector.shape_cast %broadcast_in_dim3A_282 : vector<1024x1xf32> to vector<1024xf32>
    %bitcast_convert_type3A_284 = tpu.bitcast %squeeze3A_283 : vector<1024xf32> -> vector<1024xi32>
    %and3A_285 = arith.constant 2047 : i32
    %and3A_286 = vector.broadcast %and3A_285 : i32 to vector<1024xi32>
    %and3A_287 = arith.andi %bitcast_convert_type3A_284, %and3A_286 : vector<1024xi32>
    %swap3A_288 = arith.constant 0 : index
    %swap3A_289 = arith.constant 14 : index
    %swap3A_290 = vector.load %arg3[%swap3A_288, %swap3A_289] : memref<1024x16xi32, #tpu.memory_space<vmem>>, vector<1024x1xi32>
    %swap3A_291 = vector.shape_cast %swap3A_290 : vector<1024x1xi32> to vector<1024xi32>
    %swap3A_292 = vector.shape_cast %and3A_287 : vector<1024xi32> to vector<1024x1xi32>
    tpu.vector_store %arg3[%swap3A_288, %swap3A_289], %swap3A_292 {strides = array<i32>} : memref<1024x16xi32, #tpu.memory_space<vmem>>, vector<1024x1xi32>,
    %gt3A_293 = vector.broadcast %broadcast_in_dim3A_282 : vector<1024x1xf32> to vector<1024x2048xf32>
    %gt3A_294 = arith.cmpf ogt, %bitcast_convert_type3A_25, %gt3A_293 : vector<1024x2048xf32>
    %jit3A_295 = arith.constant 0x7F800000 : f32
    %broadcast_in_dim3A_296 = vector.broadcast %jit3A_295 : f32 to vector<1024x2048xf32>
    %select_n3A_297 = arith.select %gt3A_294, %bitcast_convert_type3A_25, %broadcast_in_dim3A_296 : vector<1024x2048xi1>, vector<1024x2048xf32>
    %reduce_min3A_298 = arith.constant dense<0x7F800000> : vector<1024xf32>
    %reduce_min3A_299 = vector.multi_reduction <minimumf>, %select_n3A_297, %reduce_min3A_298 [1] : vector<1024x2048xf32> to vector<1024xf32>
    %broadcast_in_dim3A_300 = vector.shape_cast %reduce_min3A_299 : vector<1024xf32> to vector<1024x1xf32>
    %squeeze3A_301 = vector.shape_cast %broadcast_in_dim3A_300 : vector<1024x1xf32> to vector<1024xf32>
    %bitcast_convert_type3A_302 = tpu.bitcast %squeeze3A_301 : vector<1024xf32> -> vector<1024xi32>
    %and3A_303 = arith.constant 2047 : i32
    %and3A_304 = vector.broadcast %and3A_303 : i32 to vector<1024xi32>
    %and3A_305 = arith.andi %bitcast_convert_type3A_302, %and3A_304 : vector<1024xi32>
    %swap3A_306 = arith.constant 0 : index
    %swap3A_307 = arith.constant 15 : index
    %swap3A_308 = vector.load %arg3[%swap3A_306, %swap3A_307] : memref<1024x16xi32, #tpu.memory_space<vmem>>, vector<1024x1xi32>
    %swap3A_309 = vector.shape_cast %swap3A_308 : vector<1024x1xi32> to vector<1024xi32>
    %swap3A_310 = vector.shape_cast %and3A_305 : vector<1024xi32> to vector<1024x1xi32>
    tpu.vector_store %arg3[%swap3A_306, %swap3A_307], %swap3A_310 {strides = array<i32>} : memref<1024x16xi32, #tpu.memory_space<vmem>>, vector<1024x1xi32>,
    %broadcast_in_dim3A_311 = arith.constant 0.000000e+00 : f32
    %broadcast_in_dim3A_312 = vector.broadcast %broadcast_in_dim3A_311 : f32 to vector<1024x64xf32>
    %concatenate3A = tpu.concatenate %get3A_3, %broadcast_in_dim3A_312 in 1 : vector<1024x64xf32>, vector<1024x64xf32> -> vector<1024x128xf32>
    %swap3A_313 = arith.constant 0 : index
    %swap3A_314 = arith.constant 0 : index
    %swap3A_315 = vector.load %arg4[%swap3A_313, %swap3A_314] : memref<1024x128xf32, #tpu.memory_space<vmem>>, vector<1024x128xf32>
    tpu.vector_store %arg4[%swap3A_313, %swap3A_314], %concatenate3A {strides = array<i32>} : memref<1024x128xf32, #tpu.memory_space<vmem>>, vector<1024x128xf32>,
    return
  }
  func.func @transform_0(%arg0: i32) -> (i32, i32, i32) {
    %c0_i32 = arith.constant 0 : i32
    %c0_i32_0 = arith.constant 0 : i32
    %c0_i32_1 = arith.constant 0 : i32
    %c0_i32_2 = arith.constant 0 : i32
    return %c0_i32, %c0_i32_0, %c0_i32_1 : i32, i32, i32
  }
  func.func @transform_1(%arg0: i32) -> (i32, i32, i32) {
    %c0_i32 = arith.constant 0 : i32
    %c0_i32_0 = arith.constant 0 : i32
    %c0_i32_1 = arith.constant 0 : i32
    return %c0_i32, %arg0, %c0_i32_0 : i32, i32, i32
  }
  func.func @transform_2(%arg0: i32) -> (i32, i32) {
    %c0_i32 = arith.constant 0 : i32
    %c0_i32_0 = arith.constant 0 : i32
    return %arg0, %c0_i32 : i32, i32
  }
  func.func @transform_3(%arg0: i32) -> (i32, i32) {
    %c0_i32 = arith.constant 0 : i32
    %c0_i32_0 = arith.constant 0 : i32
    return %arg0, %c0_i32 : i32, i32
  }
}

module attributes {stable_mosaic.version = 14 : i64} {
  func.func @_knn_body(%arg0: i32, %arg1: memref<1x64x2048xf32, #tpu.memory_space<vmem>>, %arg2: memref<1x1024x64xf32, #tpu.memory_space<vmem>>, %arg3: memref<1024x16xi32, #tpu.memory_space<vmem>>, %arg4: memref<1024x128xf32, #tpu.memory_space<vmem>>) attributes {dimension_semantics = [#tpu.dimension_semantics<arbitrary>], iteration_bounds = array<i64: 2>, scalar_prefetch = 0 : i64, scratch_operands = 0 : i64, tpu.core_type = #tpu.core_type<tc>, window_params = [{transform_indices = @transform_0, window_bounds = array<i64: 1, 64, 2048>}, {transform_indices = @transform_1, window_bounds = array<i64: 1, 1024, 64>}, {transform_indices = @transform_2, window_bounds = array<i64: 1024, 16>}, {transform_indices = @transform_3, window_bounds = array<i64: 1024, 128>}]} {
    %get3A = arith.constant 0 : index
    %get3A_0 = arith.constant 0 : index
    %get3A_1 = arith.constant 0 : index
    %get3A_2 = vector.load %arg2[%get3A, %get3A_0, %get3A_1] : memref<1x1024x64xf32, #tpu.memory_space<vmem>>, vector<1x1024x64xf32>
    %get3A_3 = vector.shape_cast %get3A_2 : vector<1x1024x64xf32> to vector<1024x64xf32>
    %get3A_4 = arith.constant 0 : index
    %get3A_5 = arith.constant 0 : index
    %get3A_6 = arith.constant 0 : index
    %get3A_7 = vector.load %arg1[%get3A_4, %get3A_5, %get3A_6] : memref<1x64x2048xf32, #tpu.memory_space<vmem>>, vector<1x64x2048xf32>
    %get3A_8 = vector.shape_cast %get3A_7 : vector<1x64x2048xf32> to vector<64x2048xf32>
    %dot_general3A = arith.constant dense<0.000000e+00> : vector<1024x2048xf32>
    %dot_general3A_9 = tpu.matmul %get3A_3, %get3A_8, %dot_general3A {dimension_numbers = #tpu.dot_dimension_numbers<[1], [0], [0], [1], [0, 0, 1, 1], [], []>, transpose_lhs_hint = false} : vector<1024x64xf32>, vector<64x2048xf32>, vector<1024x2048xf32> -> vector<1024x2048xf32>
    %mul3A = arith.mulf %get3A_8, %get3A_8 : vector<64x2048xf32>
    %reduce_sum3A = arith.constant dense<0.000000e+00> : vector<2048xf32>
    %reduce_sum3A_10 = vector.multi_reduction <add>, %mul3A, %reduce_sum3A [0] : vector<64x2048xf32> to vector<2048xf32>
    %broadcast_in_dim3A = vector.shape_cast %reduce_sum3A_10 : vector<2048xf32> to vector<1x2048xf32>
    %mul3A_11 = arith.mulf %get3A_3, %get3A_3 : vector<1024x64xf32>
    %reduce_sum3A_12 = arith.constant dense<0.000000e+00> : vector<1024xf32>
    %reduce_sum3A_13 = vector.multi_reduction <add>, %mul3A_11, %reduce_sum3A_12 [1] : vector<1024x64xf32> to vector<1024xf32>
    %broadcast_in_dim3A_14 = vector.shape_cast %reduce_sum3A_13 : vector<1024xf32> to vector<1024x1xf32>
    %add3A = vector.broadcast %broadcast_in_dim3A_14 : vector<1024x1xf32> to vector<1024x2048xf32>
    %add3A_15 = vector.broadcast %broadcast_in_dim3A : vector<1x2048xf32> to vector<1024x2048xf32>
    %add3A_16 = arith.addf %add3A, %add3A_15 : vector<1024x2048xf32>
    %mul3A_17 = arith.constant 2.000000e+00 : f32
    %mul3A_18 = vector.broadcast %mul3A_17 : f32 to vector<1024x2048xf32>
    %mul3A_19 = arith.mulf %mul3A_18, %dot_general3A_9 : vector<1024x2048xf32>
    %sub3A = arith.subf %add3A_16, %mul3A_19 : vector<1024x2048xf32>
    %max3A = arith.constant 0.000000e+00 : f32
    %max3A_20 = vector.broadcast %max3A : f32 to vector<1024x2048xf32>
    %max3A_21 = arith.maximumf %sub3A, %max3A_20 : vector<1024x2048xf32>
    %iota3A = tpu.iota {dimensions = array<i32: 1>} : vector<1024x2048xi32>
    %bitcast_convert_type3A = tpu.bitcast %max3A_21 : vector<1024x2048xf32> -> vector<1024x2048xi32>
    %not3A = arith.constant 2047 : i32
    %not3A_22 = arith.constant -1 : i32
    %not3A_23 = arith.xori %not3A, %not3A_22 : i32
    %and3A = vector.broadcast %not3A_23 : i32 to vector<1024x2048xi32>
    %and3A_24 = arith.andi %bitcast_convert_type3A, %and3A : vector<1024x2048xi32>
    %or3A = arith.ori %and3A_24, %iota3A : vector<1024x2048xi32>
    %bitcast_convert_type3A_25 = tpu.bitcast %or3A : vector<1024x2048xi32> -> vector<1024x2048xf32>
    %reduce_min3A = arith.constant dense<0x7F800000> : vector<1024xf32>
    %reduce_min3A_26 = vector.multi_reduction <minimumf>, %bitcast_convert_type3A_25, %reduce_min3A [1] : vector<1024x2048xf32> to vector<1024xf32>
    %broadcast_in_dim3A_27 = vector.shape_cast %reduce_min3A_26 : vector<1024xf32> to vector<1024x1xf32>
    %gt3A = vector.broadcast %broadcast_in_dim3A_27 : vector<1024x1xf32> to vector<1024x2048xf32>
    %gt3A_28 = arith.cmpf ogt, %bitcast_convert_type3A_25, %gt3A : vector<1024x2048xf32>
    %jit3A = arith.constant 0x7F800000 : f32
    %broadcast_in_dim3A_29 = vector.broadcast %jit3A : f32 to vector<1024x2048xf32>
    %select_n3A = arith.select %gt3A_28, %bitcast_convert_type3A_25, %broadcast_in_dim3A_29 : vector<1024x2048xi1>, vector<1024x2048xf32>
    %reduce_min3A_30 = arith.constant dense<0x7F800000> : vector<1024xf32>
    %reduce_min3A_31 = vector.multi_reduction <minimumf>, %select_n3A, %reduce_min3A_30 [1] : vector<1024x2048xf32> to vector<1024xf32>
    %broadcast_in_dim3A_32 = vector.shape_cast %reduce_min3A_31 : vector<1024xf32> to vector<1024x1xf32>
    %squeeze3A = vector.shape_cast %broadcast_in_dim3A_32 : vector<1024x1xf32> to vector<1024xf32>
    %bitcast_convert_type3A_33 = tpu.bitcast %squeeze3A : vector<1024xf32> -> vector<1024xi32>
    %and3A_34 = arith.constant 2047 : i32
    %and3A_35 = vector.broadcast %and3A_34 : i32 to vector<1024xi32>
    %and3A_36 = arith.andi %bitcast_convert_type3A_33, %and3A_35 : vector<1024xi32>
    %swap3A = arith.constant 0 : index
    %swap3A_37 = arith.constant 0 : index
    %swap3A_38 = vector.load %arg3[%swap3A, %swap3A_37] : memref<1024x16xi32, #tpu.memory_space<vmem>>, vector<1024x1xi32>
    %swap3A_39 = vector.shape_cast %swap3A_38 : vector<1024x1xi32> to vector<1024xi32>
    %swap3A_40 = vector.shape_cast %and3A_36 : vector<1024xi32> to vector<1024x1xi32>
    tpu.vector_store %arg3[%swap3A, %swap3A_37], %swap3A_40 {strides = array<i32>} : memref<1024x16xi32, #tpu.memory_space<vmem>>, vector<1024x1xi32>,
    %gt3A_41 = vector.broadcast %broadcast_in_dim3A_32 : vector<1024x1xf32> to vector<1024x2048xf32>
    %gt3A_42 = arith.cmpf ogt, %bitcast_convert_type3A_25, %gt3A_41 : vector<1024x2048xf32>
    %jit3A_43 = arith.constant 0x7F800000 : f32
    %broadcast_in_dim3A_44 = vector.broadcast %jit3A_43 : f32 to vector<1024x2048xf32>
    %select_n3A_45 = arith.select %gt3A_42, %bitcast_convert_type3A_25, %broadcast_in_dim3A_44 : vector<1024x2048xi1>, vector<1024x2048xf32>
    %reduce_min3A_46 = arith.constant dense<0x7F800000> : vector<1024xf32>
    %reduce_min3A_47 = vector.multi_reduction <minimumf>, %select_n3A_45, %reduce_min3A_46 [1] : vector<1024x2048xf32> to vector<1024xf32>
    %broadcast_in_dim3A_48 = vector.shape_cast %reduce_min3A_47 : vector<1024xf32> to vector<1024x1xf32>
    %squeeze3A_49 = vector.shape_cast %broadcast_in_dim3A_48 : vector<1024x1xf32> to vector<1024xf32>
    %bitcast_convert_type3A_50 = tpu.bitcast %squeeze3A_49 : vector<1024xf32> -> vector<1024xi32>
    %and3A_51 = arith.constant 2047 : i32
    %and3A_52 = vector.broadcast %and3A_51 : i32 to vector<1024xi32>
    %and3A_53 = arith.andi %bitcast_convert_type3A_50, %and3A_52 : vector<1024xi32>
    %swap3A_54 = arith.constant 0 : index
    %swap3A_55 = arith.constant 1 : index
    %swap3A_56 = vector.load %arg3[%swap3A_54, %swap3A_55] : memref<1024x16xi32, #tpu.memory_space<vmem>>, vector<1024x1xi32>
    %swap3A_57 = vector.shape_cast %swap3A_56 : vector<1024x1xi32> to vector<1024xi32>
    %swap3A_58 = vector.shape_cast %and3A_53 : vector<1024xi32> to vector<1024x1xi32>
    tpu.vector_store %arg3[%swap3A_54, %swap3A_55], %swap3A_58 {strides = array<i32>} : memref<1024x16xi32, #tpu.memory_space<vmem>>, vector<1024x1xi32>,
    %gt3A_59 = vector.broadcast %broadcast_in_dim3A_48 : vector<1024x1xf32> to vector<1024x2048xf32>
    %gt3A_60 = arith.cmpf ogt, %bitcast_convert_type3A_25, %gt3A_59 : vector<1024x2048xf32>
    %jit3A_61 = arith.constant 0x7F800000 : f32
    %broadcast_in_dim3A_62 = vector.broadcast %jit3A_61 : f32 to vector<1024x2048xf32>
    %select_n3A_63 = arith.select %gt3A_60, %bitcast_convert_type3A_25, %broadcast_in_dim3A_62 : vector<1024x2048xi1>, vector<1024x2048xf32>
    %reduce_min3A_64 = arith.constant dense<0x7F800000> : vector<1024xf32>
    %reduce_min3A_65 = vector.multi_reduction <minimumf>, %select_n3A_63, %reduce_min3A_64 [1] : vector<1024x2048xf32> to vector<1024xf32>
    %broadcast_in_dim3A_66 = vector.shape_cast %reduce_min3A_65 : vector<1024xf32> to vector<1024x1xf32>
    %squeeze3A_67 = vector.shape_cast %broadcast_in_dim3A_66 : vector<1024x1xf32> to vector<1024xf32>
    %bitcast_convert_type3A_68 = tpu.bitcast %squeeze3A_67 : vector<1024xf32> -> vector<1024xi32>
    %and3A_69 = arith.constant 2047 : i32
    %and3A_70 = vector.broadcast %and3A_69 : i32 to vector<1024xi32>
    %and3A_71 = arith.andi %bitcast_convert_type3A_68, %and3A_70 : vector<1024xi32>
    %swap3A_72 = arith.constant 0 : index
    %swap3A_73 = arith.constant 2 : index
    %swap3A_74 = vector.load %arg3[%swap3A_72, %swap3A_73] : memref<1024x16xi32, #tpu.memory_space<vmem>>, vector<1024x1xi32>
    %swap3A_75 = vector.shape_cast %swap3A_74 : vector<1024x1xi32> to vector<1024xi32>
    %swap3A_76 = vector.shape_cast %and3A_71 : vector<1024xi32> to vector<1024x1xi32>
    tpu.vector_store %arg3[%swap3A_72, %swap3A_73], %swap3A_76 {strides = array<i32>} : memref<1024x16xi32, #tpu.memory_space<vmem>>, vector<1024x1xi32>,
    %gt3A_77 = vector.broadcast %broadcast_in_dim3A_66 : vector<1024x1xf32> to vector<1024x2048xf32>
    %gt3A_78 = arith.cmpf ogt, %bitcast_convert_type3A_25, %gt3A_77 : vector<1024x2048xf32>
    %jit3A_79 = arith.constant 0x7F800000 : f32
    %broadcast_in_dim3A_80 = vector.broadcast %jit3A_79 : f32 to vector<1024x2048xf32>
    %select_n3A_81 = arith.select %gt3A_78, %bitcast_convert_type3A_25, %broadcast_in_dim3A_80 : vector<1024x2048xi1>, vector<1024x2048xf32>
    %reduce_min3A_82 = arith.constant dense<0x7F800000> : vector<1024xf32>
    %reduce_min3A_83 = vector.multi_reduction <minimumf>, %select_n3A_81, %reduce_min3A_82 [1] : vector<1024x2048xf32> to vector<1024xf32>
    %broadcast_in_dim3A_84 = vector.shape_cast %reduce_min3A_83 : vector<1024xf32> to vector<1024x1xf32>
    %squeeze3A_85 = vector.shape_cast %broadcast_in_dim3A_84 : vector<1024x1xf32> to vector<1024xf32>
    %bitcast_convert_type3A_86 = tpu.bitcast %squeeze3A_85 : vector<1024xf32> -> vector<1024xi32>
    %and3A_87 = arith.constant 2047 : i32
    %and3A_88 = vector.broadcast %and3A_87 : i32 to vector<1024xi32>
    %and3A_89 = arith.andi %bitcast_convert_type3A_86, %and3A_88 : vector<1024xi32>
    %swap3A_90 = arith.constant 0 : index
    %swap3A_91 = arith.constant 3 : index
    %swap3A_92 = vector.load %arg3[%swap3A_90, %swap3A_91] : memref<1024x16xi32, #tpu.memory_space<vmem>>, vector<1024x1xi32>
    %swap3A_93 = vector.shape_cast %swap3A_92 : vector<1024x1xi32> to vector<1024xi32>
    %swap3A_94 = vector.shape_cast %and3A_89 : vector<1024xi32> to vector<1024x1xi32>
    tpu.vector_store %arg3[%swap3A_90, %swap3A_91], %swap3A_94 {strides = array<i32>} : memref<1024x16xi32, #tpu.memory_space<vmem>>, vector<1024x1xi32>,
    %gt3A_95 = vector.broadcast %broadcast_in_dim3A_84 : vector<1024x1xf32> to vector<1024x2048xf32>
    %gt3A_96 = arith.cmpf ogt, %bitcast_convert_type3A_25, %gt3A_95 : vector<1024x2048xf32>
    %jit3A_97 = arith.constant 0x7F800000 : f32
    %broadcast_in_dim3A_98 = vector.broadcast %jit3A_97 : f32 to vector<1024x2048xf32>
    %select_n3A_99 = arith.select %gt3A_96, %bitcast_convert_type3A_25, %broadcast_in_dim3A_98 : vector<1024x2048xi1>, vector<1024x2048xf32>
    %reduce_min3A_100 = arith.constant dense<0x7F800000> : vector<1024xf32>
    %reduce_min3A_101 = vector.multi_reduction <minimumf>, %select_n3A_99, %reduce_min3A_100 [1] : vector<1024x2048xf32> to vector<1024xf32>
    %broadcast_in_dim3A_102 = vector.shape_cast %reduce_min3A_101 : vector<1024xf32> to vector<1024x1xf32>
    %squeeze3A_103 = vector.shape_cast %broadcast_in_dim3A_102 : vector<1024x1xf32> to vector<1024xf32>
    %bitcast_convert_type3A_104 = tpu.bitcast %squeeze3A_103 : vector<1024xf32> -> vector<1024xi32>
    %and3A_105 = arith.constant 2047 : i32
    %and3A_106 = vector.broadcast %and3A_105 : i32 to vector<1024xi32>
    %and3A_107 = arith.andi %bitcast_convert_type3A_104, %and3A_106 : vector<1024xi32>
    %swap3A_108 = arith.constant 0 : index
    %swap3A_109 = arith.constant 4 : index
    %swap3A_110 = vector.load %arg3[%swap3A_108, %swap3A_109] : memref<1024x16xi32, #tpu.memory_space<vmem>>, vector<1024x1xi32>
    %swap3A_111 = vector.shape_cast %swap3A_110 : vector<1024x1xi32> to vector<1024xi32>
    %swap3A_112 = vector.shape_cast %and3A_107 : vector<1024xi32> to vector<1024x1xi32>
    tpu.vector_store %arg3[%swap3A_108, %swap3A_109], %swap3A_112 {strides = array<i32>} : memref<1024x16xi32, #tpu.memory_space<vmem>>, vector<1024x1xi32>,
    %gt3A_113 = vector.broadcast %broadcast_in_dim3A_102 : vector<1024x1xf32> to vector<1024x2048xf32>
    %gt3A_114 = arith.cmpf ogt, %bitcast_convert_type3A_25, %gt3A_113 : vector<1024x2048xf32>
    %jit3A_115 = arith.constant 0x7F800000 : f32
    %broadcast_in_dim3A_116 = vector.broadcast %jit3A_115 : f32 to vector<1024x2048xf32>
    %select_n3A_117 = arith.select %gt3A_114, %bitcast_convert_type3A_25, %broadcast_in_dim3A_116 : vector<1024x2048xi1>, vector<1024x2048xf32>
    %reduce_min3A_118 = arith.constant dense<0x7F800000> : vector<1024xf32>
    %reduce_min3A_119 = vector.multi_reduction <minimumf>, %select_n3A_117, %reduce_min3A_118 [1] : vector<1024x2048xf32> to vector<1024xf32>
    %broadcast_in_dim3A_120 = vector.shape_cast %reduce_min3A_119 : vector<1024xf32> to vector<1024x1xf32>
    %squeeze3A_121 = vector.shape_cast %broadcast_in_dim3A_120 : vector<1024x1xf32> to vector<1024xf32>
    %bitcast_convert_type3A_122 = tpu.bitcast %squeeze3A_121 : vector<1024xf32> -> vector<1024xi32>
    %and3A_123 = arith.constant 2047 : i32
    %and3A_124 = vector.broadcast %and3A_123 : i32 to vector<1024xi32>
    %and3A_125 = arith.andi %bitcast_convert_type3A_122, %and3A_124 : vector<1024xi32>
    %swap3A_126 = arith.constant 0 : index
    %swap3A_127 = arith.constant 5 : index
    %swap3A_128 = vector.load %arg3[%swap3A_126, %swap3A_127] : memref<1024x16xi32, #tpu.memory_space<vmem>>, vector<1024x1xi32>
    %swap3A_129 = vector.shape_cast %swap3A_128 : vector<1024x1xi32> to vector<1024xi32>
    %swap3A_130 = vector.shape_cast %and3A_125 : vector<1024xi32> to vector<1024x1xi32>
    tpu.vector_store %arg3[%swap3A_126, %swap3A_127], %swap3A_130 {strides = array<i32>} : memref<1024x16xi32, #tpu.memory_space<vmem>>, vector<1024x1xi32>,
    %gt3A_131 = vector.broadcast %broadcast_in_dim3A_120 : vector<1024x1xf32> to vector<1024x2048xf32>
    %gt3A_132 = arith.cmpf ogt, %bitcast_convert_type3A_25, %gt3A_131 : vector<1024x2048xf32>
    %jit3A_133 = arith.constant 0x7F800000 : f32
    %broadcast_in_dim3A_134 = vector.broadcast %jit3A_133 : f32 to vector<1024x2048xf32>
    %select_n3A_135 = arith.select %gt3A_132, %bitcast_convert_type3A_25, %broadcast_in_dim3A_134 : vector<1024x2048xi1>, vector<1024x2048xf32>
    %reduce_min3A_136 = arith.constant dense<0x7F800000> : vector<1024xf32>
    %reduce_min3A_137 = vector.multi_reduction <minimumf>, %select_n3A_135, %reduce_min3A_136 [1] : vector<1024x2048xf32> to vector<1024xf32>
    %broadcast_in_dim3A_138 = vector.shape_cast %reduce_min3A_137 : vector<1024xf32> to vector<1024x1xf32>
    %squeeze3A_139 = vector.shape_cast %broadcast_in_dim3A_138 : vector<1024x1xf32> to vector<1024xf32>
    %bitcast_convert_type3A_140 = tpu.bitcast %squeeze3A_139 : vector<1024xf32> -> vector<1024xi32>
    %and3A_141 = arith.constant 2047 : i32
    %and3A_142 = vector.broadcast %and3A_141 : i32 to vector<1024xi32>
    %and3A_143 = arith.andi %bitcast_convert_type3A_140, %and3A_142 : vector<1024xi32>
    %swap3A_144 = arith.constant 0 : index
    %swap3A_145 = arith.constant 6 : index
    %swap3A_146 = vector.load %arg3[%swap3A_144, %swap3A_145] : memref<1024x16xi32, #tpu.memory_space<vmem>>, vector<1024x1xi32>
    %swap3A_147 = vector.shape_cast %swap3A_146 : vector<1024x1xi32> to vector<1024xi32>
    %swap3A_148 = vector.shape_cast %and3A_143 : vector<1024xi32> to vector<1024x1xi32>
    tpu.vector_store %arg3[%swap3A_144, %swap3A_145], %swap3A_148 {strides = array<i32>} : memref<1024x16xi32, #tpu.memory_space<vmem>>, vector<1024x1xi32>,
    %gt3A_149 = vector.broadcast %broadcast_in_dim3A_138 : vector<1024x1xf32> to vector<1024x2048xf32>
    %gt3A_150 = arith.cmpf ogt, %bitcast_convert_type3A_25, %gt3A_149 : vector<1024x2048xf32>
    %jit3A_151 = arith.constant 0x7F800000 : f32
    %broadcast_in_dim3A_152 = vector.broadcast %jit3A_151 : f32 to vector<1024x2048xf32>
    %select_n3A_153 = arith.select %gt3A_150, %bitcast_convert_type3A_25, %broadcast_in_dim3A_152 : vector<1024x2048xi1>, vector<1024x2048xf32>
    %reduce_min3A_154 = arith.constant dense<0x7F800000> : vector<1024xf32>
    %reduce_min3A_155 = vector.multi_reduction <minimumf>, %select_n3A_153, %reduce_min3A_154 [1] : vector<1024x2048xf32> to vector<1024xf32>
    %broadcast_in_dim3A_156 = vector.shape_cast %reduce_min3A_155 : vector<1024xf32> to vector<1024x1xf32>
    %squeeze3A_157 = vector.shape_cast %broadcast_in_dim3A_156 : vector<1024x1xf32> to vector<1024xf32>
    %bitcast_convert_type3A_158 = tpu.bitcast %squeeze3A_157 : vector<1024xf32> -> vector<1024xi32>
    %and3A_159 = arith.constant 2047 : i32
    %and3A_160 = vector.broadcast %and3A_159 : i32 to vector<1024xi32>
    %and3A_161 = arith.andi %bitcast_convert_type3A_158, %and3A_160 : vector<1024xi32>
    %swap3A_162 = arith.constant 0 : index
    %swap3A_163 = arith.constant 7 : index
    %swap3A_164 = vector.load %arg3[%swap3A_162, %swap3A_163] : memref<1024x16xi32, #tpu.memory_space<vmem>>, vector<1024x1xi32>
    %swap3A_165 = vector.shape_cast %swap3A_164 : vector<1024x1xi32> to vector<1024xi32>
    %swap3A_166 = vector.shape_cast %and3A_161 : vector<1024xi32> to vector<1024x1xi32>
    tpu.vector_store %arg3[%swap3A_162, %swap3A_163], %swap3A_166 {strides = array<i32>} : memref<1024x16xi32, #tpu.memory_space<vmem>>, vector<1024x1xi32>,
    %gt3A_167 = vector.broadcast %broadcast_in_dim3A_156 : vector<1024x1xf32> to vector<1024x2048xf32>
    %gt3A_168 = arith.cmpf ogt, %bitcast_convert_type3A_25, %gt3A_167 : vector<1024x2048xf32>
    %jit3A_169 = arith.constant 0x7F800000 : f32
    %broadcast_in_dim3A_170 = vector.broadcast %jit3A_169 : f32 to vector<1024x2048xf32>
    %select_n3A_171 = arith.select %gt3A_168, %bitcast_convert_type3A_25, %broadcast_in_dim3A_170 : vector<1024x2048xi1>, vector<1024x2048xf32>
    %reduce_min3A_172 = arith.constant dense<0x7F800000> : vector<1024xf32>
    %reduce_min3A_173 = vector.multi_reduction <minimumf>, %select_n3A_171, %reduce_min3A_172 [1] : vector<1024x2048xf32> to vector<1024xf32>
    %broadcast_in_dim3A_174 = vector.shape_cast %reduce_min3A_173 : vector<1024xf32> to vector<1024x1xf32>
    %squeeze3A_175 = vector.shape_cast %broadcast_in_dim3A_174 : vector<1024x1xf32> to vector<1024xf32>
    %bitcast_convert_type3A_176 = tpu.bitcast %squeeze3A_175 : vector<1024xf32> -> vector<1024xi32>
    %and3A_177 = arith.constant 2047 : i32
    %and3A_178 = vector.broadcast %and3A_177 : i32 to vector<1024xi32>
    %and3A_179 = arith.andi %bitcast_convert_type3A_176, %and3A_178 : vector<1024xi32>
    %swap3A_180 = arith.constant 0 : index
    %swap3A_181 = arith.constant 8 : index
    %swap3A_182 = vector.load %arg3[%swap3A_180, %swap3A_181] : memref<1024x16xi32, #tpu.memory_space<vmem>>, vector<1024x1xi32>
    %swap3A_183 = vector.shape_cast %swap3A_182 : vector<1024x1xi32> to vector<1024xi32>
    %swap3A_184 = vector.shape_cast %and3A_179 : vector<1024xi32> to vector<1024x1xi32>
    tpu.vector_store %arg3[%swap3A_180, %swap3A_181], %swap3A_184 {strides = array<i32>} : memref<1024x16xi32, #tpu.memory_space<vmem>>, vector<1024x1xi32>,
    %gt3A_185 = vector.broadcast %broadcast_in_dim3A_174 : vector<1024x1xf32> to vector<1024x2048xf32>
    %gt3A_186 = arith.cmpf ogt, %bitcast_convert_type3A_25, %gt3A_185 : vector<1024x2048xf32>
    %jit3A_187 = arith.constant 0x7F800000 : f32
    %broadcast_in_dim3A_188 = vector.broadcast %jit3A_187 : f32 to vector<1024x2048xf32>
    %select_n3A_189 = arith.select %gt3A_186, %bitcast_convert_type3A_25, %broadcast_in_dim3A_188 : vector<1024x2048xi1>, vector<1024x2048xf32>
    %reduce_min3A_190 = arith.constant dense<0x7F800000> : vector<1024xf32>
    %reduce_min3A_191 = vector.multi_reduction <minimumf>, %select_n3A_189, %reduce_min3A_190 [1] : vector<1024x2048xf32> to vector<1024xf32>
    %broadcast_in_dim3A_192 = vector.shape_cast %reduce_min3A_191 : vector<1024xf32> to vector<1024x1xf32>
    %squeeze3A_193 = vector.shape_cast %broadcast_in_dim3A_192 : vector<1024x1xf32> to vector<1024xf32>
    %bitcast_convert_type3A_194 = tpu.bitcast %squeeze3A_193 : vector<1024xf32> -> vector<1024xi32>
    %and3A_195 = arith.constant 2047 : i32
    %and3A_196 = vector.broadcast %and3A_195 : i32 to vector<1024xi32>
    %and3A_197 = arith.andi %bitcast_convert_type3A_194, %and3A_196 : vector<1024xi32>
    %swap3A_198 = arith.constant 0 : index
    %swap3A_199 = arith.constant 9 : index
    %swap3A_200 = vector.load %arg3[%swap3A_198, %swap3A_199] : memref<1024x16xi32, #tpu.memory_space<vmem>>, vector<1024x1xi32>
    %swap3A_201 = vector.shape_cast %swap3A_200 : vector<1024x1xi32> to vector<1024xi32>
    %swap3A_202 = vector.shape_cast %and3A_197 : vector<1024xi32> to vector<1024x1xi32>
    tpu.vector_store %arg3[%swap3A_198, %swap3A_199], %swap3A_202 {strides = array<i32>} : memref<1024x16xi32, #tpu.memory_space<vmem>>, vector<1024x1xi32>,
    %gt3A_203 = vector.broadcast %broadcast_in_dim3A_192 : vector<1024x1xf32> to vector<1024x2048xf32>
    %gt3A_204 = arith.cmpf ogt, %bitcast_convert_type3A_25, %gt3A_203 : vector<1024x2048xf32>
    %jit3A_205 = arith.constant 0x7F800000 : f32
    %broadcast_in_dim3A_206 = vector.broadcast %jit3A_205 : f32 to vector<1024x2048xf32>
    %select_n3A_207 = arith.select %gt3A_204, %bitcast_convert_type3A_25, %broadcast_in_dim3A_206 : vector<1024x2048xi1>, vector<1024x2048xf32>
    %reduce_min3A_208 = arith.constant dense<0x7F800000> : vector<1024xf32>
    %reduce_min3A_209 = vector.multi_reduction <minimumf>, %select_n3A_207, %reduce_min3A_208 [1] : vector<1024x2048xf32> to vector<1024xf32>
    %broadcast_in_dim3A_210 = vector.shape_cast %reduce_min3A_209 : vector<1024xf32> to vector<1024x1xf32>
    %squeeze3A_211 = vector.shape_cast %broadcast_in_dim3A_210 : vector<1024x1xf32> to vector<1024xf32>
    %bitcast_convert_type3A_212 = tpu.bitcast %squeeze3A_211 : vector<1024xf32> -> vector<1024xi32>
    %and3A_213 = arith.constant 2047 : i32
    %and3A_214 = vector.broadcast %and3A_213 : i32 to vector<1024xi32>
    %and3A_215 = arith.andi %bitcast_convert_type3A_212, %and3A_214 : vector<1024xi32>
    %swap3A_216 = arith.constant 0 : index
    %swap3A_217 = arith.constant 10 : index
    %swap3A_218 = vector.load %arg3[%swap3A_216, %swap3A_217] : memref<1024x16xi32, #tpu.memory_space<vmem>>, vector<1024x1xi32>
    %swap3A_219 = vector.shape_cast %swap3A_218 : vector<1024x1xi32> to vector<1024xi32>
    %swap3A_220 = vector.shape_cast %and3A_215 : vector<1024xi32> to vector<1024x1xi32>
    tpu.vector_store %arg3[%swap3A_216, %swap3A_217], %swap3A_220 {strides = array<i32>} : memref<1024x16xi32, #tpu.memory_space<vmem>>, vector<1024x1xi32>,
    %gt3A_221 = vector.broadcast %broadcast_in_dim3A_210 : vector<1024x1xf32> to vector<1024x2048xf32>
    %gt3A_222 = arith.cmpf ogt, %bitcast_convert_type3A_25, %gt3A_221 : vector<1024x2048xf32>
    %jit3A_223 = arith.constant 0x7F800000 : f32
    %broadcast_in_dim3A_224 = vector.broadcast %jit3A_223 : f32 to vector<1024x2048xf32>
    %select_n3A_225 = arith.select %gt3A_222, %bitcast_convert_type3A_25, %broadcast_in_dim3A_224 : vector<1024x2048xi1>, vector<1024x2048xf32>
    %reduce_min3A_226 = arith.constant dense<0x7F800000> : vector<1024xf32>
    %reduce_min3A_227 = vector.multi_reduction <minimumf>, %select_n3A_225, %reduce_min3A_226 [1] : vector<1024x2048xf32> to vector<1024xf32>
    %broadcast_in_dim3A_228 = vector.shape_cast %reduce_min3A_227 : vector<1024xf32> to vector<1024x1xf32>
    %squeeze3A_229 = vector.shape_cast %broadcast_in_dim3A_228 : vector<1024x1xf32> to vector<1024xf32>
    %bitcast_convert_type3A_230 = tpu.bitcast %squeeze3A_229 : vector<1024xf32> -> vector<1024xi32>
    %and3A_231 = arith.constant 2047 : i32
    %and3A_232 = vector.broadcast %and3A_231 : i32 to vector<1024xi32>
    %and3A_233 = arith.andi %bitcast_convert_type3A_230, %and3A_232 : vector<1024xi32>
    %swap3A_234 = arith.constant 0 : index
    %swap3A_235 = arith.constant 11 : index
    %swap3A_236 = vector.load %arg3[%swap3A_234, %swap3A_235] : memref<1024x16xi32, #tpu.memory_space<vmem>>, vector<1024x1xi32>
    %swap3A_237 = vector.shape_cast %swap3A_236 : vector<1024x1xi32> to vector<1024xi32>
    %swap3A_238 = vector.shape_cast %and3A_233 : vector<1024xi32> to vector<1024x1xi32>
    tpu.vector_store %arg3[%swap3A_234, %swap3A_235], %swap3A_238 {strides = array<i32>} : memref<1024x16xi32, #tpu.memory_space<vmem>>, vector<1024x1xi32>,
    %gt3A_239 = vector.broadcast %broadcast_in_dim3A_228 : vector<1024x1xf32> to vector<1024x2048xf32>
    %gt3A_240 = arith.cmpf ogt, %bitcast_convert_type3A_25, %gt3A_239 : vector<1024x2048xf32>
    %jit3A_241 = arith.constant 0x7F800000 : f32
    %broadcast_in_dim3A_242 = vector.broadcast %jit3A_241 : f32 to vector<1024x2048xf32>
    %select_n3A_243 = arith.select %gt3A_240, %bitcast_convert_type3A_25, %broadcast_in_dim3A_242 : vector<1024x2048xi1>, vector<1024x2048xf32>
    %reduce_min3A_244 = arith.constant dense<0x7F800000> : vector<1024xf32>
    %reduce_min3A_245 = vector.multi_reduction <minimumf>, %select_n3A_243, %reduce_min3A_244 [1] : vector<1024x2048xf32> to vector<1024xf32>
    %broadcast_in_dim3A_246 = vector.shape_cast %reduce_min3A_245 : vector<1024xf32> to vector<1024x1xf32>
    %squeeze3A_247 = vector.shape_cast %broadcast_in_dim3A_246 : vector<1024x1xf32> to vector<1024xf32>
    %bitcast_convert_type3A_248 = tpu.bitcast %squeeze3A_247 : vector<1024xf32> -> vector<1024xi32>
    %and3A_249 = arith.constant 2047 : i32
    %and3A_250 = vector.broadcast %and3A_249 : i32 to vector<1024xi32>
    %and3A_251 = arith.andi %bitcast_convert_type3A_248, %and3A_250 : vector<1024xi32>
    %swap3A_252 = arith.constant 0 : index
    %swap3A_253 = arith.constant 12 : index
    %swap3A_254 = vector.load %arg3[%swap3A_252, %swap3A_253] : memref<1024x16xi32, #tpu.memory_space<vmem>>, vector<1024x1xi32>
    %swap3A_255 = vector.shape_cast %swap3A_254 : vector<1024x1xi32> to vector<1024xi32>
    %swap3A_256 = vector.shape_cast %and3A_251 : vector<1024xi32> to vector<1024x1xi32>
    tpu.vector_store %arg3[%swap3A_252, %swap3A_253], %swap3A_256 {strides = array<i32>} : memref<1024x16xi32, #tpu.memory_space<vmem>>, vector<1024x1xi32>,
    %gt3A_257 = vector.broadcast %broadcast_in_dim3A_246 : vector<1024x1xf32> to vector<1024x2048xf32>
    %gt3A_258 = arith.cmpf ogt, %bitcast_convert_type3A_25, %gt3A_257 : vector<1024x2048xf32>
    %jit3A_259 = arith.constant 0x7F800000 : f32
    %broadcast_in_dim3A_260 = vector.broadcast %jit3A_259 : f32 to vector<1024x2048xf32>
    %select_n3A_261 = arith.select %gt3A_258, %bitcast_convert_type3A_25, %broadcast_in_dim3A_260 : vector<1024x2048xi1>, vector<1024x2048xf32>
    %reduce_min3A_262 = arith.constant dense<0x7F800000> : vector<1024xf32>
    %reduce_min3A_263 = vector.multi_reduction <minimumf>, %select_n3A_261, %reduce_min3A_262 [1] : vector<1024x2048xf32> to vector<1024xf32>
    %broadcast_in_dim3A_264 = vector.shape_cast %reduce_min3A_263 : vector<1024xf32> to vector<1024x1xf32>
    %squeeze3A_265 = vector.shape_cast %broadcast_in_dim3A_264 : vector<1024x1xf32> to vector<1024xf32>
    %bitcast_convert_type3A_266 = tpu.bitcast %squeeze3A_265 : vector<1024xf32> -> vector<1024xi32>
    %and3A_267 = arith.constant 2047 : i32
    %and3A_268 = vector.broadcast %and3A_267 : i32 to vector<1024xi32>
    %and3A_269 = arith.andi %bitcast_convert_type3A_266, %and3A_268 : vector<1024xi32>
    %swap3A_270 = arith.constant 0 : index
    %swap3A_271 = arith.constant 13 : index
    %swap3A_272 = vector.load %arg3[%swap3A_270, %swap3A_271] : memref<1024x16xi32, #tpu.memory_space<vmem>>, vector<1024x1xi32>
    %swap3A_273 = vector.shape_cast %swap3A_272 : vector<1024x1xi32> to vector<1024xi32>
    %swap3A_274 = vector.shape_cast %and3A_269 : vector<1024xi32> to vector<1024x1xi32>
    tpu.vector_store %arg3[%swap3A_270, %swap3A_271], %swap3A_274 {strides = array<i32>} : memref<1024x16xi32, #tpu.memory_space<vmem>>, vector<1024x1xi32>,
    %gt3A_275 = vector.broadcast %broadcast_in_dim3A_264 : vector<1024x1xf32> to vector<1024x2048xf32>
    %gt3A_276 = arith.cmpf ogt, %bitcast_convert_type3A_25, %gt3A_275 : vector<1024x2048xf32>
    %jit3A_277 = arith.constant 0x7F800000 : f32
    %broadcast_in_dim3A_278 = vector.broadcast %jit3A_277 : f32 to vector<1024x2048xf32>
    %select_n3A_279 = arith.select %gt3A_276, %bitcast_convert_type3A_25, %broadcast_in_dim3A_278 : vector<1024x2048xi1>, vector<1024x2048xf32>
    %reduce_min3A_280 = arith.constant dense<0x7F800000> : vector<1024xf32>
    %reduce_min3A_281 = vector.multi_reduction <minimumf>, %select_n3A_279, %reduce_min3A_280 [1] : vector<1024x2048xf32> to vector<1024xf32>
    %broadcast_in_dim3A_282 = vector.shape_cast %reduce_min3A_281 : vector<1024xf32> to vector<1024x1xf32>
    %squeeze3A_283 = vector.shape_cast %broadcast_in_dim3A_282 : vector<1024x1xf32> to vector<1024xf32>
    %bitcast_convert_type3A_284 = tpu.bitcast %squeeze3A_283 : vector<1024xf32> -> vector<1024xi32>
    %and3A_285 = arith.constant 2047 : i32
    %and3A_286 = vector.broadcast %and3A_285 : i32 to vector<1024xi32>
    %and3A_287 = arith.andi %bitcast_convert_type3A_284, %and3A_286 : vector<1024xi32>
    %swap3A_288 = arith.constant 0 : index
    %swap3A_289 = arith.constant 14 : index
    %swap3A_290 = vector.load %arg3[%swap3A_288, %swap3A_289] : memref<1024x16xi32, #tpu.memory_space<vmem>>, vector<1024x1xi32>
    %swap3A_291 = vector.shape_cast %swap3A_290 : vector<1024x1xi32> to vector<1024xi32>
    %swap3A_292 = vector.shape_cast %and3A_287 : vector<1024xi32> to vector<1024x1xi32>
    tpu.vector_store %arg3[%swap3A_288, %swap3A_289], %swap3A_292 {strides = array<i32>} : memref<1024x16xi32, #tpu.memory_space<vmem>>, vector<1024x1xi32>,
    %gt3A_293 = vector.broadcast %broadcast_in_dim3A_282 : vector<1024x1xf32> to vector<1024x2048xf32>
    %gt3A_294 = arith.cmpf ogt, %bitcast_convert_type3A_25, %gt3A_293 : vector<1024x2048xf32>
    %jit3A_295 = arith.constant 0x7F800000 : f32
    %broadcast_in_dim3A_296 = vector.broadcast %jit3A_295 : f32 to vector<1024x2048xf32>
    %select_n3A_297 = arith.select %gt3A_294, %bitcast_convert_type3A_25, %broadcast_in_dim3A_296 : vector<1024x2048xi1>, vector<1024x2048xf32>
    %reduce_min3A_298 = arith.constant dense<0x7F800000> : vector<1024xf32>
    %reduce_min3A_299 = vector.multi_reduction <minimumf>, %select_n3A_297, %reduce_min3A_298 [1] : vector<1024x2048xf32> to vector<1024xf32>
    %broadcast_in_dim3A_300 = vector.shape_cast %reduce_min3A_299 : vector<1024xf32> to vector<1024x1xf32>
    %squeeze3A_301 = vector.shape_cast %broadcast_in_dim3A_300 : vector<1024x1xf32> to vector<1024xf32>
    %bitcast_convert_type3A_302 = tpu.bitcast %squeeze3A_301 : vector<1024xf32> -> vector<1024xi32>
    %and3A_303 = arith.constant 2047 : i32
    %and3A_304 = vector.broadcast %and3A_303 : i32 to vector<1024xi32>
    %and3A_305 = arith.andi %bitcast_convert_type3A_302, %and3A_304 : vector<1024xi32>
    %swap3A_306 = arith.constant 0 : index
    %swap3A_307 = arith.constant 15 : index
    %swap3A_308 = vector.load %arg3[%swap3A_306, %swap3A_307] : memref<1024x16xi32, #tpu.memory_space<vmem>>, vector<1024x1xi32>
    %swap3A_309 = vector.shape_cast %swap3A_308 : vector<1024x1xi32> to vector<1024xi32>
    %swap3A_310 = vector.shape_cast %and3A_305 : vector<1024xi32> to vector<1024x1xi32>
    tpu.vector_store %arg3[%swap3A_306, %swap3A_307], %swap3A_310 {strides = array<i32>} : memref<1024x16xi32, #tpu.memory_space<vmem>>, vector<1024x1xi32>,
    %broadcast_in_dim3A_311 = arith.constant 0.000000e+00 : f32
    %broadcast_in_dim3A_312 = vector.broadcast %broadcast_in_dim3A_311 : f32 to vector<1024x64xf32>
    %concatenate3A = tpu.concatenate %get3A_3, %broadcast_in_dim3A_312 in 1 : vector<1024x64xf32>, vector<1024x64xf32> -> vector<1024x128xf32>
    %swap3A_313 = arith.constant 0 : index
    %swap3A_314 = arith.constant 0 : index
    %swap3A_315 = vector.load %arg4[%swap3A_313, %swap3A_314] : memref<1024x128xf32, #tpu.memory_space<vmem>>, vector<1024x128xf32>
    tpu.vector_store %arg4[%swap3A_313, %swap3A_314], %concatenate3A {strides = array<i32>} : memref<1024x128xf32, #tpu.memory_space<vmem>>, vector<1024x128xf32>,
    return
  }
  func.func @transform_0(%arg0: i32) -> (i32, i32, i32) {
    %c1_i32 = arith.constant 1 : i32
    %c0_i32 = arith.constant 0 : i32
    %c0_i32_0 = arith.constant 0 : i32
    %c0_i32_1 = arith.constant 0 : i32
    return %c1_i32, %c0_i32, %c0_i32_0 : i32, i32, i32
  }
  func.func @transform_1(%arg0: i32) -> (i32, i32, i32) {
    %c1_i32 = arith.constant 1 : i32
    %c0_i32 = arith.constant 0 : i32
    %c0_i32_0 = arith.constant 0 : i32
    return %c1_i32, %arg0, %c0_i32 : i32, i32, i32
  }
  func.func @transform_2(%arg0: i32) -> (i32, i32) {
    %c0_i32 = arith.constant 0 : i32
    %c0_i32_0 = arith.constant 0 : i32
    return %arg0, %c0_i32 : i32, i32
  }
  func.func @transform_3(%arg0: i32) -> (i32, i32) {
    %c0_i32 = arith.constant 0 : i32
    %c0_i32_0 = arith.constant 0 : i32
    return %arg0, %c0_i32 : i32, i32
  }
}

module attributes {stable_mosaic.version = 14 : i64} {
  func.func @_knn_body(%arg0: i32, %arg1: memref<1x64x2048xf32, #tpu.memory_space<vmem>>, %arg2: memref<1x1024x64xf32, #tpu.memory_space<vmem>>, %arg3: memref<1024x16xi32, #tpu.memory_space<vmem>>, %arg4: memref<1024x128xf32, #tpu.memory_space<vmem>>) attributes {dimension_semantics = [#tpu.dimension_semantics<arbitrary>], iteration_bounds = array<i64: 2>, scalar_prefetch = 0 : i64, scratch_operands = 0 : i64, tpu.core_type = #tpu.core_type<tc>, window_params = [{transform_indices = @transform_0, window_bounds = array<i64: 1, 64, 2048>}, {transform_indices = @transform_1, window_bounds = array<i64: 1, 1024, 64>}, {transform_indices = @transform_2, window_bounds = array<i64: 1024, 16>}, {transform_indices = @transform_3, window_bounds = array<i64: 1024, 128>}]} {
    %get3A = arith.constant 0 : index
    %get3A_0 = arith.constant 0 : index
    %get3A_1 = arith.constant 0 : index
    %get3A_2 = vector.load %arg2[%get3A, %get3A_0, %get3A_1] : memref<1x1024x64xf32, #tpu.memory_space<vmem>>, vector<1x1024x64xf32>
    %get3A_3 = vector.shape_cast %get3A_2 : vector<1x1024x64xf32> to vector<1024x64xf32>
    %get3A_4 = arith.constant 0 : index
    %get3A_5 = arith.constant 0 : index
    %get3A_6 = arith.constant 0 : index
    %get3A_7 = vector.load %arg1[%get3A_4, %get3A_5, %get3A_6] : memref<1x64x2048xf32, #tpu.memory_space<vmem>>, vector<1x64x2048xf32>
    %get3A_8 = vector.shape_cast %get3A_7 : vector<1x64x2048xf32> to vector<64x2048xf32>
    %dot_general3A = arith.constant dense<0.000000e+00> : vector<1024x2048xf32>
    %dot_general3A_9 = tpu.matmul %get3A_3, %get3A_8, %dot_general3A {dimension_numbers = #tpu.dot_dimension_numbers<[1], [0], [0], [1], [0, 0, 1, 1], [], []>, transpose_lhs_hint = false} : vector<1024x64xf32>, vector<64x2048xf32>, vector<1024x2048xf32> -> vector<1024x2048xf32>
    %mul3A = arith.mulf %get3A_8, %get3A_8 : vector<64x2048xf32>
    %reduce_sum3A = arith.constant dense<0.000000e+00> : vector<2048xf32>
    %reduce_sum3A_10 = vector.multi_reduction <add>, %mul3A, %reduce_sum3A [0] : vector<64x2048xf32> to vector<2048xf32>
    %broadcast_in_dim3A = vector.shape_cast %reduce_sum3A_10 : vector<2048xf32> to vector<1x2048xf32>
    %mul3A_11 = arith.mulf %get3A_3, %get3A_3 : vector<1024x64xf32>
    %reduce_sum3A_12 = arith.constant dense<0.000000e+00> : vector<1024xf32>
    %reduce_sum3A_13 = vector.multi_reduction <add>, %mul3A_11, %reduce_sum3A_12 [1] : vector<1024x64xf32> to vector<1024xf32>
    %broadcast_in_dim3A_14 = vector.shape_cast %reduce_sum3A_13 : vector<1024xf32> to vector<1024x1xf32>
    %add3A = vector.broadcast %broadcast_in_dim3A_14 : vector<1024x1xf32> to vector<1024x2048xf32>
    %add3A_15 = vector.broadcast %broadcast_in_dim3A : vector<1x2048xf32> to vector<1024x2048xf32>
    %add3A_16 = arith.addf %add3A, %add3A_15 : vector<1024x2048xf32>
    %mul3A_17 = arith.constant 2.000000e+00 : f32
    %mul3A_18 = vector.broadcast %mul3A_17 : f32 to vector<1024x2048xf32>
    %mul3A_19 = arith.mulf %mul3A_18, %dot_general3A_9 : vector<1024x2048xf32>
    %sub3A = arith.subf %add3A_16, %mul3A_19 : vector<1024x2048xf32>
    %max3A = arith.constant 0.000000e+00 : f32
    %max3A_20 = vector.broadcast %max3A : f32 to vector<1024x2048xf32>
    %max3A_21 = arith.maximumf %sub3A, %max3A_20 : vector<1024x2048xf32>
    %iota3A = tpu.iota {dimensions = array<i32: 1>} : vector<1024x2048xi32>
    %bitcast_convert_type3A = tpu.bitcast %max3A_21 : vector<1024x2048xf32> -> vector<1024x2048xi32>
    %not3A = arith.constant 2047 : i32
    %not3A_22 = arith.constant -1 : i32
    %not3A_23 = arith.xori %not3A, %not3A_22 : i32
    %and3A = vector.broadcast %not3A_23 : i32 to vector<1024x2048xi32>
    %and3A_24 = arith.andi %bitcast_convert_type3A, %and3A : vector<1024x2048xi32>
    %or3A = arith.ori %and3A_24, %iota3A : vector<1024x2048xi32>
    %bitcast_convert_type3A_25 = tpu.bitcast %or3A : vector<1024x2048xi32> -> vector<1024x2048xf32>
    %reduce_min3A = arith.constant dense<0x7F800000> : vector<1024xf32>
    %reduce_min3A_26 = vector.multi_reduction <minimumf>, %bitcast_convert_type3A_25, %reduce_min3A [1] : vector<1024x2048xf32> to vector<1024xf32>
    %broadcast_in_dim3A_27 = vector.shape_cast %reduce_min3A_26 : vector<1024xf32> to vector<1024x1xf32>
    %gt3A = vector.broadcast %broadcast_in_dim3A_27 : vector<1024x1xf32> to vector<1024x2048xf32>
    %gt3A_28 = arith.cmpf ogt, %bitcast_convert_type3A_25, %gt3A : vector<1024x2048xf32>
    %jit3A = arith.constant 0x7F800000 : f32
    %broadcast_in_dim3A_29 = vector.broadcast %jit3A : f32 to vector<1024x2048xf32>
    %select_n3A = arith.select %gt3A_28, %bitcast_convert_type3A_25, %broadcast_in_dim3A_29 : vector<1024x2048xi1>, vector<1024x2048xf32>
    %reduce_min3A_30 = arith.constant dense<0x7F800000> : vector<1024xf32>
    %reduce_min3A_31 = vector.multi_reduction <minimumf>, %select_n3A, %reduce_min3A_30 [1] : vector<1024x2048xf32> to vector<1024xf32>
    %broadcast_in_dim3A_32 = vector.shape_cast %reduce_min3A_31 : vector<1024xf32> to vector<1024x1xf32>
    %squeeze3A = vector.shape_cast %broadcast_in_dim3A_32 : vector<1024x1xf32> to vector<1024xf32>
    %bitcast_convert_type3A_33 = tpu.bitcast %squeeze3A : vector<1024xf32> -> vector<1024xi32>
    %and3A_34 = arith.constant 2047 : i32
    %and3A_35 = vector.broadcast %and3A_34 : i32 to vector<1024xi32>
    %and3A_36 = arith.andi %bitcast_convert_type3A_33, %and3A_35 : vector<1024xi32>
    %swap3A = arith.constant 0 : index
    %swap3A_37 = arith.constant 0 : index
    %swap3A_38 = vector.load %arg3[%swap3A, %swap3A_37] : memref<1024x16xi32, #tpu.memory_space<vmem>>, vector<1024x1xi32>
    %swap3A_39 = vector.shape_cast %swap3A_38 : vector<1024x1xi32> to vector<1024xi32>
    %swap3A_40 = vector.shape_cast %and3A_36 : vector<1024xi32> to vector<1024x1xi32>
    tpu.vector_store %arg3[%swap3A, %swap3A_37], %swap3A_40 {strides = array<i32>} : memref<1024x16xi32, #tpu.memory_space<vmem>>, vector<1024x1xi32>,
    %gt3A_41 = vector.broadcast %broadcast_in_dim3A_32 : vector<1024x1xf32> to vector<1024x2048xf32>
    %gt3A_42 = arith.cmpf ogt, %bitcast_convert_type3A_25, %gt3A_41 : vector<1024x2048xf32>
    %jit3A_43 = arith.constant 0x7F800000 : f32
    %broadcast_in_dim3A_44 = vector.broadcast %jit3A_43 : f32 to vector<1024x2048xf32>
    %select_n3A_45 = arith.select %gt3A_42, %bitcast_convert_type3A_25, %broadcast_in_dim3A_44 : vector<1024x2048xi1>, vector<1024x2048xf32>
    %reduce_min3A_46 = arith.constant dense<0x7F800000> : vector<1024xf32>
    %reduce_min3A_47 = vector.multi_reduction <minimumf>, %select_n3A_45, %reduce_min3A_46 [1] : vector<1024x2048xf32> to vector<1024xf32>
    %broadcast_in_dim3A_48 = vector.shape_cast %reduce_min3A_47 : vector<1024xf32> to vector<1024x1xf32>
    %squeeze3A_49 = vector.shape_cast %broadcast_in_dim3A_48 : vector<1024x1xf32> to vector<1024xf32>
    %bitcast_convert_type3A_50 = tpu.bitcast %squeeze3A_49 : vector<1024xf32> -> vector<1024xi32>
    %and3A_51 = arith.constant 2047 : i32
    %and3A_52 = vector.broadcast %and3A_51 : i32 to vector<1024xi32>
    %and3A_53 = arith.andi %bitcast_convert_type3A_50, %and3A_52 : vector<1024xi32>
    %swap3A_54 = arith.constant 0 : index
    %swap3A_55 = arith.constant 1 : index
    %swap3A_56 = vector.load %arg3[%swap3A_54, %swap3A_55] : memref<1024x16xi32, #tpu.memory_space<vmem>>, vector<1024x1xi32>
    %swap3A_57 = vector.shape_cast %swap3A_56 : vector<1024x1xi32> to vector<1024xi32>
    %swap3A_58 = vector.shape_cast %and3A_53 : vector<1024xi32> to vector<1024x1xi32>
    tpu.vector_store %arg3[%swap3A_54, %swap3A_55], %swap3A_58 {strides = array<i32>} : memref<1024x16xi32, #tpu.memory_space<vmem>>, vector<1024x1xi32>,
    %gt3A_59 = vector.broadcast %broadcast_in_dim3A_48 : vector<1024x1xf32> to vector<1024x2048xf32>
    %gt3A_60 = arith.cmpf ogt, %bitcast_convert_type3A_25, %gt3A_59 : vector<1024x2048xf32>
    %jit3A_61 = arith.constant 0x7F800000 : f32
    %broadcast_in_dim3A_62 = vector.broadcast %jit3A_61 : f32 to vector<1024x2048xf32>
    %select_n3A_63 = arith.select %gt3A_60, %bitcast_convert_type3A_25, %broadcast_in_dim3A_62 : vector<1024x2048xi1>, vector<1024x2048xf32>
    %reduce_min3A_64 = arith.constant dense<0x7F800000> : vector<1024xf32>
    %reduce_min3A_65 = vector.multi_reduction <minimumf>, %select_n3A_63, %reduce_min3A_64 [1] : vector<1024x2048xf32> to vector<1024xf32>
    %broadcast_in_dim3A_66 = vector.shape_cast %reduce_min3A_65 : vector<1024xf32> to vector<1024x1xf32>
    %squeeze3A_67 = vector.shape_cast %broadcast_in_dim3A_66 : vector<1024x1xf32> to vector<1024xf32>
    %bitcast_convert_type3A_68 = tpu.bitcast %squeeze3A_67 : vector<1024xf32> -> vector<1024xi32>
    %and3A_69 = arith.constant 2047 : i32
    %and3A_70 = vector.broadcast %and3A_69 : i32 to vector<1024xi32>
    %and3A_71 = arith.andi %bitcast_convert_type3A_68, %and3A_70 : vector<1024xi32>
    %swap3A_72 = arith.constant 0 : index
    %swap3A_73 = arith.constant 2 : index
    %swap3A_74 = vector.load %arg3[%swap3A_72, %swap3A_73] : memref<1024x16xi32, #tpu.memory_space<vmem>>, vector<1024x1xi32>
    %swap3A_75 = vector.shape_cast %swap3A_74 : vector<1024x1xi32> to vector<1024xi32>
    %swap3A_76 = vector.shape_cast %and3A_71 : vector<1024xi32> to vector<1024x1xi32>
    tpu.vector_store %arg3[%swap3A_72, %swap3A_73], %swap3A_76 {strides = array<i32>} : memref<1024x16xi32, #tpu.memory_space<vmem>>, vector<1024x1xi32>,
    %gt3A_77 = vector.broadcast %broadcast_in_dim3A_66 : vector<1024x1xf32> to vector<1024x2048xf32>
    %gt3A_78 = arith.cmpf ogt, %bitcast_convert_type3A_25, %gt3A_77 : vector<1024x2048xf32>
    %jit3A_79 = arith.constant 0x7F800000 : f32
    %broadcast_in_dim3A_80 = vector.broadcast %jit3A_79 : f32 to vector<1024x2048xf32>
    %select_n3A_81 = arith.select %gt3A_78, %bitcast_convert_type3A_25, %broadcast_in_dim3A_80 : vector<1024x2048xi1>, vector<1024x2048xf32>
    %reduce_min3A_82 = arith.constant dense<0x7F800000> : vector<1024xf32>
    %reduce_min3A_83 = vector.multi_reduction <minimumf>, %select_n3A_81, %reduce_min3A_82 [1] : vector<1024x2048xf32> to vector<1024xf32>
    %broadcast_in_dim3A_84 = vector.shape_cast %reduce_min3A_83 : vector<1024xf32> to vector<1024x1xf32>
    %squeeze3A_85 = vector.shape_cast %broadcast_in_dim3A_84 : vector<1024x1xf32> to vector<1024xf32>
    %bitcast_convert_type3A_86 = tpu.bitcast %squeeze3A_85 : vector<1024xf32> -> vector<1024xi32>
    %and3A_87 = arith.constant 2047 : i32
    %and3A_88 = vector.broadcast %and3A_87 : i32 to vector<1024xi32>
    %and3A_89 = arith.andi %bitcast_convert_type3A_86, %and3A_88 : vector<1024xi32>
    %swap3A_90 = arith.constant 0 : index
    %swap3A_91 = arith.constant 3 : index
    %swap3A_92 = vector.load %arg3[%swap3A_90, %swap3A_91] : memref<1024x16xi32, #tpu.memory_space<vmem>>, vector<1024x1xi32>
    %swap3A_93 = vector.shape_cast %swap3A_92 : vector<1024x1xi32> to vector<1024xi32>
    %swap3A_94 = vector.shape_cast %and3A_89 : vector<1024xi32> to vector<1024x1xi32>
    tpu.vector_store %arg3[%swap3A_90, %swap3A_91], %swap3A_94 {strides = array<i32>} : memref<1024x16xi32, #tpu.memory_space<vmem>>, vector<1024x1xi32>,
    %gt3A_95 = vector.broadcast %broadcast_in_dim3A_84 : vector<1024x1xf32> to vector<1024x2048xf32>
    %gt3A_96 = arith.cmpf ogt, %bitcast_convert_type3A_25, %gt3A_95 : vector<1024x2048xf32>
    %jit3A_97 = arith.constant 0x7F800000 : f32
    %broadcast_in_dim3A_98 = vector.broadcast %jit3A_97 : f32 to vector<1024x2048xf32>
    %select_n3A_99 = arith.select %gt3A_96, %bitcast_convert_type3A_25, %broadcast_in_dim3A_98 : vector<1024x2048xi1>, vector<1024x2048xf32>
    %reduce_min3A_100 = arith.constant dense<0x7F800000> : vector<1024xf32>
    %reduce_min3A_101 = vector.multi_reduction <minimumf>, %select_n3A_99, %reduce_min3A_100 [1] : vector<1024x2048xf32> to vector<1024xf32>
    %broadcast_in_dim3A_102 = vector.shape_cast %reduce_min3A_101 : vector<1024xf32> to vector<1024x1xf32>
    %squeeze3A_103 = vector.shape_cast %broadcast_in_dim3A_102 : vector<1024x1xf32> to vector<1024xf32>
    %bitcast_convert_type3A_104 = tpu.bitcast %squeeze3A_103 : vector<1024xf32> -> vector<1024xi32>
    %and3A_105 = arith.constant 2047 : i32
    %and3A_106 = vector.broadcast %and3A_105 : i32 to vector<1024xi32>
    %and3A_107 = arith.andi %bitcast_convert_type3A_104, %and3A_106 : vector<1024xi32>
    %swap3A_108 = arith.constant 0 : index
    %swap3A_109 = arith.constant 4 : index
    %swap3A_110 = vector.load %arg3[%swap3A_108, %swap3A_109] : memref<1024x16xi32, #tpu.memory_space<vmem>>, vector<1024x1xi32>
    %swap3A_111 = vector.shape_cast %swap3A_110 : vector<1024x1xi32> to vector<1024xi32>
    %swap3A_112 = vector.shape_cast %and3A_107 : vector<1024xi32> to vector<1024x1xi32>
    tpu.vector_store %arg3[%swap3A_108, %swap3A_109], %swap3A_112 {strides = array<i32>} : memref<1024x16xi32, #tpu.memory_space<vmem>>, vector<1024x1xi32>,
    %gt3A_113 = vector.broadcast %broadcast_in_dim3A_102 : vector<1024x1xf32> to vector<1024x2048xf32>
    %gt3A_114 = arith.cmpf ogt, %bitcast_convert_type3A_25, %gt3A_113 : vector<1024x2048xf32>
    %jit3A_115 = arith.constant 0x7F800000 : f32
    %broadcast_in_dim3A_116 = vector.broadcast %jit3A_115 : f32 to vector<1024x2048xf32>
    %select_n3A_117 = arith.select %gt3A_114, %bitcast_convert_type3A_25, %broadcast_in_dim3A_116 : vector<1024x2048xi1>, vector<1024x2048xf32>
    %reduce_min3A_118 = arith.constant dense<0x7F800000> : vector<1024xf32>
    %reduce_min3A_119 = vector.multi_reduction <minimumf>, %select_n3A_117, %reduce_min3A_118 [1] : vector<1024x2048xf32> to vector<1024xf32>
    %broadcast_in_dim3A_120 = vector.shape_cast %reduce_min3A_119 : vector<1024xf32> to vector<1024x1xf32>
    %squeeze3A_121 = vector.shape_cast %broadcast_in_dim3A_120 : vector<1024x1xf32> to vector<1024xf32>
    %bitcast_convert_type3A_122 = tpu.bitcast %squeeze3A_121 : vector<1024xf32> -> vector<1024xi32>
    %and3A_123 = arith.constant 2047 : i32
    %and3A_124 = vector.broadcast %and3A_123 : i32 to vector<1024xi32>
    %and3A_125 = arith.andi %bitcast_convert_type3A_122, %and3A_124 : vector<1024xi32>
    %swap3A_126 = arith.constant 0 : index
    %swap3A_127 = arith.constant 5 : index
    %swap3A_128 = vector.load %arg3[%swap3A_126, %swap3A_127] : memref<1024x16xi32, #tpu.memory_space<vmem>>, vector<1024x1xi32>
    %swap3A_129 = vector.shape_cast %swap3A_128 : vector<1024x1xi32> to vector<1024xi32>
    %swap3A_130 = vector.shape_cast %and3A_125 : vector<1024xi32> to vector<1024x1xi32>
    tpu.vector_store %arg3[%swap3A_126, %swap3A_127], %swap3A_130 {strides = array<i32>} : memref<1024x16xi32, #tpu.memory_space<vmem>>, vector<1024x1xi32>,
    %gt3A_131 = vector.broadcast %broadcast_in_dim3A_120 : vector<1024x1xf32> to vector<1024x2048xf32>
    %gt3A_132 = arith.cmpf ogt, %bitcast_convert_type3A_25, %gt3A_131 : vector<1024x2048xf32>
    %jit3A_133 = arith.constant 0x7F800000 : f32
    %broadcast_in_dim3A_134 = vector.broadcast %jit3A_133 : f32 to vector<1024x2048xf32>
    %select_n3A_135 = arith.select %gt3A_132, %bitcast_convert_type3A_25, %broadcast_in_dim3A_134 : vector<1024x2048xi1>, vector<1024x2048xf32>
    %reduce_min3A_136 = arith.constant dense<0x7F800000> : vector<1024xf32>
    %reduce_min3A_137 = vector.multi_reduction <minimumf>, %select_n3A_135, %reduce_min3A_136 [1] : vector<1024x2048xf32> to vector<1024xf32>
    %broadcast_in_dim3A_138 = vector.shape_cast %reduce_min3A_137 : vector<1024xf32> to vector<1024x1xf32>
    %squeeze3A_139 = vector.shape_cast %broadcast_in_dim3A_138 : vector<1024x1xf32> to vector<1024xf32>
    %bitcast_convert_type3A_140 = tpu.bitcast %squeeze3A_139 : vector<1024xf32> -> vector<1024xi32>
    %and3A_141 = arith.constant 2047 : i32
    %and3A_142 = vector.broadcast %and3A_141 : i32 to vector<1024xi32>
    %and3A_143 = arith.andi %bitcast_convert_type3A_140, %and3A_142 : vector<1024xi32>
    %swap3A_144 = arith.constant 0 : index
    %swap3A_145 = arith.constant 6 : index
    %swap3A_146 = vector.load %arg3[%swap3A_144, %swap3A_145] : memref<1024x16xi32, #tpu.memory_space<vmem>>, vector<1024x1xi32>
    %swap3A_147 = vector.shape_cast %swap3A_146 : vector<1024x1xi32> to vector<1024xi32>
    %swap3A_148 = vector.shape_cast %and3A_143 : vector<1024xi32> to vector<1024x1xi32>
    tpu.vector_store %arg3[%swap3A_144, %swap3A_145], %swap3A_148 {strides = array<i32>} : memref<1024x16xi32, #tpu.memory_space<vmem>>, vector<1024x1xi32>,
    %gt3A_149 = vector.broadcast %broadcast_in_dim3A_138 : vector<1024x1xf32> to vector<1024x2048xf32>
    %gt3A_150 = arith.cmpf ogt, %bitcast_convert_type3A_25, %gt3A_149 : vector<1024x2048xf32>
    %jit3A_151 = arith.constant 0x7F800000 : f32
    %broadcast_in_dim3A_152 = vector.broadcast %jit3A_151 : f32 to vector<1024x2048xf32>
    %select_n3A_153 = arith.select %gt3A_150, %bitcast_convert_type3A_25, %broadcast_in_dim3A_152 : vector<1024x2048xi1>, vector<1024x2048xf32>
    %reduce_min3A_154 = arith.constant dense<0x7F800000> : vector<1024xf32>
    %reduce_min3A_155 = vector.multi_reduction <minimumf>, %select_n3A_153, %reduce_min3A_154 [1] : vector<1024x2048xf32> to vector<1024xf32>
    %broadcast_in_dim3A_156 = vector.shape_cast %reduce_min3A_155 : vector<1024xf32> to vector<1024x1xf32>
    %squeeze3A_157 = vector.shape_cast %broadcast_in_dim3A_156 : vector<1024x1xf32> to vector<1024xf32>
    %bitcast_convert_type3A_158 = tpu.bitcast %squeeze3A_157 : vector<1024xf32> -> vector<1024xi32>
    %and3A_159 = arith.constant 2047 : i32
    %and3A_160 = vector.broadcast %and3A_159 : i32 to vector<1024xi32>
    %and3A_161 = arith.andi %bitcast_convert_type3A_158, %and3A_160 : vector<1024xi32>
    %swap3A_162 = arith.constant 0 : index
    %swap3A_163 = arith.constant 7 : index
    %swap3A_164 = vector.load %arg3[%swap3A_162, %swap3A_163] : memref<1024x16xi32, #tpu.memory_space<vmem>>, vector<1024x1xi32>
    %swap3A_165 = vector.shape_cast %swap3A_164 : vector<1024x1xi32> to vector<1024xi32>
    %swap3A_166 = vector.shape_cast %and3A_161 : vector<1024xi32> to vector<1024x1xi32>
    tpu.vector_store %arg3[%swap3A_162, %swap3A_163], %swap3A_166 {strides = array<i32>} : memref<1024x16xi32, #tpu.memory_space<vmem>>, vector<1024x1xi32>,
    %gt3A_167 = vector.broadcast %broadcast_in_dim3A_156 : vector<1024x1xf32> to vector<1024x2048xf32>
    %gt3A_168 = arith.cmpf ogt, %bitcast_convert_type3A_25, %gt3A_167 : vector<1024x2048xf32>
    %jit3A_169 = arith.constant 0x7F800000 : f32
    %broadcast_in_dim3A_170 = vector.broadcast %jit3A_169 : f32 to vector<1024x2048xf32>
    %select_n3A_171 = arith.select %gt3A_168, %bitcast_convert_type3A_25, %broadcast_in_dim3A_170 : vector<1024x2048xi1>, vector<1024x2048xf32>
    %reduce_min3A_172 = arith.constant dense<0x7F800000> : vector<1024xf32>
    %reduce_min3A_173 = vector.multi_reduction <minimumf>, %select_n3A_171, %reduce_min3A_172 [1] : vector<1024x2048xf32> to vector<1024xf32>
    %broadcast_in_dim3A_174 = vector.shape_cast %reduce_min3A_173 : vector<1024xf32> to vector<1024x1xf32>
    %squeeze3A_175 = vector.shape_cast %broadcast_in_dim3A_174 : vector<1024x1xf32> to vector<1024xf32>
    %bitcast_convert_type3A_176 = tpu.bitcast %squeeze3A_175 : vector<1024xf32> -> vector<1024xi32>
    %and3A_177 = arith.constant 2047 : i32
    %and3A_178 = vector.broadcast %and3A_177 : i32 to vector<1024xi32>
    %and3A_179 = arith.andi %bitcast_convert_type3A_176, %and3A_178 : vector<1024xi32>
    %swap3A_180 = arith.constant 0 : index
    %swap3A_181 = arith.constant 8 : index
    %swap3A_182 = vector.load %arg3[%swap3A_180, %swap3A_181] : memref<1024x16xi32, #tpu.memory_space<vmem>>, vector<1024x1xi32>
    %swap3A_183 = vector.shape_cast %swap3A_182 : vector<1024x1xi32> to vector<1024xi32>
    %swap3A_184 = vector.shape_cast %and3A_179 : vector<1024xi32> to vector<1024x1xi32>
    tpu.vector_store %arg3[%swap3A_180, %swap3A_181], %swap3A_184 {strides = array<i32>} : memref<1024x16xi32, #tpu.memory_space<vmem>>, vector<1024x1xi32>,
    %gt3A_185 = vector.broadcast %broadcast_in_dim3A_174 : vector<1024x1xf32> to vector<1024x2048xf32>
    %gt3A_186 = arith.cmpf ogt, %bitcast_convert_type3A_25, %gt3A_185 : vector<1024x2048xf32>
    %jit3A_187 = arith.constant 0x7F800000 : f32
    %broadcast_in_dim3A_188 = vector.broadcast %jit3A_187 : f32 to vector<1024x2048xf32>
    %select_n3A_189 = arith.select %gt3A_186, %bitcast_convert_type3A_25, %broadcast_in_dim3A_188 : vector<1024x2048xi1>, vector<1024x2048xf32>
    %reduce_min3A_190 = arith.constant dense<0x7F800000> : vector<1024xf32>
    %reduce_min3A_191 = vector.multi_reduction <minimumf>, %select_n3A_189, %reduce_min3A_190 [1] : vector<1024x2048xf32> to vector<1024xf32>
    %broadcast_in_dim3A_192 = vector.shape_cast %reduce_min3A_191 : vector<1024xf32> to vector<1024x1xf32>
    %squeeze3A_193 = vector.shape_cast %broadcast_in_dim3A_192 : vector<1024x1xf32> to vector<1024xf32>
    %bitcast_convert_type3A_194 = tpu.bitcast %squeeze3A_193 : vector<1024xf32> -> vector<1024xi32>
    %and3A_195 = arith.constant 2047 : i32
    %and3A_196 = vector.broadcast %and3A_195 : i32 to vector<1024xi32>
    %and3A_197 = arith.andi %bitcast_convert_type3A_194, %and3A_196 : vector<1024xi32>
    %swap3A_198 = arith.constant 0 : index
    %swap3A_199 = arith.constant 9 : index
    %swap3A_200 = vector.load %arg3[%swap3A_198, %swap3A_199] : memref<1024x16xi32, #tpu.memory_space<vmem>>, vector<1024x1xi32>
    %swap3A_201 = vector.shape_cast %swap3A_200 : vector<1024x1xi32> to vector<1024xi32>
    %swap3A_202 = vector.shape_cast %and3A_197 : vector<1024xi32> to vector<1024x1xi32>
    tpu.vector_store %arg3[%swap3A_198, %swap3A_199], %swap3A_202 {strides = array<i32>} : memref<1024x16xi32, #tpu.memory_space<vmem>>, vector<1024x1xi32>,
    %gt3A_203 = vector.broadcast %broadcast_in_dim3A_192 : vector<1024x1xf32> to vector<1024x2048xf32>
    %gt3A_204 = arith.cmpf ogt, %bitcast_convert_type3A_25, %gt3A_203 : vector<1024x2048xf32>
    %jit3A_205 = arith.constant 0x7F800000 : f32
    %broadcast_in_dim3A_206 = vector.broadcast %jit3A_205 : f32 to vector<1024x2048xf32>
    %select_n3A_207 = arith.select %gt3A_204, %bitcast_convert_type3A_25, %broadcast_in_dim3A_206 : vector<1024x2048xi1>, vector<1024x2048xf32>
    %reduce_min3A_208 = arith.constant dense<0x7F800000> : vector<1024xf32>
    %reduce_min3A_209 = vector.multi_reduction <minimumf>, %select_n3A_207, %reduce_min3A_208 [1] : vector<1024x2048xf32> to vector<1024xf32>
    %broadcast_in_dim3A_210 = vector.shape_cast %reduce_min3A_209 : vector<1024xf32> to vector<1024x1xf32>
    %squeeze3A_211 = vector.shape_cast %broadcast_in_dim3A_210 : vector<1024x1xf32> to vector<1024xf32>
    %bitcast_convert_type3A_212 = tpu.bitcast %squeeze3A_211 : vector<1024xf32> -> vector<1024xi32>
    %and3A_213 = arith.constant 2047 : i32
    %and3A_214 = vector.broadcast %and3A_213 : i32 to vector<1024xi32>
    %and3A_215 = arith.andi %bitcast_convert_type3A_212, %and3A_214 : vector<1024xi32>
    %swap3A_216 = arith.constant 0 : index
    %swap3A_217 = arith.constant 10 : index
    %swap3A_218 = vector.load %arg3[%swap3A_216, %swap3A_217] : memref<1024x16xi32, #tpu.memory_space<vmem>>, vector<1024x1xi32>
    %swap3A_219 = vector.shape_cast %swap3A_218 : vector<1024x1xi32> to vector<1024xi32>
    %swap3A_220 = vector.shape_cast %and3A_215 : vector<1024xi32> to vector<1024x1xi32>
    tpu.vector_store %arg3[%swap3A_216, %swap3A_217], %swap3A_220 {strides = array<i32>} : memref<1024x16xi32, #tpu.memory_space<vmem>>, vector<1024x1xi32>,
    %gt3A_221 = vector.broadcast %broadcast_in_dim3A_210 : vector<1024x1xf32> to vector<1024x2048xf32>
    %gt3A_222 = arith.cmpf ogt, %bitcast_convert_type3A_25, %gt3A_221 : vector<1024x2048xf32>
    %jit3A_223 = arith.constant 0x7F800000 : f32
    %broadcast_in_dim3A_224 = vector.broadcast %jit3A_223 : f32 to vector<1024x2048xf32>
    %select_n3A_225 = arith.select %gt3A_222, %bitcast_convert_type3A_25, %broadcast_in_dim3A_224 : vector<1024x2048xi1>, vector<1024x2048xf32>
    %reduce_min3A_226 = arith.constant dense<0x7F800000> : vector<1024xf32>
    %reduce_min3A_227 = vector.multi_reduction <minimumf>, %select_n3A_225, %reduce_min3A_226 [1] : vector<1024x2048xf32> to vector<1024xf32>
    %broadcast_in_dim3A_228 = vector.shape_cast %reduce_min3A_227 : vector<1024xf32> to vector<1024x1xf32>
    %squeeze3A_229 = vector.shape_cast %broadcast_in_dim3A_228 : vector<1024x1xf32> to vector<1024xf32>
    %bitcast_convert_type3A_230 = tpu.bitcast %squeeze3A_229 : vector<1024xf32> -> vector<1024xi32>
    %and3A_231 = arith.constant 2047 : i32
    %and3A_232 = vector.broadcast %and3A_231 : i32 to vector<1024xi32>
    %and3A_233 = arith.andi %bitcast_convert_type3A_230, %and3A_232 : vector<1024xi32>
    %swap3A_234 = arith.constant 0 : index
    %swap3A_235 = arith.constant 11 : index
    %swap3A_236 = vector.load %arg3[%swap3A_234, %swap3A_235] : memref<1024x16xi32, #tpu.memory_space<vmem>>, vector<1024x1xi32>
    %swap3A_237 = vector.shape_cast %swap3A_236 : vector<1024x1xi32> to vector<1024xi32>
    %swap3A_238 = vector.shape_cast %and3A_233 : vector<1024xi32> to vector<1024x1xi32>
    tpu.vector_store %arg3[%swap3A_234, %swap3A_235], %swap3A_238 {strides = array<i32>} : memref<1024x16xi32, #tpu.memory_space<vmem>>, vector<1024x1xi32>,
    %gt3A_239 = vector.broadcast %broadcast_in_dim3A_228 : vector<1024x1xf32> to vector<1024x2048xf32>
    %gt3A_240 = arith.cmpf ogt, %bitcast_convert_type3A_25, %gt3A_239 : vector<1024x2048xf32>
    %jit3A_241 = arith.constant 0x7F800000 : f32
    %broadcast_in_dim3A_242 = vector.broadcast %jit3A_241 : f32 to vector<1024x2048xf32>
    %select_n3A_243 = arith.select %gt3A_240, %bitcast_convert_type3A_25, %broadcast_in_dim3A_242 : vector<1024x2048xi1>, vector<1024x2048xf32>
    %reduce_min3A_244 = arith.constant dense<0x7F800000> : vector<1024xf32>
    %reduce_min3A_245 = vector.multi_reduction <minimumf>, %select_n3A_243, %reduce_min3A_244 [1] : vector<1024x2048xf32> to vector<1024xf32>
    %broadcast_in_dim3A_246 = vector.shape_cast %reduce_min3A_245 : vector<1024xf32> to vector<1024x1xf32>
    %squeeze3A_247 = vector.shape_cast %broadcast_in_dim3A_246 : vector<1024x1xf32> to vector<1024xf32>
    %bitcast_convert_type3A_248 = tpu.bitcast %squeeze3A_247 : vector<1024xf32> -> vector<1024xi32>
    %and3A_249 = arith.constant 2047 : i32
    %and3A_250 = vector.broadcast %and3A_249 : i32 to vector<1024xi32>
    %and3A_251 = arith.andi %bitcast_convert_type3A_248, %and3A_250 : vector<1024xi32>
    %swap3A_252 = arith.constant 0 : index
    %swap3A_253 = arith.constant 12 : index
    %swap3A_254 = vector.load %arg3[%swap3A_252, %swap3A_253] : memref<1024x16xi32, #tpu.memory_space<vmem>>, vector<1024x1xi32>
    %swap3A_255 = vector.shape_cast %swap3A_254 : vector<1024x1xi32> to vector<1024xi32>
    %swap3A_256 = vector.shape_cast %and3A_251 : vector<1024xi32> to vector<1024x1xi32>
    tpu.vector_store %arg3[%swap3A_252, %swap3A_253], %swap3A_256 {strides = array<i32>} : memref<1024x16xi32, #tpu.memory_space<vmem>>, vector<1024x1xi32>,
    %gt3A_257 = vector.broadcast %broadcast_in_dim3A_246 : vector<1024x1xf32> to vector<1024x2048xf32>
    %gt3A_258 = arith.cmpf ogt, %bitcast_convert_type3A_25, %gt3A_257 : vector<1024x2048xf32>
    %jit3A_259 = arith.constant 0x7F800000 : f32
    %broadcast_in_dim3A_260 = vector.broadcast %jit3A_259 : f32 to vector<1024x2048xf32>
    %select_n3A_261 = arith.select %gt3A_258, %bitcast_convert_type3A_25, %broadcast_in_dim3A_260 : vector<1024x2048xi1>, vector<1024x2048xf32>
    %reduce_min3A_262 = arith.constant dense<0x7F800000> : vector<1024xf32>
    %reduce_min3A_263 = vector.multi_reduction <minimumf>, %select_n3A_261, %reduce_min3A_262 [1] : vector<1024x2048xf32> to vector<1024xf32>
    %broadcast_in_dim3A_264 = vector.shape_cast %reduce_min3A_263 : vector<1024xf32> to vector<1024x1xf32>
    %squeeze3A_265 = vector.shape_cast %broadcast_in_dim3A_264 : vector<1024x1xf32> to vector<1024xf32>
    %bitcast_convert_type3A_266 = tpu.bitcast %squeeze3A_265 : vector<1024xf32> -> vector<1024xi32>
    %and3A_267 = arith.constant 2047 : i32
    %and3A_268 = vector.broadcast %and3A_267 : i32 to vector<1024xi32>
    %and3A_269 = arith.andi %bitcast_convert_type3A_266, %and3A_268 : vector<1024xi32>
    %swap3A_270 = arith.constant 0 : index
    %swap3A_271 = arith.constant 13 : index
    %swap3A_272 = vector.load %arg3[%swap3A_270, %swap3A_271] : memref<1024x16xi32, #tpu.memory_space<vmem>>, vector<1024x1xi32>
    %swap3A_273 = vector.shape_cast %swap3A_272 : vector<1024x1xi32> to vector<1024xi32>
    %swap3A_274 = vector.shape_cast %and3A_269 : vector<1024xi32> to vector<1024x1xi32>
    tpu.vector_store %arg3[%swap3A_270, %swap3A_271], %swap3A_274 {strides = array<i32>} : memref<1024x16xi32, #tpu.memory_space<vmem>>, vector<1024x1xi32>,
    %gt3A_275 = vector.broadcast %broadcast_in_dim3A_264 : vector<1024x1xf32> to vector<1024x2048xf32>
    %gt3A_276 = arith.cmpf ogt, %bitcast_convert_type3A_25, %gt3A_275 : vector<1024x2048xf32>
    %jit3A_277 = arith.constant 0x7F800000 : f32
    %broadcast_in_dim3A_278 = vector.broadcast %jit3A_277 : f32 to vector<1024x2048xf32>
    %select_n3A_279 = arith.select %gt3A_276, %bitcast_convert_type3A_25, %broadcast_in_dim3A_278 : vector<1024x2048xi1>, vector<1024x2048xf32>
    %reduce_min3A_280 = arith.constant dense<0x7F800000> : vector<1024xf32>
    %reduce_min3A_281 = vector.multi_reduction <minimumf>, %select_n3A_279, %reduce_min3A_280 [1] : vector<1024x2048xf32> to vector<1024xf32>
    %broadcast_in_dim3A_282 = vector.shape_cast %reduce_min3A_281 : vector<1024xf32> to vector<1024x1xf32>
    %squeeze3A_283 = vector.shape_cast %broadcast_in_dim3A_282 : vector<1024x1xf32> to vector<1024xf32>
    %bitcast_convert_type3A_284 = tpu.bitcast %squeeze3A_283 : vector<1024xf32> -> vector<1024xi32>
    %and3A_285 = arith.constant 2047 : i32
    %and3A_286 = vector.broadcast %and3A_285 : i32 to vector<1024xi32>
    %and3A_287 = arith.andi %bitcast_convert_type3A_284, %and3A_286 : vector<1024xi32>
    %swap3A_288 = arith.constant 0 : index
    %swap3A_289 = arith.constant 14 : index
    %swap3A_290 = vector.load %arg3[%swap3A_288, %swap3A_289] : memref<1024x16xi32, #tpu.memory_space<vmem>>, vector<1024x1xi32>
    %swap3A_291 = vector.shape_cast %swap3A_290 : vector<1024x1xi32> to vector<1024xi32>
    %swap3A_292 = vector.shape_cast %and3A_287 : vector<1024xi32> to vector<1024x1xi32>
    tpu.vector_store %arg3[%swap3A_288, %swap3A_289], %swap3A_292 {strides = array<i32>} : memref<1024x16xi32, #tpu.memory_space<vmem>>, vector<1024x1xi32>,
    %gt3A_293 = vector.broadcast %broadcast_in_dim3A_282 : vector<1024x1xf32> to vector<1024x2048xf32>
    %gt3A_294 = arith.cmpf ogt, %bitcast_convert_type3A_25, %gt3A_293 : vector<1024x2048xf32>
    %jit3A_295 = arith.constant 0x7F800000 : f32
    %broadcast_in_dim3A_296 = vector.broadcast %jit3A_295 : f32 to vector<1024x2048xf32>
    %select_n3A_297 = arith.select %gt3A_294, %bitcast_convert_type3A_25, %broadcast_in_dim3A_296 : vector<1024x2048xi1>, vector<1024x2048xf32>
    %reduce_min3A_298 = arith.constant dense<0x7F800000> : vector<1024xf32>
    %reduce_min3A_299 = vector.multi_reduction <minimumf>, %select_n3A_297, %reduce_min3A_298 [1] : vector<1024x2048xf32> to vector<1024xf32>
    %broadcast_in_dim3A_300 = vector.shape_cast %reduce_min3A_299 : vector<1024xf32> to vector<1024x1xf32>
    %squeeze3A_301 = vector.shape_cast %broadcast_in_dim3A_300 : vector<1024x1xf32> to vector<1024xf32>
    %bitcast_convert_type3A_302 = tpu.bitcast %squeeze3A_301 : vector<1024xf32> -> vector<1024xi32>
    %and3A_303 = arith.constant 2047 : i32
    %and3A_304 = vector.broadcast %and3A_303 : i32 to vector<1024xi32>
    %and3A_305 = arith.andi %bitcast_convert_type3A_302, %and3A_304 : vector<1024xi32>
    %swap3A_306 = arith.constant 0 : index
    %swap3A_307 = arith.constant 15 : index
    %swap3A_308 = vector.load %arg3[%swap3A_306, %swap3A_307] : memref<1024x16xi32, #tpu.memory_space<vmem>>, vector<1024x1xi32>
    %swap3A_309 = vector.shape_cast %swap3A_308 : vector<1024x1xi32> to vector<1024xi32>
    %swap3A_310 = vector.shape_cast %and3A_305 : vector<1024xi32> to vector<1024x1xi32>
    tpu.vector_store %arg3[%swap3A_306, %swap3A_307], %swap3A_310 {strides = array<i32>} : memref<1024x16xi32, #tpu.memory_space<vmem>>, vector<1024x1xi32>,
    %broadcast_in_dim3A_311 = arith.constant 0.000000e+00 : f32
    %broadcast_in_dim3A_312 = vector.broadcast %broadcast_in_dim3A_311 : f32 to vector<1024x64xf32>
    %concatenate3A = tpu.concatenate %get3A_3, %broadcast_in_dim3A_312 in 1 : vector<1024x64xf32>, vector<1024x64xf32> -> vector<1024x128xf32>
    %swap3A_313 = arith.constant 0 : index
    %swap3A_314 = arith.constant 0 : index
    %swap3A_315 = vector.load %arg4[%swap3A_313, %swap3A_314] : memref<1024x128xf32, #tpu.memory_space<vmem>>, vector<1024x128xf32>
    tpu.vector_store %arg4[%swap3A_313, %swap3A_314], %concatenate3A {strides = array<i32>} : memref<1024x128xf32, #tpu.memory_space<vmem>>, vector<1024x128xf32>,
    return
  }
  func.func @transform_0(%arg0: i32) -> (i32, i32, i32) {
    %c2_i32 = arith.constant 2 : i32
    %c0_i32 = arith.constant 0 : i32
    %c0_i32_0 = arith.constant 0 : i32
    %c0_i32_1 = arith.constant 0 : i32
    return %c2_i32, %c0_i32, %c0_i32_0 : i32, i32, i32
  }
  func.func @transform_1(%arg0: i32) -> (i32, i32, i32) {
    %c2_i32 = arith.constant 2 : i32
    %c0_i32 = arith.constant 0 : i32
    %c0_i32_0 = arith.constant 0 : i32
    return %c2_i32, %arg0, %c0_i32 : i32, i32, i32
  }
  func.func @transform_2(%arg0: i32) -> (i32, i32) {
    %c0_i32 = arith.constant 0 : i32
    %c0_i32_0 = arith.constant 0 : i32
    return %arg0, %c0_i32 : i32, i32
  }
  func.func @transform_3(%arg0: i32) -> (i32, i32) {
    %c0_i32 = arith.constant 0 : i32
    %c0_i32_0 = arith.constant 0 : i32
    return %arg0, %c0_i32 : i32, i32
  }
}

module attributes {stable_mosaic.version = 14 : i64} {
  func.func @_knn_body(%arg0: i32, %arg1: memref<1x64x2048xf32, #tpu.memory_space<vmem>>, %arg2: memref<1x1024x64xf32, #tpu.memory_space<vmem>>, %arg3: memref<1024x16xi32, #tpu.memory_space<vmem>>, %arg4: memref<1024x128xf32, #tpu.memory_space<vmem>>) attributes {dimension_semantics = [#tpu.dimension_semantics<arbitrary>], iteration_bounds = array<i64: 2>, scalar_prefetch = 0 : i64, scratch_operands = 0 : i64, tpu.core_type = #tpu.core_type<tc>, window_params = [{transform_indices = @transform_0, window_bounds = array<i64: 1, 64, 2048>}, {transform_indices = @transform_1, window_bounds = array<i64: 1, 1024, 64>}, {transform_indices = @transform_2, window_bounds = array<i64: 1024, 16>}, {transform_indices = @transform_3, window_bounds = array<i64: 1024, 128>}]} {
    %get3A = arith.constant 0 : index
    %get3A_0 = arith.constant 0 : index
    %get3A_1 = arith.constant 0 : index
    %get3A_2 = vector.load %arg2[%get3A, %get3A_0, %get3A_1] : memref<1x1024x64xf32, #tpu.memory_space<vmem>>, vector<1x1024x64xf32>
    %get3A_3 = vector.shape_cast %get3A_2 : vector<1x1024x64xf32> to vector<1024x64xf32>
    %get3A_4 = arith.constant 0 : index
    %get3A_5 = arith.constant 0 : index
    %get3A_6 = arith.constant 0 : index
    %get3A_7 = vector.load %arg1[%get3A_4, %get3A_5, %get3A_6] : memref<1x64x2048xf32, #tpu.memory_space<vmem>>, vector<1x64x2048xf32>
    %get3A_8 = vector.shape_cast %get3A_7 : vector<1x64x2048xf32> to vector<64x2048xf32>
    %dot_general3A = arith.constant dense<0.000000e+00> : vector<1024x2048xf32>
    %dot_general3A_9 = tpu.matmul %get3A_3, %get3A_8, %dot_general3A {dimension_numbers = #tpu.dot_dimension_numbers<[1], [0], [0], [1], [0, 0, 1, 1], [], []>, transpose_lhs_hint = false} : vector<1024x64xf32>, vector<64x2048xf32>, vector<1024x2048xf32> -> vector<1024x2048xf32>
    %mul3A = arith.mulf %get3A_8, %get3A_8 : vector<64x2048xf32>
    %reduce_sum3A = arith.constant dense<0.000000e+00> : vector<2048xf32>
    %reduce_sum3A_10 = vector.multi_reduction <add>, %mul3A, %reduce_sum3A [0] : vector<64x2048xf32> to vector<2048xf32>
    %broadcast_in_dim3A = vector.shape_cast %reduce_sum3A_10 : vector<2048xf32> to vector<1x2048xf32>
    %mul3A_11 = arith.mulf %get3A_3, %get3A_3 : vector<1024x64xf32>
    %reduce_sum3A_12 = arith.constant dense<0.000000e+00> : vector<1024xf32>
    %reduce_sum3A_13 = vector.multi_reduction <add>, %mul3A_11, %reduce_sum3A_12 [1] : vector<1024x64xf32> to vector<1024xf32>
    %broadcast_in_dim3A_14 = vector.shape_cast %reduce_sum3A_13 : vector<1024xf32> to vector<1024x1xf32>
    %add3A = vector.broadcast %broadcast_in_dim3A_14 : vector<1024x1xf32> to vector<1024x2048xf32>
    %add3A_15 = vector.broadcast %broadcast_in_dim3A : vector<1x2048xf32> to vector<1024x2048xf32>
    %add3A_16 = arith.addf %add3A, %add3A_15 : vector<1024x2048xf32>
    %mul3A_17 = arith.constant 2.000000e+00 : f32
    %mul3A_18 = vector.broadcast %mul3A_17 : f32 to vector<1024x2048xf32>
    %mul3A_19 = arith.mulf %mul3A_18, %dot_general3A_9 : vector<1024x2048xf32>
    %sub3A = arith.subf %add3A_16, %mul3A_19 : vector<1024x2048xf32>
    %max3A = arith.constant 0.000000e+00 : f32
    %max3A_20 = vector.broadcast %max3A : f32 to vector<1024x2048xf32>
    %max3A_21 = arith.maximumf %sub3A, %max3A_20 : vector<1024x2048xf32>
    %iota3A = tpu.iota {dimensions = array<i32: 1>} : vector<1024x2048xi32>
    %bitcast_convert_type3A = tpu.bitcast %max3A_21 : vector<1024x2048xf32> -> vector<1024x2048xi32>
    %not3A = arith.constant 2047 : i32
    %not3A_22 = arith.constant -1 : i32
    %not3A_23 = arith.xori %not3A, %not3A_22 : i32
    %and3A = vector.broadcast %not3A_23 : i32 to vector<1024x2048xi32>
    %and3A_24 = arith.andi %bitcast_convert_type3A, %and3A : vector<1024x2048xi32>
    %or3A = arith.ori %and3A_24, %iota3A : vector<1024x2048xi32>
    %bitcast_convert_type3A_25 = tpu.bitcast %or3A : vector<1024x2048xi32> -> vector<1024x2048xf32>
    %reduce_min3A = arith.constant dense<0x7F800000> : vector<1024xf32>
    %reduce_min3A_26 = vector.multi_reduction <minimumf>, %bitcast_convert_type3A_25, %reduce_min3A [1] : vector<1024x2048xf32> to vector<1024xf32>
    %broadcast_in_dim3A_27 = vector.shape_cast %reduce_min3A_26 : vector<1024xf32> to vector<1024x1xf32>
    %gt3A = vector.broadcast %broadcast_in_dim3A_27 : vector<1024x1xf32> to vector<1024x2048xf32>
    %gt3A_28 = arith.cmpf ogt, %bitcast_convert_type3A_25, %gt3A : vector<1024x2048xf32>
    %jit3A = arith.constant 0x7F800000 : f32
    %broadcast_in_dim3A_29 = vector.broadcast %jit3A : f32 to vector<1024x2048xf32>
    %select_n3A = arith.select %gt3A_28, %bitcast_convert_type3A_25, %broadcast_in_dim3A_29 : vector<1024x2048xi1>, vector<1024x2048xf32>
    %reduce_min3A_30 = arith.constant dense<0x7F800000> : vector<1024xf32>
    %reduce_min3A_31 = vector.multi_reduction <minimumf>, %select_n3A, %reduce_min3A_30 [1] : vector<1024x2048xf32> to vector<1024xf32>
    %broadcast_in_dim3A_32 = vector.shape_cast %reduce_min3A_31 : vector<1024xf32> to vector<1024x1xf32>
    %squeeze3A = vector.shape_cast %broadcast_in_dim3A_32 : vector<1024x1xf32> to vector<1024xf32>
    %bitcast_convert_type3A_33 = tpu.bitcast %squeeze3A : vector<1024xf32> -> vector<1024xi32>
    %and3A_34 = arith.constant 2047 : i32
    %and3A_35 = vector.broadcast %and3A_34 : i32 to vector<1024xi32>
    %and3A_36 = arith.andi %bitcast_convert_type3A_33, %and3A_35 : vector<1024xi32>
    %swap3A = arith.constant 0 : index
    %swap3A_37 = arith.constant 0 : index
    %swap3A_38 = vector.load %arg3[%swap3A, %swap3A_37] : memref<1024x16xi32, #tpu.memory_space<vmem>>, vector<1024x1xi32>
    %swap3A_39 = vector.shape_cast %swap3A_38 : vector<1024x1xi32> to vector<1024xi32>
    %swap3A_40 = vector.shape_cast %and3A_36 : vector<1024xi32> to vector<1024x1xi32>
    tpu.vector_store %arg3[%swap3A, %swap3A_37], %swap3A_40 {strides = array<i32>} : memref<1024x16xi32, #tpu.memory_space<vmem>>, vector<1024x1xi32>,
    %gt3A_41 = vector.broadcast %broadcast_in_dim3A_32 : vector<1024x1xf32> to vector<1024x2048xf32>
    %gt3A_42 = arith.cmpf ogt, %bitcast_convert_type3A_25, %gt3A_41 : vector<1024x2048xf32>
    %jit3A_43 = arith.constant 0x7F800000 : f32
    %broadcast_in_dim3A_44 = vector.broadcast %jit3A_43 : f32 to vector<1024x2048xf32>
    %select_n3A_45 = arith.select %gt3A_42, %bitcast_convert_type3A_25, %broadcast_in_dim3A_44 : vector<1024x2048xi1>, vector<1024x2048xf32>
    %reduce_min3A_46 = arith.constant dense<0x7F800000> : vector<1024xf32>
    %reduce_min3A_47 = vector.multi_reduction <minimumf>, %select_n3A_45, %reduce_min3A_46 [1] : vector<1024x2048xf32> to vector<1024xf32>
    %broadcast_in_dim3A_48 = vector.shape_cast %reduce_min3A_47 : vector<1024xf32> to vector<1024x1xf32>
    %squeeze3A_49 = vector.shape_cast %broadcast_in_dim3A_48 : vector<1024x1xf32> to vector<1024xf32>
    %bitcast_convert_type3A_50 = tpu.bitcast %squeeze3A_49 : vector<1024xf32> -> vector<1024xi32>
    %and3A_51 = arith.constant 2047 : i32
    %and3A_52 = vector.broadcast %and3A_51 : i32 to vector<1024xi32>
    %and3A_53 = arith.andi %bitcast_convert_type3A_50, %and3A_52 : vector<1024xi32>
    %swap3A_54 = arith.constant 0 : index
    %swap3A_55 = arith.constant 1 : index
    %swap3A_56 = vector.load %arg3[%swap3A_54, %swap3A_55] : memref<1024x16xi32, #tpu.memory_space<vmem>>, vector<1024x1xi32>
    %swap3A_57 = vector.shape_cast %swap3A_56 : vector<1024x1xi32> to vector<1024xi32>
    %swap3A_58 = vector.shape_cast %and3A_53 : vector<1024xi32> to vector<1024x1xi32>
    tpu.vector_store %arg3[%swap3A_54, %swap3A_55], %swap3A_58 {strides = array<i32>} : memref<1024x16xi32, #tpu.memory_space<vmem>>, vector<1024x1xi32>,
    %gt3A_59 = vector.broadcast %broadcast_in_dim3A_48 : vector<1024x1xf32> to vector<1024x2048xf32>
    %gt3A_60 = arith.cmpf ogt, %bitcast_convert_type3A_25, %gt3A_59 : vector<1024x2048xf32>
    %jit3A_61 = arith.constant 0x7F800000 : f32
    %broadcast_in_dim3A_62 = vector.broadcast %jit3A_61 : f32 to vector<1024x2048xf32>
    %select_n3A_63 = arith.select %gt3A_60, %bitcast_convert_type3A_25, %broadcast_in_dim3A_62 : vector<1024x2048xi1>, vector<1024x2048xf32>
    %reduce_min3A_64 = arith.constant dense<0x7F800000> : vector<1024xf32>
    %reduce_min3A_65 = vector.multi_reduction <minimumf>, %select_n3A_63, %reduce_min3A_64 [1] : vector<1024x2048xf32> to vector<1024xf32>
    %broadcast_in_dim3A_66 = vector.shape_cast %reduce_min3A_65 : vector<1024xf32> to vector<1024x1xf32>
    %squeeze3A_67 = vector.shape_cast %broadcast_in_dim3A_66 : vector<1024x1xf32> to vector<1024xf32>
    %bitcast_convert_type3A_68 = tpu.bitcast %squeeze3A_67 : vector<1024xf32> -> vector<1024xi32>
    %and3A_69 = arith.constant 2047 : i32
    %and3A_70 = vector.broadcast %and3A_69 : i32 to vector<1024xi32>
    %and3A_71 = arith.andi %bitcast_convert_type3A_68, %and3A_70 : vector<1024xi32>
    %swap3A_72 = arith.constant 0 : index
    %swap3A_73 = arith.constant 2 : index
    %swap3A_74 = vector.load %arg3[%swap3A_72, %swap3A_73] : memref<1024x16xi32, #tpu.memory_space<vmem>>, vector<1024x1xi32>
    %swap3A_75 = vector.shape_cast %swap3A_74 : vector<1024x1xi32> to vector<1024xi32>
    %swap3A_76 = vector.shape_cast %and3A_71 : vector<1024xi32> to vector<1024x1xi32>
    tpu.vector_store %arg3[%swap3A_72, %swap3A_73], %swap3A_76 {strides = array<i32>} : memref<1024x16xi32, #tpu.memory_space<vmem>>, vector<1024x1xi32>,
    %gt3A_77 = vector.broadcast %broadcast_in_dim3A_66 : vector<1024x1xf32> to vector<1024x2048xf32>
    %gt3A_78 = arith.cmpf ogt, %bitcast_convert_type3A_25, %gt3A_77 : vector<1024x2048xf32>
    %jit3A_79 = arith.constant 0x7F800000 : f32
    %broadcast_in_dim3A_80 = vector.broadcast %jit3A_79 : f32 to vector<1024x2048xf32>
    %select_n3A_81 = arith.select %gt3A_78, %bitcast_convert_type3A_25, %broadcast_in_dim3A_80 : vector<1024x2048xi1>, vector<1024x2048xf32>
    %reduce_min3A_82 = arith.constant dense<0x7F800000> : vector<1024xf32>
    %reduce_min3A_83 = vector.multi_reduction <minimumf>, %select_n3A_81, %reduce_min3A_82 [1] : vector<1024x2048xf32> to vector<1024xf32>
    %broadcast_in_dim3A_84 = vector.shape_cast %reduce_min3A_83 : vector<1024xf32> to vector<1024x1xf32>
    %squeeze3A_85 = vector.shape_cast %broadcast_in_dim3A_84 : vector<1024x1xf32> to vector<1024xf32>
    %bitcast_convert_type3A_86 = tpu.bitcast %squeeze3A_85 : vector<1024xf32> -> vector<1024xi32>
    %and3A_87 = arith.constant 2047 : i32
    %and3A_88 = vector.broadcast %and3A_87 : i32 to vector<1024xi32>
    %and3A_89 = arith.andi %bitcast_convert_type3A_86, %and3A_88 : vector<1024xi32>
    %swap3A_90 = arith.constant 0 : index
    %swap3A_91 = arith.constant 3 : index
    %swap3A_92 = vector.load %arg3[%swap3A_90, %swap3A_91] : memref<1024x16xi32, #tpu.memory_space<vmem>>, vector<1024x1xi32>
    %swap3A_93 = vector.shape_cast %swap3A_92 : vector<1024x1xi32> to vector<1024xi32>
    %swap3A_94 = vector.shape_cast %and3A_89 : vector<1024xi32> to vector<1024x1xi32>
    tpu.vector_store %arg3[%swap3A_90, %swap3A_91], %swap3A_94 {strides = array<i32>} : memref<1024x16xi32, #tpu.memory_space<vmem>>, vector<1024x1xi32>,
    %gt3A_95 = vector.broadcast %broadcast_in_dim3A_84 : vector<1024x1xf32> to vector<1024x2048xf32>
    %gt3A_96 = arith.cmpf ogt, %bitcast_convert_type3A_25, %gt3A_95 : vector<1024x2048xf32>
    %jit3A_97 = arith.constant 0x7F800000 : f32
    %broadcast_in_dim3A_98 = vector.broadcast %jit3A_97 : f32 to vector<1024x2048xf32>
    %select_n3A_99 = arith.select %gt3A_96, %bitcast_convert_type3A_25, %broadcast_in_dim3A_98 : vector<1024x2048xi1>, vector<1024x2048xf32>
    %reduce_min3A_100 = arith.constant dense<0x7F800000> : vector<1024xf32>
    %reduce_min3A_101 = vector.multi_reduction <minimumf>, %select_n3A_99, %reduce_min3A_100 [1] : vector<1024x2048xf32> to vector<1024xf32>
    %broadcast_in_dim3A_102 = vector.shape_cast %reduce_min3A_101 : vector<1024xf32> to vector<1024x1xf32>
    %squeeze3A_103 = vector.shape_cast %broadcast_in_dim3A_102 : vector<1024x1xf32> to vector<1024xf32>
    %bitcast_convert_type3A_104 = tpu.bitcast %squeeze3A_103 : vector<1024xf32> -> vector<1024xi32>
    %and3A_105 = arith.constant 2047 : i32
    %and3A_106 = vector.broadcast %and3A_105 : i32 to vector<1024xi32>
    %and3A_107 = arith.andi %bitcast_convert_type3A_104, %and3A_106 : vector<1024xi32>
    %swap3A_108 = arith.constant 0 : index
    %swap3A_109 = arith.constant 4 : index
    %swap3A_110 = vector.load %arg3[%swap3A_108, %swap3A_109] : memref<1024x16xi32, #tpu.memory_space<vmem>>, vector<1024x1xi32>
    %swap3A_111 = vector.shape_cast %swap3A_110 : vector<1024x1xi32> to vector<1024xi32>
    %swap3A_112 = vector.shape_cast %and3A_107 : vector<1024xi32> to vector<1024x1xi32>
    tpu.vector_store %arg3[%swap3A_108, %swap3A_109], %swap3A_112 {strides = array<i32>} : memref<1024x16xi32, #tpu.memory_space<vmem>>, vector<1024x1xi32>,
    %gt3A_113 = vector.broadcast %broadcast_in_dim3A_102 : vector<1024x1xf32> to vector<1024x2048xf32>
    %gt3A_114 = arith.cmpf ogt, %bitcast_convert_type3A_25, %gt3A_113 : vector<1024x2048xf32>
    %jit3A_115 = arith.constant 0x7F800000 : f32
    %broadcast_in_dim3A_116 = vector.broadcast %jit3A_115 : f32 to vector<1024x2048xf32>
    %select_n3A_117 = arith.select %gt3A_114, %bitcast_convert_type3A_25, %broadcast_in_dim3A_116 : vector<1024x2048xi1>, vector<1024x2048xf32>
    %reduce_min3A_118 = arith.constant dense<0x7F800000> : vector<1024xf32>
    %reduce_min3A_119 = vector.multi_reduction <minimumf>, %select_n3A_117, %reduce_min3A_118 [1] : vector<1024x2048xf32> to vector<1024xf32>
    %broadcast_in_dim3A_120 = vector.shape_cast %reduce_min3A_119 : vector<1024xf32> to vector<1024x1xf32>
    %squeeze3A_121 = vector.shape_cast %broadcast_in_dim3A_120 : vector<1024x1xf32> to vector<1024xf32>
    %bitcast_convert_type3A_122 = tpu.bitcast %squeeze3A_121 : vector<1024xf32> -> vector<1024xi32>
    %and3A_123 = arith.constant 2047 : i32
    %and3A_124 = vector.broadcast %and3A_123 : i32 to vector<1024xi32>
    %and3A_125 = arith.andi %bitcast_convert_type3A_122, %and3A_124 : vector<1024xi32>
    %swap3A_126 = arith.constant 0 : index
    %swap3A_127 = arith.constant 5 : index
    %swap3A_128 = vector.load %arg3[%swap3A_126, %swap3A_127] : memref<1024x16xi32, #tpu.memory_space<vmem>>, vector<1024x1xi32>
    %swap3A_129 = vector.shape_cast %swap3A_128 : vector<1024x1xi32> to vector<1024xi32>
    %swap3A_130 = vector.shape_cast %and3A_125 : vector<1024xi32> to vector<1024x1xi32>
    tpu.vector_store %arg3[%swap3A_126, %swap3A_127], %swap3A_130 {strides = array<i32>} : memref<1024x16xi32, #tpu.memory_space<vmem>>, vector<1024x1xi32>,
    %gt3A_131 = vector.broadcast %broadcast_in_dim3A_120 : vector<1024x1xf32> to vector<1024x2048xf32>
    %gt3A_132 = arith.cmpf ogt, %bitcast_convert_type3A_25, %gt3A_131 : vector<1024x2048xf32>
    %jit3A_133 = arith.constant 0x7F800000 : f32
    %broadcast_in_dim3A_134 = vector.broadcast %jit3A_133 : f32 to vector<1024x2048xf32>
    %select_n3A_135 = arith.select %gt3A_132, %bitcast_convert_type3A_25, %broadcast_in_dim3A_134 : vector<1024x2048xi1>, vector<1024x2048xf32>
    %reduce_min3A_136 = arith.constant dense<0x7F800000> : vector<1024xf32>
    %reduce_min3A_137 = vector.multi_reduction <minimumf>, %select_n3A_135, %reduce_min3A_136 [1] : vector<1024x2048xf32> to vector<1024xf32>
    %broadcast_in_dim3A_138 = vector.shape_cast %reduce_min3A_137 : vector<1024xf32> to vector<1024x1xf32>
    %squeeze3A_139 = vector.shape_cast %broadcast_in_dim3A_138 : vector<1024x1xf32> to vector<1024xf32>
    %bitcast_convert_type3A_140 = tpu.bitcast %squeeze3A_139 : vector<1024xf32> -> vector<1024xi32>
    %and3A_141 = arith.constant 2047 : i32
    %and3A_142 = vector.broadcast %and3A_141 : i32 to vector<1024xi32>
    %and3A_143 = arith.andi %bitcast_convert_type3A_140, %and3A_142 : vector<1024xi32>
    %swap3A_144 = arith.constant 0 : index
    %swap3A_145 = arith.constant 6 : index
    %swap3A_146 = vector.load %arg3[%swap3A_144, %swap3A_145] : memref<1024x16xi32, #tpu.memory_space<vmem>>, vector<1024x1xi32>
    %swap3A_147 = vector.shape_cast %swap3A_146 : vector<1024x1xi32> to vector<1024xi32>
    %swap3A_148 = vector.shape_cast %and3A_143 : vector<1024xi32> to vector<1024x1xi32>
    tpu.vector_store %arg3[%swap3A_144, %swap3A_145], %swap3A_148 {strides = array<i32>} : memref<1024x16xi32, #tpu.memory_space<vmem>>, vector<1024x1xi32>,
    %gt3A_149 = vector.broadcast %broadcast_in_dim3A_138 : vector<1024x1xf32> to vector<1024x2048xf32>
    %gt3A_150 = arith.cmpf ogt, %bitcast_convert_type3A_25, %gt3A_149 : vector<1024x2048xf32>
    %jit3A_151 = arith.constant 0x7F800000 : f32
    %broadcast_in_dim3A_152 = vector.broadcast %jit3A_151 : f32 to vector<1024x2048xf32>
    %select_n3A_153 = arith.select %gt3A_150, %bitcast_convert_type3A_25, %broadcast_in_dim3A_152 : vector<1024x2048xi1>, vector<1024x2048xf32>
    %reduce_min3A_154 = arith.constant dense<0x7F800000> : vector<1024xf32>
    %reduce_min3A_155 = vector.multi_reduction <minimumf>, %select_n3A_153, %reduce_min3A_154 [1] : vector<1024x2048xf32> to vector<1024xf32>
    %broadcast_in_dim3A_156 = vector.shape_cast %reduce_min3A_155 : vector<1024xf32> to vector<1024x1xf32>
    %squeeze3A_157 = vector.shape_cast %broadcast_in_dim3A_156 : vector<1024x1xf32> to vector<1024xf32>
    %bitcast_convert_type3A_158 = tpu.bitcast %squeeze3A_157 : vector<1024xf32> -> vector<1024xi32>
    %and3A_159 = arith.constant 2047 : i32
    %and3A_160 = vector.broadcast %and3A_159 : i32 to vector<1024xi32>
    %and3A_161 = arith.andi %bitcast_convert_type3A_158, %and3A_160 : vector<1024xi32>
    %swap3A_162 = arith.constant 0 : index
    %swap3A_163 = arith.constant 7 : index
    %swap3A_164 = vector.load %arg3[%swap3A_162, %swap3A_163] : memref<1024x16xi32, #tpu.memory_space<vmem>>, vector<1024x1xi32>
    %swap3A_165 = vector.shape_cast %swap3A_164 : vector<1024x1xi32> to vector<1024xi32>
    %swap3A_166 = vector.shape_cast %and3A_161 : vector<1024xi32> to vector<1024x1xi32>
    tpu.vector_store %arg3[%swap3A_162, %swap3A_163], %swap3A_166 {strides = array<i32>} : memref<1024x16xi32, #tpu.memory_space<vmem>>, vector<1024x1xi32>,
    %gt3A_167 = vector.broadcast %broadcast_in_dim3A_156 : vector<1024x1xf32> to vector<1024x2048xf32>
    %gt3A_168 = arith.cmpf ogt, %bitcast_convert_type3A_25, %gt3A_167 : vector<1024x2048xf32>
    %jit3A_169 = arith.constant 0x7F800000 : f32
    %broadcast_in_dim3A_170 = vector.broadcast %jit3A_169 : f32 to vector<1024x2048xf32>
    %select_n3A_171 = arith.select %gt3A_168, %bitcast_convert_type3A_25, %broadcast_in_dim3A_170 : vector<1024x2048xi1>, vector<1024x2048xf32>
    %reduce_min3A_172 = arith.constant dense<0x7F800000> : vector<1024xf32>
    %reduce_min3A_173 = vector.multi_reduction <minimumf>, %select_n3A_171, %reduce_min3A_172 [1] : vector<1024x2048xf32> to vector<1024xf32>
    %broadcast_in_dim3A_174 = vector.shape_cast %reduce_min3A_173 : vector<1024xf32> to vector<1024x1xf32>
    %squeeze3A_175 = vector.shape_cast %broadcast_in_dim3A_174 : vector<1024x1xf32> to vector<1024xf32>
    %bitcast_convert_type3A_176 = tpu.bitcast %squeeze3A_175 : vector<1024xf32> -> vector<1024xi32>
    %and3A_177 = arith.constant 2047 : i32
    %and3A_178 = vector.broadcast %and3A_177 : i32 to vector<1024xi32>
    %and3A_179 = arith.andi %bitcast_convert_type3A_176, %and3A_178 : vector<1024xi32>
    %swap3A_180 = arith.constant 0 : index
    %swap3A_181 = arith.constant 8 : index
    %swap3A_182 = vector.load %arg3[%swap3A_180, %swap3A_181] : memref<1024x16xi32, #tpu.memory_space<vmem>>, vector<1024x1xi32>
    %swap3A_183 = vector.shape_cast %swap3A_182 : vector<1024x1xi32> to vector<1024xi32>
    %swap3A_184 = vector.shape_cast %and3A_179 : vector<1024xi32> to vector<1024x1xi32>
    tpu.vector_store %arg3[%swap3A_180, %swap3A_181], %swap3A_184 {strides = array<i32>} : memref<1024x16xi32, #tpu.memory_space<vmem>>, vector<1024x1xi32>,
    %gt3A_185 = vector.broadcast %broadcast_in_dim3A_174 : vector<1024x1xf32> to vector<1024x2048xf32>
    %gt3A_186 = arith.cmpf ogt, %bitcast_convert_type3A_25, %gt3A_185 : vector<1024x2048xf32>
    %jit3A_187 = arith.constant 0x7F800000 : f32
    %broadcast_in_dim3A_188 = vector.broadcast %jit3A_187 : f32 to vector<1024x2048xf32>
    %select_n3A_189 = arith.select %gt3A_186, %bitcast_convert_type3A_25, %broadcast_in_dim3A_188 : vector<1024x2048xi1>, vector<1024x2048xf32>
    %reduce_min3A_190 = arith.constant dense<0x7F800000> : vector<1024xf32>
    %reduce_min3A_191 = vector.multi_reduction <minimumf>, %select_n3A_189, %reduce_min3A_190 [1] : vector<1024x2048xf32> to vector<1024xf32>
    %broadcast_in_dim3A_192 = vector.shape_cast %reduce_min3A_191 : vector<1024xf32> to vector<1024x1xf32>
    %squeeze3A_193 = vector.shape_cast %broadcast_in_dim3A_192 : vector<1024x1xf32> to vector<1024xf32>
    %bitcast_convert_type3A_194 = tpu.bitcast %squeeze3A_193 : vector<1024xf32> -> vector<1024xi32>
    %and3A_195 = arith.constant 2047 : i32
    %and3A_196 = vector.broadcast %and3A_195 : i32 to vector<1024xi32>
    %and3A_197 = arith.andi %bitcast_convert_type3A_194, %and3A_196 : vector<1024xi32>
    %swap3A_198 = arith.constant 0 : index
    %swap3A_199 = arith.constant 9 : index
    %swap3A_200 = vector.load %arg3[%swap3A_198, %swap3A_199] : memref<1024x16xi32, #tpu.memory_space<vmem>>, vector<1024x1xi32>
    %swap3A_201 = vector.shape_cast %swap3A_200 : vector<1024x1xi32> to vector<1024xi32>
    %swap3A_202 = vector.shape_cast %and3A_197 : vector<1024xi32> to vector<1024x1xi32>
    tpu.vector_store %arg3[%swap3A_198, %swap3A_199], %swap3A_202 {strides = array<i32>} : memref<1024x16xi32, #tpu.memory_space<vmem>>, vector<1024x1xi32>,
    %gt3A_203 = vector.broadcast %broadcast_in_dim3A_192 : vector<1024x1xf32> to vector<1024x2048xf32>
    %gt3A_204 = arith.cmpf ogt, %bitcast_convert_type3A_25, %gt3A_203 : vector<1024x2048xf32>
    %jit3A_205 = arith.constant 0x7F800000 : f32
    %broadcast_in_dim3A_206 = vector.broadcast %jit3A_205 : f32 to vector<1024x2048xf32>
    %select_n3A_207 = arith.select %gt3A_204, %bitcast_convert_type3A_25, %broadcast_in_dim3A_206 : vector<1024x2048xi1>, vector<1024x2048xf32>
    %reduce_min3A_208 = arith.constant dense<0x7F800000> : vector<1024xf32>
    %reduce_min3A_209 = vector.multi_reduction <minimumf>, %select_n3A_207, %reduce_min3A_208 [1] : vector<1024x2048xf32> to vector<1024xf32>
    %broadcast_in_dim3A_210 = vector.shape_cast %reduce_min3A_209 : vector<1024xf32> to vector<1024x1xf32>
    %squeeze3A_211 = vector.shape_cast %broadcast_in_dim3A_210 : vector<1024x1xf32> to vector<1024xf32>
    %bitcast_convert_type3A_212 = tpu.bitcast %squeeze3A_211 : vector<1024xf32> -> vector<1024xi32>
    %and3A_213 = arith.constant 2047 : i32
    %and3A_214 = vector.broadcast %and3A_213 : i32 to vector<1024xi32>
    %and3A_215 = arith.andi %bitcast_convert_type3A_212, %and3A_214 : vector<1024xi32>
    %swap3A_216 = arith.constant 0 : index
    %swap3A_217 = arith.constant 10 : index
    %swap3A_218 = vector.load %arg3[%swap3A_216, %swap3A_217] : memref<1024x16xi32, #tpu.memory_space<vmem>>, vector<1024x1xi32>
    %swap3A_219 = vector.shape_cast %swap3A_218 : vector<1024x1xi32> to vector<1024xi32>
    %swap3A_220 = vector.shape_cast %and3A_215 : vector<1024xi32> to vector<1024x1xi32>
    tpu.vector_store %arg3[%swap3A_216, %swap3A_217], %swap3A_220 {strides = array<i32>} : memref<1024x16xi32, #tpu.memory_space<vmem>>, vector<1024x1xi32>,
    %gt3A_221 = vector.broadcast %broadcast_in_dim3A_210 : vector<1024x1xf32> to vector<1024x2048xf32>
    %gt3A_222 = arith.cmpf ogt, %bitcast_convert_type3A_25, %gt3A_221 : vector<1024x2048xf32>
    %jit3A_223 = arith.constant 0x7F800000 : f32
    %broadcast_in_dim3A_224 = vector.broadcast %jit3A_223 : f32 to vector<1024x2048xf32>
    %select_n3A_225 = arith.select %gt3A_222, %bitcast_convert_type3A_25, %broadcast_in_dim3A_224 : vector<1024x2048xi1>, vector<1024x2048xf32>
    %reduce_min3A_226 = arith.constant dense<0x7F800000> : vector<1024xf32>
    %reduce_min3A_227 = vector.multi_reduction <minimumf>, %select_n3A_225, %reduce_min3A_226 [1] : vector<1024x2048xf32> to vector<1024xf32>
    %broadcast_in_dim3A_228 = vector.shape_cast %reduce_min3A_227 : vector<1024xf32> to vector<1024x1xf32>
    %squeeze3A_229 = vector.shape_cast %broadcast_in_dim3A_228 : vector<1024x1xf32> to vector<1024xf32>
    %bitcast_convert_type3A_230 = tpu.bitcast %squeeze3A_229 : vector<1024xf32> -> vector<1024xi32>
    %and3A_231 = arith.constant 2047 : i32
    %and3A_232 = vector.broadcast %and3A_231 : i32 to vector<1024xi32>
    %and3A_233 = arith.andi %bitcast_convert_type3A_230, %and3A_232 : vector<1024xi32>
    %swap3A_234 = arith.constant 0 : index
    %swap3A_235 = arith.constant 11 : index
    %swap3A_236 = vector.load %arg3[%swap3A_234, %swap3A_235] : memref<1024x16xi32, #tpu.memory_space<vmem>>, vector<1024x1xi32>
    %swap3A_237 = vector.shape_cast %swap3A_236 : vector<1024x1xi32> to vector<1024xi32>
    %swap3A_238 = vector.shape_cast %and3A_233 : vector<1024xi32> to vector<1024x1xi32>
    tpu.vector_store %arg3[%swap3A_234, %swap3A_235], %swap3A_238 {strides = array<i32>} : memref<1024x16xi32, #tpu.memory_space<vmem>>, vector<1024x1xi32>,
    %gt3A_239 = vector.broadcast %broadcast_in_dim3A_228 : vector<1024x1xf32> to vector<1024x2048xf32>
    %gt3A_240 = arith.cmpf ogt, %bitcast_convert_type3A_25, %gt3A_239 : vector<1024x2048xf32>
    %jit3A_241 = arith.constant 0x7F800000 : f32
    %broadcast_in_dim3A_242 = vector.broadcast %jit3A_241 : f32 to vector<1024x2048xf32>
    %select_n3A_243 = arith.select %gt3A_240, %bitcast_convert_type3A_25, %broadcast_in_dim3A_242 : vector<1024x2048xi1>, vector<1024x2048xf32>
    %reduce_min3A_244 = arith.constant dense<0x7F800000> : vector<1024xf32>
    %reduce_min3A_245 = vector.multi_reduction <minimumf>, %select_n3A_243, %reduce_min3A_244 [1] : vector<1024x2048xf32> to vector<1024xf32>
    %broadcast_in_dim3A_246 = vector.shape_cast %reduce_min3A_245 : vector<1024xf32> to vector<1024x1xf32>
    %squeeze3A_247 = vector.shape_cast %broadcast_in_dim3A_246 : vector<1024x1xf32> to vector<1024xf32>
    %bitcast_convert_type3A_248 = tpu.bitcast %squeeze3A_247 : vector<1024xf32> -> vector<1024xi32>
    %and3A_249 = arith.constant 2047 : i32
    %and3A_250 = vector.broadcast %and3A_249 : i32 to vector<1024xi32>
    %and3A_251 = arith.andi %bitcast_convert_type3A_248, %and3A_250 : vector<1024xi32>
    %swap3A_252 = arith.constant 0 : index
    %swap3A_253 = arith.constant 12 : index
    %swap3A_254 = vector.load %arg3[%swap3A_252, %swap3A_253] : memref<1024x16xi32, #tpu.memory_space<vmem>>, vector<1024x1xi32>
    %swap3A_255 = vector.shape_cast %swap3A_254 : vector<1024x1xi32> to vector<1024xi32>
    %swap3A_256 = vector.shape_cast %and3A_251 : vector<1024xi32> to vector<1024x1xi32>
    tpu.vector_store %arg3[%swap3A_252, %swap3A_253], %swap3A_256 {strides = array<i32>} : memref<1024x16xi32, #tpu.memory_space<vmem>>, vector<1024x1xi32>,
    %gt3A_257 = vector.broadcast %broadcast_in_dim3A_246 : vector<1024x1xf32> to vector<1024x2048xf32>
    %gt3A_258 = arith.cmpf ogt, %bitcast_convert_type3A_25, %gt3A_257 : vector<1024x2048xf32>
    %jit3A_259 = arith.constant 0x7F800000 : f32
    %broadcast_in_dim3A_260 = vector.broadcast %jit3A_259 : f32 to vector<1024x2048xf32>
    %select_n3A_261 = arith.select %gt3A_258, %bitcast_convert_type3A_25, %broadcast_in_dim3A_260 : vector<1024x2048xi1>, vector<1024x2048xf32>
    %reduce_min3A_262 = arith.constant dense<0x7F800000> : vector<1024xf32>
    %reduce_min3A_263 = vector.multi_reduction <minimumf>, %select_n3A_261, %reduce_min3A_262 [1] : vector<1024x2048xf32> to vector<1024xf32>
    %broadcast_in_dim3A_264 = vector.shape_cast %reduce_min3A_263 : vector<1024xf32> to vector<1024x1xf32>
    %squeeze3A_265 = vector.shape_cast %broadcast_in_dim3A_264 : vector<1024x1xf32> to vector<1024xf32>
    %bitcast_convert_type3A_266 = tpu.bitcast %squeeze3A_265 : vector<1024xf32> -> vector<1024xi32>
    %and3A_267 = arith.constant 2047 : i32
    %and3A_268 = vector.broadcast %and3A_267 : i32 to vector<1024xi32>
    %and3A_269 = arith.andi %bitcast_convert_type3A_266, %and3A_268 : vector<1024xi32>
    %swap3A_270 = arith.constant 0 : index
    %swap3A_271 = arith.constant 13 : index
    %swap3A_272 = vector.load %arg3[%swap3A_270, %swap3A_271] : memref<1024x16xi32, #tpu.memory_space<vmem>>, vector<1024x1xi32>
    %swap3A_273 = vector.shape_cast %swap3A_272 : vector<1024x1xi32> to vector<1024xi32>
    %swap3A_274 = vector.shape_cast %and3A_269 : vector<1024xi32> to vector<1024x1xi32>
    tpu.vector_store %arg3[%swap3A_270, %swap3A_271], %swap3A_274 {strides = array<i32>} : memref<1024x16xi32, #tpu.memory_space<vmem>>, vector<1024x1xi32>,
    %gt3A_275 = vector.broadcast %broadcast_in_dim3A_264 : vector<1024x1xf32> to vector<1024x2048xf32>
    %gt3A_276 = arith.cmpf ogt, %bitcast_convert_type3A_25, %gt3A_275 : vector<1024x2048xf32>
    %jit3A_277 = arith.constant 0x7F800000 : f32
    %broadcast_in_dim3A_278 = vector.broadcast %jit3A_277 : f32 to vector<1024x2048xf32>
    %select_n3A_279 = arith.select %gt3A_276, %bitcast_convert_type3A_25, %broadcast_in_dim3A_278 : vector<1024x2048xi1>, vector<1024x2048xf32>
    %reduce_min3A_280 = arith.constant dense<0x7F800000> : vector<1024xf32>
    %reduce_min3A_281 = vector.multi_reduction <minimumf>, %select_n3A_279, %reduce_min3A_280 [1] : vector<1024x2048xf32> to vector<1024xf32>
    %broadcast_in_dim3A_282 = vector.shape_cast %reduce_min3A_281 : vector<1024xf32> to vector<1024x1xf32>
    %squeeze3A_283 = vector.shape_cast %broadcast_in_dim3A_282 : vector<1024x1xf32> to vector<1024xf32>
    %bitcast_convert_type3A_284 = tpu.bitcast %squeeze3A_283 : vector<1024xf32> -> vector<1024xi32>
    %and3A_285 = arith.constant 2047 : i32
    %and3A_286 = vector.broadcast %and3A_285 : i32 to vector<1024xi32>
    %and3A_287 = arith.andi %bitcast_convert_type3A_284, %and3A_286 : vector<1024xi32>
    %swap3A_288 = arith.constant 0 : index
    %swap3A_289 = arith.constant 14 : index
    %swap3A_290 = vector.load %arg3[%swap3A_288, %swap3A_289] : memref<1024x16xi32, #tpu.memory_space<vmem>>, vector<1024x1xi32>
    %swap3A_291 = vector.shape_cast %swap3A_290 : vector<1024x1xi32> to vector<1024xi32>
    %swap3A_292 = vector.shape_cast %and3A_287 : vector<1024xi32> to vector<1024x1xi32>
    tpu.vector_store %arg3[%swap3A_288, %swap3A_289], %swap3A_292 {strides = array<i32>} : memref<1024x16xi32, #tpu.memory_space<vmem>>, vector<1024x1xi32>,
    %gt3A_293 = vector.broadcast %broadcast_in_dim3A_282 : vector<1024x1xf32> to vector<1024x2048xf32>
    %gt3A_294 = arith.cmpf ogt, %bitcast_convert_type3A_25, %gt3A_293 : vector<1024x2048xf32>
    %jit3A_295 = arith.constant 0x7F800000 : f32
    %broadcast_in_dim3A_296 = vector.broadcast %jit3A_295 : f32 to vector<1024x2048xf32>
    %select_n3A_297 = arith.select %gt3A_294, %bitcast_convert_type3A_25, %broadcast_in_dim3A_296 : vector<1024x2048xi1>, vector<1024x2048xf32>
    %reduce_min3A_298 = arith.constant dense<0x7F800000> : vector<1024xf32>
    %reduce_min3A_299 = vector.multi_reduction <minimumf>, %select_n3A_297, %reduce_min3A_298 [1] : vector<1024x2048xf32> to vector<1024xf32>
    %broadcast_in_dim3A_300 = vector.shape_cast %reduce_min3A_299 : vector<1024xf32> to vector<1024x1xf32>
    %squeeze3A_301 = vector.shape_cast %broadcast_in_dim3A_300 : vector<1024x1xf32> to vector<1024xf32>
    %bitcast_convert_type3A_302 = tpu.bitcast %squeeze3A_301 : vector<1024xf32> -> vector<1024xi32>
    %and3A_303 = arith.constant 2047 : i32
    %and3A_304 = vector.broadcast %and3A_303 : i32 to vector<1024xi32>
    %and3A_305 = arith.andi %bitcast_convert_type3A_302, %and3A_304 : vector<1024xi32>
    %swap3A_306 = arith.constant 0 : index
    %swap3A_307 = arith.constant 15 : index
    %swap3A_308 = vector.load %arg3[%swap3A_306, %swap3A_307] : memref<1024x16xi32, #tpu.memory_space<vmem>>, vector<1024x1xi32>
    %swap3A_309 = vector.shape_cast %swap3A_308 : vector<1024x1xi32> to vector<1024xi32>
    %swap3A_310 = vector.shape_cast %and3A_305 : vector<1024xi32> to vector<1024x1xi32>
    tpu.vector_store %arg3[%swap3A_306, %swap3A_307], %swap3A_310 {strides = array<i32>} : memref<1024x16xi32, #tpu.memory_space<vmem>>, vector<1024x1xi32>,
    %broadcast_in_dim3A_311 = arith.constant 0.000000e+00 : f32
    %broadcast_in_dim3A_312 = vector.broadcast %broadcast_in_dim3A_311 : f32 to vector<1024x64xf32>
    %concatenate3A = tpu.concatenate %get3A_3, %broadcast_in_dim3A_312 in 1 : vector<1024x64xf32>, vector<1024x64xf32> -> vector<1024x128xf32>
    %swap3A_313 = arith.constant 0 : index
    %swap3A_314 = arith.constant 0 : index
    %swap3A_315 = vector.load %arg4[%swap3A_313, %swap3A_314] : memref<1024x128xf32, #tpu.memory_space<vmem>>, vector<1024x128xf32>
    tpu.vector_store %arg4[%swap3A_313, %swap3A_314], %concatenate3A {strides = array<i32>} : memref<1024x128xf32, #tpu.memory_space<vmem>>, vector<1024x128xf32>,
    return
  }
  func.func @transform_0(%arg0: i32) -> (i32, i32, i32) {
    %c3_i32 = arith.constant 3 : i32
    %c0_i32 = arith.constant 0 : i32
    %c0_i32_0 = arith.constant 0 : i32
    %c0_i32_1 = arith.constant 0 : i32
    return %c3_i32, %c0_i32, %c0_i32_0 : i32, i32, i32
  }
  func.func @transform_1(%arg0: i32) -> (i32, i32, i32) {
    %c3_i32 = arith.constant 3 : i32
    %c0_i32 = arith.constant 0 : i32
    %c0_i32_0 = arith.constant 0 : i32
    return %c3_i32, %arg0, %c0_i32 : i32, i32, i32
  }
  func.func @transform_2(%arg0: i32) -> (i32, i32) {
    %c0_i32 = arith.constant 0 : i32
    %c0_i32_0 = arith.constant 0 : i32
    return %arg0, %c0_i32 : i32, i32
  }
  func.func @transform_3(%arg0: i32) -> (i32, i32) {
    %c0_i32 = arith.constant 0 : i32
    %c0_i32_0 = arith.constant 0 : i32
    return %arg0, %c0_i32 : i32, i32
  }
}

module attributes {stable_mosaic.version = 14 : i64} {
  func.func @_mlp_body(%arg0: i32, %arg1: memref<1024x16x128xf32, #tpu.memory_space<vmem>>, %arg2: memref<1x1024x64xf32, #tpu.memory_space<vmem>>, %arg3: memref<1x64x1024xf32, #tpu.memory_space<vmem>>, %arg4: memref<256x64xf32, #tpu.memory_space<vmem>>, %arg5: memref<1x256xf32, #tpu.memory_space<vmem>>, %arg6: memref<256x64xbf16, #tpu.memory_space<vmem>>, %arg7: memref<256x256xbf16, #tpu.memory_space<vmem>>, %arg8: memref<1x256xf32, #tpu.memory_space<vmem>>, %arg9: memref<64x256xbf16, #tpu.memory_space<vmem>>, %arg10: memref<1x64xf32, #tpu.memory_space<vmem>>, %arg11: memref<64x1024xf32, #tpu.memory_space<vmem>>) attributes {dimension_semantics = [#tpu.dimension_semantics<arbitrary>], iteration_bounds = array<i64: 2>, scalar_prefetch = 0 : i64, scratch_operands = 0 : i64, tpu.core_type = #tpu.core_type<tc>, window_params = [{transform_indices = @transform_0, window_bounds = array<i64: 1024, 16, 128>}, {transform_indices = @transform_1, window_bounds = array<i64: 1, 1024, 64>}, {transform_indices = @transform_2, window_bounds = array<i64: 1, 64, 1024>}, {pipeline_mode = #tpu.pipeline_mode<synchronous>, transform_indices = @transform_3, window_bounds = array<i64: 256, 64>}, {pipeline_mode = #tpu.pipeline_mode<synchronous>, transform_indices = @transform_4, window_bounds = array<i64: 1, 256>}, {pipeline_mode = #tpu.pipeline_mode<synchronous>, transform_indices = @transform_5, window_bounds = array<i64: 256, 64>}, {pipeline_mode = #tpu.pipeline_mode<synchronous>, transform_indices = @transform_6, window_bounds = array<i64: 256, 256>}, {pipeline_mode = #tpu.pipeline_mode<synchronous>, transform_indices = @transform_7, window_bounds = array<i64: 1, 256>}, {pipeline_mode = #tpu.pipeline_mode<synchronous>, transform_indices = @transform_8, window_bounds = array<i64: 64, 256>}, {pipeline_mode = #tpu.pipeline_mode<synchronous>, transform_indices = @transform_9, window_bounds = array<i64: 1, 64>}, {transform_indices = @transform_10, window_bounds = array<i64: 64, 1024>}]} {
    %get3A = arith.constant 0 : index
    %get3A_0 = arith.constant 0 : index
    %get3A_1 = arith.constant 0 : index
    %get3A_2 = vector.load %arg2[%get3A, %get3A_0, %get3A_1] : memref<1x1024x64xf32, #tpu.memory_space<vmem>>, vector<1x1024x64xf32>
    %get3A_3 = vector.shape_cast %get3A_2 : vector<1x1024x64xf32> to vector<1024x64xf32>
    %get3A_4 = arith.constant 0 : index
    %get3A_5 = arith.constant 0 : index
    %get3A_6 = vector.load %arg4[%get3A_4, %get3A_5] : memref<256x64xf32, #tpu.memory_space<vmem>>, vector<256x64xf32>
    %dot_general3A = arith.constant dense<0.000000e+00> : vector<1024x256xf32>
    %dot_general3A_7 = tpu.matmul %get3A_3, %get3A_6, %dot_general3A {dimension_numbers = #tpu.dot_dimension_numbers<[1], [1], [0], [0], [0, 0, 1, 0], [], []>, transpose_lhs_hint = false} : vector<1024x64xf32>, vector<256x64xf32>, vector<1024x256xf32> -> vector<1024x256xf32>
    %get3A_8 = arith.constant 0 : index
    %get3A_9 = arith.constant 0 : index
    %get3A_10 = vector.load %arg5[%get3A_8, %get3A_9] : memref<1x256xf32, #tpu.memory_space<vmem>>, vector<1x256xf32>
    %add3A = vector.broadcast %get3A_10 : vector<1x256xf32> to vector<1024x256xf32>
    %add3A_11 = arith.addf %dot_general3A_7, %add3A : vector<1024x256xf32>
    %get3A_12 = arith.constant 0 : index
    %get3A_13 = arith.constant 0 : index
    %get3A_14 = arith.constant 0 : index
    %get3A_15 = vector.load %arg1[%get3A_12, %get3A_13, %get3A_14] : memref<1024x16x128xf32, #tpu.memory_space<vmem>>, vector<1024x16x64xf32>
    %reshape3A = vector.shape_cast %get3A_15 : vector<1024x16x64xf32> to vector<16384x64xf32>
    %convert_element_type3A = arith.truncf %reshape3A : vector<16384x64xf32> to vector<16384x64xbf16>
    %get3A_16 = arith.constant 0 : index
    %get3A_17 = arith.constant 0 : index
    %get3A_18 = vector.load %arg6[%get3A_16, %get3A_17] : memref<256x64xbf16, #tpu.memory_space<vmem>>, vector<256x64xbf16>
    %dot_general3A_19 = arith.constant dense<0.000000e+00> : vector<16384x256xf32>
    %dot_general3A_20 = tpu.matmul %convert_element_type3A, %get3A_18, %dot_general3A_19 {dimension_numbers = #tpu.dot_dimension_numbers<[1], [1], [0], [0], [0, 0, 1, 0], [], []>, transpose_lhs_hint = false} : vector<16384x64xbf16>, vector<256x64xbf16>, vector<16384x256xf32> -> vector<16384x256xf32>
    %reshape3A_21 = vector.shape_cast %dot_general3A_20 : vector<16384x256xf32> to vector<1024x16x256xf32>
    %broadcast_in_dim3A = vector.shape_cast %add3A_11 : vector<1024x256xf32> to vector<1024x1x256xf32>
    %add3A_22 = vector.broadcast %broadcast_in_dim3A : vector<1024x1x256xf32> to vector<1024x16x256xf32>
    %add3A_23 = arith.addf %reshape3A_21, %add3A_22 : vector<1024x16x256xf32>
    %max3A = arith.constant 0.000000e+00 : f32
    %max3A_24 = vector.broadcast %max3A : f32 to vector<1024x16x256xf32>
    %max3A_25 = arith.maximumf %add3A_23, %max3A_24 : vector<1024x16x256xf32>
    %reshape3A_26 = vector.shape_cast %max3A_25 : vector<1024x16x256xf32> to vector<16384x256xf32>
    %convert_element_type3A_27 = arith.truncf %reshape3A_26 : vector<16384x256xf32> to vector<16384x256xbf16>
    %get3A_28 = arith.constant 0 : index
    %get3A_29 = arith.constant 0 : index
    %get3A_30 = vector.load %arg7[%get3A_28, %get3A_29] : memref<256x256xbf16, #tpu.memory_space<vmem>>, vector<256x256xbf16>
    %dot_general3A_31 = arith.constant dense<0.000000e+00> : vector<16384x256xf32>
    %dot_general3A_32 = tpu.matmul %convert_element_type3A_27, %get3A_30, %dot_general3A_31 {dimension_numbers = #tpu.dot_dimension_numbers<[1], [1], [0], [0], [0, 0, 1, 0], [], []>, transpose_lhs_hint = false} : vector<16384x256xbf16>, vector<256x256xbf16>, vector<16384x256xf32> -> vector<16384x256xf32>
    %get3A_33 = arith.constant 0 : index
    %get3A_34 = arith.constant 0 : index
    %get3A_35 = vector.load %arg8[%get3A_33, %get3A_34] : memref<1x256xf32, #tpu.memory_space<vmem>>, vector<1x256xf32>
    %add3A_36 = vector.broadcast %get3A_35 : vector<1x256xf32> to vector<16384x256xf32>
    %add3A_37 = arith.addf %dot_general3A_32, %add3A_36 : vector<16384x256xf32>
    %max3A_38 = arith.constant 0.000000e+00 : f32
    %max3A_39 = vector.broadcast %max3A_38 : f32 to vector<16384x256xf32>
    %max3A_40 = arith.maximumf %add3A_37, %max3A_39 : vector<16384x256xf32>
    %convert_element_type3A_41 = arith.truncf %max3A_40 : vector<16384x256xf32> to vector<16384x256xbf16>
    %get3A_42 = arith.constant 0 : index
    %get3A_43 = arith.constant 0 : index
    %get3A_44 = vector.load %arg9[%get3A_42, %get3A_43] : memref<64x256xbf16, #tpu.memory_space<vmem>>, vector<64x256xbf16>
    %dot_general3A_45 = arith.constant dense<0.000000e+00> : vector<16384x64xf32>
    %dot_general3A_46 = tpu.matmul %convert_element_type3A_41, %get3A_44, %dot_general3A_45 {dimension_numbers = #tpu.dot_dimension_numbers<[1], [1], [0], [0], [0, 0, 1, 0], [], []>, transpose_lhs_hint = false} : vector<16384x256xbf16>, vector<64x256xbf16>, vector<16384x64xf32> -> vector<16384x64xf32>
    %get3A_47 = arith.constant 0 : index
    %get3A_48 = arith.constant 0 : index
    %get3A_49 = vector.load %arg10[%get3A_47, %get3A_48] : memref<1x64xf32, #tpu.memory_space<vmem>>, vector<1x64xf32>
    %add3A_50 = vector.broadcast %get3A_49 : vector<1x64xf32> to vector<16384x64xf32>
    %add3A_51 = arith.addf %dot_general3A_46, %add3A_50 : vector<16384x64xf32>
    %reshape3A_52 = vector.shape_cast %add3A_51 : vector<16384x64xf32> to vector<1024x16x64xf32>
    %reduce_max3A = arith.constant dense<0xFF800000> : vector<1024x64xf32>
    %reduce_max3A_53 = vector.multi_reduction <maximumf>, %reshape3A_52, %reduce_max3A [1] : vector<1024x16x64xf32> to vector<1024x64xf32>
    %iota3A = tpu.iota {dimensions = array<i32: 0>} : vector<64x64xi32>
    %iota3A_54 = tpu.iota {dimensions = array<i32: 1>} : vector<64x64xi32>
    %eq3A = arith.cmpi eq, %iota3A, %iota3A_54 : vector<64x64xi32>
    %convert_element_type3A_55 = arith.extui %eq3A : vector<64x64xi1> to vector<64x64xi32>
    %convert_element_type3A_56 = arith.sitofp %convert_element_type3A_55 : vector<64x64xi32> to vector<64x64xf32>
    %dot_general3A_57 = arith.constant dense<0.000000e+00> : vector<64x1024xf32>
    %dot_general3A_58 = tpu.matmul %convert_element_type3A_56, %reduce_max3A_53, %dot_general3A_57 {dimension_numbers = #tpu.dot_dimension_numbers<[1], [1], [0], [0], [0, 0, 1, 0], [], []>, transpose_lhs_hint = false} : vector<64x64xf32>, vector<1024x64xf32>, vector<64x1024xf32> -> vector<64x1024xf32>
    %get3A_59 = arith.constant 0 : index
    %get3A_60 = arith.constant 0 : index
    %get3A_61 = arith.constant 0 : index
    %get3A_62 = vector.load %arg3[%get3A_59, %get3A_60, %get3A_61] : memref<1x64x1024xf32, #tpu.memory_space<vmem>>, vector<1x64x1024xf32>
    %get3A_63 = vector.shape_cast %get3A_62 : vector<1x64x1024xf32> to vector<64x1024xf32>
    %add3A_64 = arith.addf %dot_general3A_58, %get3A_63 : vector<64x1024xf32>
    %swap3A = arith.constant 0 : index
    %swap3A_65 = arith.constant 0 : index
    %swap3A_66 = vector.load %arg11[%swap3A, %swap3A_65] : memref<64x1024xf32, #tpu.memory_space<vmem>>, vector<64x1024xf32>
    tpu.vector_store %arg11[%swap3A, %swap3A_65], %add3A_64 {strides = array<i32>} : memref<64x1024xf32, #tpu.memory_space<vmem>>, vector<64x1024xf32>,
    return
  }
  func.func @transform_0(%arg0: i32) -> (i32, i32, i32) {
    %c0_i32 = arith.constant 0 : i32
    %c0_i32_0 = arith.constant 0 : i32
    %c0_i32_1 = arith.constant 0 : i32
    return %arg0, %c0_i32, %c0_i32_0 : i32, i32, i32
  }
  func.func @transform_1(%arg0: i32) -> (i32, i32, i32) {
    %c1_i32 = arith.constant 1 : i32
    %c0_i32 = arith.constant 0 : i32
    %c0_i32_0 = arith.constant 0 : i32
    return %c1_i32, %arg0, %c0_i32 : i32, i32, i32
  }
  func.func @transform_2(%arg0: i32) -> (i32, i32, i32) {
    %c1_i32 = arith.constant 1 : i32
    %c0_i32 = arith.constant 0 : i32
    %c0_i32_0 = arith.constant 0 : i32
    return %c1_i32, %c0_i32, %arg0 : i32, i32, i32
  }
  func.func @transform_3(%arg0: i32) -> (i32, i32) {
    %c0_i32 = arith.constant 0 : i32
    %c0_i32_0 = arith.constant 0 : i32
    %c0_i32_1 = arith.constant 0 : i32
    return %c0_i32, %c0_i32_0 : i32, i32
  }
  func.func @transform_4(%arg0: i32) -> (i32, i32) {
    %c0_i32 = arith.constant 0 : i32
    %c0_i32_0 = arith.constant 0 : i32
    %c0_i32_1 = arith.constant 0 : i32
    return %c0_i32, %c0_i32_0 : i32, i32
  }
  func.func @transform_5(%arg0: i32) -> (i32, i32) {
    %c0_i32 = arith.constant 0 : i32
    %c0_i32_0 = arith.constant 0 : i32
    %c0_i32_1 = arith.constant 0 : i32
    return %c0_i32, %c0_i32_0 : i32, i32
  }
  func.func @transform_6(%arg0: i32) -> (i32, i32) {
    %c0_i32 = arith.constant 0 : i32
    %c0_i32_0 = arith.constant 0 : i32
    %c0_i32_1 = arith.constant 0 : i32
    return %c0_i32, %c0_i32_0 : i32, i32
  }
  func.func @transform_7(%arg0: i32) -> (i32, i32) {
    %c0_i32 = arith.constant 0 : i32
    %c0_i32_0 = arith.constant 0 : i32
    %c0_i32_1 = arith.constant 0 : i32
    return %c0_i32, %c0_i32_0 : i32, i32
  }
  func.func @transform_8(%arg0: i32) -> (i32, i32) {
    %c0_i32 = arith.constant 0 : i32
    %c0_i32_0 = arith.constant 0 : i32
    %c0_i32_1 = arith.constant 0 : i32
    return %c0_i32, %c0_i32_0 : i32, i32
  }
  func.func @transform_9(%arg0: i32) -> (i32, i32) {
    %c0_i32 = arith.constant 0 : i32
    %c0_i32_0 = arith.constant 0 : i32
    %c0_i32_1 = arith.constant 0 : i32
    return %c0_i32, %c0_i32_0 : i32, i32
  }
  func.func @transform_10(%arg0: i32) -> (i32, i32) {
    %c0_i32 = arith.constant 0 : i32
    %c0_i32_0 = arith.constant 0 : i32
    return %c0_i32, %arg0 : i32, i32
  }
}

module attributes {stable_mosaic.version = 14 : i64} {
  func.func @_mlp_body(%arg0: i32, %arg1: memref<1024x16x128xf32, #tpu.memory_space<vmem>>, %arg2: memref<1x1024x64xf32, #tpu.memory_space<vmem>>, %arg3: memref<1x64x1024xf32, #tpu.memory_space<vmem>>, %arg4: memref<256x64xf32, #tpu.memory_space<vmem>>, %arg5: memref<1x256xf32, #tpu.memory_space<vmem>>, %arg6: memref<256x64xbf16, #tpu.memory_space<vmem>>, %arg7: memref<256x256xbf16, #tpu.memory_space<vmem>>, %arg8: memref<1x256xf32, #tpu.memory_space<vmem>>, %arg9: memref<64x256xbf16, #tpu.memory_space<vmem>>, %arg10: memref<1x64xf32, #tpu.memory_space<vmem>>, %arg11: memref<64x1024xf32, #tpu.memory_space<vmem>>) attributes {dimension_semantics = [#tpu.dimension_semantics<arbitrary>], iteration_bounds = array<i64: 2>, scalar_prefetch = 0 : i64, scratch_operands = 0 : i64, tpu.core_type = #tpu.core_type<tc>, window_params = [{transform_indices = @transform_0, window_bounds = array<i64: 1024, 16, 128>}, {transform_indices = @transform_1, window_bounds = array<i64: 1, 1024, 64>}, {transform_indices = @transform_2, window_bounds = array<i64: 1, 64, 1024>}, {pipeline_mode = #tpu.pipeline_mode<synchronous>, transform_indices = @transform_3, window_bounds = array<i64: 256, 64>}, {pipeline_mode = #tpu.pipeline_mode<synchronous>, transform_indices = @transform_4, window_bounds = array<i64: 1, 256>}, {pipeline_mode = #tpu.pipeline_mode<synchronous>, transform_indices = @transform_5, window_bounds = array<i64: 256, 64>}, {pipeline_mode = #tpu.pipeline_mode<synchronous>, transform_indices = @transform_6, window_bounds = array<i64: 256, 256>}, {pipeline_mode = #tpu.pipeline_mode<synchronous>, transform_indices = @transform_7, window_bounds = array<i64: 1, 256>}, {pipeline_mode = #tpu.pipeline_mode<synchronous>, transform_indices = @transform_8, window_bounds = array<i64: 64, 256>}, {pipeline_mode = #tpu.pipeline_mode<synchronous>, transform_indices = @transform_9, window_bounds = array<i64: 1, 64>}, {transform_indices = @transform_10, window_bounds = array<i64: 64, 1024>}]} {
    %get3A = arith.constant 0 : index
    %get3A_0 = arith.constant 0 : index
    %get3A_1 = arith.constant 0 : index
    %get3A_2 = vector.load %arg2[%get3A, %get3A_0, %get3A_1] : memref<1x1024x64xf32, #tpu.memory_space<vmem>>, vector<1x1024x64xf32>
    %get3A_3 = vector.shape_cast %get3A_2 : vector<1x1024x64xf32> to vector<1024x64xf32>
    %get3A_4 = arith.constant 0 : index
    %get3A_5 = arith.constant 0 : index
    %get3A_6 = vector.load %arg4[%get3A_4, %get3A_5] : memref<256x64xf32, #tpu.memory_space<vmem>>, vector<256x64xf32>
    %dot_general3A = arith.constant dense<0.000000e+00> : vector<1024x256xf32>
    %dot_general3A_7 = tpu.matmul %get3A_3, %get3A_6, %dot_general3A {dimension_numbers = #tpu.dot_dimension_numbers<[1], [1], [0], [0], [0, 0, 1, 0], [], []>, transpose_lhs_hint = false} : vector<1024x64xf32>, vector<256x64xf32>, vector<1024x256xf32> -> vector<1024x256xf32>
    %get3A_8 = arith.constant 0 : index
    %get3A_9 = arith.constant 0 : index
    %get3A_10 = vector.load %arg5[%get3A_8, %get3A_9] : memref<1x256xf32, #tpu.memory_space<vmem>>, vector<1x256xf32>
    %add3A = vector.broadcast %get3A_10 : vector<1x256xf32> to vector<1024x256xf32>
    %add3A_11 = arith.addf %dot_general3A_7, %add3A : vector<1024x256xf32>
    %get3A_12 = arith.constant 0 : index
    %get3A_13 = arith.constant 0 : index
    %get3A_14 = arith.constant 0 : index
    %get3A_15 = vector.load %arg1[%get3A_12, %get3A_13, %get3A_14] : memref<1024x16x128xf32, #tpu.memory_space<vmem>>, vector<1024x16x64xf32>
    %reshape3A = vector.shape_cast %get3A_15 : vector<1024x16x64xf32> to vector<16384x64xf32>
    %convert_element_type3A = arith.truncf %reshape3A : vector<16384x64xf32> to vector<16384x64xbf16>
    %get3A_16 = arith.constant 0 : index
    %get3A_17 = arith.constant 0 : index
    %get3A_18 = vector.load %arg6[%get3A_16, %get3A_17] : memref<256x64xbf16, #tpu.memory_space<vmem>>, vector<256x64xbf16>
    %dot_general3A_19 = arith.constant dense<0.000000e+00> : vector<16384x256xf32>
    %dot_general3A_20 = tpu.matmul %convert_element_type3A, %get3A_18, %dot_general3A_19 {dimension_numbers = #tpu.dot_dimension_numbers<[1], [1], [0], [0], [0, 0, 1, 0], [], []>, transpose_lhs_hint = false} : vector<16384x64xbf16>, vector<256x64xbf16>, vector<16384x256xf32> -> vector<16384x256xf32>
    %reshape3A_21 = vector.shape_cast %dot_general3A_20 : vector<16384x256xf32> to vector<1024x16x256xf32>
    %broadcast_in_dim3A = vector.shape_cast %add3A_11 : vector<1024x256xf32> to vector<1024x1x256xf32>
    %add3A_22 = vector.broadcast %broadcast_in_dim3A : vector<1024x1x256xf32> to vector<1024x16x256xf32>
    %add3A_23 = arith.addf %reshape3A_21, %add3A_22 : vector<1024x16x256xf32>
    %max3A = arith.constant 0.000000e+00 : f32
    %max3A_24 = vector.broadcast %max3A : f32 to vector<1024x16x256xf32>
    %max3A_25 = arith.maximumf %add3A_23, %max3A_24 : vector<1024x16x256xf32>
    %reshape3A_26 = vector.shape_cast %max3A_25 : vector<1024x16x256xf32> to vector<16384x256xf32>
    %convert_element_type3A_27 = arith.truncf %reshape3A_26 : vector<16384x256xf32> to vector<16384x256xbf16>
    %get3A_28 = arith.constant 0 : index
    %get3A_29 = arith.constant 0 : index
    %get3A_30 = vector.load %arg7[%get3A_28, %get3A_29] : memref<256x256xbf16, #tpu.memory_space<vmem>>, vector<256x256xbf16>
    %dot_general3A_31 = arith.constant dense<0.000000e+00> : vector<16384x256xf32>
    %dot_general3A_32 = tpu.matmul %convert_element_type3A_27, %get3A_30, %dot_general3A_31 {dimension_numbers = #tpu.dot_dimension_numbers<[1], [1], [0], [0], [0, 0, 1, 0], [], []>, transpose_lhs_hint = false} : vector<16384x256xbf16>, vector<256x256xbf16>, vector<16384x256xf32> -> vector<16384x256xf32>
    %get3A_33 = arith.constant 0 : index
    %get3A_34 = arith.constant 0 : index
    %get3A_35 = vector.load %arg8[%get3A_33, %get3A_34] : memref<1x256xf32, #tpu.memory_space<vmem>>, vector<1x256xf32>
    %add3A_36 = vector.broadcast %get3A_35 : vector<1x256xf32> to vector<16384x256xf32>
    %add3A_37 = arith.addf %dot_general3A_32, %add3A_36 : vector<16384x256xf32>
    %max3A_38 = arith.constant 0.000000e+00 : f32
    %max3A_39 = vector.broadcast %max3A_38 : f32 to vector<16384x256xf32>
    %max3A_40 = arith.maximumf %add3A_37, %max3A_39 : vector<16384x256xf32>
    %convert_element_type3A_41 = arith.truncf %max3A_40 : vector<16384x256xf32> to vector<16384x256xbf16>
    %get3A_42 = arith.constant 0 : index
    %get3A_43 = arith.constant 0 : index
    %get3A_44 = vector.load %arg9[%get3A_42, %get3A_43] : memref<64x256xbf16, #tpu.memory_space<vmem>>, vector<64x256xbf16>
    %dot_general3A_45 = arith.constant dense<0.000000e+00> : vector<16384x64xf32>
    %dot_general3A_46 = tpu.matmul %convert_element_type3A_41, %get3A_44, %dot_general3A_45 {dimension_numbers = #tpu.dot_dimension_numbers<[1], [1], [0], [0], [0, 0, 1, 0], [], []>, transpose_lhs_hint = false} : vector<16384x256xbf16>, vector<64x256xbf16>, vector<16384x64xf32> -> vector<16384x64xf32>
    %get3A_47 = arith.constant 0 : index
    %get3A_48 = arith.constant 0 : index
    %get3A_49 = vector.load %arg10[%get3A_47, %get3A_48] : memref<1x64xf32, #tpu.memory_space<vmem>>, vector<1x64xf32>
    %add3A_50 = vector.broadcast %get3A_49 : vector<1x64xf32> to vector<16384x64xf32>
    %add3A_51 = arith.addf %dot_general3A_46, %add3A_50 : vector<16384x64xf32>
    %reshape3A_52 = vector.shape_cast %add3A_51 : vector<16384x64xf32> to vector<1024x16x64xf32>
    %reduce_max3A = arith.constant dense<0xFF800000> : vector<1024x64xf32>
    %reduce_max3A_53 = vector.multi_reduction <maximumf>, %reshape3A_52, %reduce_max3A [1] : vector<1024x16x64xf32> to vector<1024x64xf32>
    %iota3A = tpu.iota {dimensions = array<i32: 0>} : vector<64x64xi32>
    %iota3A_54 = tpu.iota {dimensions = array<i32: 1>} : vector<64x64xi32>
    %eq3A = arith.cmpi eq, %iota3A, %iota3A_54 : vector<64x64xi32>
    %convert_element_type3A_55 = arith.extui %eq3A : vector<64x64xi1> to vector<64x64xi32>
    %convert_element_type3A_56 = arith.sitofp %convert_element_type3A_55 : vector<64x64xi32> to vector<64x64xf32>
    %dot_general3A_57 = arith.constant dense<0.000000e+00> : vector<64x1024xf32>
    %dot_general3A_58 = tpu.matmul %convert_element_type3A_56, %reduce_max3A_53, %dot_general3A_57 {dimension_numbers = #tpu.dot_dimension_numbers<[1], [1], [0], [0], [0, 0, 1, 0], [], []>, transpose_lhs_hint = false} : vector<64x64xf32>, vector<1024x64xf32>, vector<64x1024xf32> -> vector<64x1024xf32>
    %get3A_59 = arith.constant 0 : index
    %get3A_60 = arith.constant 0 : index
    %get3A_61 = arith.constant 0 : index
    %get3A_62 = vector.load %arg3[%get3A_59, %get3A_60, %get3A_61] : memref<1x64x1024xf32, #tpu.memory_space<vmem>>, vector<1x64x1024xf32>
    %get3A_63 = vector.shape_cast %get3A_62 : vector<1x64x1024xf32> to vector<64x1024xf32>
    %add3A_64 = arith.addf %dot_general3A_58, %get3A_63 : vector<64x1024xf32>
    %swap3A = arith.constant 0 : index
    %swap3A_65 = arith.constant 0 : index
    %swap3A_66 = vector.load %arg11[%swap3A, %swap3A_65] : memref<64x1024xf32, #tpu.memory_space<vmem>>, vector<64x1024xf32>
    tpu.vector_store %arg11[%swap3A, %swap3A_65], %add3A_64 {strides = array<i32>} : memref<64x1024xf32, #tpu.memory_space<vmem>>, vector<64x1024xf32>,
    return
  }
  func.func @transform_0(%arg0: i32) -> (i32, i32, i32) {
    %c0_i32 = arith.constant 0 : i32
    %c0_i32_0 = arith.constant 0 : i32
    %c0_i32_1 = arith.constant 0 : i32
    return %arg0, %c0_i32, %c0_i32_0 : i32, i32, i32
  }
  func.func @transform_1(%arg0: i32) -> (i32, i32, i32) {
    %c0_i32 = arith.constant 0 : i32
    %c0_i32_0 = arith.constant 0 : i32
    %c0_i32_1 = arith.constant 0 : i32
    return %c0_i32, %arg0, %c0_i32_0 : i32, i32, i32
  }
  func.func @transform_2(%arg0: i32) -> (i32, i32, i32) {
    %c0_i32 = arith.constant 0 : i32
    %c0_i32_0 = arith.constant 0 : i32
    %c0_i32_1 = arith.constant 0 : i32
    return %c0_i32, %c0_i32_0, %arg0 : i32, i32, i32
  }
  func.func @transform_3(%arg0: i32) -> (i32, i32) {
    %c0_i32 = arith.constant 0 : i32
    %c0_i32_0 = arith.constant 0 : i32
    %c0_i32_1 = arith.constant 0 : i32
    return %c0_i32, %c0_i32_0 : i32, i32
  }
  func.func @transform_4(%arg0: i32) -> (i32, i32) {
    %c0_i32 = arith.constant 0 : i32
    %c0_i32_0 = arith.constant 0 : i32
    %c0_i32_1 = arith.constant 0 : i32
    return %c0_i32, %c0_i32_0 : i32, i32
  }
  func.func @transform_5(%arg0: i32) -> (i32, i32) {
    %c0_i32 = arith.constant 0 : i32
    %c0_i32_0 = arith.constant 0 : i32
    %c0_i32_1 = arith.constant 0 : i32
    return %c0_i32, %c0_i32_0 : i32, i32
  }
  func.func @transform_6(%arg0: i32) -> (i32, i32) {
    %c0_i32 = arith.constant 0 : i32
    %c0_i32_0 = arith.constant 0 : i32
    %c0_i32_1 = arith.constant 0 : i32
    return %c0_i32, %c0_i32_0 : i32, i32
  }
  func.func @transform_7(%arg0: i32) -> (i32, i32) {
    %c0_i32 = arith.constant 0 : i32
    %c0_i32_0 = arith.constant 0 : i32
    %c0_i32_1 = arith.constant 0 : i32
    return %c0_i32, %c0_i32_0 : i32, i32
  }
  func.func @transform_8(%arg0: i32) -> (i32, i32) {
    %c0_i32 = arith.constant 0 : i32
    %c0_i32_0 = arith.constant 0 : i32
    %c0_i32_1 = arith.constant 0 : i32
    return %c0_i32, %c0_i32_0 : i32, i32
  }
  func.func @transform_9(%arg0: i32) -> (i32, i32) {
    %c0_i32 = arith.constant 0 : i32
    %c0_i32_0 = arith.constant 0 : i32
    %c0_i32_1 = arith.constant 0 : i32
    return %c0_i32, %c0_i32_0 : i32, i32
  }
  func.func @transform_10(%arg0: i32) -> (i32, i32) {
    %c0_i32 = arith.constant 0 : i32
    %c0_i32_0 = arith.constant 0 : i32
    return %c0_i32, %arg0 : i32, i32
  }
}

module attributes {stable_mosaic.version = 14 : i64} {
  func.func @_mlp_body(%arg0: i32, %arg1: memref<1024x16x128xf32, #tpu.memory_space<vmem>>, %arg2: memref<1x1024x64xf32, #tpu.memory_space<vmem>>, %arg3: memref<1x64x1024xf32, #tpu.memory_space<vmem>>, %arg4: memref<256x64xf32, #tpu.memory_space<vmem>>, %arg5: memref<1x256xf32, #tpu.memory_space<vmem>>, %arg6: memref<256x64xbf16, #tpu.memory_space<vmem>>, %arg7: memref<256x256xbf16, #tpu.memory_space<vmem>>, %arg8: memref<1x256xf32, #tpu.memory_space<vmem>>, %arg9: memref<64x256xbf16, #tpu.memory_space<vmem>>, %arg10: memref<1x64xf32, #tpu.memory_space<vmem>>, %arg11: memref<64x1024xf32, #tpu.memory_space<vmem>>) attributes {dimension_semantics = [#tpu.dimension_semantics<arbitrary>], iteration_bounds = array<i64: 2>, scalar_prefetch = 0 : i64, scratch_operands = 0 : i64, tpu.core_type = #tpu.core_type<tc>, window_params = [{transform_indices = @transform_0, window_bounds = array<i64: 1024, 16, 128>}, {transform_indices = @transform_1, window_bounds = array<i64: 1, 1024, 64>}, {transform_indices = @transform_2, window_bounds = array<i64: 1, 64, 1024>}, {pipeline_mode = #tpu.pipeline_mode<synchronous>, transform_indices = @transform_3, window_bounds = array<i64: 256, 64>}, {pipeline_mode = #tpu.pipeline_mode<synchronous>, transform_indices = @transform_4, window_bounds = array<i64: 1, 256>}, {pipeline_mode = #tpu.pipeline_mode<synchronous>, transform_indices = @transform_5, window_bounds = array<i64: 256, 64>}, {pipeline_mode = #tpu.pipeline_mode<synchronous>, transform_indices = @transform_6, window_bounds = array<i64: 256, 256>}, {pipeline_mode = #tpu.pipeline_mode<synchronous>, transform_indices = @transform_7, window_bounds = array<i64: 1, 256>}, {pipeline_mode = #tpu.pipeline_mode<synchronous>, transform_indices = @transform_8, window_bounds = array<i64: 64, 256>}, {pipeline_mode = #tpu.pipeline_mode<synchronous>, transform_indices = @transform_9, window_bounds = array<i64: 1, 64>}, {transform_indices = @transform_10, window_bounds = array<i64: 64, 1024>}]} {
    %get3A = arith.constant 0 : index
    %get3A_0 = arith.constant 0 : index
    %get3A_1 = arith.constant 0 : index
    %get3A_2 = vector.load %arg2[%get3A, %get3A_0, %get3A_1] : memref<1x1024x64xf32, #tpu.memory_space<vmem>>, vector<1x1024x64xf32>
    %get3A_3 = vector.shape_cast %get3A_2 : vector<1x1024x64xf32> to vector<1024x64xf32>
    %get3A_4 = arith.constant 0 : index
    %get3A_5 = arith.constant 0 : index
    %get3A_6 = vector.load %arg4[%get3A_4, %get3A_5] : memref<256x64xf32, #tpu.memory_space<vmem>>, vector<256x64xf32>
    %dot_general3A = arith.constant dense<0.000000e+00> : vector<1024x256xf32>
    %dot_general3A_7 = tpu.matmul %get3A_3, %get3A_6, %dot_general3A {dimension_numbers = #tpu.dot_dimension_numbers<[1], [1], [0], [0], [0, 0, 1, 0], [], []>, transpose_lhs_hint = false} : vector<1024x64xf32>, vector<256x64xf32>, vector<1024x256xf32> -> vector<1024x256xf32>
    %get3A_8 = arith.constant 0 : index
    %get3A_9 = arith.constant 0 : index
    %get3A_10 = vector.load %arg5[%get3A_8, %get3A_9] : memref<1x256xf32, #tpu.memory_space<vmem>>, vector<1x256xf32>
    %add3A = vector.broadcast %get3A_10 : vector<1x256xf32> to vector<1024x256xf32>
    %add3A_11 = arith.addf %dot_general3A_7, %add3A : vector<1024x256xf32>
    %get3A_12 = arith.constant 0 : index
    %get3A_13 = arith.constant 0 : index
    %get3A_14 = arith.constant 0 : index
    %get3A_15 = vector.load %arg1[%get3A_12, %get3A_13, %get3A_14] : memref<1024x16x128xf32, #tpu.memory_space<vmem>>, vector<1024x16x64xf32>
    %reshape3A = vector.shape_cast %get3A_15 : vector<1024x16x64xf32> to vector<16384x64xf32>
    %convert_element_type3A = arith.truncf %reshape3A : vector<16384x64xf32> to vector<16384x64xbf16>
    %get3A_16 = arith.constant 0 : index
    %get3A_17 = arith.constant 0 : index
    %get3A_18 = vector.load %arg6[%get3A_16, %get3A_17] : memref<256x64xbf16, #tpu.memory_space<vmem>>, vector<256x64xbf16>
    %dot_general3A_19 = arith.constant dense<0.000000e+00> : vector<16384x256xf32>
    %dot_general3A_20 = tpu.matmul %convert_element_type3A, %get3A_18, %dot_general3A_19 {dimension_numbers = #tpu.dot_dimension_numbers<[1], [1], [0], [0], [0, 0, 1, 0], [], []>, transpose_lhs_hint = false} : vector<16384x64xbf16>, vector<256x64xbf16>, vector<16384x256xf32> -> vector<16384x256xf32>
    %reshape3A_21 = vector.shape_cast %dot_general3A_20 : vector<16384x256xf32> to vector<1024x16x256xf32>
    %broadcast_in_dim3A = vector.shape_cast %add3A_11 : vector<1024x256xf32> to vector<1024x1x256xf32>
    %add3A_22 = vector.broadcast %broadcast_in_dim3A : vector<1024x1x256xf32> to vector<1024x16x256xf32>
    %add3A_23 = arith.addf %reshape3A_21, %add3A_22 : vector<1024x16x256xf32>
    %max3A = arith.constant 0.000000e+00 : f32
    %max3A_24 = vector.broadcast %max3A : f32 to vector<1024x16x256xf32>
    %max3A_25 = arith.maximumf %add3A_23, %max3A_24 : vector<1024x16x256xf32>
    %reshape3A_26 = vector.shape_cast %max3A_25 : vector<1024x16x256xf32> to vector<16384x256xf32>
    %convert_element_type3A_27 = arith.truncf %reshape3A_26 : vector<16384x256xf32> to vector<16384x256xbf16>
    %get3A_28 = arith.constant 0 : index
    %get3A_29 = arith.constant 0 : index
    %get3A_30 = vector.load %arg7[%get3A_28, %get3A_29] : memref<256x256xbf16, #tpu.memory_space<vmem>>, vector<256x256xbf16>
    %dot_general3A_31 = arith.constant dense<0.000000e+00> : vector<16384x256xf32>
    %dot_general3A_32 = tpu.matmul %convert_element_type3A_27, %get3A_30, %dot_general3A_31 {dimension_numbers = #tpu.dot_dimension_numbers<[1], [1], [0], [0], [0, 0, 1, 0], [], []>, transpose_lhs_hint = false} : vector<16384x256xbf16>, vector<256x256xbf16>, vector<16384x256xf32> -> vector<16384x256xf32>
    %get3A_33 = arith.constant 0 : index
    %get3A_34 = arith.constant 0 : index
    %get3A_35 = vector.load %arg8[%get3A_33, %get3A_34] : memref<1x256xf32, #tpu.memory_space<vmem>>, vector<1x256xf32>
    %add3A_36 = vector.broadcast %get3A_35 : vector<1x256xf32> to vector<16384x256xf32>
    %add3A_37 = arith.addf %dot_general3A_32, %add3A_36 : vector<16384x256xf32>
    %max3A_38 = arith.constant 0.000000e+00 : f32
    %max3A_39 = vector.broadcast %max3A_38 : f32 to vector<16384x256xf32>
    %max3A_40 = arith.maximumf %add3A_37, %max3A_39 : vector<16384x256xf32>
    %convert_element_type3A_41 = arith.truncf %max3A_40 : vector<16384x256xf32> to vector<16384x256xbf16>
    %get3A_42 = arith.constant 0 : index
    %get3A_43 = arith.constant 0 : index
    %get3A_44 = vector.load %arg9[%get3A_42, %get3A_43] : memref<64x256xbf16, #tpu.memory_space<vmem>>, vector<64x256xbf16>
    %dot_general3A_45 = arith.constant dense<0.000000e+00> : vector<16384x64xf32>
    %dot_general3A_46 = tpu.matmul %convert_element_type3A_41, %get3A_44, %dot_general3A_45 {dimension_numbers = #tpu.dot_dimension_numbers<[1], [1], [0], [0], [0, 0, 1, 0], [], []>, transpose_lhs_hint = false} : vector<16384x256xbf16>, vector<64x256xbf16>, vector<16384x64xf32> -> vector<16384x64xf32>
    %get3A_47 = arith.constant 0 : index
    %get3A_48 = arith.constant 0 : index
    %get3A_49 = vector.load %arg10[%get3A_47, %get3A_48] : memref<1x64xf32, #tpu.memory_space<vmem>>, vector<1x64xf32>
    %add3A_50 = vector.broadcast %get3A_49 : vector<1x64xf32> to vector<16384x64xf32>
    %add3A_51 = arith.addf %dot_general3A_46, %add3A_50 : vector<16384x64xf32>
    %reshape3A_52 = vector.shape_cast %add3A_51 : vector<16384x64xf32> to vector<1024x16x64xf32>
    %reduce_max3A = arith.constant dense<0xFF800000> : vector<1024x64xf32>
    %reduce_max3A_53 = vector.multi_reduction <maximumf>, %reshape3A_52, %reduce_max3A [1] : vector<1024x16x64xf32> to vector<1024x64xf32>
    %iota3A = tpu.iota {dimensions = array<i32: 0>} : vector<64x64xi32>
    %iota3A_54 = tpu.iota {dimensions = array<i32: 1>} : vector<64x64xi32>
    %eq3A = arith.cmpi eq, %iota3A, %iota3A_54 : vector<64x64xi32>
    %convert_element_type3A_55 = arith.extui %eq3A : vector<64x64xi1> to vector<64x64xi32>
    %convert_element_type3A_56 = arith.sitofp %convert_element_type3A_55 : vector<64x64xi32> to vector<64x64xf32>
    %dot_general3A_57 = arith.constant dense<0.000000e+00> : vector<64x1024xf32>
    %dot_general3A_58 = tpu.matmul %convert_element_type3A_56, %reduce_max3A_53, %dot_general3A_57 {dimension_numbers = #tpu.dot_dimension_numbers<[1], [1], [0], [0], [0, 0, 1, 0], [], []>, transpose_lhs_hint = false} : vector<64x64xf32>, vector<1024x64xf32>, vector<64x1024xf32> -> vector<64x1024xf32>
    %get3A_59 = arith.constant 0 : index
    %get3A_60 = arith.constant 0 : index
    %get3A_61 = arith.constant 0 : index
    %get3A_62 = vector.load %arg3[%get3A_59, %get3A_60, %get3A_61] : memref<1x64x1024xf32, #tpu.memory_space<vmem>>, vector<1x64x1024xf32>
    %get3A_63 = vector.shape_cast %get3A_62 : vector<1x64x1024xf32> to vector<64x1024xf32>
    %add3A_64 = arith.addf %dot_general3A_58, %get3A_63 : vector<64x1024xf32>
    %swap3A = arith.constant 0 : index
    %swap3A_65 = arith.constant 0 : index
    %swap3A_66 = vector.load %arg11[%swap3A, %swap3A_65] : memref<64x1024xf32, #tpu.memory_space<vmem>>, vector<64x1024xf32>
    tpu.vector_store %arg11[%swap3A, %swap3A_65], %add3A_64 {strides = array<i32>} : memref<64x1024xf32, #tpu.memory_space<vmem>>, vector<64x1024xf32>,
    return
  }
  func.func @transform_0(%arg0: i32) -> (i32, i32, i32) {
    %c0_i32 = arith.constant 0 : i32
    %c0_i32_0 = arith.constant 0 : i32
    %c0_i32_1 = arith.constant 0 : i32
    return %arg0, %c0_i32, %c0_i32_0 : i32, i32, i32
  }
  func.func @transform_1(%arg0: i32) -> (i32, i32, i32) {
    %c2_i32 = arith.constant 2 : i32
    %c0_i32 = arith.constant 0 : i32
    %c0_i32_0 = arith.constant 0 : i32
    return %c2_i32, %arg0, %c0_i32 : i32, i32, i32
  }
  func.func @transform_2(%arg0: i32) -> (i32, i32, i32) {
    %c2_i32 = arith.constant 2 : i32
    %c0_i32 = arith.constant 0 : i32
    %c0_i32_0 = arith.constant 0 : i32
    return %c2_i32, %c0_i32, %arg0 : i32, i32, i32
  }
  func.func @transform_3(%arg0: i32) -> (i32, i32) {
    %c0_i32 = arith.constant 0 : i32
    %c0_i32_0 = arith.constant 0 : i32
    %c0_i32_1 = arith.constant 0 : i32
    return %c0_i32, %c0_i32_0 : i32, i32
  }
  func.func @transform_4(%arg0: i32) -> (i32, i32) {
    %c0_i32 = arith.constant 0 : i32
    %c0_i32_0 = arith.constant 0 : i32
    %c0_i32_1 = arith.constant 0 : i32
    return %c0_i32, %c0_i32_0 : i32, i32
  }
  func.func @transform_5(%arg0: i32) -> (i32, i32) {
    %c0_i32 = arith.constant 0 : i32
    %c0_i32_0 = arith.constant 0 : i32
    %c0_i32_1 = arith.constant 0 : i32
    return %c0_i32, %c0_i32_0 : i32, i32
  }
  func.func @transform_6(%arg0: i32) -> (i32, i32) {
    %c0_i32 = arith.constant 0 : i32
    %c0_i32_0 = arith.constant 0 : i32
    %c0_i32_1 = arith.constant 0 : i32
    return %c0_i32, %c0_i32_0 : i32, i32
  }
  func.func @transform_7(%arg0: i32) -> (i32, i32) {
    %c0_i32 = arith.constant 0 : i32
    %c0_i32_0 = arith.constant 0 : i32
    %c0_i32_1 = arith.constant 0 : i32
    return %c0_i32, %c0_i32_0 : i32, i32
  }
  func.func @transform_8(%arg0: i32) -> (i32, i32) {
    %c0_i32 = arith.constant 0 : i32
    %c0_i32_0 = arith.constant 0 : i32
    %c0_i32_1 = arith.constant 0 : i32
    return %c0_i32, %c0_i32_0 : i32, i32
  }
  func.func @transform_9(%arg0: i32) -> (i32, i32) {
    %c0_i32 = arith.constant 0 : i32
    %c0_i32_0 = arith.constant 0 : i32
    %c0_i32_1 = arith.constant 0 : i32
    return %c0_i32, %c0_i32_0 : i32, i32
  }
  func.func @transform_10(%arg0: i32) -> (i32, i32) {
    %c0_i32 = arith.constant 0 : i32
    %c0_i32_0 = arith.constant 0 : i32
    return %c0_i32, %arg0 : i32, i32
  }
}

module attributes {stable_mosaic.version = 14 : i64} {
  func.func @_mlp_body(%arg0: i32, %arg1: memref<1024x16x128xf32, #tpu.memory_space<vmem>>, %arg2: memref<1x1024x64xf32, #tpu.memory_space<vmem>>, %arg3: memref<1x64x1024xf32, #tpu.memory_space<vmem>>, %arg4: memref<256x64xf32, #tpu.memory_space<vmem>>, %arg5: memref<1x256xf32, #tpu.memory_space<vmem>>, %arg6: memref<256x64xbf16, #tpu.memory_space<vmem>>, %arg7: memref<256x256xbf16, #tpu.memory_space<vmem>>, %arg8: memref<1x256xf32, #tpu.memory_space<vmem>>, %arg9: memref<64x256xbf16, #tpu.memory_space<vmem>>, %arg10: memref<1x64xf32, #tpu.memory_space<vmem>>, %arg11: memref<64x1024xf32, #tpu.memory_space<vmem>>) attributes {dimension_semantics = [#tpu.dimension_semantics<arbitrary>], iteration_bounds = array<i64: 2>, scalar_prefetch = 0 : i64, scratch_operands = 0 : i64, tpu.core_type = #tpu.core_type<tc>, window_params = [{transform_indices = @transform_0, window_bounds = array<i64: 1024, 16, 128>}, {transform_indices = @transform_1, window_bounds = array<i64: 1, 1024, 64>}, {transform_indices = @transform_2, window_bounds = array<i64: 1, 64, 1024>}, {pipeline_mode = #tpu.pipeline_mode<synchronous>, transform_indices = @transform_3, window_bounds = array<i64: 256, 64>}, {pipeline_mode = #tpu.pipeline_mode<synchronous>, transform_indices = @transform_4, window_bounds = array<i64: 1, 256>}, {pipeline_mode = #tpu.pipeline_mode<synchronous>, transform_indices = @transform_5, window_bounds = array<i64: 256, 64>}, {pipeline_mode = #tpu.pipeline_mode<synchronous>, transform_indices = @transform_6, window_bounds = array<i64: 256, 256>}, {pipeline_mode = #tpu.pipeline_mode<synchronous>, transform_indices = @transform_7, window_bounds = array<i64: 1, 256>}, {pipeline_mode = #tpu.pipeline_mode<synchronous>, transform_indices = @transform_8, window_bounds = array<i64: 64, 256>}, {pipeline_mode = #tpu.pipeline_mode<synchronous>, transform_indices = @transform_9, window_bounds = array<i64: 1, 64>}, {transform_indices = @transform_10, window_bounds = array<i64: 64, 1024>}]} {
    %get3A = arith.constant 0 : index
    %get3A_0 = arith.constant 0 : index
    %get3A_1 = arith.constant 0 : index
    %get3A_2 = vector.load %arg2[%get3A, %get3A_0, %get3A_1] : memref<1x1024x64xf32, #tpu.memory_space<vmem>>, vector<1x1024x64xf32>
    %get3A_3 = vector.shape_cast %get3A_2 : vector<1x1024x64xf32> to vector<1024x64xf32>
    %get3A_4 = arith.constant 0 : index
    %get3A_5 = arith.constant 0 : index
    %get3A_6 = vector.load %arg4[%get3A_4, %get3A_5] : memref<256x64xf32, #tpu.memory_space<vmem>>, vector<256x64xf32>
    %dot_general3A = arith.constant dense<0.000000e+00> : vector<1024x256xf32>
    %dot_general3A_7 = tpu.matmul %get3A_3, %get3A_6, %dot_general3A {dimension_numbers = #tpu.dot_dimension_numbers<[1], [1], [0], [0], [0, 0, 1, 0], [], []>, transpose_lhs_hint = false} : vector<1024x64xf32>, vector<256x64xf32>, vector<1024x256xf32> -> vector<1024x256xf32>
    %get3A_8 = arith.constant 0 : index
    %get3A_9 = arith.constant 0 : index
    %get3A_10 = vector.load %arg5[%get3A_8, %get3A_9] : memref<1x256xf32, #tpu.memory_space<vmem>>, vector<1x256xf32>
    %add3A = vector.broadcast %get3A_10 : vector<1x256xf32> to vector<1024x256xf32>
    %add3A_11 = arith.addf %dot_general3A_7, %add3A : vector<1024x256xf32>
    %get3A_12 = arith.constant 0 : index
    %get3A_13 = arith.constant 0 : index
    %get3A_14 = arith.constant 0 : index
    %get3A_15 = vector.load %arg1[%get3A_12, %get3A_13, %get3A_14] : memref<1024x16x128xf32, #tpu.memory_space<vmem>>, vector<1024x16x64xf32>
    %reshape3A = vector.shape_cast %get3A_15 : vector<1024x16x64xf32> to vector<16384x64xf32>
    %convert_element_type3A = arith.truncf %reshape3A : vector<16384x64xf32> to vector<16384x64xbf16>
    %get3A_16 = arith.constant 0 : index
    %get3A_17 = arith.constant 0 : index
    %get3A_18 = vector.load %arg6[%get3A_16, %get3A_17] : memref<256x64xbf16, #tpu.memory_space<vmem>>, vector<256x64xbf16>
    %dot_general3A_19 = arith.constant dense<0.000000e+00> : vector<16384x256xf32>
    %dot_general3A_20 = tpu.matmul %convert_element_type3A, %get3A_18, %dot_general3A_19 {dimension_numbers = #tpu.dot_dimension_numbers<[1], [1], [0], [0], [0, 0, 1, 0], [], []>, transpose_lhs_hint = false} : vector<16384x64xbf16>, vector<256x64xbf16>, vector<16384x256xf32> -> vector<16384x256xf32>
    %reshape3A_21 = vector.shape_cast %dot_general3A_20 : vector<16384x256xf32> to vector<1024x16x256xf32>
    %broadcast_in_dim3A = vector.shape_cast %add3A_11 : vector<1024x256xf32> to vector<1024x1x256xf32>
    %add3A_22 = vector.broadcast %broadcast_in_dim3A : vector<1024x1x256xf32> to vector<1024x16x256xf32>
    %add3A_23 = arith.addf %reshape3A_21, %add3A_22 : vector<1024x16x256xf32>
    %max3A = arith.constant 0.000000e+00 : f32
    %max3A_24 = vector.broadcast %max3A : f32 to vector<1024x16x256xf32>
    %max3A_25 = arith.maximumf %add3A_23, %max3A_24 : vector<1024x16x256xf32>
    %reshape3A_26 = vector.shape_cast %max3A_25 : vector<1024x16x256xf32> to vector<16384x256xf32>
    %convert_element_type3A_27 = arith.truncf %reshape3A_26 : vector<16384x256xf32> to vector<16384x256xbf16>
    %get3A_28 = arith.constant 0 : index
    %get3A_29 = arith.constant 0 : index
    %get3A_30 = vector.load %arg7[%get3A_28, %get3A_29] : memref<256x256xbf16, #tpu.memory_space<vmem>>, vector<256x256xbf16>
    %dot_general3A_31 = arith.constant dense<0.000000e+00> : vector<16384x256xf32>
    %dot_general3A_32 = tpu.matmul %convert_element_type3A_27, %get3A_30, %dot_general3A_31 {dimension_numbers = #tpu.dot_dimension_numbers<[1], [1], [0], [0], [0, 0, 1, 0], [], []>, transpose_lhs_hint = false} : vector<16384x256xbf16>, vector<256x256xbf16>, vector<16384x256xf32> -> vector<16384x256xf32>
    %get3A_33 = arith.constant 0 : index
    %get3A_34 = arith.constant 0 : index
    %get3A_35 = vector.load %arg8[%get3A_33, %get3A_34] : memref<1x256xf32, #tpu.memory_space<vmem>>, vector<1x256xf32>
    %add3A_36 = vector.broadcast %get3A_35 : vector<1x256xf32> to vector<16384x256xf32>
    %add3A_37 = arith.addf %dot_general3A_32, %add3A_36 : vector<16384x256xf32>
    %max3A_38 = arith.constant 0.000000e+00 : f32
    %max3A_39 = vector.broadcast %max3A_38 : f32 to vector<16384x256xf32>
    %max3A_40 = arith.maximumf %add3A_37, %max3A_39 : vector<16384x256xf32>
    %convert_element_type3A_41 = arith.truncf %max3A_40 : vector<16384x256xf32> to vector<16384x256xbf16>
    %get3A_42 = arith.constant 0 : index
    %get3A_43 = arith.constant 0 : index
    %get3A_44 = vector.load %arg9[%get3A_42, %get3A_43] : memref<64x256xbf16, #tpu.memory_space<vmem>>, vector<64x256xbf16>
    %dot_general3A_45 = arith.constant dense<0.000000e+00> : vector<16384x64xf32>
    %dot_general3A_46 = tpu.matmul %convert_element_type3A_41, %get3A_44, %dot_general3A_45 {dimension_numbers = #tpu.dot_dimension_numbers<[1], [1], [0], [0], [0, 0, 1, 0], [], []>, transpose_lhs_hint = false} : vector<16384x256xbf16>, vector<64x256xbf16>, vector<16384x64xf32> -> vector<16384x64xf32>
    %get3A_47 = arith.constant 0 : index
    %get3A_48 = arith.constant 0 : index
    %get3A_49 = vector.load %arg10[%get3A_47, %get3A_48] : memref<1x64xf32, #tpu.memory_space<vmem>>, vector<1x64xf32>
    %add3A_50 = vector.broadcast %get3A_49 : vector<1x64xf32> to vector<16384x64xf32>
    %add3A_51 = arith.addf %dot_general3A_46, %add3A_50 : vector<16384x64xf32>
    %reshape3A_52 = vector.shape_cast %add3A_51 : vector<16384x64xf32> to vector<1024x16x64xf32>
    %reduce_max3A = arith.constant dense<0xFF800000> : vector<1024x64xf32>
    %reduce_max3A_53 = vector.multi_reduction <maximumf>, %reshape3A_52, %reduce_max3A [1] : vector<1024x16x64xf32> to vector<1024x64xf32>
    %iota3A = tpu.iota {dimensions = array<i32: 0>} : vector<64x64xi32>
    %iota3A_54 = tpu.iota {dimensions = array<i32: 1>} : vector<64x64xi32>
    %eq3A = arith.cmpi eq, %iota3A, %iota3A_54 : vector<64x64xi32>
    %convert_element_type3A_55 = arith.extui %eq3A : vector<64x64xi1> to vector<64x64xi32>
    %convert_element_type3A_56 = arith.sitofp %convert_element_type3A_55 : vector<64x64xi32> to vector<64x64xf32>
    %dot_general3A_57 = arith.constant dense<0.000000e+00> : vector<64x1024xf32>
    %dot_general3A_58 = tpu.matmul %convert_element_type3A_56, %reduce_max3A_53, %dot_general3A_57 {dimension_numbers = #tpu.dot_dimension_numbers<[1], [1], [0], [0], [0, 0, 1, 0], [], []>, transpose_lhs_hint = false} : vector<64x64xf32>, vector<1024x64xf32>, vector<64x1024xf32> -> vector<64x1024xf32>
    %get3A_59 = arith.constant 0 : index
    %get3A_60 = arith.constant 0 : index
    %get3A_61 = arith.constant 0 : index
    %get3A_62 = vector.load %arg3[%get3A_59, %get3A_60, %get3A_61] : memref<1x64x1024xf32, #tpu.memory_space<vmem>>, vector<1x64x1024xf32>
    %get3A_63 = vector.shape_cast %get3A_62 : vector<1x64x1024xf32> to vector<64x1024xf32>
    %add3A_64 = arith.addf %dot_general3A_58, %get3A_63 : vector<64x1024xf32>
    %swap3A = arith.constant 0 : index
    %swap3A_65 = arith.constant 0 : index
    %swap3A_66 = vector.load %arg11[%swap3A, %swap3A_65] : memref<64x1024xf32, #tpu.memory_space<vmem>>, vector<64x1024xf32>
    tpu.vector_store %arg11[%swap3A, %swap3A_65], %add3A_64 {strides = array<i32>} : memref<64x1024xf32, #tpu.memory_space<vmem>>, vector<64x1024xf32>,
    return
  }
  func.func @transform_0(%arg0: i32) -> (i32, i32, i32) {
    %c0_i32 = arith.constant 0 : i32
    %c0_i32_0 = arith.constant 0 : i32
    %c0_i32_1 = arith.constant 0 : i32
    return %arg0, %c0_i32, %c0_i32_0 : i32, i32, i32
  }
  func.func @transform_1(%arg0: i32) -> (i32, i32, i32) {
    %c3_i32 = arith.constant 3 : i32
    %c0_i32 = arith.constant 0 : i32
    %c0_i32_0 = arith.constant 0 : i32
    return %c3_i32, %arg0, %c0_i32 : i32, i32, i32
  }
  func.func @transform_2(%arg0: i32) -> (i32, i32, i32) {
    %c3_i32 = arith.constant 3 : i32
    %c0_i32 = arith.constant 0 : i32
    %c0_i32_0 = arith.constant 0 : i32
    return %c3_i32, %c0_i32, %arg0 : i32, i32, i32
  }
  func.func @transform_3(%arg0: i32) -> (i32, i32) {
    %c0_i32 = arith.constant 0 : i32
    %c0_i32_0 = arith.constant 0 : i32
    %c0_i32_1 = arith.constant 0 : i32
    return %c0_i32, %c0_i32_0 : i32, i32
  }
  func.func @transform_4(%arg0: i32) -> (i32, i32) {
    %c0_i32 = arith.constant 0 : i32
    %c0_i32_0 = arith.constant 0 : i32
    %c0_i32_1 = arith.constant 0 : i32
    return %c0_i32, %c0_i32_0 : i32, i32
  }
  func.func @transform_5(%arg0: i32) -> (i32, i32) {
    %c0_i32 = arith.constant 0 : i32
    %c0_i32_0 = arith.constant 0 : i32
    %c0_i32_1 = arith.constant 0 : i32
    return %c0_i32, %c0_i32_0 : i32, i32
  }
  func.func @transform_6(%arg0: i32) -> (i32, i32) {
    %c0_i32 = arith.constant 0 : i32
    %c0_i32_0 = arith.constant 0 : i32
    %c0_i32_1 = arith.constant 0 : i32
    return %c0_i32, %c0_i32_0 : i32, i32
  }
  func.func @transform_7(%arg0: i32) -> (i32, i32) {
    %c0_i32 = arith.constant 0 : i32
    %c0_i32_0 = arith.constant 0 : i32
    %c0_i32_1 = arith.constant 0 : i32
    return %c0_i32, %c0_i32_0 : i32, i32
  }
  func.func @transform_8(%arg0: i32) -> (i32, i32) {
    %c0_i32 = arith.constant 0 : i32
    %c0_i32_0 = arith.constant 0 : i32
    %c0_i32_1 = arith.constant 0 : i32
    return %c0_i32, %c0_i32_0 : i32, i32
  }
  func.func @transform_9(%arg0: i32) -> (i32, i32) {
    %c0_i32 = arith.constant 0 : i32
    %c0_i32_0 = arith.constant 0 : i32
    %c0_i32_1 = arith.constant 0 : i32
    return %c0_i32, %c0_i32_0 : i32, i32
  }
  func.func @transform_10(%arg0: i32) -> (i32, i32) {
    %c0_i32 = arith.constant 0 : i32
    %c0_i32_0 = arith.constant 0 : i32
    return %c0_i32, %arg0 : i32, i32
  }
}

</mosaic_0001>

<sc_bundles>
// kernel: kernel.14.cloned.1.call-start
scs
__scs_entry_jumppad:
0x0: {  	(pc) =	sbr.rel $0x88, $3  }
0x1: {  	(tag) =	ssettag $0x0;
	lr =	simm.s32 $0x1  }
0x2: {  	[smem:$0x3F9A] =	sst lr;
	_ =	strace $0xD0000000  }
0x3: {  	_ = 	snop  }
0x4: {  	_ = 	snop  }
0x5: {  	_ = 	snop  }
0x6: {  	_ = 	snop  }
0x7: {  	_ = 	snop  }
__scs_overlays_trampoline_lowered:
0x8: {  	[smem:$0x3FA9] =	sst s0  }
0x9: {  	[smem:$0x3FAA] =	sst s1  }
0xa: {  	[smem:$0x3FAB] =	sst s2  }
0xb: {  	[smem:$0x3FAC] =	sst s3  }
0xc: {  	[smem:$0x3FAD] =	sst s4  }
0xd: {  	[smem:$0x3FAE] =	sst s5  }
0xe: {  	[smem:$0x3FAF] =	sst s6  }
0xf: {  	[smem:$0x3FB0] =	sst s7  }
0x10: {  	[smem:$0x3FB1] =	sst s8  }
0x11: {  	[smem:$0x3FB2] =	sst s9;
	s0 =	simm.s32 @!p0 $0x0  }
0x12: {  	s1 =	sld [smem:$0x3F98];
	s0 =	simm.s32 @p0 $0x1  }
0x13: {  	[smem:$0x3FB3] =	sst s0;
	s0 =	simm.s32 @!p1 $0x0  }
0x14: {  	s2 =	sld [smem:$0x3F97];
	s0 =	simm.s32 @p1 $0x1  }
0x15: {  	[smem:$0x3FB4] =	sst s0;
	s0 =	simm.s32 @!p2 $0x0  }
0x16: {  	s3 =	sld [smem:$0x3FDB];
	s0 =	simm.s32 @p2 $0x1  }
0x17: {  	s4 =	simm.s32 $0x1BF5;
	[smem:$0x3FB6] =	sst s0  }
0x18: {  	s0 =	sld [smem:$0x3F99];
	_ =	swait.ge [sflag:s4], $0x0  }
0x19: {  	s7 =	sld [smem:$0x3F9A]  }
0x1a: {  	s8 =	sadd.s32 $0xFFFFE003, lr  }
0x1b: {  	s9 =	sadd.s32 $0xFFFFFEF7, lr;
	s5 =	simm.s32 $0xFFFFFFFF;
	p2 =	slt.u32 s8, $0xFFFFF086  }
0x1c: {  	p1 =	slt.u32 s9, $0xF7A;
	s5 =	simm.s32 @!p2 $0x0  }
0x1d: {  	s5 =	simm.s32 @p1 $0x1;
	p0 =	seq.s32 s7, s2  }
0x1e: {  	s7 =	smul.u32 @!p0 $0xF7A, s2;
	p2 =	seq.s32 @!p0 s5, $0x0  }
0x1f: {  	s9 =	smul.u32 $0xF7A, s1;
	s8 =	simm.s32 @!p0 $0x1BF5;
	p2 =	por !p2, p0  }
0x20: {  	[sflag:s8] =	ssyncset.s32 @!p0 $0xFFFFF086;
	s6 =	sadd.s32 @!p0 s3, s7;
	s7 =	simm.s32 @!p0 $0x108  }
0x21: {  	s3 =	sadd.s32 s3, s9;
	s6 =	sadd.s32 @!p0 $0x88, s6;
	s7 =	simm.s32 @p2 $0x1082  }
0x22: {  	[simem:s7], [sflag:s8] =	dma.local @!p0 [hbm:s6], $0xF7A  }
0x23: {  	s9 =	sor.u32 $0xD0000000, s2;
	s6 =	simm.s32 $0x108;
	_ =	swait.ge @!p0 [sflag:s8], $0x0  }
0x24: {  	s3 =	sadd.s32 $0x88, s3;
	s6 =	simm.s32 @!p1 $0x1082;
	[sflag:s4] =	ssyncset.s32 $0xFFFFF086  }
0x25: {  	[simem:s6], [sflag:s4] =	dma.local [hbm:s3], $0xF7A  }
0x26: {  	[smem:$0x3F9A] =	sst s1;
	(tag) =	ssettag s2;
	_ =	strace s9  }
0x27: {  	s1 =	sld [smem:$0x3FAA]  }
0x28: {  	s2 =	sld [smem:$0x3FAB]  }
0x29: {  	s4 =	sld [smem:$0x3FAD]  }
0x2a: {  	p0 =	seq.s32 s5, $0x0;
	s5 =	sld [smem:$0x3FAE]  }
0x2b: {  	s6 =	sld [smem:$0x3FAF]  }
0x2c: {  	s7 =	sld [smem:$0x3FB0]  }
0x2d: {  	s3 =	simm.s32 $0x108;
	s8 =	sld [smem:$0x3FB1]  }
0x2e: {  	s3 =	simm.s32 @!p0 $0x1082;
	s9 =	sld [smem:$0x3FB2]  }
0x2f: {  	lr =	sadd.s32 s0, s3;
	s0 =	sld [smem:$0x3FA9]  }
0x30: {  	s3 =	sld [smem:$0x3FAC]  }
0x31: {  	[smem:$0x3FB5] =	sst s10  }
0x32: {  	s10 =	sld [smem:$0x3FB3];
	_ =	sdelay $0x3  }
0x33: {  	p0 =	seq.s32 s10, $0x1;
	s10 =	sld [smem:$0x3FB5];
	_ =	sdelay $0x3  }
0x34: {  	[smem:$0x3FB5] =	sst s10  }
0x35: {  	s10 =	sld [smem:$0x3FB4];
	_ =	sdelay $0x3  }
0x36: {  	p1 =	seq.s32 s10, $0x1;
	s10 =	sld [smem:$0x3FB5];
	_ =	sdelay $0x3  }
0x37: {  	[smem:$0x3FB5] =	sst s10  }
0x38: {  	s10 =	sld [smem:$0x3FB6]  }
0x39: {  	_ = 	snop;
	(pc) =	sbr.ind lr, $3  }
0x3a: {  	_ = 	snop  }
0x3b: {  	_ = 	snop  }
0x3c: {  	p2 =	seq.s32 s10, $0x1;
	s10 =	sld [smem:$0x3FB5]  }
0x3d: {  	_ =	shalt  }
0x3e: {  	_ =	shalt  }
0x3f: {  	_ =	shalt  }
0x40: {  	_ =	shalt  }
0x41: {  	_ =	shalt  }
0x42: {  	_ =	shalt  }
0x43: {  	_ =	shalt  }
0x44: {  	_ =	shalt  }
0x45: {  	_ =	shalt  }
0x46: {  	_ =	shalt  }
0x47: {  	_ =	shalt  }
0x48: {  	_ =	shalt  }
0x49: {  	_ =	shalt  }
0x4a: {  	_ =	shalt  }
0x4b: {  	_ =	shalt  }
0x4c: {  	_ =	shalt  }
0x4d: {  	_ =	shalt  }
0x4e: {  	_ =	shalt  }
0x4f: {  	_ =	shalt  }
0x50: {  	_ =	shalt  }
0x51: {  	_ =	shalt  }
0x52: {  	_ =	shalt  }
0x53: {  	_ =	shalt  }
0x54: {  	_ =	shalt  }
0x55: {  	_ =	shalt  }
0x56: {  	_ =	shalt  }
0x57: {  	_ =	shalt  }
0x58: {  	_ =	shalt  }
0x59: {  	_ =	shalt  }
0x5a: {  	_ =	shalt  }
0x5b: {  	_ =	shalt  }
0x5c: {  	_ =	shalt  }
0x5d: {  	_ =	shalt  }
0x5e: {  	_ =	shalt  }
0x5f: {  	_ =	shalt  }
0x60: {  	_ =	shalt  }
0x61: {  	_ =	shalt  }
0x62: {  	_ =	shalt  }
0x63: {  	_ =	shalt  }
0x64: {  	_ =	shalt  }
0x65: {  	_ =	shalt  }
0x66: {  	_ =	shalt  }
0x67: {  	_ =	shalt  }
0x68: {  	_ =	shalt  }
0x69: {  	_ =	shalt  }
0x6a: {  	_ =	shalt  }
0x6b: {  	_ =	shalt  }
0x6c: {  	_ =	shalt  }
0x6d: {  	_ =	shalt  }
0x6e: {  	_ =	shalt  }
0x6f: {  	_ =	shalt  }
0x70: {  	_ =	shalt  }
0x71: {  	_ =	shalt  }
0x72: {  	_ =	shalt  }
0x73: {  	_ =	shalt  }
0x74: {  	_ =	shalt  }
0x75: {  	_ =	shalt  }
0x76: {  	_ =	shalt  }
0x77: {  	_ =	shalt  }
0x78: {  	_ =	shalt  }
0x79: {  	_ =	shalt  }
0x7a: {  	_ =	shalt  }
0x7b: {  	_ =	shalt  }
0x7c: {  	_ =	shalt  }
0x7d: {  	_ =	shalt  }
0x7e: {  	_ =	shalt  }
0x7f: {  	_ =	shalt  }
0x80: {  	_ =	shalt  }
0x81: {  	_ =	shalt  }
0x82: {  	_ =	shalt  }
0x83: {  	_ =	shalt  }
0x84: {  	_ =	shalt  }
0x85: {  	_ =	shalt  }
0x86: {  	_ =	shalt  }
0x87: {  	_ =	shalt  }
.Lfunc_end0:
.L_simem_size_0:
called_computation_lowered:
.L_overlay_start_0:
0x88: {  	s2 =	sld [smem:$0x3FD9]  }
0x89: {  	s3 =	sld [smem:$0x3FFE];
	_ =	sdelay $0x1  }
0x8a: {  	s1 =	srdreg.scid  }
0x8b: {  	s0 =	sand.u32 $0x1, s1  }
0x8c: {  	s16 =	sshll.u32 s0, $0xA;
	s2 =	sadd.s32 s3, s2  }
0x8d: {  	s2 =	sadd.s32 s2, s16  }
0x8e: {  	[smem:$0x3FC1] =	sst s2  }
0x8f: {  	_ = 	snop  }
0x90: {  	(tm) =	ssettm $0x1  }
0x91: {  	s17 =	sld [smem:$0x3FFB];
	_ =	sdelay $0x3  }
0x92: {  	_ =	strace s17  }
0x93: {  	s2 =	sld [smem:$0x3FFC];
	_ =	sdelay $0x3  }
0x94: {  	_ =	strace s2  }
0x95: {  	s2 =	sld [smem:$0x3FFD];
	_ =	sdelay $0x3  }
0x96: {  	_ =	strace s2  }
0x97: {  	_ =	strace $0x8FFFFFFF  }
0x98: {  	s18 =	sld [smem:$0x3FDB];
	_ =	sdelay $0x1  }
0x99: {  	s19 =	simm.s32 $_scs_section_size  }
0x9a: {  	s4 =	simm.s32 $_size__tile_overlayer_lowered;
	s5 =	simm.s32 $_tile_overlayer_lowered  }
0x9b: {  	s22 =	simm.s32 $0x1BFF;
	s21 =	sshll.u32 s5, $0x1;
	s2 =	sadd.s32 s19, s18  }
0x9c: {  	s6 =	simm.s32 $0x0;
	s20 =	sshll.u32 s4, $0x1;
	s4 =	sadd.s32 s21, s2  }
0x9d: {  	[timem:s6], [sflag:s22] =	dma.local [hbm:s4], s20  }
0x9e: {  	_ =	swait.ge [sflag:s22], s20  }
0x9f: {  	s3 =	ssub.s32 $0x0, s20;
	[sflag:s22] =	ssyncset.done $0x0  }
0xa0: {  	[sflag:s22] =	ssyncadd.s32 s3;
	_ =	sdelay $0x1  }
0xa1: {  	s23 =	simm.s32 $0x1B8B  }
0xa2: {  	_ =	swait.ge [sflag:s23], $0x1  }
0xa3: {  	[sflag:s23] =	ssyncset.done $0x0  }
0xa4: {  	s25 =	simm.s32 $0x1B8E;
	s24 =	sld [smem:$0x3FFE];
	[sflag:s23] =	ssyncadd.s32 $0xFFFFFFFF  }
0xa5: {  	s26 =	simm.s32 $execute0_lowered;
	[smem:$0x3FD2] =	sst s25  }
0xa6: {  	s4 =	sshll.u32 s26, $0x1;
	_ =	strace $0x80000046;
	[dreg:$0x1] =	wrdreg $0xFFFFFFFF  }
0xa7: {  	s28 =	simm.s32 $_size_execute0_lowered;
	s2 =	sadd.s32 s2, s4;
	[dreg:$0x0] =	wrdreg $0x0  }
0xa8: {  	s4 =	sshll.u32 s28, $0x1;
	[dreg:$0x2] =	wrdreg s2  }
0xa9: {  	[dreg:$0x3] =	wrdreg s4  }
0xaa: {  	[dreg:$0x4] =	wrdreg $0xC0  }
0xab: {  	_ =	task [dreg:s6], $0x5FFFF  }
0xac: {  	[dreg:$0x1] =	wrdreg $0xFFFFFFFF  }
0xad: {  	[dreg:$0x0] =	wrdreg $0x60  }
0xae: {  	[dreg:$0x2] =	wrdreg s24  }
0xaf: {  	[dreg:$0x3] =	wrdreg $0x9  }
0xb0: {  	_ =	task.clear_ibuf [dreg:s6], $0x4FFFF;
	_ =	strace $0x90000046  }
0xb1: {  	s29 =	simm.s32 $0x9;
	_ =	strace $0x80000048  }
0xb2: {  	_ =	swait.ge [sflag:s29], $0x1  }
0xb3: {  	[sflag:s29] =	ssyncadd.s32 $0xFFFFFFFF  }
0xb4: {  	_ =	strace $0x90000048  }
0xb5: {  	_ =	sfence  }
0xb6: {  	s30 =	sld [smem:$0x0];
	_ =	sdelay $0x2  }
0xb7: {  	s31 =	sshll.u32 s1, $0xD;
	s1 =	sshrl.u32 s1, $0x2  }
0xb8: {  	s3 =	sand.u32 $0x4000, s31;
	s1 =	sadd.s32 s1, s30  }
0xb9: {  	s0 =	sor.u32 s3, s0;
	s1 =	sshll.u32 s1, $0x11  }
0xba: {  	s0 =	sor.u32 s1, s0  }
0xbb: {  	s0 =	sadd.s32 $0x8F2B, s0  }
0xbc: {  	[sflag:s0] =	ssyncadd.remote.s32 $0x1  }
0xbd: {  	_ =	sfence.sel $0xFFFF  }
0xbe: {  	[dreg:$0x0] =	wrdreg $0xFFFFFFFF;
	(pc) =	sbr.abs _section_cstart, $3  }
0xbf: {  	[dreg:$0x1] =	wrdreg $0xFFFFFFFF  }
0xc0: {  	_ =	task.clear_ibuf [dreg:s6], $0x2FFFF;
	_ =	strace $0x9FFFFFFF  }
0xc1: {  	(tm) =	ssettm $0x7FFFFFFF  }
tec
execute0_lowered:
.L_overlay_start_1:
0x0: {  	(tag) =	ssettag $0x1  }
0x1: {  	s1 =	srdreg.scid  }
0x2: {  	s0 =	stileid.u32;
	s24 =	sand.u32 $0x1, s1  }
0x3: {  	s30 =	sshll.u32 s0, $0xB;
	s2 =	sshll.u32 s24, $0xA  }
0x4: {  	s11 =	sor.u32 s2, s30  }
0x5: {  	s10 =	rddreg [dreg:$0x0];
	s2 =	simm.s32 $0x0;
	s3 =	sshrl.u32 s11, $0x3  }
0x6: {  	s4 =	simm.s32 $0x3;
	[smem:$0x7FF] =	sst s2;
	s3 =	sadd.s32 s3, s10  }
0x7: {  	s1 =	rddreg [dreg:$0x1];
	_ =	strace $0x80000047;
	s3 =	sadd.s32 $0xAE00, s3  }
0x8: {  	[tilespmem:s2], [sflag:$0x3] =	stream.linear.gather [hbm4b:s3+s2], $0x400, $0x38;
	[tilespmem:$0x8400] =	vst v63  }
0x9: {  	_ =	swait.ge [sflag:s4], $0x400  }
0xa: {  	s6 =	simm.s32 $0x80;
	[sflag:s4] =	ssyncset.done $0x0  }
0xb: {  	s7 =	simm.s32 $0x400;
	s5 =	sadd.s32 $0x2E00, s10;
	[sflag:s4] =	ssyncadd.s32 $0xFFFFFC00  }
0xc: {  	[tilespmem:s7], [sflag:$0x1] =	stream.indirect.gather [hbm4b:s5+s6], $0x80, s2, s6, $0xb8;
	[tilespmem:$0x8400] =	vst v63  }
0xd: {  	s8 =	simm.s32 $0x4400;
	s9 =	simm.s32 $0x1  }
0xe: {  	[tilespmem:s8], [sflag:$0x1] =	stream.indirect.gather [hbm4b:s5+s6], $0x80, s6, s6, $0xb8;
	[tilespmem:$0x8400] =	vst v63  }
0xf: {  	s11 =	sshll.u32 s11, $0x4;
	_ =	swait.ge [sflag:s9], $0x4000  }
0x10: {  	s25 =	sadd.s32 s11, s10;
	[sflag:s9] =	ssyncset.done $0x0  }
0x11: {  	s10 =	sadd.s32 $0xBE00, s25;
	[sflag:s9] =	ssyncadd.s32 $0xFFFFC000  }
0x12: {  	[hbm4b:s10+s2] =	stream.linear.scatter [tilespmem:s7], [sflag:$0x2], $0x4000, $0x38;
	[tilespmem:$0x8400] =	vst v63  }
0x13: {  	_ =	swait.ge [sflag:s9], $0x4000  }
0x14: {  	[sflag:s9] =	ssyncset.done $0x0  }
0x15: {  	s11 =	simm.s32 $0x2;
	s12 =	sadd.s32 $0xC600, s25;
	[sflag:s9] =	ssyncadd.s32 $0xFFFFC000  }
0x16: {  	[hbm4b:s12+s2] =	stream.linear.scatter [tilespmem:s8], [sflag:$0x2], $0x4000, $0x38;
	[tilespmem:$0x8400] =	vst v63  }
0x17: {  	_ =	swait.ge [sflag:s11], $0x4000  }
0x18: {  	[sflag:s11] =	ssyncset.done $0x0  }
0x19: {  	[sflag:s11] =	ssyncadd.s32 $0xFFFFC000  }
0x1a: {  	_ =	swait.ge [sflag:s11], $0x4000  }
0x1b: {  	[sflag:s11] =	ssyncset.done $0x0  }
0x1c: {  	s13 =	simm.s32 $0x100;
	[sflag:s11] =	ssyncadd.s32 $0xFFFFC000  }
0x1d: {  	[tilespmem:s7], [sflag:$0x1] =	stream.indirect.gather [hbm4b:s5+s6], $0x80, s13, s6, $0xb8;
	[tilespmem:$0x8400] =	vst v63  }
0x1e: {  	s14 =	simm.s32 $0x180  }
0x1f: {  	[tilespmem:s8], [sflag:$0x1] =	stream.indirect.gather [hbm4b:s5+s6], $0x80, s14, s6, $0xb8;
	[tilespmem:$0x8400] =	vst v63  }
0x20: {  	_ =	swait.ge [sflag:s9], $0x4000  }
0x21: {  	[sflag:s9] =	ssyncset.done $0x0  }
0x22: {  	s15 =	sadd.s32 $0xCE00, s25;
	[sflag:s9] =	ssyncadd.s32 $0xFFFFC000  }
0x23: {  	[hbm4b:s15+s2] =	stream.linear.scatter [tilespmem:s7], [sflag:$0x2], $0x4000, $0x38;
	[tilespmem:$0x8400] =	vst v63  }
0x24: {  	_ =	swait.ge [sflag:s9], $0x4000  }
0x25: {  	[sflag:s9] =	ssyncset.done $0x0  }
0x26: {  	s16 =	sadd.s32 $0xD600, s25;
	[sflag:s9] =	ssyncadd.s32 $0xFFFFC000  }
0x27: {  	[hbm4b:s16+s2] =	stream.linear.scatter [tilespmem:s8], [sflag:$0x2], $0x4000, $0x38;
	[tilespmem:$0x8400] =	vst v63  }
0x28: {  	_ =	swait.ge [sflag:s11], $0x4000  }
0x29: {  	[sflag:s11] =	ssyncset.done $0x0  }
0x2a: {  	[sflag:s11] =	ssyncadd.s32 $0xFFFFC000  }
0x2b: {  	_ =	swait.ge [sflag:s11], $0x4000  }
0x2c: {  	[sflag:s11] =	ssyncset.done $0x0  }
0x2d: {  	s17 =	simm.s32 $0x200;
	[sflag:s11] =	ssyncadd.s32 $0xFFFFC000  }
0x2e: {  	[tilespmem:s7], [sflag:$0x1] =	stream.indirect.gather [hbm4b:s5+s6], $0x80, s17, s6, $0xb8;
	[tilespmem:$0x8400] =	vst v63  }
0x2f: {  	s18 =	simm.s32 $0x280  }
0x30: {  	[tilespmem:s8], [sflag:$0x1] =	stream.indirect.gather [hbm4b:s5+s6], $0x80, s18, s6, $0xb8;
	[tilespmem:$0x8400] =	vst v63  }
0x31: {  	_ =	swait.ge [sflag:s9], $0x4000  }
0x32: {  	[sflag:s9] =	ssyncset.done $0x0  }
0x33: {  	s19 =	sadd.s32 $0xDE00, s25;
	[sflag:s9] =	ssyncadd.s32 $0xFFFFC000  }
0x34: {  	[hbm4b:s19+s2] =	stream.linear.scatter [tilespmem:s7], [sflag:$0x2], $0x4000, $0x38;
	[tilespmem:$0x8400] =	vst v63  }
0x35: {  	_ =	swait.ge [sflag:s9], $0x4000  }
0x36: {  	[sflag:s9] =	ssyncset.done $0x0  }
0x37: {  	s20 =	sadd.s32 $0xE600, s25;
	[sflag:s9] =	ssyncadd.s32 $0xFFFFC000  }
0x38: {  	[hbm4b:s20+s2] =	stream.linear.scatter [tilespmem:s8], [sflag:$0x2], $0x4000, $0x38;
	[tilespmem:$0x8400] =	vst v63  }
0x39: {  	_ =	swait.ge [sflag:s11], $0x4000  }
0x3a: {  	[sflag:s11] =	ssyncset.done $0x0  }
0x3b: {  	[sflag:s11] =	ssyncadd.s32 $0xFFFFC000  }
0x3c: {  	_ =	swait.ge [sflag:s11], $0x4000  }
0x3d: {  	[sflag:s11] =	ssyncset.done $0x0  }
0x3e: {  	s21 =	simm.s32 $0x300;
	[sflag:s11] =	ssyncadd.s32 $0xFFFFC000  }
0x3f: {  	[tilespmem:s7], [sflag:$0x1] =	stream.indirect.gather [hbm4b:s5+s6], $0x80, s21, s6, $0xb8;
	[tilespmem:$0x8400] =	vst v63  }
0x40: {  	s22 =	simm.s32 $0x380  }
0x41: {  	[tilespmem:s8], [sflag:$0x1] =	stream.indirect.gather [hbm4b:s5+s6], $0x80, s22, s6, $0xb8;
	[tilespmem:$0x8400] =	vst v63  }
0x42: {  	_ =	swait.ge [sflag:s9], $0x4000  }
0x43: {  	s26 =	ssub.s32 $0x2, s24;
	[sflag:s9] =	ssyncset.done $0x0  }
0x44: {  	s31 =	sshrl.u32 s26, $0x1;
	s23 =	sadd.s32 $0xEE00, s25;
	[sflag:s9] =	ssyncadd.s32 $0xFFFFC000  }
0x45: {  	[hbm4b:s23+s2] =	stream.linear.scatter [tilespmem:s7], [sflag:$0x2], $0x4000, $0x38;
	[tilespmem:$0x8400] =	vst v63  }
0x46: {  	s24 =	sadd.s32 $0xF600, s25;
	s25 =	ssub.s32 s26, s31;
	_ =	swait.ge [sflag:s9], $0x4000  }
0x47: {  	s25 =	smax.u32 s25, $0x1;
	[sflag:s9] =	ssyncset.done $0x0  }
0x48: {  	p0 =	sne.s32 s25, $0x1;
	[sflag:s9] =	ssyncadd.s32 $0xFFFFC000  }
0x49: {  	[hbm4b:s24+s2] =	stream.linear.scatter [tilespmem:s8], [sflag:$0x2], $0x4000, $0x38;
	[tilespmem:$0x8400] =	vst v63  }
.Ltmp0:
0x4a: {  	_ =	swait.ge [sflag:s11], $0x4000;
	(pc) =	sbr.rel @!p0 .LBB2_2-.Ltmp0, $4  }
0x4b: {  	[sflag:s11] =	ssyncset.done $0x0  }
0x4c: {  	[sflag:s11] =	ssyncadd.s32 $0xFFFFC000  }
0x4d: {  	_ =	swait.ge [sflag:s11], $0x4000  }
0x4e: {  	s25 =	sadd.s32 $0xFFFFFFFF, s25;
	[sflag:s11] =	ssyncset.done $0x0  }
.LBB2_1:
0x4f: {  	p0 =	sne.s32 s25, $0x1;
	s25 =	sadd.s32 $0xFFFFFFFF, s25;
	[sflag:s11] =	ssyncadd.s32 $0xFFFFC000  }
0x50: {  	[tilespmem:s2], [sflag:$0x3] =	stream.linear.gather [hbm4b:s3+s2], $0x400, $0x38;
	[tilespmem:$0x8400] =	vst v63  }
0x51: {  	_ =	swait.ge [sflag:s4], $0x400  }
0x52: {  	[sflag:s4] =	ssyncset.done $0x0  }
0x53: {  	[sflag:s4] =	ssyncadd.s32 $0xFFFFFC00  }
0x54: {  	[tilespmem:s7], [sflag:$0x1] =	stream.indirect.gather [hbm4b:s5+s6], $0x80, s2, s6, $0xb8;
	[tilespmem:$0x8400] =	vst v63  }
0x55: {  	_ = 	snop  }
0x56: {  	[tilespmem:s8], [sflag:$0x1] =	stream.indirect.gather [hbm4b:s5+s6], $0x80, s6, s6, $0xb8;
	[tilespmem:$0x8400] =	vst v63  }
0x57: {  	_ =	swait.ge [sflag:s9], $0x4000  }
0x58: {  	[sflag:s9] =	ssyncset.done $0x0  }
0x59: {  	[sflag:s9] =	ssyncadd.s32 $0xFFFFC000  }
0x5a: {  	[hbm4b:s10+s2] =	stream.linear.scatter [tilespmem:s7], [sflag:$0x2], $0x4000, $0x38;
	[tilespmem:$0x8400] =	vst v63  }
0x5b: {  	_ =	swait.ge [sflag:s9], $0x4000  }
0x5c: {  	[sflag:s9] =	ssyncset.done $0x0  }
0x5d: {  	[sflag:s9] =	ssyncadd.s32 $0xFFFFC000  }
0x5e: {  	[hbm4b:s12+s2] =	stream.linear.scatter [tilespmem:s8], [sflag:$0x2], $0x4000, $0x38;
	[tilespmem:$0x8400] =	vst v63  }
0x5f: {  	_ =	swait.ge [sflag:s11], $0x4000  }
0x60: {  	[sflag:s11] =	ssyncset.done $0x0  }
0x61: {  	[sflag:s11] =	ssyncadd.s32 $0xFFFFC000  }
0x62: {  	_ =	swait.ge [sflag:s11], $0x4000  }
0x63: {  	[sflag:s11] =	ssyncset.done $0x0  }
0x64: {  	[sflag:s11] =	ssyncadd.s32 $0xFFFFC000  }
0x65: {  	[tilespmem:s7], [sflag:$0x1] =	stream.indirect.gather [hbm4b:s5+s6], $0x80, s13, s6, $0xb8;
	[tilespmem:$0x8400] =	vst v63  }
0x66: {  	_ = 	snop  }
0x67: {  	[tilespmem:s8], [sflag:$0x1] =	stream.indirect.gather [hbm4b:s5+s6], $0x80, s14, s6, $0xb8;
	[tilespmem:$0x8400] =	vst v63  }
0x68: {  	_ =	swait.ge [sflag:s9], $0x4000  }
0x69: {  	[sflag:s9] =	ssyncset.done $0x0  }
0x6a: {  	[sflag:s9] =	ssyncadd.s32 $0xFFFFC000  }
0x6b: {  	[hbm4b:s15+s2] =	stream.linear.scatter [tilespmem:s7], [sflag:$0x2], $0x4000, $0x38;
	[tilespmem:$0x8400] =	vst v63  }
0x6c: {  	_ =	swait.ge [sflag:s9], $0x4000  }
0x6d: {  	[sflag:s9] =	ssyncset.done $0x0  }
0x6e: {  	[sflag:s9] =	ssyncadd.s32 $0xFFFFC000  }
0x6f: {  	[hbm4b:s16+s2] =	stream.linear.scatter [tilespmem:s8], [sflag:$0x2], $0x4000, $0x38;
	[tilespmem:$0x8400] =	vst v63  }
0x70: {  	_ =	swait.ge [sflag:s11], $0x4000  }
0x71: {  	[sflag:s11] =	ssyncset.done $0x0  }
0x72: {  	[sflag:s11] =	ssyncadd.s32 $0xFFFFC000  }
0x73: {  	_ =	swait.ge [sflag:s11], $0x4000  }
0x74: {  	[sflag:s11] =	ssyncset.done $0x0  }
0x75: {  	[sflag:s11] =	ssyncadd.s32 $0xFFFFC000  }
0x76: {  	[tilespmem:s7], [sflag:$0x1] =	stream.indirect.gather [hbm4b:s5+s6], $0x80, s17, s6, $0xb8;
	[tilespmem:$0x8400] =	vst v63  }
0x77: {  	_ = 	snop  }
0x78: {  	[tilespmem:s8], [sflag:$0x1] =	stream.indirect.gather [hbm4b:s5+s6], $0x80, s18, s6, $0xb8;
	[tilespmem:$0x8400] =	vst v63  }
0x79: {  	_ =	swait.ge [sflag:s9], $0x4000  }
0x7a: {  	[sflag:s9] =	ssyncset.done $0x0  }
0x7b: {  	[sflag:s9] =	ssyncadd.s32 $0xFFFFC000  }
0x7c: {  	[hbm4b:s19+s2] =	stream.linear.scatter [tilespmem:s7], [sflag:$0x2], $0x4000, $0x38;
	[tilespmem:$0x8400] =	vst v63  }
0x7d: {  	_ =	swait.ge [sflag:s9], $0x4000  }
0x7e: {  	[sflag:s9] =	ssyncset.done $0x0  }
0x7f: {  	[sflag:s9] =	ssyncadd.s32 $0xFFFFC000  }
0x80: {  	[hbm4b:s20+s2] =	stream.linear.scatter [tilespmem:s8], [sflag:$0x2], $0x4000, $0x38;
	[tilespmem:$0x8400] =	vst v63  }
0x81: {  	_ =	swait.ge [sflag:s11], $0x4000  }
0x82: {  	[sflag:s11] =	ssyncset.done $0x0  }
0x83: {  	[sflag:s11] =	ssyncadd.s32 $0xFFFFC000  }
0x84: {  	_ =	swait.ge [sflag:s11], $0x4000  }
0x85: {  	[sflag:s11] =	ssyncset.done $0x0  }
0x86: {  	[sflag:s11] =	ssyncadd.s32 $0xFFFFC000  }
0x87: {  	[tilespmem:s7], [sflag:$0x1] =	stream.indirect.gather [hbm4b:s5+s6], $0x80, s21, s6, $0xb8;
	[tilespmem:$0x8400] =	vst v63  }
0x88: {  	_ = 	snop  }
0x89: {  	[tilespmem:s8], [sflag:$0x1] =	stream.indirect.gather [hbm4b:s5+s6], $0x80, s22, s6, $0xb8;
	[tilespmem:$0x8400] =	vst v63  }
0x8a: {  	_ =	swait.ge [sflag:s9], $0x4000  }
0x8b: {  	[sflag:s9] =	ssyncset.done $0x0  }
0x8c: {  	[sflag:s9] =	ssyncadd.s32 $0xFFFFC000  }
0x8d: {  	[hbm4b:s23+s2] =	stream.linear.scatter [tilespmem:s7], [sflag:$0x2], $0x4000, $0x38;
	[tilespmem:$0x8400] =	vst v63  }
0x8e: {  	_ =	swait.ge [sflag:s9], $0x4000  }
0x8f: {  	[sflag:s9] =	ssyncset.done $0x0  }
0x90: {  	[sflag:s9] =	ssyncadd.s32 $0xFFFFC000  }
0x91: {  	[hbm4b:s24+s2] =	stream.linear.scatter [tilespmem:s8], [sflag:$0x2], $0x4000, $0x38;
	[tilespmem:$0x8400] =	vst v63  }
.Ltmp1:
0x92: {  	_ =	swait.ge [sflag:s11], $0x4000;
	(pc) =	sbr.rel @p0 .LBB2_1-.Ltmp1, $4  }
0x93: {  	[sflag:s11] =	ssyncset.done $0x0  }
0x94: {  	[sflag:s11] =	ssyncadd.s32 $0xFFFFC000  }
0x95: {  	_ =	swait.ge [sflag:s11], $0x4000  }
0x96: {  	[sflag:s11] =	ssyncset.done $0x0  }
.LBB2_2:
0x97: {  	[sflag:s11] =	ssyncadd.s32 $0xFFFFC000  }
0x98: {  	_ =	sfence.sel $0x180000  }
0x99: {  	[bflag:$0x0] =	sbarrier.arrive $0xFFFF  }
0x9a: {  	p0 =	sne.s32 s0, $0x0;
	_ =	strace $0x90000047  }
0x9b: {  	s0 =	sadd.s32 @!p0 $0x100000, s1;
	[bflag:$0x2] =	sbarrier.arrive $0xFFFF  }
0x9c: {  	[sflag:s0] =	ssyncadd.tile.s32 @!p0 $0x1;
	_ =	shalt  }
.Lfunc_end2:
_tile_overlayer_lowered:
.L_overlay_start_2:
0x9d: {  	(tag) =	ssettag $0x2  }
0x9e: {  	s0 =	rddreg [dreg:$0x0];
	s2 =	stileid.u32  }
0x9f: {  	s1 =	rddreg [dreg:$0x1];
	p0 =	sne.s32 s2, $0x0  }
0xa0: {  	s3 =	rddreg [dreg:$0x2];
	[bflag:$0x3] =	sbarrier.arrive $0xFFFF;
	s2 =	simm.s32 @!p0 $0x1C03  }
0xa1: {  	[timem:s3], [sflag:s2] =	dma.local @!p0 [hbm:s0], s1  }
0xa2: {  	s0 =	simm.s32 @!p0 $0x3  }
0xa3: {  	_ =	swait.ge @!p0 [sflag:s0], s1  }
0xa4: {  	s1 =	ssub.s32 @!p0 $0x0, s1;
	[sflag:s0] =	ssyncset.done @!p0 $0x0  }
0xa5: {  	[sflag:s0] =	ssyncadd.s32 @!p0 s1  }
0xa6: {  	[bflag:$0x3] =	sbarrier.arrive $0xFFFF  }
0xa7: {  	_ =	shalt  }

// kernel: kernel.17.cloned.1.call-start
scs
__scs_entry_jumppad:
0x0: {  	(pc) =	sbr.rel $0x88, $3  }
0x1: {  	(tag) =	ssettag $0x0;
	lr =	simm.s32 $0x1  }
0x2: {  	[smem:$0x3F9A] =	sst lr;
	_ =	strace $0xD0000000  }
0x3: {  	_ = 	snop  }
0x4: {  	_ = 	snop  }
0x5: {  	_ = 	snop  }
0x6: {  	_ = 	snop  }
0x7: {  	_ = 	snop  }
__scs_overlays_trampoline_lowered:
0x8: {  	[smem:$0x3FA9] =	sst s0  }
0x9: {  	[smem:$0x3FAA] =	sst s1  }
0xa: {  	[smem:$0x3FAB] =	sst s2  }
0xb: {  	[smem:$0x3FAC] =	sst s3  }
0xc: {  	[smem:$0x3FAD] =	sst s4  }
0xd: {  	[smem:$0x3FAE] =	sst s5  }
0xe: {  	[smem:$0x3FAF] =	sst s6  }
0xf: {  	[smem:$0x3FB0] =	sst s7  }
0x10: {  	[smem:$0x3FB1] =	sst s8  }
0x11: {  	[smem:$0x3FB2] =	sst s9;
	s0 =	simm.s32 @!p0 $0x0  }
0x12: {  	s1 =	sld [smem:$0x3F98];
	s0 =	simm.s32 @p0 $0x1  }
0x13: {  	[smem:$0x3FB3] =	sst s0;
	s0 =	simm.s32 @!p1 $0x0  }
0x14: {  	s2 =	sld [smem:$0x3F97];
	s0 =	simm.s32 @p1 $0x1  }
0x15: {  	[smem:$0x3FB4] =	sst s0;
	s0 =	simm.s32 @!p2 $0x0  }
0x16: {  	s3 =	sld [smem:$0x3FDB];
	s0 =	simm.s32 @p2 $0x1  }
0x17: {  	s4 =	simm.s32 $0x1BF5;
	[smem:$0x3FB6] =	sst s0  }
0x18: {  	s0 =	sld [smem:$0x3F99];
	_ =	swait.ge [sflag:s4], $0x0  }
0x19: {  	s7 =	sld [smem:$0x3F9A]  }
0x1a: {  	s8 =	sadd.s32 $0xFFFFE003, lr  }
0x1b: {  	s9 =	sadd.s32 $0xFFFFFEF7, lr;
	s5 =	simm.s32 $0xFFFFFFFF;
	p2 =	slt.u32 s8, $0xFFFFF086  }
0x1c: {  	p1 =	slt.u32 s9, $0xF7A;
	s5 =	simm.s32 @!p2 $0x0  }
0x1d: {  	s5 =	simm.s32 @p1 $0x1;
	p0 =	seq.s32 s7, s2  }
0x1e: {  	s7 =	smul.u32 @!p0 $0xF7A, s2;
	p2 =	seq.s32 @!p0 s5, $0x0  }
0x1f: {  	s9 =	smul.u32 $0xF7A, s1;
	s8 =	simm.s32 @!p0 $0x1BF5;
	p2 =	por !p2, p0  }
0x20: {  	[sflag:s8] =	ssyncset.s32 @!p0 $0xFFFFF086;
	s6 =	sadd.s32 @!p0 s3, s7;
	s7 =	simm.s32 @!p0 $0x108  }
0x21: {  	s3 =	sadd.s32 s3, s9;
	s6 =	sadd.s32 @!p0 $0x88, s6;
	s7 =	simm.s32 @p2 $0x1082  }
0x22: {  	[simem:s7], [sflag:s8] =	dma.local @!p0 [hbm:s6], $0xF7A  }
0x23: {  	s9 =	sor.u32 $0xD0000000, s2;
	s6 =	simm.s32 $0x108;
	_ =	swait.ge @!p0 [sflag:s8], $0x0  }
0x24: {  	s3 =	sadd.s32 $0x88, s3;
	s6 =	simm.s32 @!p1 $0x1082;
	[sflag:s4] =	ssyncset.s32 $0xFFFFF086  }
0x25: {  	[simem:s6], [sflag:s4] =	dma.local [hbm:s3], $0xF7A  }
0x26: {  	[smem:$0x3F9A] =	sst s1;
	(tag) =	ssettag s2;
	_ =	strace s9  }
0x27: {  	s1 =	sld [smem:$0x3FAA]  }
0x28: {  	s2 =	sld [smem:$0x3FAB]  }
0x29: {  	s4 =	sld [smem:$0x3FAD]  }
0x2a: {  	p0 =	seq.s32 s5, $0x0;
	s5 =	sld [smem:$0x3FAE]  }
0x2b: {  	s6 =	sld [smem:$0x3FAF]  }
0x2c: {  	s7 =	sld [smem:$0x3FB0]  }
0x2d: {  	s3 =	simm.s32 $0x108;
	s8 =	sld [smem:$0x3FB1]  }
0x2e: {  	s3 =	simm.s32 @!p0 $0x1082;
	s9 =	sld [smem:$0x3FB2]  }
0x2f: {  	lr =	sadd.s32 s0, s3;
	s0 =	sld [smem:$0x3FA9]  }
0x30: {  	s3 =	sld [smem:$0x3FAC]  }
0x31: {  	[smem:$0x3FB5] =	sst s10  }
0x32: {  	s10 =	sld [smem:$0x3FB3];
	_ =	sdelay $0x3  }
0x33: {  	p0 =	seq.s32 s10, $0x1;
	s10 =	sld [smem:$0x3FB5];
	_ =	sdelay $0x3  }
0x34: {  	[smem:$0x3FB5] =	sst s10  }
0x35: {  	s10 =	sld [smem:$0x3FB4];
	_ =	sdelay $0x3  }
0x36: {  	p1 =	seq.s32 s10, $0x1;
	s10 =	sld [smem:$0x3FB5];
	_ =	sdelay $0x3  }
0x37: {  	[smem:$0x3FB5] =	sst s10  }
0x38: {  	s10 =	sld [smem:$0x3FB6]  }
0x39: {  	_ = 	snop;
	(pc) =	sbr.ind lr, $3  }
0x3a: {  	_ = 	snop  }
0x3b: {  	_ = 	snop  }
0x3c: {  	p2 =	seq.s32 s10, $0x1;
	s10 =	sld [smem:$0x3FB5]  }
0x3d: {  	_ =	shalt  }
0x3e: {  	_ =	shalt  }
0x3f: {  	_ =	shalt  }
0x40: {  	_ =	shalt  }
0x41: {  	_ =	shalt  }
0x42: {  	_ =	shalt  }
0x43: {  	_ =	shalt  }
0x44: {  	_ =	shalt  }
0x45: {  	_ =	shalt  }
0x46: {  	_ =	shalt  }
0x47: {  	_ =	shalt  }
0x48: {  	_ =	shalt  }
0x49: {  	_ =	shalt  }
0x4a: {  	_ =	shalt  }
0x4b: {  	_ =	shalt  }
0x4c: {  	_ =	shalt  }
0x4d: {  	_ =	shalt  }
0x4e: {  	_ =	shalt  }
0x4f: {  	_ =	shalt  }
0x50: {  	_ =	shalt  }
0x51: {  	_ =	shalt  }
0x52: {  	_ =	shalt  }
0x53: {  	_ =	shalt  }
0x54: {  	_ =	shalt  }
0x55: {  	_ =	shalt  }
0x56: {  	_ =	shalt  }
0x57: {  	_ =	shalt  }
0x58: {  	_ =	shalt  }
0x59: {  	_ =	shalt  }
0x5a: {  	_ =	shalt  }
0x5b: {  	_ =	shalt  }
0x5c: {  	_ =	shalt  }
0x5d: {  	_ =	shalt  }
0x5e: {  	_ =	shalt  }
0x5f: {  	_ =	shalt  }
0x60: {  	_ =	shalt  }
0x61: {  	_ =	shalt  }
0x62: {  	_ =	shalt  }
0x63: {  	_ =	shalt  }
0x64: {  	_ =	shalt  }
0x65: {  	_ =	shalt  }
0x66: {  	_ =	shalt  }
0x67: {  	_ =	shalt  }
0x68: {  	_ =	shalt  }
0x69: {  	_ =	shalt  }
0x6a: {  	_ =	shalt  }
0x6b: {  	_ =	shalt  }
0x6c: {  	_ =	shalt  }
0x6d: {  	_ =	shalt  }
0x6e: {  	_ =	shalt  }
0x6f: {  	_ =	shalt  }
0x70: {  	_ =	shalt  }
0x71: {  	_ =	shalt  }
0x72: {  	_ =	shalt  }
0x73: {  	_ =	shalt  }
0x74: {  	_ =	shalt  }
0x75: {  	_ =	shalt  }
0x76: {  	_ =	shalt  }
0x77: {  	_ =	shalt  }
0x78: {  	_ =	shalt  }
0x79: {  	_ =	shalt  }
0x7a: {  	_ =	shalt  }
0x7b: {  	_ =	shalt  }
0x7c: {  	_ =	shalt  }
0x7d: {  	_ =	shalt  }
0x7e: {  	_ =	shalt  }
0x7f: {  	_ =	shalt  }
0x80: {  	_ =	shalt  }
0x81: {  	_ =	shalt  }
0x82: {  	_ =	shalt  }
0x83: {  	_ =	shalt  }
0x84: {  	_ =	shalt  }
0x85: {  	_ =	shalt  }
0x86: {  	_ =	shalt  }
0x87: {  	_ =	shalt  }
.Lfunc_end0:
.L_simem_size_0:
called_computation.1_lowered:
.L_overlay_start_0:
0x88: {  	s2 =	sld [smem:$0x3FD9]  }
0x89: {  	s3 =	sld [smem:$0x3FFE];
	_ =	sdelay $0x1  }
0x8a: {  	s1 =	srdreg.scid  }
0x8b: {  	s0 =	sand.u32 $0x1, s1  }
0x8c: {  	s17 =	sshll.u32 s0, $0xA;
	s2 =	sadd.s32 s3, s2  }
0x8d: {  	s2 =	sadd.s32 s2, s17  }
0x8e: {  	[smem:$0x3FC1] =	sst s2  }
0x8f: {  	_ = 	snop  }
0x90: {  	(tm) =	ssettm $0x1  }
0x91: {  	s18 =	sld [smem:$0x3FFB];
	_ =	sdelay $0x3  }
0x92: {  	_ =	strace s18  }
0x93: {  	s2 =	sld [smem:$0x3FFC];
	_ =	sdelay $0x3  }
0x94: {  	_ =	strace s2  }
0x95: {  	s2 =	sld [smem:$0x3FFD];
	_ =	sdelay $0x3  }
0x96: {  	_ =	strace s2  }
0x97: {  	_ =	strace $0x8FFFFFFF  }
0x98: {  	s19 =	sld [smem:$0x3FDB];
	_ =	sdelay $0x1  }
0x99: {  	s20 =	simm.s32 $_scs_section_size  }
0x9a: {  	s4 =	simm.s32 $_size__tile_overlayer_lowered;
	s5 =	simm.s32 $_tile_overlayer_lowered  }
0x9b: {  	s6 =	simm.s32 $0x1BFF;
	s21 =	sshll.u32 s5, $0x1;
	s3 =	sadd.s32 s20, s19  }
0x9c: {  	s22 =	simm.s32 $0x0;
	s4 =	sshll.u32 s4, $0x1;
	s5 =	sadd.s32 s21, s3  }
0x9d: {  	[timem:s22], [sflag:s6] =	dma.local [hbm:s5], s4  }
0x9e: {  	_ =	swait.ge [sflag:s6], s4  }
0x9f: {  	s4 =	ssub.s32 $0x0, s4;
	[sflag:s6] =	ssyncset.done $0x0  }
0xa0: {  	[sflag:s6] =	ssyncadd.s32 s4;
	_ =	sdelay $0x1  }
0xa1: {  	s23 =	simm.s32 $0x1B8B  }
0xa2: {  	_ =	swait.ge [sflag:s23], $0x1  }
0xa3: {  	[sflag:s23] =	ssyncset.done $0x0  }
0xa4: {  	[sflag:s23] =	ssyncadd.s32 $0xFFFFFFFF  }
0xa5: {  	s4 =	sld [smem:$0x0]  }
0xa6: {  	s5 =	sand.u32 $0xFFFFFFFE, s1  }
0xa7: {  	p0 =	sne.s32 s1, s5  }
0xa8: {  	s5 =	sshll.u32 @p0 s5, $0xE  }
0xa9: {  	s5 =	sadd.s32 @p0 $0x11B8D, s5;
	s6 =	sshll.u32 @p0 s4, $0x11  }
0xaa: {  	s5 =	sor.u32 @p0 s6, s5  }
0xab: {  	[sflag:s5] =	ssyncadd.remote.s32 @p0 $0x1;
	_ =	sdelay $0x1  }
0xac: {  	s5 =	simm.s32 @p0 $0x1B8D  }
0xad: {  	_ =	swait.eq @p0 [sflag:s5], $0x1  }
0xae: {  	[sflag:s5] =	ssyncadd.s32 @p0 $0xFFFFFFFF  }
0xaf: {  	s6 =	sshll.u32 @!p0 s1, $0xE  }
0xb0: {  	s6 =	sor.u32 @!p0 $0x4000, s6;
	s5 =	simm.s32 @!p0 $0x1B8D  }
0xb1: {  	s4 =	sshll.u32 @!p0 s4, $0x11;
	s6 =	sadd.s32 @!p0 $0x11B8D, s6;
	_ =	swait.eq @!p0 [sflag:s5], $0x1  }
0xb2: {  	s4 =	sor.u32 @!p0 s4, s6;
	[sflag:s5] =	ssyncadd.s32 @!p0 $0xFFFFFFFF  }
0xb3: {  	s25 =	simm.s32 $0x1B8E;
	s24 =	sld [smem:$0x3FFE];
	[sflag:s4] =	ssyncadd.remote.s32 @!p0 $0x1  }
0xb4: {  	s26 =	simm.s32 $execute0_lowered;
	[smem:$0x3FD2] =	sst s25  }
0xb5: {  	s5 =	sshll.u32 s26, $0x1;
	_ =	strace $0x80000049;
	[dreg:$0x1] =	wrdreg $0xFFFFFFFF  }
0xb6: {  	s28 =	simm.s32 $_size_execute0_lowered;
	s3 =	sadd.s32 s3, s5;
	[dreg:$0x0] =	wrdreg $0x0  }
0xb7: {  	s5 =	sshll.u32 s28, $0x1;
	[dreg:$0x2] =	wrdreg s3  }
0xb8: {  	[dreg:$0x3] =	wrdreg s5  }
0xb9: {  	[dreg:$0x4] =	wrdreg $0xC0  }
0xba: {  	_ =	task [dreg:s22], $0x5FFFF  }
0xbb: {  	[dreg:$0x1] =	wrdreg $0xFFFFFFFF  }
0xbc: {  	[dreg:$0x0] =	wrdreg $0x60  }
0xbd: {  	[dreg:$0x2] =	wrdreg s24  }
0xbe: {  	[dreg:$0x3] =	wrdreg $0xA  }
0xbf: {  	_ =	task.clear_ibuf [dreg:s22], $0x4FFFF;
	_ =	strace $0x90000049  }
0xc0: {  	s29 =	simm.s32 $0xA;
	_ =	strace $0x8000004B  }
0xc1: {  	_ =	swait.ge [sflag:s29], $0x1  }
0xc2: {  	[sflag:s29] =	ssyncadd.s32 $0xFFFFFFFF  }
0xc3: {  	_ =	strace $0x9000004B  }
0xc4: {  	_ =	sfence  }
0xc5: {  	s30 =	sld [smem:$0x0];
	_ =	sdelay $0x2  }
0xc6: {  	s31 =	sshll.u32 s1, $0xD;
	s1 =	sshrl.u32 s1, $0x2  }
0xc7: {  	s4 =	sand.u32 $0x4000, s31;
	s1 =	sadd.s32 s1, s30  }
0xc8: {  	s0 =	sor.u32 s4, s0;
	s1 =	sshll.u32 s1, $0x11  }
0xc9: {  	s0 =	sor.u32 s1, s0  }
0xca: {  	s0 =	sadd.s32 $0x8F2B, s0  }
0xcb: {  	[sflag:s0] =	ssyncadd.remote.s32 $0x1  }
0xcc: {  	_ =	sfence.sel $0xFFFF  }
0xcd: {  	[dreg:$0x0] =	wrdreg $0xFFFFFFFF;
	(pc) =	sbr.abs _section_cstart, $3  }
0xce: {  	[dreg:$0x1] =	wrdreg $0xFFFFFFFF  }
0xcf: {  	_ =	task.clear_ibuf [dreg:s22], $0x2FFFF;
	_ =	strace $0x9FFFFFFF  }
0xd0: {  	(tm) =	ssettm $0x7FFFFFFF  }
0xd1: {  	_ =	shalt  }
tec
execute0_lowered:
.L_overlay_start_1:
0x0: {  	(tag) =	ssettag $0x1  }
0x1: {  	s1 =	srdreg.scid  }
0x2: {  	s0 =	stileid.u32;
	s24 =	sand.u32 $0x1, s1  }
0x3: {  	s30 =	sshll.u32 s0, $0xB;
	s2 =	sshll.u32 s24, $0xA  }
0x4: {  	s11 =	sor.u32 s2, s30  }
0x5: {  	s10 =	rddreg [dreg:$0x0];
	s2 =	simm.s32 $0x0;
	s3 =	sshrl.u32 s11, $0x3  }
0x6: {  	s4 =	simm.s32 $0x3;
	[smem:$0x7FF] =	sst s2;
	s3 =	sadd.s32 s3, s10  }
0x7: {  	s1 =	rddreg [dreg:$0x1];
	_ =	strace $0x8000004A;
	s3 =	sadd.s32 $0x93E00, s3  }
0x8: {  	[tilespmem:s2], [sflag:$0x3] =	stream.linear.gather [hbm4b:s3+s2], $0x400, $0x38;
	[tilespmem:$0x8400] =	vst v63  }
0x9: {  	_ =	swait.ge [sflag:s4], $0x400  }
0xa: {  	s6 =	simm.s32 $0x80;
	[sflag:s4] =	ssyncset.done $0x0  }
0xb: {  	s7 =	simm.s32 $0x400;
	s5 =	sadd.s32 $0x8BE00, s10;
	[sflag:s4] =	ssyncadd.s32 $0xFFFFFC00  }
0xc: {  	[tilespmem:s7], [sflag:$0x1] =	stream.indirect.gather [hbm4b:s5+s6], $0x80, s2, s6, $0xb8;
	[tilespmem:$0x8400] =	vst v63  }
0xd: {  	s8 =	simm.s32 $0x4400;
	s9 =	simm.s32 $0x1  }
0xe: {  	[tilespmem:s8], [sflag:$0x1] =	stream.indirect.gather [hbm4b:s5+s6], $0x80, s6, s6, $0xb8;
	[tilespmem:$0x8400] =	vst v63  }
0xf: {  	s11 =	sshll.u32 s11, $0x4;
	_ =	swait.ge [sflag:s9], $0x4000  }
0x10: {  	s25 =	sadd.s32 s11, s10;
	[sflag:s9] =	ssyncset.done $0x0  }
0x11: {  	s10 =	sadd.s32 $0x94E00, s25;
	[sflag:s9] =	ssyncadd.s32 $0xFFFFC000  }
0x12: {  	[hbm4b:s10+s2] =	stream.linear.scatter [tilespmem:s7], [sflag:$0x2], $0x4000, $0x38;
	[tilespmem:$0x8400] =	vst v63  }
0x13: {  	_ =	swait.ge [sflag:s9], $0x4000  }
0x14: {  	[sflag:s9] =	ssyncset.done $0x0  }
0x15: {  	s11 =	simm.s32 $0x2;
	s12 =	sadd.s32 $0x95600, s25;
	[sflag:s9] =	ssyncadd.s32 $0xFFFFC000  }
0x16: {  	[hbm4b:s12+s2] =	stream.linear.scatter [tilespmem:s8], [sflag:$0x2], $0x4000, $0x38;
	[tilespmem:$0x8400] =	vst v63  }
0x17: {  	_ =	swait.ge [sflag:s11], $0x4000  }
0x18: {  	[sflag:s11] =	ssyncset.done $0x0  }
0x19: {  	[sflag:s11] =	ssyncadd.s32 $0xFFFFC000  }
0x1a: {  	_ =	swait.ge [sflag:s11], $0x4000  }
0x1b: {  	[sflag:s11] =	ssyncset.done $0x0  }
0x1c: {  	s13 =	simm.s32 $0x100;
	[sflag:s11] =	ssyncadd.s32 $0xFFFFC000  }
0x1d: {  	[tilespmem:s7], [sflag:$0x1] =	stream.indirect.gather [hbm4b:s5+s6], $0x80, s13, s6, $0xb8;
	[tilespmem:$0x8400] =	vst v63  }
0x1e: {  	s14 =	simm.s32 $0x180  }
0x1f: {  	[tilespmem:s8], [sflag:$0x1] =	stream.indirect.gather [hbm4b:s5+s6], $0x80, s14, s6, $0xb8;
	[tilespmem:$0x8400] =	vst v63  }
0x20: {  	_ =	swait.ge [sflag:s9], $0x4000  }
0x21: {  	[sflag:s9] =	ssyncset.done $0x0  }
0x22: {  	s15 =	sadd.s32 $0x95E00, s25;
	[sflag:s9] =	ssyncadd.s32 $0xFFFFC000  }
0x23: {  	[hbm4b:s15+s2] =	stream.linear.scatter [tilespmem:s7], [sflag:$0x2], $0x4000, $0x38;
	[tilespmem:$0x8400] =	vst v63  }
0x24: {  	_ =	swait.ge [sflag:s9], $0x4000  }
0x25: {  	[sflag:s9] =	ssyncset.done $0x0  }
0x26: {  	s16 =	sadd.s32 $0x96600, s25;
	[sflag:s9] =	ssyncadd.s32 $0xFFFFC000  }
0x27: {  	[hbm4b:s16+s2] =	stream.linear.scatter [tilespmem:s8], [sflag:$0x2], $0x4000, $0x38;
	[tilespmem:$0x8400] =	vst v63  }
0x28: {  	_ =	swait.ge [sflag:s11], $0x4000  }
0x29: {  	[sflag:s11] =	ssyncset.done $0x0  }
0x2a: {  	[sflag:s11] =	ssyncadd.s32 $0xFFFFC000  }
0x2b: {  	_ =	swait.ge [sflag:s11], $0x4000  }
0x2c: {  	[sflag:s11] =	ssyncset.done $0x0  }
0x2d: {  	s17 =	simm.s32 $0x200;
	[sflag:s11] =	ssyncadd.s32 $0xFFFFC000  }
0x2e: {  	[tilespmem:s7], [sflag:$0x1] =	stream.indirect.gather [hbm4b:s5+s6], $0x80, s17, s6, $0xb8;
	[tilespmem:$0x8400] =	vst v63  }
0x2f: {  	s18 =	simm.s32 $0x280  }
0x30: {  	[tilespmem:s8], [sflag:$0x1] =	stream.indirect.gather [hbm4b:s5+s6], $0x80, s18, s6, $0xb8;
	[tilespmem:$0x8400] =	vst v63  }
0x31: {  	_ =	swait.ge [sflag:s9], $0x4000  }
0x32: {  	[sflag:s9] =	ssyncset.done $0x0  }
0x33: {  	s19 =	sadd.s32 $0x96E00, s25;
	[sflag:s9] =	ssyncadd.s32 $0xFFFFC000  }
0x34: {  	[hbm4b:s19+s2] =	stream.linear.scatter [tilespmem:s7], [sflag:$0x2], $0x4000, $0x38;
	[tilespmem:$0x8400] =	vst v63  }
0x35: {  	_ =	swait.ge [sflag:s9], $0x4000  }
0x36: {  	[sflag:s9] =	ssyncset.done $0x0  }
0x37: {  	s20 =	sadd.s32 $0x97600, s25;
	[sflag:s9] =	ssyncadd.s32 $0xFFFFC000  }
0x38: {  	[hbm4b:s20+s2] =	stream.linear.scatter [tilespmem:s8], [sflag:$0x2], $0x4000, $0x38;
	[tilespmem:$0x8400] =	vst v63  }
0x39: {  	_ =	swait.ge [sflag:s11], $0x4000  }
0x3a: {  	[sflag:s11] =	ssyncset.done $0x0  }
0x3b: {  	[sflag:s11] =	ssyncadd.s32 $0xFFFFC000  }
0x3c: {  	_ =	swait.ge [sflag:s11], $0x4000  }
0x3d: {  	[sflag:s11] =	ssyncset.done $0x0  }
0x3e: {  	s21 =	simm.s32 $0x300;
	[sflag:s11] =	ssyncadd.s32 $0xFFFFC000  }
0x3f: {  	[tilespmem:s7], [sflag:$0x1] =	stream.indirect.gather [hbm4b:s5+s6], $0x80, s21, s6, $0xb8;
	[tilespmem:$0x8400] =	vst v63  }
0x40: {  	s22 =	simm.s32 $0x380  }
0x41: {  	[tilespmem:s8], [sflag:$0x1] =	stream.indirect.gather [hbm4b:s5+s6], $0x80, s22, s6, $0xb8;
	[tilespmem:$0x8400] =	vst v63  }
0x42: {  	_ =	swait.ge [sflag:s9], $0x4000  }
0x43: {  	s26 =	ssub.s32 $0x2, s24;
	[sflag:s9] =	ssyncset.done $0x0  }
0x44: {  	s31 =	sshrl.u32 s26, $0x1;
	s23 =	sadd.s32 $0x97E00, s25;
	[sflag:s9] =	ssyncadd.s32 $0xFFFFC000  }
0x45: {  	[hbm4b:s23+s2] =	stream.linear.scatter [tilespmem:s7], [sflag:$0x2], $0x4000, $0x38;
	[tilespmem:$0x8400] =	vst v63  }
0x46: {  	s24 =	sadd.s32 $0x98600, s25;
	s25 =	ssub.s32 s26, s31;
	_ =	swait.ge [sflag:s9], $0x4000  }
0x47: {  	s25 =	smax.u32 s25, $0x1;
	[sflag:s9] =	ssyncset.done $0x0  }
0x48: {  	p0 =	sne.s32 s25, $0x1;
	[sflag:s9] =	ssyncadd.s32 $0xFFFFC000  }
0x49: {  	[hbm4b:s24+s2] =	stream.linear.scatter [tilespmem:s8], [sflag:$0x2], $0x4000, $0x38;
	[tilespmem:$0x8400] =	vst v63  }
.Ltmp0:
0x4a: {  	_ =	swait.ge [sflag:s11], $0x4000;
	(pc) =	sbr.rel @!p0 .LBB2_2-.Ltmp0, $4  }
0x4b: {  	[sflag:s11] =	ssyncset.done $0x0  }
0x4c: {  	[sflag:s11] =	ssyncadd.s32 $0xFFFFC000  }
0x4d: {  	_ =	swait.ge [sflag:s11], $0x4000  }
0x4e: {  	s25 =	sadd.s32 $0xFFFFFFFF, s25;
	[sflag:s11] =	ssyncset.done $0x0  }
.LBB2_1:
0x4f: {  	p0 =	sne.s32 s25, $0x1;
	s25 =	sadd.s32 $0xFFFFFFFF, s25;
	[sflag:s11] =	ssyncadd.s32 $0xFFFFC000  }
0x50: {  	[tilespmem:s2], [sflag:$0x3] =	stream.linear.gather [hbm4b:s3+s2], $0x400, $0x38;
	[tilespmem:$0x8400] =	vst v63  }
0x51: {  	_ =	swait.ge [sflag:s4], $0x400  }
0x52: {  	[sflag:s4] =	ssyncset.done $0x0  }
0x53: {  	[sflag:s4] =	ssyncadd.s32 $0xFFFFFC00  }
0x54: {  	[tilespmem:s7], [sflag:$0x1] =	stream.indirect.gather [hbm4b:s5+s6], $0x80, s2, s6, $0xb8;
	[tilespmem:$0x8400] =	vst v63  }
0x55: {  	_ = 	snop  }
0x56: {  	[tilespmem:s8], [sflag:$0x1] =	stream.indirect.gather [hbm4b:s5+s6], $0x80, s6, s6, $0xb8;
	[tilespmem:$0x8400] =	vst v63  }
0x57: {  	_ =	swait.ge [sflag:s9], $0x4000  }
0x58: {  	[sflag:s9] =	ssyncset.done $0x0  }
0x59: {  	[sflag:s9] =	ssyncadd.s32 $0xFFFFC000  }
0x5a: {  	[hbm4b:s10+s2] =	stream.linear.scatter [tilespmem:s7], [sflag:$0x2], $0x4000, $0x38;
	[tilespmem:$0x8400] =	vst v63  }
0x5b: {  	_ =	swait.ge [sflag:s9], $0x4000  }
0x5c: {  	[sflag:s9] =	ssyncset.done $0x0  }
0x5d: {  	[sflag:s9] =	ssyncadd.s32 $0xFFFFC000  }
0x5e: {  	[hbm4b:s12+s2] =	stream.linear.scatter [tilespmem:s8], [sflag:$0x2], $0x4000, $0x38;
	[tilespmem:$0x8400] =	vst v63  }
0x5f: {  	_ =	swait.ge [sflag:s11], $0x4000  }
0x60: {  	[sflag:s11] =	ssyncset.done $0x0  }
0x61: {  	[sflag:s11] =	ssyncadd.s32 $0xFFFFC000  }
0x62: {  	_ =	swait.ge [sflag:s11], $0x4000  }
0x63: {  	[sflag:s11] =	ssyncset.done $0x0  }
0x64: {  	[sflag:s11] =	ssyncadd.s32 $0xFFFFC000  }
0x65: {  	[tilespmem:s7], [sflag:$0x1] =	stream.indirect.gather [hbm4b:s5+s6], $0x80, s13, s6, $0xb8;
	[tilespmem:$0x8400] =	vst v63  }
0x66: {  	_ = 	snop  }
0x67: {  	[tilespmem:s8], [sflag:$0x1] =	stream.indirect.gather [hbm4b:s5+s6], $0x80, s14, s6, $0xb8;
	[tilespmem:$0x8400] =	vst v63  }
0x68: {  	_ =	swait.ge [sflag:s9], $0x4000  }
0x69: {  	[sflag:s9] =	ssyncset.done $0x0  }
0x6a: {  	[sflag:s9] =	ssyncadd.s32 $0xFFFFC000  }
0x6b: {  	[hbm4b:s15+s2] =	stream.linear.scatter [tilespmem:s7], [sflag:$0x2], $0x4000, $0x38;
	[tilespmem:$0x8400] =	vst v63  }
0x6c: {  	_ =	swait.ge [sflag:s9], $0x4000  }
0x6d: {  	[sflag:s9] =	ssyncset.done $0x0  }
0x6e: {  	[sflag:s9] =	ssyncadd.s32 $0xFFFFC000  }
0x6f: {  	[hbm4b:s16+s2] =	stream.linear.scatter [tilespmem:s8], [sflag:$0x2], $0x4000, $0x38;
	[tilespmem:$0x8400] =	vst v63  }
0x70: {  	_ =	swait.ge [sflag:s11], $0x4000  }
0x71: {  	[sflag:s11] =	ssyncset.done $0x0  }
0x72: {  	[sflag:s11] =	ssyncadd.s32 $0xFFFFC000  }
0x73: {  	_ =	swait.ge [sflag:s11], $0x4000  }
0x74: {  	[sflag:s11] =	ssyncset.done $0x0  }
0x75: {  	[sflag:s11] =	ssyncadd.s32 $0xFFFFC000  }
0x76: {  	[tilespmem:s7], [sflag:$0x1] =	stream.indirect.gather [hbm4b:s5+s6], $0x80, s17, s6, $0xb8;
	[tilespmem:$0x8400] =	vst v63  }
0x77: {  	_ = 	snop  }
0x78: {  	[tilespmem:s8], [sflag:$0x1] =	stream.indirect.gather [hbm4b:s5+s6], $0x80, s18, s6, $0xb8;
	[tilespmem:$0x8400] =	vst v63  }
0x79: {  	_ =	swait.ge [sflag:s9], $0x4000  }
0x7a: {  	[sflag:s9] =	ssyncset.done $0x0  }
0x7b: {  	[sflag:s9] =	ssyncadd.s32 $0xFFFFC000  }
0x7c: {  	[hbm4b:s19+s2] =	stream.linear.scatter [tilespmem:s7], [sflag:$0x2], $0x4000, $0x38;
	[tilespmem:$0x8400] =	vst v63  }
0x7d: {  	_ =	swait.ge [sflag:s9], $0x4000  }
0x7e: {  	[sflag:s9] =	ssyncset.done $0x0  }
0x7f: {  	[sflag:s9] =	ssyncadd.s32 $0xFFFFC000  }
0x80: {  	[hbm4b:s20+s2] =	stream.linear.scatter [tilespmem:s8], [sflag:$0x2], $0x4000, $0x38;
	[tilespmem:$0x8400] =	vst v63  }
0x81: {  	_ =	swait.ge [sflag:s11], $0x4000  }
0x82: {  	[sflag:s11] =	ssyncset.done $0x0  }
0x83: {  	[sflag:s11] =	ssyncadd.s32 $0xFFFFC000  }
0x84: {  	_ =	swait.ge [sflag:s11], $0x4000  }
0x85: {  	[sflag:s11] =	ssyncset.done $0x0  }
0x86: {  	[sflag:s11] =	ssyncadd.s32 $0xFFFFC000  }
0x87: {  	[tilespmem:s7], [sflag:$0x1] =	stream.indirect.gather [hbm4b:s5+s6], $0x80, s21, s6, $0xb8;
	[tilespmem:$0x8400] =	vst v63  }
0x88: {  	_ = 	snop  }
0x89: {  	[tilespmem:s8], [sflag:$0x1] =	stream.indirect.gather [hbm4b:s5+s6], $0x80, s22, s6, $0xb8;
	[tilespmem:$0x8400] =	vst v63  }
0x8a: {  	_ =	swait.ge [sflag:s9], $0x4000  }
0x8b: {  	[sflag:s9] =	ssyncset.done $0x0  }
0x8c: {  	[sflag:s9] =	ssyncadd.s32 $0xFFFFC000  }
0x8d: {  	[hbm4b:s23+s2] =	stream.linear.scatter [tilespmem:s7], [sflag:$0x2], $0x4000, $0x38;
	[tilespmem:$0x8400] =	vst v63  }
0x8e: {  	_ =	swait.ge [sflag:s9], $0x4000  }
0x8f: {  	[sflag:s9] =	ssyncset.done $0x0  }
0x90: {  	[sflag:s9] =	ssyncadd.s32 $0xFFFFC000  }
0x91: {  	[hbm4b:s24+s2] =	stream.linear.scatter [tilespmem:s8], [sflag:$0x2], $0x4000, $0x38;
	[tilespmem:$0x8400] =	vst v63  }
.Ltmp1:
0x92: {  	_ =	swait.ge [sflag:s11], $0x4000;
	(pc) =	sbr.rel @p0 .LBB2_1-.Ltmp1, $4  }
0x93: {  	[sflag:s11] =	ssyncset.done $0x0  }
0x94: {  	[sflag:s11] =	ssyncadd.s32 $0xFFFFC000  }
0x95: {  	_ =	swait.ge [sflag:s11], $0x4000  }
0x96: {  	[sflag:s11] =	ssyncset.done $0x0  }
.LBB2_2:
0x97: {  	[sflag:s11] =	ssyncadd.s32 $0xFFFFC000  }
0x98: {  	_ =	sfence.sel $0x180000  }
0x99: {  	[bflag:$0x0] =	sbarrier.arrive $0xFFFF  }
0x9a: {  	p0 =	sne.s32 s0, $0x0;
	_ =	strace $0x9000004A  }
0x9b: {  	s0 =	sadd.s32 @!p0 $0x100000, s1;
	[bflag:$0x2] =	sbarrier.arrive $0xFFFF  }
0x9c: {  	[sflag:s0] =	ssyncadd.tile.s32 @!p0 $0x1;
	_ =	shalt  }
.Lfunc_end2:
_tile_overlayer_lowered:
.L_overlay_start_2:
0x9d: {  	(tag) =	ssettag $0x2  }
0x9e: {  	s0 =	rddreg [dreg:$0x0];
	s2 =	stileid.u32  }
0x9f: {  	s1 =	rddreg [dreg:$0x1];
	p0 =	sne.s32 s2, $0x0  }
0xa0: {  	s3 =	rddreg [dreg:$0x2];
	[bflag:$0x3] =	sbarrier.arrive $0xFFFF;
	s2 =	simm.s32 @!p0 $0x1C03  }
0xa1: {  	[timem:s3], [sflag:s2] =	dma.local @!p0 [hbm:s0], s1  }
0xa2: {  	s0 =	simm.s32 @!p0 $0x3  }
0xa3: {  	_ =	swait.ge @!p0 [sflag:s0], s1  }
0xa4: {  	s1 =	ssub.s32 @!p0 $0x0, s1;
	[sflag:s0] =	ssyncset.done @!p0 $0x0  }
0xa5: {  	[sflag:s0] =	ssyncadd.s32 @!p0 s1  }
0xa6: {  	[bflag:$0x3] =	sbarrier.arrive $0xFFFF  }
0xa7: {  	_ =	shalt  }

// kernel: kernel.20.cloned.1.call-start
scs
__scs_entry_jumppad:
0x0: {  	(pc) =	sbr.rel $0x88, $3  }
0x1: {  	(tag) =	ssettag $0x0;
	lr =	simm.s32 $0x1  }
0x2: {  	[smem:$0x3F9A] =	sst lr;
	_ =	strace $0xD0000000  }
0x3: {  	_ = 	snop  }
0x4: {  	_ = 	snop  }
0x5: {  	_ = 	snop  }
0x6: {  	_ = 	snop  }
0x7: {  	_ = 	snop  }
__scs_overlays_trampoline_lowered:
0x8: {  	[smem:$0x3FA9] =	sst s0  }
0x9: {  	[smem:$0x3FAA] =	sst s1  }
0xa: {  	[smem:$0x3FAB] =	sst s2  }
0xb: {  	[smem:$0x3FAC] =	sst s3  }
0xc: {  	[smem:$0x3FAD] =	sst s4  }
0xd: {  	[smem:$0x3FAE] =	sst s5  }
0xe: {  	[smem:$0x3FAF] =	sst s6  }
0xf: {  	[smem:$0x3FB0] =	sst s7  }
0x10: {  	[smem:$0x3FB1] =	sst s8  }
0x11: {  	[smem:$0x3FB2] =	sst s9;
	s0 =	simm.s32 @!p0 $0x0  }
0x12: {  	s1 =	sld [smem:$0x3F98];
	s0 =	simm.s32 @p0 $0x1  }
0x13: {  	[smem:$0x3FB3] =	sst s0;
	s0 =	simm.s32 @!p1 $0x0  }
0x14: {  	s2 =	sld [smem:$0x3F97];
	s0 =	simm.s32 @p1 $0x1  }
0x15: {  	[smem:$0x3FB4] =	sst s0;
	s0 =	simm.s32 @!p2 $0x0  }
0x16: {  	s3 =	sld [smem:$0x3FDB];
	s0 =	simm.s32 @p2 $0x1  }
0x17: {  	s4 =	simm.s32 $0x1BF5;
	[smem:$0x3FB6] =	sst s0  }
0x18: {  	s0 =	sld [smem:$0x3F99];
	_ =	swait.ge [sflag:s4], $0x0  }
0x19: {  	s7 =	sld [smem:$0x3F9A]  }
0x1a: {  	s8 =	sadd.s32 $0xFFFFE003, lr  }
0x1b: {  	s9 =	sadd.s32 $0xFFFFFEF7, lr;
	s5 =	simm.s32 $0xFFFFFFFF;
	p2 =	slt.u32 s8, $0xFFFFF086  }
0x1c: {  	p1 =	slt.u32 s9, $0xF7A;
	s5 =	simm.s32 @!p2 $0x0  }
0x1d: {  	s5 =	simm.s32 @p1 $0x1;
	p0 =	seq.s32 s7, s2  }
0x1e: {  	s7 =	smul.u32 @!p0 $0xF7A, s2;
	p2 =	seq.s32 @!p0 s5, $0x0  }
0x1f: {  	s9 =	smul.u32 $0xF7A, s1;
	s8 =	simm.s32 @!p0 $0x1BF5;
	p2 =	por !p2, p0  }
0x20: {  	[sflag:s8] =	ssyncset.s32 @!p0 $0xFFFFF086;
	s6 =	sadd.s32 @!p0 s3, s7;
	s7 =	simm.s32 @!p0 $0x108  }
0x21: {  	s3 =	sadd.s32 s3, s9;
	s6 =	sadd.s32 @!p0 $0x88, s6;
	s7 =	simm.s32 @p2 $0x1082  }
0x22: {  	[simem:s7], [sflag:s8] =	dma.local @!p0 [hbm:s6], $0xF7A  }
0x23: {  	s9 =	sor.u32 $0xD0000000, s2;
	s6 =	simm.s32 $0x108;
	_ =	swait.ge @!p0 [sflag:s8], $0x0  }
0x24: {  	s3 =	sadd.s32 $0x88, s3;
	s6 =	simm.s32 @!p1 $0x1082;
	[sflag:s4] =	ssyncset.s32 $0xFFFFF086  }
0x25: {  	[simem:s6], [sflag:s4] =	dma.local [hbm:s3], $0xF7A  }
0x26: {  	[smem:$0x3F9A] =	sst s1;
	(tag) =	ssettag s2;
	_ =	strace s9  }
0x27: {  	s1 =	sld [smem:$0x3FAA]  }
0x28: {  	s2 =	sld [smem:$0x3FAB]  }
0x29: {  	s4 =	sld [smem:$0x3FAD]  }
0x2a: {  	p0 =	seq.s32 s5, $0x0;
	s5 =	sld [smem:$0x3FAE]  }
0x2b: {  	s6 =	sld [smem:$0x3FAF]  }
0x2c: {  	s7 =	sld [smem:$0x3FB0]  }
0x2d: {  	s3 =	simm.s32 $0x108;
	s8 =	sld [smem:$0x3FB1]  }
0x2e: {  	s3 =	simm.s32 @!p0 $0x1082;
	s9 =	sld [smem:$0x3FB2]  }
0x2f: {  	lr =	sadd.s32 s0, s3;
	s0 =	sld [smem:$0x3FA9]  }
0x30: {  	s3 =	sld [smem:$0x3FAC]  }
0x31: {  	[smem:$0x3FB5] =	sst s10  }
0x32: {  	s10 =	sld [smem:$0x3FB3];
	_ =	sdelay $0x3  }
0x33: {  	p0 =	seq.s32 s10, $0x1;
	s10 =	sld [smem:$0x3FB5];
	_ =	sdelay $0x3  }
0x34: {  	[smem:$0x3FB5] =	sst s10  }
0x35: {  	s10 =	sld [smem:$0x3FB4];
	_ =	sdelay $0x3  }
0x36: {  	p1 =	seq.s32 s10, $0x1;
	s10 =	sld [smem:$0x3FB5];
	_ =	sdelay $0x3  }
0x37: {  	[smem:$0x3FB5] =	sst s10  }
0x38: {  	s10 =	sld [smem:$0x3FB6]  }
0x39: {  	_ = 	snop;
	(pc) =	sbr.ind lr, $3  }
0x3a: {  	_ = 	snop  }
0x3b: {  	_ = 	snop  }
0x3c: {  	p2 =	seq.s32 s10, $0x1;
	s10 =	sld [smem:$0x3FB5]  }
0x3d: {  	_ =	shalt  }
0x3e: {  	_ =	shalt  }
0x3f: {  	_ =	shalt  }
0x40: {  	_ =	shalt  }
0x41: {  	_ =	shalt  }
0x42: {  	_ =	shalt  }
0x43: {  	_ =	shalt  }
0x44: {  	_ =	shalt  }
0x45: {  	_ =	shalt  }
0x46: {  	_ =	shalt  }
0x47: {  	_ =	shalt  }
0x48: {  	_ =	shalt  }
0x49: {  	_ =	shalt  }
0x4a: {  	_ =	shalt  }
0x4b: {  	_ =	shalt  }
0x4c: {  	_ =	shalt  }
0x4d: {  	_ =	shalt  }
0x4e: {  	_ =	shalt  }
0x4f: {  	_ =	shalt  }
0x50: {  	_ =	shalt  }
0x51: {  	_ =	shalt  }
0x52: {  	_ =	shalt  }
0x53: {  	_ =	shalt  }
0x54: {  	_ =	shalt  }
0x55: {  	_ =	shalt  }
0x56: {  	_ =	shalt  }
0x57: {  	_ =	shalt  }
0x58: {  	_ =	shalt  }
0x59: {  	_ =	shalt  }
0x5a: {  	_ =	shalt  }
0x5b: {  	_ =	shalt  }
0x5c: {  	_ =	shalt  }
0x5d: {  	_ =	shalt  }
0x5e: {  	_ =	shalt  }
0x5f: {  	_ =	shalt  }
0x60: {  	_ =	shalt  }
0x61: {  	_ =	shalt  }
0x62: {  	_ =	shalt  }
0x63: {  	_ =	shalt  }
0x64: {  	_ =	shalt  }
0x65: {  	_ =	shalt  }
0x66: {  	_ =	shalt  }
0x67: {  	_ =	shalt  }
0x68: {  	_ =	shalt  }
0x69: {  	_ =	shalt  }
0x6a: {  	_ =	shalt  }
0x6b: {  	_ =	shalt  }
0x6c: {  	_ =	shalt  }
0x6d: {  	_ =	shalt  }
0x6e: {  	_ =	shalt  }
0x6f: {  	_ =	shalt  }
0x70: {  	_ =	shalt  }
0x71: {  	_ =	shalt  }
0x72: {  	_ =	shalt  }
0x73: {  	_ =	shalt  }
0x74: {  	_ =	shalt  }
0x75: {  	_ =	shalt  }
0x76: {  	_ =	shalt  }
0x77: {  	_ =	shalt  }
0x78: {  	_ =	shalt  }
0x79: {  	_ =	shalt  }
0x7a: {  	_ =	shalt  }
0x7b: {  	_ =	shalt  }
0x7c: {  	_ =	shalt  }
0x7d: {  	_ =	shalt  }
0x7e: {  	_ =	shalt  }
0x7f: {  	_ =	shalt  }
0x80: {  	_ =	shalt  }
0x81: {  	_ =	shalt  }
0x82: {  	_ =	shalt  }
0x83: {  	_ =	shalt  }
0x84: {  	_ =	shalt  }
0x85: {  	_ =	shalt  }
0x86: {  	_ =	shalt  }
0x87: {  	_ =	shalt  }
.Lfunc_end0:
.L_simem_size_0:
called_computation.2_lowered:
.L_overlay_start_0:
0x88: {  	s2 =	sld [smem:$0x3FD9]  }
0x89: {  	s3 =	sld [smem:$0x3FFE];
	_ =	sdelay $0x1  }
0x8a: {  	s1 =	srdreg.scid  }
0x8b: {  	s0 =	sand.u32 $0x1, s1  }
0x8c: {  	s17 =	sshll.u32 s0, $0xA;
	s2 =	sadd.s32 s3, s2  }
0x8d: {  	s2 =	sadd.s32 s2, s17  }
0x8e: {  	[smem:$0x3FC1] =	sst s2  }
0x8f: {  	_ = 	snop  }
0x90: {  	(tm) =	ssettm $0x1  }
0x91: {  	s18 =	sld [smem:$0x3FFB];
	_ =	sdelay $0x3  }
0x92: {  	_ =	strace s18  }
0x93: {  	s2 =	sld [smem:$0x3FFC];
	_ =	sdelay $0x3  }
0x94: {  	_ =	strace s2  }
0x95: {  	s2 =	sld [smem:$0x3FFD];
	_ =	sdelay $0x3  }
0x96: {  	_ =	strace s2  }
0x97: {  	_ =	strace $0x8FFFFFFF  }
0x98: {  	s19 =	sld [smem:$0x3FDB];
	_ =	sdelay $0x1  }
0x99: {  	s20 =	simm.s32 $_scs_section_size  }
0x9a: {  	s4 =	simm.s32 $_size__tile_overlayer_lowered;
	s5 =	simm.s32 $_tile_overlayer_lowered  }
0x9b: {  	s6 =	simm.s32 $0x1BFF;
	s21 =	sshll.u32 s5, $0x1;
	s3 =	sadd.s32 s20, s19  }
0x9c: {  	s22 =	simm.s32 $0x0;
	s4 =	sshll.u32 s4, $0x1;
	s5 =	sadd.s32 s21, s3  }
0x9d: {  	[timem:s22], [sflag:s6] =	dma.local [hbm:s5], s4  }
0x9e: {  	_ =	swait.ge [sflag:s6], s4  }
0x9f: {  	s4 =	ssub.s32 $0x0, s4;
	[sflag:s6] =	ssyncset.done $0x0  }
0xa0: {  	[sflag:s6] =	ssyncadd.s32 s4;
	_ =	sdelay $0x1  }
0xa1: {  	s23 =	simm.s32 $0x1B8B  }
0xa2: {  	_ =	swait.ge [sflag:s23], $0x1  }
0xa3: {  	[sflag:s23] =	ssyncset.done $0x0  }
0xa4: {  	[sflag:s23] =	ssyncadd.s32 $0xFFFFFFFF  }
0xa5: {  	s4 =	sld [smem:$0x0]  }
0xa6: {  	s5 =	sand.u32 $0xFFFFFFFE, s1  }
0xa7: {  	p0 =	sne.s32 s1, s5  }
0xa8: {  	s5 =	sshll.u32 @p0 s5, $0xE  }
0xa9: {  	s5 =	sadd.s32 @p0 $0x11B8D, s5;
	s6 =	sshll.u32 @p0 s4, $0x11  }
0xaa: {  	s5 =	sor.u32 @p0 s6, s5  }
0xab: {  	[sflag:s5] =	ssyncadd.remote.s32 @p0 $0x1;
	_ =	sdelay $0x1  }
0xac: {  	s5 =	simm.s32 @p0 $0x1B8D  }
0xad: {  	_ =	swait.eq @p0 [sflag:s5], $0x1  }
0xae: {  	[sflag:s5] =	ssyncadd.s32 @p0 $0xFFFFFFFF  }
0xaf: {  	s6 =	sshll.u32 @!p0 s1, $0xE  }
0xb0: {  	s6 =	sor.u32 @!p0 $0x4000, s6;
	s5 =	simm.s32 @!p0 $0x1B8D  }
0xb1: {  	s4 =	sshll.u32 @!p0 s4, $0x11;
	s6 =	sadd.s32 @!p0 $0x11B8D, s6;
	_ =	swait.eq @!p0 [sflag:s5], $0x1  }
0xb2: {  	s4 =	sor.u32 @!p0 s4, s6;
	[sflag:s5] =	ssyncadd.s32 @!p0 $0xFFFFFFFF  }
0xb3: {  	s25 =	simm.s32 $0x1B8E;
	s24 =	sld [smem:$0x3FFE];
	[sflag:s4] =	ssyncadd.remote.s32 @!p0 $0x1  }
0xb4: {  	s26 =	simm.s32 $execute0_lowered;
	[smem:$0x3FD2] =	sst s25  }
0xb5: {  	s5 =	sshll.u32 s26, $0x1;
	_ =	strace $0x8000004C;
	[dreg:$0x1] =	wrdreg $0xFFFFFFFF  }
0xb6: {  	s28 =	simm.s32 $_size_execute0_lowered;
	s3 =	sadd.s32 s3, s5;
	[dreg:$0x0] =	wrdreg $0x0  }
0xb7: {  	s5 =	sshll.u32 s28, $0x1;
	[dreg:$0x2] =	wrdreg s3  }
0xb8: {  	[dreg:$0x3] =	wrdreg s5  }
0xb9: {  	[dreg:$0x4] =	wrdreg $0xC0  }
0xba: {  	_ =	task [dreg:s22], $0x5FFFF  }
0xbb: {  	[dreg:$0x1] =	wrdreg $0xFFFFFFFF  }
0xbc: {  	[dreg:$0x0] =	wrdreg $0x60  }
0xbd: {  	[dreg:$0x2] =	wrdreg s24  }
0xbe: {  	[dreg:$0x3] =	wrdreg $0xB  }
0xbf: {  	_ =	task.clear_ibuf [dreg:s22], $0x4FFFF;
	_ =	strace $0x9000004C  }
0xc0: {  	s29 =	simm.s32 $0xB;
	_ =	strace $0x8000004E  }
0xc1: {  	_ =	swait.ge [sflag:s29], $0x1  }
0xc2: {  	[sflag:s29] =	ssyncadd.s32 $0xFFFFFFFF  }
0xc3: {  	_ =	strace $0x9000004E  }
0xc4: {  	_ =	sfence  }
0xc5: {  	s30 =	sld [smem:$0x0];
	_ =	sdelay $0x2  }
0xc6: {  	s31 =	sshll.u32 s1, $0xD;
	s1 =	sshrl.u32 s1, $0x2  }
0xc7: {  	s4 =	sand.u32 $0x4000, s31;
	s1 =	sadd.s32 s1, s30  }
0xc8: {  	s0 =	sor.u32 s4, s0;
	s1 =	sshll.u32 s1, $0x11  }
0xc9: {  	s0 =	sor.u32 s1, s0  }
0xca: {  	s0 =	sadd.s32 $0x8F2B, s0  }
0xcb: {  	[sflag:s0] =	ssyncadd.remote.s32 $0x1  }
0xcc: {  	_ =	sfence.sel $0xFFFF  }
0xcd: {  	[dreg:$0x0] =	wrdreg $0xFFFFFFFF;
	(pc) =	sbr.abs _section_cstart, $3  }
0xce: {  	[dreg:$0x1] =	wrdreg $0xFFFFFFFF  }
0xcf: {  	_ =	task.clear_ibuf [dreg:s22], $0x2FFFF;
	_ =	strace $0x9FFFFFFF  }
0xd0: {  	(tm) =	ssettm $0x7FFFFFFF  }
0xd1: {  	_ =	shalt  }
tec
execute0_lowered:
.L_overlay_start_1:
0x0: {  	(tag) =	ssettag $0x1  }
0x1: {  	s1 =	srdreg.scid  }
0x2: {  	s0 =	stileid.u32;
	s24 =	sand.u32 $0x1, s1  }
0x3: {  	s30 =	sshll.u32 s0, $0xB;
	s2 =	sshll.u32 s24, $0xA  }
0x4: {  	s11 =	sor.u32 s2, s30  }
0x5: {  	s10 =	rddreg [dreg:$0x0];
	s2 =	simm.s32 $0x0;
	s3 =	sshrl.u32 s11, $0x3  }
0x6: {  	s4 =	simm.s32 $0x3;
	[smem:$0x7FF] =	sst s2;
	s3 =	sadd.s32 s3, s10  }
0x7: {  	s1 =	rddreg [dreg:$0x1];
	_ =	strace $0x8000004D;
	s3 =	sadd.s32 $0x11CE00, s3  }
0x8: {  	[tilespmem:s2], [sflag:$0x3] =	stream.linear.gather [hbm4b:s3+s2], $0x400, $0x38;
	[tilespmem:$0x8400] =	vst v63  }
0x9: {  	_ =	swait.ge [sflag:s4], $0x400  }
0xa: {  	s6 =	simm.s32 $0x80;
	[sflag:s4] =	ssyncset.done $0x0  }
0xb: {  	s7 =	simm.s32 $0x400;
	s5 =	sadd.s32 $0x114E00, s10;
	[sflag:s4] =	ssyncadd.s32 $0xFFFFFC00  }
0xc: {  	[tilespmem:s7], [sflag:$0x1] =	stream.indirect.gather [hbm4b:s5+s6], $0x80, s2, s6, $0xb8;
	[tilespmem:$0x8400] =	vst v63  }
0xd: {  	s8 =	simm.s32 $0x4400;
	s9 =	simm.s32 $0x1  }
0xe: {  	[tilespmem:s8], [sflag:$0x1] =	stream.indirect.gather [hbm4b:s5+s6], $0x80, s6, s6, $0xb8;
	[tilespmem:$0x8400] =	vst v63  }
0xf: {  	s11 =	sshll.u32 s11, $0x4;
	_ =	swait.ge [sflag:s9], $0x4000  }
0x10: {  	s25 =	sadd.s32 s11, s10;
	[sflag:s9] =	ssyncset.done $0x0  }
0x11: {  	s10 =	sadd.s32 $0x11DE00, s25;
	[sflag:s9] =	ssyncadd.s32 $0xFFFFC000  }
0x12: {  	[hbm4b:s10+s2] =	stream.linear.scatter [tilespmem:s7], [sflag:$0x2], $0x4000, $0x38;
	[tilespmem:$0x8400] =	vst v63  }
0x13: {  	_ =	swait.ge [sflag:s9], $0x4000  }
0x14: {  	[sflag:s9] =	ssyncset.done $0x0  }
0x15: {  	s11 =	simm.s32 $0x2;
	s12 =	sadd.s32 $0x11E600, s25;
	[sflag:s9] =	ssyncadd.s32 $0xFFFFC000  }
0x16: {  	[hbm4b:s12+s2] =	stream.linear.scatter [tilespmem:s8], [sflag:$0x2], $0x4000, $0x38;
	[tilespmem:$0x8400] =	vst v63  }
0x17: {  	_ =	swait.ge [sflag:s11], $0x4000  }
0x18: {  	[sflag:s11] =	ssyncset.done $0x0  }
0x19: {  	[sflag:s11] =	ssyncadd.s32 $0xFFFFC000  }
0x1a: {  	_ =	swait.ge [sflag:s11], $0x4000  }
0x1b: {  	[sflag:s11] =	ssyncset.done $0x0  }
0x1c: {  	s13 =	simm.s32 $0x100;
	[sflag:s11] =	ssyncadd.s32 $0xFFFFC000  }
0x1d: {  	[tilespmem:s7], [sflag:$0x1] =	stream.indirect.gather [hbm4b:s5+s6], $0x80, s13, s6, $0xb8;
	[tilespmem:$0x8400] =	vst v63  }
0x1e: {  	s14 =	simm.s32 $0x180  }
0x1f: {  	[tilespmem:s8], [sflag:$0x1] =	stream.indirect.gather [hbm4b:s5+s6], $0x80, s14, s6, $0xb8;
	[tilespmem:$0x8400] =	vst v63  }
0x20: {  	_ =	swait.ge [sflag:s9], $0x4000  }
0x21: {  	[sflag:s9] =	ssyncset.done $0x0  }
0x22: {  	s15 =	sadd.s32 $0x11EE00, s25;
	[sflag:s9] =	ssyncadd.s32 $0xFFFFC000  }
0x23: {  	[hbm4b:s15+s2] =	stream.linear.scatter [tilespmem:s7], [sflag:$0x2], $0x4000, $0x38;
	[tilespmem:$0x8400] =	vst v63  }
0x24: {  	_ =	swait.ge [sflag:s9], $0x4000  }
0x25: {  	[sflag:s9] =	ssyncset.done $0x0  }
0x26: {  	s16 =	sadd.s32 $0x11F600, s25;
	[sflag:s9] =	ssyncadd.s32 $0xFFFFC000  }
0x27: {  	[hbm4b:s16+s2] =	stream.linear.scatter [tilespmem:s8], [sflag:$0x2], $0x4000, $0x38;
	[tilespmem:$0x8400] =	vst v63  }
0x28: {  	_ =	swait.ge [sflag:s11], $0x4000  }
0x29: {  	[sflag:s11] =	ssyncset.done $0x0  }
0x2a: {  	[sflag:s11] =	ssyncadd.s32 $0xFFFFC000  }
0x2b: {  	_ =	swait.ge [sflag:s11], $0x4000  }
0x2c: {  	[sflag:s11] =	ssyncset.done $0x0  }
0x2d: {  	s17 =	simm.s32 $0x200;
	[sflag:s11] =	ssyncadd.s32 $0xFFFFC000  }
0x2e: {  	[tilespmem:s7], [sflag:$0x1] =	stream.indirect.gather [hbm4b:s5+s6], $0x80, s17, s6, $0xb8;
	[tilespmem:$0x8400] =	vst v63  }
0x2f: {  	s18 =	simm.s32 $0x280  }
0x30: {  	[tilespmem:s8], [sflag:$0x1] =	stream.indirect.gather [hbm4b:s5+s6], $0x80, s18, s6, $0xb8;
	[tilespmem:$0x8400] =	vst v63  }
0x31: {  	_ =	swait.ge [sflag:s9], $0x4000  }
0x32: {  	[sflag:s9] =	ssyncset.done $0x0  }
0x33: {  	s19 =	sadd.s32 $0x11FE00, s25;
	[sflag:s9] =	ssyncadd.s32 $0xFFFFC000  }
0x34: {  	[hbm4b:s19+s2] =	stream.linear.scatter [tilespmem:s7], [sflag:$0x2], $0x4000, $0x38;
	[tilespmem:$0x8400] =	vst v63  }
0x35: {  	_ =	swait.ge [sflag:s9], $0x4000  }
0x36: {  	[sflag:s9] =	ssyncset.done $0x0  }
0x37: {  	s20 =	sadd.s32 $0x120600, s25;
	[sflag:s9] =	ssyncadd.s32 $0xFFFFC000  }
0x38: {  	[hbm4b:s20+s2] =	stream.linear.scatter [tilespmem:s8], [sflag:$0x2], $0x4000, $0x38;
	[tilespmem:$0x8400] =	vst v63  }
0x39: {  	_ =	swait.ge [sflag:s11], $0x4000  }
0x3a: {  	[sflag:s11] =	ssyncset.done $0x0  }
0x3b: {  	[sflag:s11] =	ssyncadd.s32 $0xFFFFC000  }
0x3c: {  	_ =	swait.ge [sflag:s11], $0x4000  }
0x3d: {  	[sflag:s11] =	ssyncset.done $0x0  }
0x3e: {  	s21 =	simm.s32 $0x300;
	[sflag:s11] =	ssyncadd.s32 $0xFFFFC000  }
0x3f: {  	[tilespmem:s7], [sflag:$0x1] =	stream.indirect.gather [hbm4b:s5+s6], $0x80, s21, s6, $0xb8;
	[tilespmem:$0x8400] =	vst v63  }
0x40: {  	s22 =	simm.s32 $0x380  }
0x41: {  	[tilespmem:s8], [sflag:$0x1] =	stream.indirect.gather [hbm4b:s5+s6], $0x80, s22, s6, $0xb8;
	[tilespmem:$0x8400] =	vst v63  }
0x42: {  	_ =	swait.ge [sflag:s9], $0x4000  }
0x43: {  	s26 =	ssub.s32 $0x2, s24;
	[sflag:s9] =	ssyncset.done $0x0  }
0x44: {  	s31 =	sshrl.u32 s26, $0x1;
	s23 =	sadd.s32 $0x120E00, s25;
	[sflag:s9] =	ssyncadd.s32 $0xFFFFC000  }
0x45: {  	[hbm4b:s23+s2] =	stream.linear.scatter [tilespmem:s7], [sflag:$0x2], $0x4000, $0x38;
	[tilespmem:$0x8400] =	vst v63  }
0x46: {  	s24 =	sadd.s32 $0x121600, s25;
	s25 =	ssub.s32 s26, s31;
	_ =	swait.ge [sflag:s9], $0x4000  }
0x47: {  	s25 =	smax.u32 s25, $0x1;
	[sflag:s9] =	ssyncset.done $0x0  }
0x48: {  	p0 =	sne.s32 s25, $0x1;
	[sflag:s9] =	ssyncadd.s32 $0xFFFFC000  }
0x49: {  	[hbm4b:s24+s2] =	stream.linear.scatter [tilespmem:s8], [sflag:$0x2], $0x4000, $0x38;
	[tilespmem:$0x8400] =	vst v63  }
.Ltmp0:
0x4a: {  	_ =	swait.ge [sflag:s11], $0x4000;
	(pc) =	sbr.rel @!p0 .LBB2_2-.Ltmp0, $4  }
0x4b: {  	[sflag:s11] =	ssyncset.done $0x0  }
0x4c: {  	[sflag:s11] =	ssyncadd.s32 $0xFFFFC000  }
0x4d: {  	_ =	swait.ge [sflag:s11], $0x4000  }
0x4e: {  	s25 =	sadd.s32 $0xFFFFFFFF, s25;
	[sflag:s11] =	ssyncset.done $0x0  }
.LBB2_1:
0x4f: {  	p0 =	sne.s32 s25, $0x1;
	s25 =	sadd.s32 $0xFFFFFFFF, s25;
	[sflag:s11] =	ssyncadd.s32 $0xFFFFC000  }
0x50: {  	[tilespmem:s2], [sflag:$0x3] =	stream.linear.gather [hbm4b:s3+s2], $0x400, $0x38;
	[tilespmem:$0x8400] =	vst v63  }
0x51: {  	_ =	swait.ge [sflag:s4], $0x400  }
0x52: {  	[sflag:s4] =	ssyncset.done $0x0  }
0x53: {  	[sflag:s4] =	ssyncadd.s32 $0xFFFFFC00  }
0x54: {  	[tilespmem:s7], [sflag:$0x1] =	stream.indirect.gather [hbm4b:s5+s6], $0x80, s2, s6, $0xb8;
	[tilespmem:$0x8400] =	vst v63  }
0x55: {  	_ = 	snop  }
0x56: {  	[tilespmem:s8], [sflag:$0x1] =	stream.indirect.gather [hbm4b:s5+s6], $0x80, s6, s6, $0xb8;
	[tilespmem:$0x8400] =	vst v63  }
0x57: {  	_ =	swait.ge [sflag:s9], $0x4000  }
0x58: {  	[sflag:s9] =	ssyncset.done $0x0  }
0x59: {  	[sflag:s9] =	ssyncadd.s32 $0xFFFFC000  }
0x5a: {  	[hbm4b:s10+s2] =	stream.linear.scatter [tilespmem:s7], [sflag:$0x2], $0x4000, $0x38;
	[tilespmem:$0x8400] =	vst v63  }
0x5b: {  	_ =	swait.ge [sflag:s9], $0x4000  }
0x5c: {  	[sflag:s9] =	ssyncset.done $0x0  }
0x5d: {  	[sflag:s9] =	ssyncadd.s32 $0xFFFFC000  }
0x5e: {  	[hbm4b:s12+s2] =	stream.linear.scatter [tilespmem:s8], [sflag:$0x2], $0x4000, $0x38;
	[tilespmem:$0x8400] =	vst v63  }
0x5f: {  	_ =	swait.ge [sflag:s11], $0x4000  }
0x60: {  	[sflag:s11] =	ssyncset.done $0x0  }
0x61: {  	[sflag:s11] =	ssyncadd.s32 $0xFFFFC000  }
0x62: {  	_ =	swait.ge [sflag:s11], $0x4000  }
0x63: {  	[sflag:s11] =	ssyncset.done $0x0  }
0x64: {  	[sflag:s11] =	ssyncadd.s32 $0xFFFFC000  }
0x65: {  	[tilespmem:s7], [sflag:$0x1] =	stream.indirect.gather [hbm4b:s5+s6], $0x80, s13, s6, $0xb8;
	[tilespmem:$0x8400] =	vst v63  }
0x66: {  	_ = 	snop  }
0x67: {  	[tilespmem:s8], [sflag:$0x1] =	stream.indirect.gather [hbm4b:s5+s6], $0x80, s14, s6, $0xb8;
	[tilespmem:$0x8400] =	vst v63  }
0x68: {  	_ =	swait.ge [sflag:s9], $0x4000  }
0x69: {  	[sflag:s9] =	ssyncset.done $0x0  }
0x6a: {  	[sflag:s9] =	ssyncadd.s32 $0xFFFFC000  }
0x6b: {  	[hbm4b:s15+s2] =	stream.linear.scatter [tilespmem:s7], [sflag:$0x2], $0x4000, $0x38;
	[tilespmem:$0x8400] =	vst v63  }
0x6c: {  	_ =	swait.ge [sflag:s9], $0x4000  }
0x6d: {  	[sflag:s9] =	ssyncset.done $0x0  }
0x6e: {  	[sflag:s9] =	ssyncadd.s32 $0xFFFFC000  }
0x6f: {  	[hbm4b:s16+s2] =	stream.linear.scatter [tilespmem:s8], [sflag:$0x2], $0x4000, $0x38;
	[tilespmem:$0x8400] =	vst v63  }
0x70: {  	_ =	swait.ge [sflag:s11], $0x4000  }
0x71: {  	[sflag:s11] =	ssyncset.done $0x0  }
0x72: {  	[sflag:s11] =	ssyncadd.s32 $0xFFFFC000  }
0x73: {  	_ =	swait.ge [sflag:s11], $0x4000  }
0x74: {  	[sflag:s11] =	ssyncset.done $0x0  }
0x75: {  	[sflag:s11] =	ssyncadd.s32 $0xFFFFC000  }
0x76: {  	[tilespmem:s7], [sflag:$0x1] =	stream.indirect.gather [hbm4b:s5+s6], $0x80, s17, s6, $0xb8;
	[tilespmem:$0x8400] =	vst v63  }
0x77: {  	_ = 	snop  }
0x78: {  	[tilespmem:s8], [sflag:$0x1] =	stream.indirect.gather [hbm4b:s5+s6], $0x80, s18, s6, $0xb8;
	[tilespmem:$0x8400] =	vst v63  }
0x79: {  	_ =	swait.ge [sflag:s9], $0x4000  }
0x7a: {  	[sflag:s9] =	ssyncset.done $0x0  }
0x7b: {  	[sflag:s9] =	ssyncadd.s32 $0xFFFFC000  }
0x7c: {  	[hbm4b:s19+s2] =	stream.linear.scatter [tilespmem:s7], [sflag:$0x2], $0x4000, $0x38;
	[tilespmem:$0x8400] =	vst v63  }
0x7d: {  	_ =	swait.ge [sflag:s9], $0x4000  }
0x7e: {  	[sflag:s9] =	ssyncset.done $0x0  }
0x7f: {  	[sflag:s9] =	ssyncadd.s32 $0xFFFFC000  }
0x80: {  	[hbm4b:s20+s2] =	stream.linear.scatter [tilespmem:s8], [sflag:$0x2], $0x4000, $0x38;
	[tilespmem:$0x8400] =	vst v63  }
0x81: {  	_ =	swait.ge [sflag:s11], $0x4000  }
0x82: {  	[sflag:s11] =	ssyncset.done $0x0  }
0x83: {  	[sflag:s11] =	ssyncadd.s32 $0xFFFFC000  }
0x84: {  	_ =	swait.ge [sflag:s11], $0x4000  }
0x85: {  	[sflag:s11] =	ssyncset.done $0x0  }
0x86: {  	[sflag:s11] =	ssyncadd.s32 $0xFFFFC000  }
0x87: {  	[tilespmem:s7], [sflag:$0x1] =	stream.indirect.gather [hbm4b:s5+s6], $0x80, s21, s6, $0xb8;
	[tilespmem:$0x8400] =	vst v63  }
0x88: {  	_ = 	snop  }
0x89: {  	[tilespmem:s8], [sflag:$0x1] =	stream.indirect.gather [hbm4b:s5+s6], $0x80, s22, s6, $0xb8;
	[tilespmem:$0x8400] =	vst v63  }
0x8a: {  	_ =	swait.ge [sflag:s9], $0x4000  }
0x8b: {  	[sflag:s9] =	ssyncset.done $0x0  }
0x8c: {  	[sflag:s9] =	ssyncadd.s32 $0xFFFFC000  }
0x8d: {  	[hbm4b:s23+s2] =	stream.linear.scatter [tilespmem:s7], [sflag:$0x2], $0x4000, $0x38;
	[tilespmem:$0x8400] =	vst v63  }
0x8e: {  	_ =	swait.ge [sflag:s9], $0x4000  }
0x8f: {  	[sflag:s9] =	ssyncset.done $0x0  }
0x90: {  	[sflag:s9] =	ssyncadd.s32 $0xFFFFC000  }
0x91: {  	[hbm4b:s24+s2] =	stream.linear.scatter [tilespmem:s8], [sflag:$0x2], $0x4000, $0x38;
	[tilespmem:$0x8400] =	vst v63  }
.Ltmp1:
0x92: {  	_ =	swait.ge [sflag:s11], $0x4000;
	(pc) =	sbr.rel @p0 .LBB2_1-.Ltmp1, $4  }
0x93: {  	[sflag:s11] =	ssyncset.done $0x0  }
0x94: {  	[sflag:s11] =	ssyncadd.s32 $0xFFFFC000  }
0x95: {  	_ =	swait.ge [sflag:s11], $0x4000  }
0x96: {  	[sflag:s11] =	ssyncset.done $0x0  }
.LBB2_2:
0x97: {  	[sflag:s11] =	ssyncadd.s32 $0xFFFFC000  }
0x98: {  	_ =	sfence.sel $0x180000  }
0x99: {  	[bflag:$0x0] =	sbarrier.arrive $0xFFFF  }
0x9a: {  	p0 =	sne.s32 s0, $0x0;
	_ =	strace $0x9000004D  }
0x9b: {  	s0 =	sadd.s32 @!p0 $0x100000, s1;
	[bflag:$0x2] =	sbarrier.arrive $0xFFFF  }
0x9c: {  	[sflag:s0] =	ssyncadd.tile.s32 @!p0 $0x1;
	_ =	shalt  }
.Lfunc_end2:
_tile_overlayer_lowered:
.L_overlay_start_2:
0x9d: {  	(tag) =	ssettag $0x2  }
0x9e: {  	s0 =	rddreg [dreg:$0x0];
	s2 =	stileid.u32  }
0x9f: {  	s1 =	rddreg [dreg:$0x1];
	p0 =	sne.s32 s2, $0x0  }
0xa0: {  	s3 =	rddreg [dreg:$0x2];
	[bflag:$0x3] =	sbarrier.arrive $0xFFFF;
	s2 =	simm.s32 @!p0 $0x1C03  }
0xa1: {  	[timem:s3], [sflag:s2] =	dma.local @!p0 [hbm:s0], s1  }
0xa2: {  	s0 =	simm.s32 @!p0 $0x3  }
0xa3: {  	_ =	swait.ge @!p0 [sflag:s0], s1  }
0xa4: {  	s1 =	ssub.s32 @!p0 $0x0, s1;
	[sflag:s0] =	ssyncset.done @!p0 $0x0  }
0xa5: {  	[sflag:s0] =	ssyncadd.s32 @!p0 s1  }
0xa6: {  	[bflag:$0x3] =	sbarrier.arrive $0xFFFF  }
0xa7: {  	_ =	shalt  }

// kernel: kernel.23.cloned.1.call-start
scs
__scs_entry_jumppad:
0x0: {  	(pc) =	sbr.rel $0x88, $3  }
0x1: {  	(tag) =	ssettag $0x0;
	lr =	simm.s32 $0x1  }
0x2: {  	[smem:$0x3F9A] =	sst lr;
	_ =	strace $0xD0000000  }
0x3: {  	_ = 	snop  }
0x4: {  	_ = 	snop  }
0x5: {  	_ = 	snop  }
0x6: {  	_ = 	snop  }
0x7: {  	_ = 	snop  }
__scs_overlays_trampoline_lowered:
0x8: {  	[smem:$0x3FA9] =	sst s0  }
0x9: {  	[smem:$0x3FAA] =	sst s1  }
0xa: {  	[smem:$0x3FAB] =	sst s2  }
0xb: {  	[smem:$0x3FAC] =	sst s3  }
0xc: {  	[smem:$0x3FAD] =	sst s4  }
0xd: {  	[smem:$0x3FAE] =	sst s5  }
0xe: {  	[smem:$0x3FAF] =	sst s6  }
0xf: {  	[smem:$0x3FB0] =	sst s7  }
0x10: {  	[smem:$0x3FB1] =	sst s8  }
0x11: {  	[smem:$0x3FB2] =	sst s9;
	s0 =	simm.s32 @!p0 $0x0  }
0x12: {  	s1 =	sld [smem:$0x3F98];
	s0 =	simm.s32 @p0 $0x1  }
0x13: {  	[smem:$0x3FB3] =	sst s0;
	s0 =	simm.s32 @!p1 $0x0  }
0x14: {  	s2 =	sld [smem:$0x3F97];
	s0 =	simm.s32 @p1 $0x1  }
0x15: {  	[smem:$0x3FB4] =	sst s0;
	s0 =	simm.s32 @!p2 $0x0  }
0x16: {  	s3 =	sld [smem:$0x3FDB];
	s0 =	simm.s32 @p2 $0x1  }
0x17: {  	s4 =	simm.s32 $0x1BF5;
	[smem:$0x3FB6] =	sst s0  }
0x18: {  	s0 =	sld [smem:$0x3F99];
	_ =	swait.ge [sflag:s4], $0x0  }
0x19: {  	s7 =	sld [smem:$0x3F9A]  }
0x1a: {  	s8 =	sadd.s32 $0xFFFFE003, lr  }
0x1b: {  	s9 =	sadd.s32 $0xFFFFFEF7, lr;
	s5 =	simm.s32 $0xFFFFFFFF;
	p2 =	slt.u32 s8, $0xFFFFF086  }
0x1c: {  	p1 =	slt.u32 s9, $0xF7A;
	s5 =	simm.s32 @!p2 $0x0  }
0x1d: {  	s5 =	simm.s32 @p1 $0x1;
	p0 =	seq.s32 s7, s2  }
0x1e: {  	s7 =	smul.u32 @!p0 $0xF7A, s2;
	p2 =	seq.s32 @!p0 s5, $0x0  }
0x1f: {  	s9 =	smul.u32 $0xF7A, s1;
	s8 =	simm.s32 @!p0 $0x1BF5;
	p2 =	por !p2, p0  }
0x20: {  	[sflag:s8] =	ssyncset.s32 @!p0 $0xFFFFF086;
	s6 =	sadd.s32 @!p0 s3, s7;
	s7 =	simm.s32 @!p0 $0x108  }
0x21: {  	s3 =	sadd.s32 s3, s9;
	s6 =	sadd.s32 @!p0 $0x88, s6;
	s7 =	simm.s32 @p2 $0x1082  }
0x22: {  	[simem:s7], [sflag:s8] =	dma.local @!p0 [hbm:s6], $0xF7A  }
0x23: {  	s9 =	sor.u32 $0xD0000000, s2;
	s6 =	simm.s32 $0x108;
	_ =	swait.ge @!p0 [sflag:s8], $0x0  }
0x24: {  	s3 =	sadd.s32 $0x88, s3;
	s6 =	simm.s32 @!p1 $0x1082;
	[sflag:s4] =	ssyncset.s32 $0xFFFFF086  }
0x25: {  	[simem:s6], [sflag:s4] =	dma.local [hbm:s3], $0xF7A  }
0x26: {  	[smem:$0x3F9A] =	sst s1;
	(tag) =	ssettag s2;
	_ =	strace s9  }
0x27: {  	s1 =	sld [smem:$0x3FAA]  }
0x28: {  	s2 =	sld [smem:$0x3FAB]  }
0x29: {  	s4 =	sld [smem:$0x3FAD]  }
0x2a: {  	p0 =	seq.s32 s5, $0x0;
	s5 =	sld [smem:$0x3FAE]  }
0x2b: {  	s6 =	sld [smem:$0x3FAF]  }
0x2c: {  	s7 =	sld [smem:$0x3FB0]  }
0x2d: {  	s3 =	simm.s32 $0x108;
	s8 =	sld [smem:$0x3FB1]  }
0x2e: {  	s3 =	simm.s32 @!p0 $0x1082;
	s9 =	sld [smem:$0x3FB2]  }
0x2f: {  	lr =	sadd.s32 s0, s3;
	s0 =	sld [smem:$0x3FA9]  }
0x30: {  	s3 =	sld [smem:$0x3FAC]  }
0x31: {  	[smem:$0x3FB5] =	sst s10  }
0x32: {  	s10 =	sld [smem:$0x3FB3];
	_ =	sdelay $0x3  }
0x33: {  	p0 =	seq.s32 s10, $0x1;
	s10 =	sld [smem:$0x3FB5];
	_ =	sdelay $0x3  }
0x34: {  	[smem:$0x3FB5] =	sst s10  }
0x35: {  	s10 =	sld [smem:$0x3FB4];
	_ =	sdelay $0x3  }
0x36: {  	p1 =	seq.s32 s10, $0x1;
	s10 =	sld [smem:$0x3FB5];
	_ =	sdelay $0x3  }
0x37: {  	[smem:$0x3FB5] =	sst s10  }
0x38: {  	s10 =	sld [smem:$0x3FB6]  }
0x39: {  	_ = 	snop;
	(pc) =	sbr.ind lr, $3  }
0x3a: {  	_ = 	snop  }
0x3b: {  	_ = 	snop  }
0x3c: {  	p2 =	seq.s32 s10, $0x1;
	s10 =	sld [smem:$0x3FB5]  }
0x3d: {  	_ =	shalt  }
0x3e: {  	_ =	shalt  }
0x3f: {  	_ =	shalt  }
0x40: {  	_ =	shalt  }
0x41: {  	_ =	shalt  }
0x42: {  	_ =	shalt  }
0x43: {  	_ =	shalt  }
0x44: {  	_ =	shalt  }
0x45: {  	_ =	shalt  }
0x46: {  	_ =	shalt  }
0x47: {  	_ =	shalt  }
0x48: {  	_ =	shalt  }
0x49: {  	_ =	shalt  }
0x4a: {  	_ =	shalt  }
0x4b: {  	_ =	shalt  }
0x4c: {  	_ =	shalt  }
0x4d: {  	_ =	shalt  }
0x4e: {  	_ =	shalt  }
0x4f: {  	_ =	shalt  }
0x50: {  	_ =	shalt  }
0x51: {  	_ =	shalt  }
0x52: {  	_ =	shalt  }
0x53: {  	_ =	shalt  }
0x54: {  	_ =	shalt  }
0x55: {  	_ =	shalt  }
0x56: {  	_ =	shalt  }
0x57: {  	_ =	shalt  }
0x58: {  	_ =	shalt  }
0x59: {  	_ =	shalt  }
0x5a: {  	_ =	shalt  }
0x5b: {  	_ =	shalt  }
0x5c: {  	_ =	shalt  }
0x5d: {  	_ =	shalt  }
0x5e: {  	_ =	shalt  }
0x5f: {  	_ =	shalt  }
0x60: {  	_ =	shalt  }
0x61: {  	_ =	shalt  }
0x62: {  	_ =	shalt  }
0x63: {  	_ =	shalt  }
0x64: {  	_ =	shalt  }
0x65: {  	_ =	shalt  }
0x66: {  	_ =	shalt  }
0x67: {  	_ =	shalt  }
0x68: {  	_ =	shalt  }
0x69: {  	_ =	shalt  }
0x6a: {  	_ =	shalt  }
0x6b: {  	_ =	shalt  }
0x6c: {  	_ =	shalt  }
0x6d: {  	_ =	shalt  }
0x6e: {  	_ =	shalt  }
0x6f: {  	_ =	shalt  }
0x70: {  	_ =	shalt  }
0x71: {  	_ =	shalt  }
0x72: {  	_ =	shalt  }
0x73: {  	_ =	shalt  }
0x74: {  	_ =	shalt  }
0x75: {  	_ =	shalt  }
0x76: {  	_ =	shalt  }
0x77: {  	_ =	shalt  }
0x78: {  	_ =	shalt  }
0x79: {  	_ =	shalt  }
0x7a: {  	_ =	shalt  }
0x7b: {  	_ =	shalt  }
0x7c: {  	_ =	shalt  }
0x7d: {  	_ =	shalt  }
0x7e: {  	_ =	shalt  }
0x7f: {  	_ =	shalt  }
0x80: {  	_ =	shalt  }
0x81: {  	_ =	shalt  }
0x82: {  	_ =	shalt  }
0x83: {  	_ =	shalt  }
0x84: {  	_ =	shalt  }
0x85: {  	_ =	shalt  }
0x86: {  	_ =	shalt  }
0x87: {  	_ =	shalt  }
.Lfunc_end0:
.L_simem_size_0:
called_computation.3_lowered:
.L_overlay_start_0:
0x88: {  	s2 =	sld [smem:$0x3FD9]  }
0x89: {  	s3 =	sld [smem:$0x3FFE];
	_ =	sdelay $0x1  }
0x8a: {  	s1 =	srdreg.scid  }
0x8b: {  	s0 =	sand.u32 $0x1, s1  }
0x8c: {  	s17 =	sshll.u32 s0, $0xA;
	s2 =	sadd.s32 s3, s2  }
0x8d: {  	s2 =	sadd.s32 s2, s17  }
0x8e: {  	[smem:$0x3FC1] =	sst s2  }
0x8f: {  	_ = 	snop  }
0x90: {  	s18 =	sld [smem:$0x3FD0];
	(tm) =	ssettm $0x1  }
0x91: {  	s19 =	sld [smem:$0x3FFB];
	_ =	sdelay $0x3  }
0x92: {  	_ =	strace s19  }
0x93: {  	s2 =	sld [smem:$0x3FFC];
	_ =	sdelay $0x3  }
0x94: {  	_ =	strace s2  }
0x95: {  	s2 =	sld [smem:$0x3FFD];
	_ =	sdelay $0x3  }
0x96: {  	_ =	strace s2  }
0x97: {  	_ =	strace $0x8FFFFFFF  }
0x98: {  	s20 =	sld [smem:$0x3FDB];
	_ =	sdelay $0x1  }
0x99: {  	s4 =	simm.s32 $_scs_section_size  }
0x9a: {  	s5 =	simm.s32 $_size__tile_overlayer_lowered;
	s6 =	simm.s32 $_tile_overlayer_lowered  }
0x9b: {  	s7 =	simm.s32 $0x1BFF;
	s21 =	sshll.u32 s6, $0x1;
	s4 =	sadd.s32 s4, s20  }
0x9c: {  	s22 =	simm.s32 $0x0;
	s5 =	sshll.u32 s5, $0x1;
	s6 =	sadd.s32 s21, s4  }
0x9d: {  	[timem:s22], [sflag:s7] =	dma.local [hbm:s6], s5  }
0x9e: {  	_ =	swait.ge [sflag:s7], s5  }
0x9f: {  	s5 =	ssub.s32 $0x0, s5;
	[sflag:s7] =	ssyncset.done $0x0  }
0xa0: {  	[sflag:s7] =	ssyncadd.s32 s5;
	_ =	sdelay $0x1  }
0xa1: {  	s23 =	simm.s32 $0x1B8B  }
0xa2: {  	_ =	swait.ge [sflag:s23], $0x1  }
0xa3: {  	[sflag:s23] =	ssyncset.done $0x0  }
0xa4: {  	[sflag:s23] =	ssyncadd.s32 $0xFFFFFFFF  }
0xa5: {  	s5 =	sld [smem:$0x0]  }
0xa6: {  	s6 =	sand.u32 $0xFFFFFFFE, s1  }
0xa7: {  	p0 =	sne.s32 s1, s6  }
0xa8: {  	s6 =	sshll.u32 @p0 s6, $0xE  }
0xa9: {  	s6 =	sadd.s32 @p0 $0x11B8D, s6;
	s7 =	sshll.u32 @p0 s5, $0x11  }
0xaa: {  	s6 =	sor.u32 @p0 s7, s6  }
0xab: {  	[sflag:s6] =	ssyncadd.remote.s32 @p0 $0x1;
	_ =	sdelay $0x1  }
0xac: {  	s6 =	simm.s32 @p0 $0x1B8D  }
0xad: {  	_ =	swait.eq @p0 [sflag:s6], $0x1  }
0xae: {  	[sflag:s6] =	ssyncadd.s32 @p0 $0xFFFFFFFF  }
0xaf: {  	s7 =	sshll.u32 @!p0 s1, $0xE  }
0xb0: {  	s7 =	sor.u32 @!p0 $0x4000, s7;
	s6 =	simm.s32 @!p0 $0x1B8D  }
0xb1: {  	s5 =	sshll.u32 @!p0 s5, $0x11;
	s7 =	sadd.s32 @!p0 $0x11B8D, s7;
	_ =	swait.eq @!p0 [sflag:s6], $0x1  }
0xb2: {  	s5 =	sor.u32 @!p0 s5, s7;
	[sflag:s6] =	ssyncadd.s32 @!p0 $0xFFFFFFFF  }
0xb3: {  	s25 =	simm.s32 $0x1B8E;
	s24 =	sld [smem:$0x3FFE];
	[sflag:s5] =	ssyncadd.remote.s32 @!p0 $0x1  }
0xb4: {  	s26 =	simm.s32 $execute0_lowered;
	[smem:$0x3FD2] =	sst s25  }
0xb5: {  	s6 =	sshll.u32 s26, $0x1;
	_ =	strace $0x8000004F;
	[dreg:$0x1] =	wrdreg $0xFFFFFFFF  }
0xb6: {  	s28 =	simm.s32 $_size_execute0_lowered;
	s4 =	sadd.s32 s4, s6;
	[dreg:$0x0] =	wrdreg $0x0  }
0xb7: {  	s6 =	sshll.u32 s28, $0x1;
	[dreg:$0x2] =	wrdreg s4  }
0xb8: {  	[dreg:$0x3] =	wrdreg s6  }
0xb9: {  	[dreg:$0x4] =	wrdreg $0xC0  }
0xba: {  	_ =	task [dreg:s22], $0x5FFFF  }
0xbb: {  	[dreg:$0x1] =	wrdreg $0xFFFFFFFF  }
0xbc: {  	[dreg:$0x0] =	wrdreg $0x60  }
0xbd: {  	[dreg:$0x2] =	wrdreg s18  }
0xbe: {  	[dreg:$0x3] =	wrdreg s24  }
0xbf: {  	[dreg:$0x4] =	wrdreg $0xC  }
0xc0: {  	_ =	task.clear_ibuf [dreg:s22], $0x5FFFF;
	_ =	strace $0x9000004F  }
0xc1: {  	s29 =	simm.s32 $0xC;
	_ =	strace $0x80000051  }
0xc2: {  	_ =	swait.ge [sflag:s29], $0x1  }
0xc3: {  	[sflag:s29] =	ssyncadd.s32 $0xFFFFFFFF  }
0xc4: {  	_ =	strace $0x90000051  }
0xc5: {  	_ =	sfence  }
0xc6: {  	s30 =	sld [smem:$0x0];
	_ =	sdelay $0x2  }
0xc7: {  	s31 =	sshll.u32 s1, $0xD;
	s1 =	sshrl.u32 s1, $0x2  }
0xc8: {  	s4 =	sand.u32 $0x4000, s31;
	s1 =	sadd.s32 s1, s30  }
0xc9: {  	s0 =	sor.u32 s4, s0;
	s1 =	sshll.u32 s1, $0x11  }
0xca: {  	s0 =	sor.u32 s1, s0  }
0xcb: {  	s0 =	sadd.s32 $0x8F2B, s0  }
0xcc: {  	[sflag:s0] =	ssyncadd.remote.s32 $0x1  }
0xcd: {  	_ =	sfence.sel $0xFFFF  }
0xce: {  	[dreg:$0x0] =	wrdreg $0xFFFFFFFF;
	(pc) =	sbr.abs _section_cstart, $3  }
0xcf: {  	[dreg:$0x1] =	wrdreg $0xFFFFFFFF  }
0xd0: {  	_ =	task.clear_ibuf [dreg:s22], $0x2FFFF;
	_ =	strace $0x9FFFFFFF  }
0xd1: {  	(tm) =	ssettm $0x7FFFFFFF  }
tec
execute0_lowered:
.L_overlay_start_1:
0x0: {  	(tag) =	ssettag $0x1  }
0x1: {  	s1 =	srdreg.scid  }
0x2: {  	s0 =	stileid.u32;
	s24 =	sand.u32 $0x1, s1  }
0x3: {  	s30 =	sshll.u32 s0, $0xB;
	s3 =	sshll.u32 s24, $0xA  }
0x4: {  	s2 =	rddreg [dreg:$0x0];
	s11 =	sor.u32 s3, s30  }
0x5: {  	s10 =	rddreg [dreg:$0x1];
	s3 =	simm.s32 $0x0;
	s4 =	sshrl.u32 s11, $0x3  }
0x6: {  	s5 =	simm.s32 $0x3;
	[smem:$0x7FF] =	sst s3;
	s4 =	sadd.s32 s4, s10  }
0x7: {  	s1 =	rddreg [dreg:$0x2];
	_ =	strace $0x80000050;
	s4 =	sadd.s32 $0x19DE00, s4  }
0x8: {  	[tilespmem:s3], [sflag:$0x3] =	stream.linear.gather [hbm4b:s4+s3], $0x400, $0x38;
	[tilespmem:$0x8400] =	vst v63  }
0x9: {  	_ =	swait.ge [sflag:s5], $0x400  }
0xa: {  	[sflag:s5] =	ssyncset.done $0x0  }
0xb: {  	s6 =	simm.s32 $0x80;
	s7 =	simm.s32 $0x400;
	[sflag:s5] =	ssyncadd.s32 $0xFFFFFC00  }
0xc: {  	[tilespmem:s7], [sflag:$0x1] =	stream.indirect.gather [hbm4b:s2+s6], $0x80, s3, s6, $0xb8;
	[tilespmem:$0x8400] =	vst v63  }
0xd: {  	s8 =	simm.s32 $0x4400;
	s9 =	simm.s32 $0x1  }
0xe: {  	[tilespmem:s8], [sflag:$0x1] =	stream.indirect.gather [hbm4b:s2+s6], $0x80, s6, s6, $0xb8;
	[tilespmem:$0x8400] =	vst v63  }
0xf: {  	s11 =	sshll.u32 s11, $0x4;
	_ =	swait.ge [sflag:s9], $0x4000  }
0x10: {  	s25 =	sadd.s32 s11, s10;
	[sflag:s9] =	ssyncset.done $0x0  }
0x11: {  	s10 =	sadd.s32 $0x19EE00, s25;
	[sflag:s9] =	ssyncadd.s32 $0xFFFFC000  }
0x12: {  	[hbm4b:s10+s3] =	stream.linear.scatter [tilespmem:s7], [sflag:$0x2], $0x4000, $0x38;
	[tilespmem:$0x8400] =	vst v63  }
0x13: {  	_ =	swait.ge [sflag:s9], $0x4000  }
0x14: {  	[sflag:s9] =	ssyncset.done $0x0  }
0x15: {  	s11 =	simm.s32 $0x2;
	s12 =	sadd.s32 $0x19F600, s25;
	[sflag:s9] =	ssyncadd.s32 $0xFFFFC000  }
0x16: {  	[hbm4b:s12+s3] =	stream.linear.scatter [tilespmem:s8], [sflag:$0x2], $0x4000, $0x38;
	[tilespmem:$0x8400] =	vst v63  }
0x17: {  	_ =	swait.ge [sflag:s11], $0x4000  }
0x18: {  	[sflag:s11] =	ssyncset.done $0x0  }
0x19: {  	[sflag:s11] =	ssyncadd.s32 $0xFFFFC000  }
0x1a: {  	_ =	swait.ge [sflag:s11], $0x4000  }
0x1b: {  	[sflag:s11] =	ssyncset.done $0x0  }
0x1c: {  	s13 =	simm.s32 $0x100;
	[sflag:s11] =	ssyncadd.s32 $0xFFFFC000  }
0x1d: {  	[tilespmem:s7], [sflag:$0x1] =	stream.indirect.gather [hbm4b:s2+s6], $0x80, s13, s6, $0xb8;
	[tilespmem:$0x8400] =	vst v63  }
0x1e: {  	s14 =	simm.s32 $0x180  }
0x1f: {  	[tilespmem:s8], [sflag:$0x1] =	stream.indirect.gather [hbm4b:s2+s6], $0x80, s14, s6, $0xb8;
	[tilespmem:$0x8400] =	vst v63  }
0x20: {  	_ =	swait.ge [sflag:s9], $0x4000  }
0x21: {  	[sflag:s9] =	ssyncset.done $0x0  }
0x22: {  	s15 =	sadd.s32 $0x19FE00, s25;
	[sflag:s9] =	ssyncadd.s32 $0xFFFFC000  }
0x23: {  	[hbm4b:s15+s3] =	stream.linear.scatter [tilespmem:s7], [sflag:$0x2], $0x4000, $0x38;
	[tilespmem:$0x8400] =	vst v63  }
0x24: {  	_ =	swait.ge [sflag:s9], $0x4000  }
0x25: {  	[sflag:s9] =	ssyncset.done $0x0  }
0x26: {  	s16 =	sadd.s32 $0x1A0600, s25;
	[sflag:s9] =	ssyncadd.s32 $0xFFFFC000  }
0x27: {  	[hbm4b:s16+s3] =	stream.linear.scatter [tilespmem:s8], [sflag:$0x2], $0x4000, $0x38;
	[tilespmem:$0x8400] =	vst v63  }
0x28: {  	_ =	swait.ge [sflag:s11], $0x4000  }
0x29: {  	[sflag:s11] =	ssyncset.done $0x0  }
0x2a: {  	[sflag:s11] =	ssyncadd.s32 $0xFFFFC000  }
0x2b: {  	_ =	swait.ge [sflag:s11], $0x4000  }
0x2c: {  	[sflag:s11] =	ssyncset.done $0x0  }
0x2d: {  	s17 =	simm.s32 $0x200;
	[sflag:s11] =	ssyncadd.s32 $0xFFFFC000  }
0x2e: {  	[tilespmem:s7], [sflag:$0x1] =	stream.indirect.gather [hbm4b:s2+s6], $0x80, s17, s6, $0xb8;
	[tilespmem:$0x8400] =	vst v63  }
0x2f: {  	s18 =	simm.s32 $0x280  }
0x30: {  	[tilespmem:s8], [sflag:$0x1] =	stream.indirect.gather [hbm4b:s2+s6], $0x80, s18, s6, $0xb8;
	[tilespmem:$0x8400] =	vst v63  }
0x31: {  	_ =	swait.ge [sflag:s9], $0x4000  }
0x32: {  	[sflag:s9] =	ssyncset.done $0x0  }
0x33: {  	s19 =	sadd.s32 $0x1A0E00, s25;
	[sflag:s9] =	ssyncadd.s32 $0xFFFFC000  }
0x34: {  	[hbm4b:s19+s3] =	stream.linear.scatter [tilespmem:s7], [sflag:$0x2], $0x4000, $0x38;
	[tilespmem:$0x8400] =	vst v63  }
0x35: {  	_ =	swait.ge [sflag:s9], $0x4000  }
0x36: {  	[sflag:s9] =	ssyncset.done $0x0  }
0x37: {  	s20 =	sadd.s32 $0x1A1600, s25;
	[sflag:s9] =	ssyncadd.s32 $0xFFFFC000  }
0x38: {  	[hbm4b:s20+s3] =	stream.linear.scatter [tilespmem:s8], [sflag:$0x2], $0x4000, $0x38;
	[tilespmem:$0x8400] =	vst v63  }
0x39: {  	_ =	swait.ge [sflag:s11], $0x4000  }
0x3a: {  	[sflag:s11] =	ssyncset.done $0x0  }
0x3b: {  	[sflag:s11] =	ssyncadd.s32 $0xFFFFC000  }
0x3c: {  	_ =	swait.ge [sflag:s11], $0x4000  }
0x3d: {  	[sflag:s11] =	ssyncset.done $0x0  }
0x3e: {  	s21 =	simm.s32 $0x300;
	[sflag:s11] =	ssyncadd.s32 $0xFFFFC000  }
0x3f: {  	[tilespmem:s7], [sflag:$0x1] =	stream.indirect.gather [hbm4b:s2+s6], $0x80, s21, s6, $0xb8;
	[tilespmem:$0x8400] =	vst v63  }
0x40: {  	s22 =	simm.s32 $0x380  }
0x41: {  	[tilespmem:s8], [sflag:$0x1] =	stream.indirect.gather [hbm4b:s2+s6], $0x80, s22, s6, $0xb8;
	[tilespmem:$0x8400] =	vst v63  }
0x42: {  	_ =	swait.ge [sflag:s9], $0x4000  }
0x43: {  	s26 =	ssub.s32 $0x2, s24;
	[sflag:s9] =	ssyncset.done $0x0  }
0x44: {  	s31 =	sshrl.u32 s26, $0x1;
	s23 =	sadd.s32 $0x1A1E00, s25;
	[sflag:s9] =	ssyncadd.s32 $0xFFFFC000  }
0x45: {  	[hbm4b:s23+s3] =	stream.linear.scatter [tilespmem:s7], [sflag:$0x2], $0x4000, $0x38;
	[tilespmem:$0x8400] =	vst v63  }
0x46: {  	s24 =	sadd.s32 $0x1A2600, s25;
	s25 =	ssub.s32 s26, s31;
	_ =	swait.ge [sflag:s9], $0x4000  }
0x47: {  	s25 =	smax.u32 s25, $0x1;
	[sflag:s9] =	ssyncset.done $0x0  }
0x48: {  	p0 =	sne.s32 s25, $0x1;
	[sflag:s9] =	ssyncadd.s32 $0xFFFFC000  }
0x49: {  	[hbm4b:s24+s3] =	stream.linear.scatter [tilespmem:s8], [sflag:$0x2], $0x4000, $0x38;
	[tilespmem:$0x8400] =	vst v63  }
.Ltmp0:
0x4a: {  	_ =	swait.ge [sflag:s11], $0x4000;
	(pc) =	sbr.rel @!p0 .LBB2_2-.Ltmp0, $4  }
0x4b: {  	[sflag:s11] =	ssyncset.done $0x0  }
0x4c: {  	[sflag:s11] =	ssyncadd.s32 $0xFFFFC000  }
0x4d: {  	_ =	swait.ge [sflag:s11], $0x4000  }
0x4e: {  	s25 =	sadd.s32 $0xFFFFFFFF, s25;
	[sflag:s11] =	ssyncset.done $0x0  }
.LBB2_1:
0x4f: {  	p0 =	sne.s32 s25, $0x1;
	s25 =	sadd.s32 $0xFFFFFFFF, s25;
	[sflag:s11] =	ssyncadd.s32 $0xFFFFC000  }
0x50: {  	[tilespmem:s3], [sflag:$0x3] =	stream.linear.gather [hbm4b:s4+s3], $0x400, $0x38;
	[tilespmem:$0x8400] =	vst v63  }
0x51: {  	_ =	swait.ge [sflag:s5], $0x400  }
0x52: {  	[sflag:s5] =	ssyncset.done $0x0  }
0x53: {  	[sflag:s5] =	ssyncadd.s32 $0xFFFFFC00  }
0x54: {  	[tilespmem:s7], [sflag:$0x1] =	stream.indirect.gather [hbm4b:s2+s6], $0x80, s3, s6, $0xb8;
	[tilespmem:$0x8400] =	vst v63  }
0x55: {  	_ = 	snop  }
0x56: {  	[tilespmem:s8], [sflag:$0x1] =	stream.indirect.gather [hbm4b:s2+s6], $0x80, s6, s6, $0xb8;
	[tilespmem:$0x8400] =	vst v63  }
0x57: {  	_ =	swait.ge [sflag:s9], $0x4000  }
0x58: {  	[sflag:s9] =	ssyncset.done $0x0  }
0x59: {  	[sflag:s9] =	ssyncadd.s32 $0xFFFFC000  }
0x5a: {  	[hbm4b:s10+s3] =	stream.linear.scatter [tilespmem:s7], [sflag:$0x2], $0x4000, $0x38;
	[tilespmem:$0x8400] =	vst v63  }
0x5b: {  	_ =	swait.ge [sflag:s9], $0x4000  }
0x5c: {  	[sflag:s9] =	ssyncset.done $0x0  }
0x5d: {  	[sflag:s9] =	ssyncadd.s32 $0xFFFFC000  }
0x5e: {  	[hbm4b:s12+s3] =	stream.linear.scatter [tilespmem:s8], [sflag:$0x2], $0x4000, $0x38;
	[tilespmem:$0x8400] =	vst v63  }
0x5f: {  	_ =	swait.ge [sflag:s11], $0x4000  }
0x60: {  	[sflag:s11] =	ssyncset.done $0x0  }
0x61: {  	[sflag:s11] =	ssyncadd.s32 $0xFFFFC000  }
0x62: {  	_ =	swait.ge [sflag:s11], $0x4000  }
0x63: {  	[sflag:s11] =	ssyncset.done $0x0  }
0x64: {  	[sflag:s11] =	ssyncadd.s32 $0xFFFFC000  }
0x65: {  	[tilespmem:s7], [sflag:$0x1] =	stream.indirect.gather [hbm4b:s2+s6], $0x80, s13, s6, $0xb8;
	[tilespmem:$0x8400] =	vst v63  }
0x66: {  	_ = 	snop  }
0x67: {  	[tilespmem:s8], [sflag:$0x1] =	stream.indirect.gather [hbm4b:s2+s6], $0x80, s14, s6, $0xb8;
	[tilespmem:$0x8400] =	vst v63  }
0x68: {  	_ =	swait.ge [sflag:s9], $0x4000  }
0x69: {  	[sflag:s9] =	ssyncset.done $0x0  }
0x6a: {  	[sflag:s9] =	ssyncadd.s32 $0xFFFFC000  }
0x6b: {  	[hbm4b:s15+s3] =	stream.linear.scatter [tilespmem:s7], [sflag:$0x2], $0x4000, $0x38;
	[tilespmem:$0x8400] =	vst v63  }
0x6c: {  	_ =	swait.ge [sflag:s9], $0x4000  }
0x6d: {  	[sflag:s9] =	ssyncset.done $0x0  }
0x6e: {  	[sflag:s9] =	ssyncadd.s32 $0xFFFFC000  }
0x6f: {  	[hbm4b:s16+s3] =	stream.linear.scatter [tilespmem:s8], [sflag:$0x2], $0x4000, $0x38;
	[tilespmem:$0x8400] =	vst v63  }
0x70: {  	_ =	swait.ge [sflag:s11], $0x4000  }
0x71: {  	[sflag:s11] =	ssyncset.done $0x0  }
0x72: {  	[sflag:s11] =	ssyncadd.s32 $0xFFFFC000  }
0x73: {  	_ =	swait.ge [sflag:s11], $0x4000  }
0x74: {  	[sflag:s11] =	ssyncset.done $0x0  }
0x75: {  	[sflag:s11] =	ssyncadd.s32 $0xFFFFC000  }
0x76: {  	[tilespmem:s7], [sflag:$0x1] =	stream.indirect.gather [hbm4b:s2+s6], $0x80, s17, s6, $0xb8;
	[tilespmem:$0x8400] =	vst v63  }
0x77: {  	_ = 	snop  }
0x78: {  	[tilespmem:s8], [sflag:$0x1] =	stream.indirect.gather [hbm4b:s2+s6], $0x80, s18, s6, $0xb8;
	[tilespmem:$0x8400] =	vst v63  }
0x79: {  	_ =	swait.ge [sflag:s9], $0x4000  }
0x7a: {  	[sflag:s9] =	ssyncset.done $0x0  }
0x7b: {  	[sflag:s9] =	ssyncadd.s32 $0xFFFFC000  }
0x7c: {  	[hbm4b:s19+s3] =	stream.linear.scatter [tilespmem:s7], [sflag:$0x2], $0x4000, $0x38;
	[tilespmem:$0x8400] =	vst v63  }
0x7d: {  	_ =	swait.ge [sflag:s9], $0x4000  }
0x7e: {  	[sflag:s9] =	ssyncset.done $0x0  }
0x7f: {  	[sflag:s9] =	ssyncadd.s32 $0xFFFFC000  }
0x80: {  	[hbm4b:s20+s3] =	stream.linear.scatter [tilespmem:s8], [sflag:$0x2], $0x4000, $0x38;
	[tilespmem:$0x8400] =	vst v63  }
0x81: {  	_ =	swait.ge [sflag:s11], $0x4000  }
0x82: {  	[sflag:s11] =	ssyncset.done $0x0  }
0x83: {  	[sflag:s11] =	ssyncadd.s32 $0xFFFFC000  }
0x84: {  	_ =	swait.ge [sflag:s11], $0x4000  }
0x85: {  	[sflag:s11] =	ssyncset.done $0x0  }
0x86: {  	[sflag:s11] =	ssyncadd.s32 $0xFFFFC000  }
0x87: {  	[tilespmem:s7], [sflag:$0x1] =	stream.indirect.gather [hbm4b:s2+s6], $0x80, s21, s6, $0xb8;
	[tilespmem:$0x8400] =	vst v63  }
0x88: {  	_ = 	snop  }
0x89: {  	[tilespmem:s8], [sflag:$0x1] =	stream.indirect.gather [hbm4b:s2+s6], $0x80, s22, s6, $0xb8;
	[tilespmem:$0x8400] =	vst v63  }
0x8a: {  	_ =	swait.ge [sflag:s9], $0x4000  }
0x8b: {  	[sflag:s9] =	ssyncset.done $0x0  }
0x8c: {  	[sflag:s9] =	ssyncadd.s32 $0xFFFFC000  }
0x8d: {  	[hbm4b:s23+s3] =	stream.linear.scatter [tilespmem:s7], [sflag:$0x2], $0x4000, $0x38;
	[tilespmem:$0x8400] =	vst v63  }
0x8e: {  	_ =	swait.ge [sflag:s9], $0x4000  }
0x8f: {  	[sflag:s9] =	ssyncset.done $0x0  }
0x90: {  	[sflag:s9] =	ssyncadd.s32 $0xFFFFC000  }
0x91: {  	[hbm4b:s24+s3] =	stream.linear.scatter [tilespmem:s8], [sflag:$0x2], $0x4000, $0x38;
	[tilespmem:$0x8400] =	vst v63  }
.Ltmp1:
0x92: {  	_ =	swait.ge [sflag:s11], $0x4000;
	(pc) =	sbr.rel @p0 .LBB2_1-.Ltmp1, $4  }
0x93: {  	[sflag:s11] =	ssyncset.done $0x0  }
0x94: {  	[sflag:s11] =	ssyncadd.s32 $0xFFFFC000  }
0x95: {  	_ =	swait.ge [sflag:s11], $0x4000  }
0x96: {  	[sflag:s11] =	ssyncset.done $0x0  }
.LBB2_2:
0x97: {  	[sflag:s11] =	ssyncadd.s32 $0xFFFFC000  }
0x98: {  	_ =	sfence.sel $0x180000  }
0x99: {  	[bflag:$0x0] =	sbarrier.arrive $0xFFFF  }
0x9a: {  	p0 =	sne.s32 s0, $0x0;
	_ =	strace $0x90000050  }
0x9b: {  	s0 =	sadd.s32 @!p0 $0x100000, s1;
	[bflag:$0x2] =	sbarrier.arrive $0xFFFF  }
0x9c: {  	[sflag:s0] =	ssyncadd.tile.s32 @!p0 $0x1;
	_ =	shalt  }
.Lfunc_end2:
_tile_overlayer_lowered:
.L_overlay_start_2:
0x9d: {  	(tag) =	ssettag $0x2  }
0x9e: {  	s0 =	rddreg [dreg:$0x0];
	s2 =	stileid.u32  }
0x9f: {  	s1 =	rddreg [dreg:$0x1];
	p0 =	sne.s32 s2, $0x0  }
0xa0: {  	s3 =	rddreg [dreg:$0x2];
	[bflag:$0x3] =	sbarrier.arrive $0xFFFF;
	s2 =	simm.s32 @!p0 $0x1C03  }
0xa1: {  	[timem:s3], [sflag:s2] =	dma.local @!p0 [hbm:s0], s1  }
0xa2: {  	s0 =	simm.s32 @!p0 $0x3  }
0xa3: {  	_ =	swait.ge @!p0 [sflag:s0], s1  }
0xa4: {  	s1 =	ssub.s32 @!p0 $0x0, s1;
	[sflag:s0] =	ssyncset.done @!p0 $0x0  }
0xa5: {  	[sflag:s0] =	ssyncadd.s32 @!p0 s1  }
0xa6: {  	[bflag:$0x3] =	sbarrier.arrive $0xFFFF  }
0xa7: {  	_ =	shalt  }

</sc_bundles>
